<compile_context>
chip_gen: v7x
topology: tpu7x:2x2x1
jax: 0.10.2.dev20260603
libtpu: 0.0.44.dev20260713+nightly
codegen_flags: <defaults>
</compile_context>

<pallas_src>
import functools

import jax
import jax.numpy as jnp
from jax import lax
from jax.experimental import pallas as pl
from jax.experimental.pallas import tpu as pltpu
from jax.experimental.pallas import tpu_sc as plsc

N = 100000
D = 128
V = 21
NW = 32
G = 400
NG = N // G
KMAX = -(-NG // NW)
NFULL = NG - NW * (KMAX - 1)
NB = 2

_mesh = plsc.VectorSubcoreMesh(core_axis_name="c", subcore_axis_name="s")


@functools.partial(
    pl.kernel,
    mesh=_mesh,
    out_type=jax.ShapeDtypeStruct((N * D,), jnp.float32),
    compiler_params=pltpu.CompilerParams(needs_layout_passes=False),
    scratch_types=[
        pltpu.VMEM((V * D,), jnp.float32),
        pltpu.VMEM((G * D,), jnp.float32),
        pltpu.VMEM((G * D,), jnp.float32),
        pltpu.VMEM((KMAX * G,), jnp.int32),
        pltpu.SemaphoreType.DMA,
        pltpu.SemaphoreType.DMA,
    ],
)
def _sc_embed(table_hbm, idx_hbm, out_hbm, table_v, buf0, buf1, idx_v, s0, s1):
    wid = lax.axis_index("s") * 2 + lax.axis_index("c")
    full = wid < NFULL
    a = jnp.where(full, KMAX * wid, (KMAX - 1) * wid + NFULL)
    ng = jnp.where(full, KMAX, KMAX - 1)

    pltpu.sync_copy(table_hbm, table_v)

    base = pl.multiple_of(G * a, 8)
    pltpu.sync_copy(idx_hbm.at[pl.ds(base, (KMAX - 1) * G)],
                    idx_v.at[pl.ds(0, (KMAX - 1) * G)])
    last = pl.multiple_of(G * (a + ng - 1), 8)
    pltpu.sync_copy(idx_hbm.at[pl.ds(last, G)],
                    idx_v.at[pl.ds((KMAX - 1) * G, G)])

    ssems = (s0, s1)
    bufs = (buf0, buf1)
    lane = lax.broadcasted_iota(jnp.int32, (16,), 0)

    def out_slice(k):
        gk = jnp.minimum(k, ng - 1)
        return out_hbm.at[pl.ds(pl.multiple_of((a + gk) * (G * D), 8), G * D)]

    def build(k, buf):
        iofs = G * jnp.minimum(k, ng - 1)

        @plsc.parallel_loop(0, G // 16, 1, unroll=5)
        def tile(t):
            iv = idx_v[pl.ds(iofs + 16 * t, 16)]
            rbase = 16 * t * D
            for l in range(16):
                sb = iv[l] * D
                vals = [table_v[pl.ds(sb + 16 * j, 16)] for j in range(8)]
                for j, v in enumerate(vals):
                    buf[pl.ds(rbase + l * D + 16 * j, 16)] = v

    def super_it(m, _):
        for b in range(NB):
            k = m * NB + b

            @pl.when(m > 0)
            def _():
                pltpu.make_async_copy(bufs[b], out_slice(k - NB),
                                      ssems[b]).wait()

            build(k, bufs[b])
            pltpu.async_copy(bufs[b], out_slice(k), ssems[b])
        return 0

    lax.fori_loop(0, KMAX // NB, super_it, 0)
    for b in range(NB):
        pltpu.make_async_copy(bufs[b], out_slice(KMAX - NB + b),
                              ssems[b]).wait()


def kernel(x, enc_weight):
    idx = x.reshape(N).astype(jnp.int32)
    out = _sc_embed(enc_weight.reshape(V * D), idx)
    return out.reshape(N, D)

# --- scband reference (transcript-rebuilt; emitter-appended) ---
"""Pipeline reference for scband-zinc-atom-encoder-627065225446 (READ-ONLY COPY).

The authoritative reference and input builder live on the scoring server;
editing this copy changes nothing except your own understanding.
"""

import jax, jax.numpy as jnp
import numpy as np

N = 100000
VOCAB = 21
EMB_DIM = 128

def setup_inputs(seed: int = 0) -> dict:
    key = jax.random.key(seed)
    k1, k2 = jax.random.split(key)
    x = jax.random.randint(k1, (N, 1), 0, VOCAB, dtype=jnp.int64 if jax.config.jax_enable_x64 else jnp.int32)
    enc_weight = jax.random.normal(k2, (VOCAB, EMB_DIM), dtype=jnp.float32)
    return {"x": x, "enc_weight": enc_weight}

def reference(x, enc_weight):
    # policy != 'ego_nets_plus' -> return self.enc(x.squeeze())
    idx = jnp.squeeze(x, axis=-1)
    return jnp.take(enc_weight, idx, axis=0)

if __name__ == "__main__":
    import jax
    _d = setup_inputs()
    print(jax.jit(kernel)(*tuple(_d.values())))

</pallas_src>

<mosaic_0001>
#map = affine_map<(d0, d1) -> (0)>
module attributes {stable_mosaic.version = 14 : i64} {
  func.func @_sc_embed(%arg0: i32, %arg1: i32, %arg2: memref<2688xf32, #tpu.memory_space<hbm>>, %arg3: memref<100000xi32, #tpu.memory_space<hbm>>, %arg4: memref<12800000xf32, #tpu.memory_space<hbm>>, %arg5: memref<2688xf32, #tpu.memory_space<vmem>>, %arg6: memref<51200xf32, #tpu.memory_space<vmem>>, %arg7: memref<51200xf32, #tpu.memory_space<vmem>>, %arg8: memref<3200xi32, #tpu.memory_space<vmem>>, %arg9: memref<!tpu.dma_semaphore, #tpu.memory_space<semaphore_mem>>, %arg10: memref<!tpu.dma_semaphore, #tpu.memory_space<semaphore_mem>>) attributes {dimension_semantics = [#tpu.dimension_semantics<core_parallel>, #tpu.dimension_semantics<subcore_parallel>], iteration_bounds = array<i64: 2, 16>, scalar_prefetch = 0 : i64, scratch_operands = 6 : i64, tpu.core_type = #tpu.core_type<sc_vector_subcore>, window_params = [{transform_indices = #map}, {transform_indices = #map}, {transform_indices = #map}]} {
    %mul3A = arith.constant 2 : i32
    %mul3A_0 = arith.muli %arg1, %mul3A : i32
    %add3A = arith.addi %mul3A_0, %arg0 : i32
    %lt3A = arith.constant 26 : i32
    %lt3A_1 = arith.cmpi slt, %add3A, %lt3A : i32
    %mul3A_2 = arith.constant 8 : i32
    %mul3A_3 = arith.muli %mul3A_2, %add3A : i32
    %mul3A_4 = arith.constant 7 : i32
    %mul3A_5 = arith.muli %mul3A_4, %add3A : i32
    %add3A_6 = arith.constant 26 : i32
    %add3A_7 = arith.addi %mul3A_5, %add3A_6 : i32
    %select_n3A = arith.select %lt3A_1, %mul3A_3, %add3A_7 : i32
    %jit3A = arith.constant 8 : i32
    %jit3A_8 = arith.constant 7 : i32
    %select_n3A_9 = arith.select %lt3A_1, %jit3A, %jit3A_8 : i32
    "tpu.region"() ({
      %run_scoped3A = tpu.sem_alloc : memref<!tpu.dma_semaphore, #tpu.memory_space<semaphore_mem>>
      tpu.enqueue_dma source(%arg2 : memref<2688xf32, #tpu.memory_space<hbm>>) target(%arg5 : memref<2688xf32, #tpu.memory_space<vmem>>) target_semaphore(%run_scoped3A : memref<!tpu.dma_semaphore, #tpu.memory_space<semaphore_mem>>)
      tpu.wait_dma2 semaphore(%run_scoped3A : memref<!tpu.dma_semaphore, #tpu.memory_space<semaphore_mem>>) src(%arg2 : memref<2688xf32, #tpu.memory_space<hbm>>) dst(%arg5 : memref<2688xf32, #tpu.memory_space<vmem>>)
      tpu.yield
    }) : () -> ()
    %mul3A_10 = arith.constant 400 : i32
    %mul3A_11 = arith.muli %mul3A_10, %select_n3A : i32
    %multiple_of3A = tpu.assume_multiple %mul3A_11, 8 : i32
    "tpu.region"() ({
      %run_scoped3A = tpu.sem_alloc : memref<!tpu.dma_semaphore, #tpu.memory_space<semaphore_mem>>
      %dma_start3A = arith.constant 0 : i32
      %dma_start3A_41 = tpu.memref_slice %arg8[%dma_start3A] : memref<3200xi32, #tpu.memory_space<vmem>> -> memref<2800xi32, #tpu.memory_space<vmem>>
      %dma_start3A_42 = tpu.memref_slice %arg3[%multiple_of3A] : memref<100000xi32, #tpu.memory_space<hbm>> -> memref<2800xi32, #tpu.memory_space<hbm>>
      %dma_start3A_43 = arith.constant 0 : i32
      %dma_start3A_44 = tpu.memref_slice %arg8[%dma_start3A_43] : memref<3200xi32, #tpu.memory_space<vmem>> -> memref<2800xi32, #tpu.memory_space<vmem>>
      %dma_start3A_45 = tpu.memref_slice %arg3[%multiple_of3A] : memref<100000xi32, #tpu.memory_space<hbm>> -> memref<2800xi32, #tpu.memory_space<hbm>>
      tpu.enqueue_dma source(%dma_start3A_45 : memref<2800xi32, #tpu.memory_space<hbm>>) target(%dma_start3A_44 : memref<2800xi32, #tpu.memory_space<vmem>>) target_semaphore(%run_scoped3A : memref<!tpu.dma_semaphore, #tpu.memory_space<semaphore_mem>>)
      %dma_wait3A_46 = arith.constant 0 : i32
      %dma_wait3A_47 = tpu.memref_slice %arg8[%dma_wait3A_46] : memref<3200xi32, #tpu.memory_space<vmem>> -> memref<2800xi32, #tpu.memory_space<vmem>>
      %dma_wait3A_48 = tpu.memref_slice %arg3[%multiple_of3A] : memref<100000xi32, #tpu.memory_space<hbm>> -> memref<2800xi32, #tpu.memory_space<hbm>>
      %dma_wait3A_49 = arith.constant 0 : i32
      %dma_wait3A_50 = tpu.memref_slice %arg8[%dma_wait3A_49] : memref<3200xi32, #tpu.memory_space<vmem>> -> memref<2800xi32, #tpu.memory_space<vmem>>
      %dma_wait3A_51 = tpu.memref_slice %arg3[%multiple_of3A] : memref<100000xi32, #tpu.memory_space<hbm>> -> memref<2800xi32, #tpu.memory_space<hbm>>
      tpu.wait_dma2 semaphore(%run_scoped3A : memref<!tpu.dma_semaphore, #tpu.memory_space<semaphore_mem>>) src(%dma_wait3A_51 : memref<2800xi32, #tpu.memory_space<hbm>>) dst(%dma_wait3A_50 : memref<2800xi32, #tpu.memory_space<vmem>>)
      tpu.yield
    }) : () -> ()
    %add3A_12 = arith.addi %select_n3A, %select_n3A_9 : i32
    %sub3A = arith.constant 1 : i32
    %sub3A_13 = arith.subi %add3A_12, %sub3A : i32
    %mul3A_14 = arith.constant 400 : i32
    %mul3A_15 = arith.muli %mul3A_14, %sub3A_13 : i32
    %multiple_of3A_16 = tpu.assume_multiple %mul3A_15, 8 : i32
    "tpu.region"() ({
      %run_scoped3A = tpu.sem_alloc : memref<!tpu.dma_semaphore, #tpu.memory_space<semaphore_mem>>
      %dma_start3A = arith.constant 2800 : i32
      %dma_start3A_41 = tpu.memref_slice %arg8[%dma_start3A] : memref<3200xi32, #tpu.memory_space<vmem>> -> memref<400xi32, #tpu.memory_space<vmem>>
      %dma_start3A_42 = tpu.memref_slice %arg3[%multiple_of3A_16] : memref<100000xi32, #tpu.memory_space<hbm>> -> memref<400xi32, #tpu.memory_space<hbm>>
      %dma_start3A_43 = arith.constant 2800 : i32
      %dma_start3A_44 = tpu.memref_slice %arg8[%dma_start3A_43] : memref<3200xi32, #tpu.memory_space<vmem>> -> memref<400xi32, #tpu.memory_space<vmem>>
      %dma_start3A_45 = tpu.memref_slice %arg3[%multiple_of3A_16] : memref<100000xi32, #tpu.memory_space<hbm>> -> memref<400xi32, #tpu.memory_space<hbm>>
      tpu.enqueue_dma source(%dma_start3A_45 : memref<400xi32, #tpu.memory_space<hbm>>) target(%dma_start3A_44 : memref<400xi32, #tpu.memory_space<vmem>>) target_semaphore(%run_scoped3A : memref<!tpu.dma_semaphore, #tpu.memory_space<semaphore_mem>>)
      %dma_wait3A_46 = arith.constant 2800 : i32
      %dma_wait3A_47 = tpu.memref_slice %arg8[%dma_wait3A_46] : memref<3200xi32, #tpu.memory_space<vmem>> -> memref<400xi32, #tpu.memory_space<vmem>>
      %dma_wait3A_48 = tpu.memref_slice %arg3[%multiple_of3A_16] : memref<100000xi32, #tpu.memory_space<hbm>> -> memref<400xi32, #tpu.memory_space<hbm>>
      %dma_wait3A_49 = arith.constant 2800 : i32
      %dma_wait3A_50 = tpu.memref_slice %arg8[%dma_wait3A_49] : memref<3200xi32, #tpu.memory_space<vmem>> -> memref<400xi32, #tpu.memory_space<vmem>>
      %dma_wait3A_51 = tpu.memref_slice %arg3[%multiple_of3A_16] : memref<100000xi32, #tpu.memory_space<hbm>> -> memref<400xi32, #tpu.memory_space<hbm>>
      tpu.wait_dma2 semaphore(%run_scoped3A : memref<!tpu.dma_semaphore, #tpu.memory_space<semaphore_mem>>) src(%dma_wait3A_51 : memref<400xi32, #tpu.memory_space<hbm>>) dst(%dma_wait3A_50 : memref<400xi32, #tpu.memory_space<vmem>>)
      tpu.yield
    }) : () -> ()
    %iota3A = tpu.iota {dimensions = array<i32: 0>} : vector<16xi32>
    %scan3A = arith.constant 0 : i32
    %scan3A_17 = arith.constant 0 : i32
    %scan3A_18 = arith.constant 4 : i32
    %scan3A_19 = arith.addi %scan3A_17, %scan3A_18 : i32
    %scan3A_20 = arith.constant 1 : i32
    %scan3A_21 = scf.for %scan3A_41 = %scan3A_17 to %scan3A_19 step %scan3A_20 iter_args(%scan3A_42 = %scan3A) -> (i32)  : i32 {
      %mul3A_43 = arith.constant 2 : i32
      %mul3A_44 = arith.muli %scan3A_41, %mul3A_43 : i32
      %add3A_45 = arith.constant 0 : i32
      %add3A_46 = arith.addi %mul3A_44, %add3A_45 : i32
      %gt3A = arith.constant 0 : i32
      %gt3A_47 = arith.cmpi sgt, %scan3A_41, %gt3A : i32
      %convert_element_type3A = arith.extui %gt3A_47 : i1 to i32
      %cond3A = arith.constant 0 : i32
      %cond3A_48 = arith.cmpi ne, %convert_element_type3A, %cond3A : i32
      scf.if %cond3A_48 {
        %sub3A_91 = arith.constant 2 : i32
        %sub3A_92 = arith.subi %add3A_46, %sub3A_91 : i32
        %sub3A_93 = arith.constant 1 : i32
        %sub3A_94 = arith.subi %select_n3A_9, %sub3A_93 : i32
        %min3A_95 = arith.minsi %sub3A_92, %sub3A_94 : i32
        %add3A_96 = arith.addi %select_n3A, %min3A_95 : i32
        %mul3A_97 = arith.constant 51200 : i32
        %mul3A_98 = arith.muli %add3A_96, %mul3A_97 : i32
        %multiple_of3A_99 = tpu.assume_multiple %mul3A_98, 8 : i32
        %dma_wait3A_100 = tpu.memref_slice %arg4[%multiple_of3A_99] : memref<12800000xf32, #tpu.memory_space<hbm>> -> memref<51200xf32, #tpu.memory_space<hbm>>
        %dma_wait3A_101 = tpu.memref_slice %arg4[%multiple_of3A_99] : memref<12800000xf32, #tpu.memory_space<hbm>> -> memref<51200xf32, #tpu.memory_space<hbm>>
        tpu.wait_dma2 semaphore(%arg9 : memref<!tpu.dma_semaphore, #tpu.memory_space<semaphore_mem>>) src(%arg6 : memref<51200xf32, #tpu.memory_space<vmem>>) dst(%dma_wait3A_101 : memref<51200xf32, #tpu.memory_space<hbm>>)
      } else {
      }
      %sub3A_49 = arith.constant 1 : i32
      %sub3A_50 = arith.subi %select_n3A_9, %sub3A_49 : i32
      %min3A_51 = arith.minsi %add3A_46, %sub3A_50 : i32
      %mul3A_52 = arith.constant 400 : i32
      %mul3A_53 = arith.muli %mul3A_52, %min3A_51 : i32
      %parallel_loop3A = arith.constant 0 : i32
      %parallel_loop3A_54 = arith.constant 25 : i32
      %parallel_loop3A_55 = arith.constant 1 : i32
      scf.for %parallel_loop3A_91 = %parallel_loop3A to %parallel_loop3A_54 step %parallel_loop3A_55  : i32 {
        %parallel_loop3A_92 = arith.constant 16 : i32
        %parallel_loop3A_93 = arith.muli %parallel_loop3A_92, %parallel_loop3A_91 : i32
        %parallel_loop3A_94 = arith.addi %mul3A_53, %parallel_loop3A_93 : i32
        %parallel_loop3A_95 = arith.index_cast %parallel_loop3A_94 : i32 to index
        %parallel_loop3A_96 = tpu.vector_load %arg8[%parallel_loop3A_95] {strides = array<i32>} : memref<3200xi32, #tpu.memory_space<vmem>>, vector<16xi32>,
        %parallel_loop3A_97 = arith.constant 16 : i32
        %parallel_loop3A_98 = arith.muli %parallel_loop3A_97, %parallel_loop3A_91 : i32
        %parallel_loop3A_99 = arith.constant 128 : i32
        %parallel_loop3A_100 = arith.muli %parallel_loop3A_98, %parallel_loop3A_99 : i32
        %parallel_loop3A_101 = vector.extract_strided_slice %parallel_loop3A_96 {offsets = [0], sizes = [1], strides = [1]} : vector<16xi32> to vector<1xi32>
        %parallel_loop3A_102 = vector.extract %parallel_loop3A_101[0] : i32 from vector<1xi32>
        %parallel_loop3A_103 = arith.constant 128 : i32
        %parallel_loop3A_104 = arith.muli %parallel_loop3A_102, %parallel_loop3A_103 : i32
        %parallel_loop3A_105 = arith.constant 0 : i32
        %parallel_loop3A_106 = arith.addi %parallel_loop3A_104, %parallel_loop3A_105 : i32
        %parallel_loop3A_107 = arith.index_cast %parallel_loop3A_106 : i32 to index
        %parallel_loop3A_108 = tpu.vector_load %arg5[%parallel_loop3A_107] {strides = array<i32>} : memref<2688xf32, #tpu.memory_space<vmem>>, vector<16xf32>,
        %parallel_loop3A_109 = arith.constant 16 : i32
        %parallel_loop3A_110 = arith.addi %parallel_loop3A_104, %parallel_loop3A_109 : i32
        %parallel_loop3A_111 = arith.index_cast %parallel_loop3A_110 : i32 to index
        %parallel_loop3A_112 = tpu.vector_load %arg5[%parallel_loop3A_111] {strides = array<i32>} : memref<2688xf32, #tpu.memory_space<vmem>>, vector<16xf32>,
        %parallel_loop3A_113 = arith.constant 32 : i32
        %parallel_loop3A_114 = arith.addi %parallel_loop3A_104, %parallel_loop3A_113 : i32
        %parallel_loop3A_115 = arith.index_cast %parallel_loop3A_114 : i32 to index
        %parallel_loop3A_116 = tpu.vector_load %arg5[%parallel_loop3A_115] {strides = array<i32>} : memref<2688xf32, #tpu.memory_space<vmem>>, vector<16xf32>,
        %parallel_loop3A_117 = arith.constant 48 : i32
        %parallel_loop3A_118 = arith.addi %parallel_loop3A_104, %parallel_loop3A_117 : i32
        %parallel_loop3A_119 = arith.index_cast %parallel_loop3A_118 : i32 to index
        %parallel_loop3A_120 = tpu.vector_load %arg5[%parallel_loop3A_119] {strides = array<i32>} : memref<2688xf32, #tpu.memory_space<vmem>>, vector<16xf32>,
        %parallel_loop3A_121 = arith.constant 64 : i32
        %parallel_loop3A_122 = arith.addi %parallel_loop3A_104, %parallel_loop3A_121 : i32
        %parallel_loop3A_123 = arith.index_cast %parallel_loop3A_122 : i32 to index
        %parallel_loop3A_124 = tpu.vector_load %arg5[%parallel_loop3A_123] {strides = array<i32>} : memref<2688xf32, #tpu.memory_space<vmem>>, vector<16xf32>,
        %parallel_loop3A_125 = arith.constant 80 : i32
        %parallel_loop3A_126 = arith.addi %parallel_loop3A_104, %parallel_loop3A_125 : i32
        %parallel_loop3A_127 = arith.index_cast %parallel_loop3A_126 : i32 to index
        %parallel_loop3A_128 = tpu.vector_load %arg5[%parallel_loop3A_127] {strides = array<i32>} : memref<2688xf32, #tpu.memory_space<vmem>>, vector<16xf32>,
        %parallel_loop3A_129 = arith.constant 96 : i32
        %parallel_loop3A_130 = arith.addi %parallel_loop3A_104, %parallel_loop3A_129 : i32
        %parallel_loop3A_131 = arith.index_cast %parallel_loop3A_130 : i32 to index
        %parallel_loop3A_132 = tpu.vector_load %arg5[%parallel_loop3A_131] {strides = array<i32>} : memref<2688xf32, #tpu.memory_space<vmem>>, vector<16xf32>,
        %parallel_loop3A_133 = arith.constant 112 : i32
        %parallel_loop3A_134 = arith.addi %parallel_loop3A_104, %parallel_loop3A_133 : i32
        %parallel_loop3A_135 = arith.index_cast %parallel_loop3A_134 : i32 to index
        %parallel_loop3A_136 = tpu.vector_load %arg5[%parallel_loop3A_135] {strides = array<i32>} : memref<2688xf32, #tpu.memory_space<vmem>>, vector<16xf32>,
        %parallel_loop3A_137 = arith.constant 0 : i32
        %parallel_loop3A_138 = arith.addi %parallel_loop3A_100, %parallel_loop3A_137 : i32
        %parallel_loop3A_139 = arith.constant 0 : i32
        %parallel_loop3A_140 = arith.addi %parallel_loop3A_138, %parallel_loop3A_139 : i32
        %parallel_loop3A_141 = arith.index_cast %parallel_loop3A_140 : i32 to index
        %parallel_loop3A_142 = tpu.vector_load %arg6[%parallel_loop3A_141] {strides = array<i32>} : memref<51200xf32, #tpu.memory_space<vmem>>, vector<16xf32>,
        tpu.vector_store %arg6[%parallel_loop3A_141], %parallel_loop3A_108 {strides = array<i32>} : memref<51200xf32, #tpu.memory_space<vmem>>, vector<16xf32>,
        %parallel_loop3A_143 = arith.constant 0 : i32
        %parallel_loop3A_144 = arith.addi %parallel_loop3A_100, %parallel_loop3A_143 : i32
        %parallel_loop3A_145 = arith.constant 16 : i32
        %parallel_loop3A_146 = arith.addi %parallel_loop3A_144, %parallel_loop3A_145 : i32
        %parallel_loop3A_147 = arith.index_cast %parallel_loop3A_146 : i32 to index
        %parallel_loop3A_148 = tpu.vector_load %arg6[%parallel_loop3A_147] {strides = array<i32>} : memref<51200xf32, #tpu.memory_space<vmem>>, vector<16xf32>,
        tpu.vector_store %arg6[%parallel_loop3A_147], %parallel_loop3A_112 {strides = array<i32>} : memref<51200xf32, #tpu.memory_space<vmem>>, vector<16xf32>,
        %parallel_loop3A_149 = arith.constant 0 : i32
        %parallel_loop3A_150 = arith.addi %parallel_loop3A_100, %parallel_loop3A_149 : i32
        %parallel_loop3A_151 = arith.constant 32 : i32
        %parallel_loop3A_152 = arith.addi %parallel_loop3A_150, %parallel_loop3A_151 : i32
        %parallel_loop3A_153 = arith.index_cast %parallel_loop3A_152 : i32 to index
        %parallel_loop3A_154 = tpu.vector_load %arg6[%parallel_loop3A_153] {strides = array<i32>} : memref<51200xf32, #tpu.memory_space<vmem>>, vector<16xf32>,
        tpu.vector_store %arg6[%parallel_loop3A_153], %parallel_loop3A_116 {strides = array<i32>} : memref<51200xf32, #tpu.memory_space<vmem>>, vector<16xf32>,
        %parallel_loop3A_155 = arith.constant 0 : i32
        %parallel_loop3A_156 = arith.addi %parallel_loop3A_100, %parallel_loop3A_155 : i32
        %parallel_loop3A_157 = arith.constant 48 : i32
        %parallel_loop3A_158 = arith.addi %parallel_loop3A_156, %parallel_loop3A_157 : i32
        %parallel_loop3A_159 = arith.index_cast %parallel_loop3A_158 : i32 to index
        %parallel_loop3A_160 = tpu.vector_load %arg6[%parallel_loop3A_159] {strides = array<i32>} : memref<51200xf32, #tpu.memory_space<vmem>>, vector<16xf32>,
        tpu.vector_store %arg6[%parallel_loop3A_159], %parallel_loop3A_120 {strides = array<i32>} : memref<51200xf32, #tpu.memory_space<vmem>>, vector<16xf32>,
        %parallel_loop3A_161 = arith.constant 0 : i32
        %parallel_loop3A_162 = arith.addi %parallel_loop3A_100, %parallel_loop3A_161 : i32
        %parallel_loop3A_163 = arith.constant 64 : i32
        %parallel_loop3A_164 = arith.addi %parallel_loop3A_162, %parallel_loop3A_163 : i32
        %parallel_loop3A_165 = arith.index_cast %parallel_loop3A_164 : i32 to index
        %parallel_loop3A_166 = tpu.vector_load %arg6[%parallel_loop3A_165] {strides = array<i32>} : memref<51200xf32, #tpu.memory_space<vmem>>, vector<16xf32>,
        tpu.vector_store %arg6[%parallel_loop3A_165], %parallel_loop3A_124 {strides = array<i32>} : memref<51200xf32, #tpu.memory_space<vmem>>, vector<16xf32>,
        %parallel_loop3A_167 = arith.constant 0 : i32
        %parallel_loop3A_168 = arith.addi %parallel_loop3A_100, %parallel_loop3A_167 : i32
        %parallel_loop3A_169 = arith.constant 80 : i32
        %parallel_loop3A_170 = arith.addi %parallel_loop3A_168, %parallel_loop3A_169 : i32
        %parallel_loop3A_171 = arith.index_cast %parallel_loop3A_170 : i32 to index
        %parallel_loop3A_172 = tpu.vector_load %arg6[%parallel_loop3A_171] {strides = array<i32>} : memref<51200xf32, #tpu.memory_space<vmem>>, vector<16xf32>,
        tpu.vector_store %arg6[%parallel_loop3A_171], %parallel_loop3A_128 {strides = array<i32>} : memref<51200xf32, #tpu.memory_space<vmem>>, vector<16xf32>,
        %parallel_loop3A_173 = arith.constant 0 : i32
        %parallel_loop3A_174 = arith.addi %parallel_loop3A_100, %parallel_loop3A_173 : i32
        %parallel_loop3A_175 = arith.constant 96 : i32
        %parallel_loop3A_176 = arith.addi %parallel_loop3A_174, %parallel_loop3A_175 : i32
        %parallel_loop3A_177 = arith.index_cast %parallel_loop3A_176 : i32 to index
        %parallel_loop3A_178 = tpu.vector_load %arg6[%parallel_loop3A_177] {strides = array<i32>} : memref<51200xf32, #tpu.memory_space<vmem>>, vector<16xf32>,
        tpu.vector_store %arg6[%parallel_loop3A_177], %parallel_loop3A_132 {strides = array<i32>} : memref<51200xf32, #tpu.memory_space<vmem>>, vector<16xf32>,
        %parallel_loop3A_179 = arith.constant 0 : i32
        %parallel_loop3A_180 = arith.addi %parallel_loop3A_100, %parallel_loop3A_179 : i32
        %parallel_loop3A_181 = arith.constant 112 : i32
        %parallel_loop3A_182 = arith.addi %parallel_loop3A_180, %parallel_loop3A_181 : i32
        %parallel_loop3A_183 = arith.index_cast %parallel_loop3A_182 : i32 to index
        %parallel_loop3A_184 = tpu.vector_load %arg6[%parallel_loop3A_183] {strides = array<i32>} : memref<51200xf32, #tpu.memory_space<vmem>>, vector<16xf32>,
        tpu.vector_store %arg6[%parallel_loop3A_183], %parallel_loop3A_136 {strides = array<i32>} : memref<51200xf32, #tpu.memory_space<vmem>>, vector<16xf32>,
        %parallel_loop3A_185 = vector.extract_strided_slice %parallel_loop3A_96 {offsets = [1], sizes = [1], strides = [1]} : vector<16xi32> to vector<1xi32>
        %parallel_loop3A_186 = vector.extract %parallel_loop3A_185[0] : i32 from vector<1xi32>
        %parallel_loop3A_187 = arith.constant 128 : i32
        %parallel_loop3A_188 = arith.muli %parallel_loop3A_186, %parallel_loop3A_187 : i32
        %parallel_loop3A_189 = arith.constant 0 : i32
        %parallel_loop3A_190 = arith.addi %parallel_loop3A_188, %parallel_loop3A_189 : i32
        %parallel_loop3A_191 = arith.index_cast %parallel_loop3A_190 : i32 to index
        %parallel_loop3A_192 = tpu.vector_load %arg5[%parallel_loop3A_191] {strides = array<i32>} : memref<2688xf32, #tpu.memory_space<vmem>>, vector<16xf32>,
        %parallel_loop3A_193 = arith.constant 16 : i32
        %parallel_loop3A_194 = arith.addi %parallel_loop3A_188, %parallel_loop3A_193 : i32
        %parallel_loop3A_195 = arith.index_cast %parallel_loop3A_194 : i32 to index
        %parallel_loop3A_196 = tpu.vector_load %arg5[%parallel_loop3A_195] {strides = array<i32>} : memref<2688xf32, #tpu.memory_space<vmem>>, vector<16xf32>,
        %parallel_loop3A_197 = arith.constant 32 : i32
        %parallel_loop3A_198 = arith.addi %parallel_loop3A_188, %parallel_loop3A_197 : i32
        %parallel_loop3A_199 = arith.index_cast %parallel_loop3A_198 : i32 to index
        %parallel_loop3A_200 = tpu.vector_load %arg5[%parallel_loop3A_199] {strides = array<i32>} : memref<2688xf32, #tpu.memory_space<vmem>>, vector<16xf32>,
        %parallel_loop3A_201 = arith.constant 48 : i32
        %parallel_loop3A_202 = arith.addi %parallel_loop3A_188, %parallel_loop3A_201 : i32
        %parallel_loop3A_203 = arith.index_cast %parallel_loop3A_202 : i32 to index
        %parallel_loop3A_204 = tpu.vector_load %arg5[%parallel_loop3A_203] {strides = array<i32>} : memref<2688xf32, #tpu.memory_space<vmem>>, vector<16xf32>,
        %parallel_loop3A_205 = arith.constant 64 : i32
        %parallel_loop3A_206 = arith.addi %parallel_loop3A_188, %parallel_loop3A_205 : i32
        %parallel_loop3A_207 = arith.index_cast %parallel_loop3A_206 : i32 to index
        %parallel_loop3A_208 = tpu.vector_load %arg5[%parallel_loop3A_207] {strides = array<i32>} : memref<2688xf32, #tpu.memory_space<vmem>>, vector<16xf32>,
        %parallel_loop3A_209 = arith.constant 80 : i32
        %parallel_loop3A_210 = arith.addi %parallel_loop3A_188, %parallel_loop3A_209 : i32
        %parallel_loop3A_211 = arith.index_cast %parallel_loop3A_210 : i32 to index
        %parallel_loop3A_212 = tpu.vector_load %arg5[%parallel_loop3A_211] {strides = array<i32>} : memref<2688xf32, #tpu.memory_space<vmem>>, vector<16xf32>,
        %parallel_loop3A_213 = arith.constant 96 : i32
        %parallel_loop3A_214 = arith.addi %parallel_loop3A_188, %parallel_loop3A_213 : i32
        %parallel_loop3A_215 = arith.index_cast %parallel_loop3A_214 : i32 to index
        %parallel_loop3A_216 = tpu.vector_load %arg5[%parallel_loop3A_215] {strides = array<i32>} : memref<2688xf32, #tpu.memory_space<vmem>>, vector<16xf32>,
        %parallel_loop3A_217 = arith.constant 112 : i32
        %parallel_loop3A_218 = arith.addi %parallel_loop3A_188, %parallel_loop3A_217 : i32
        %parallel_loop3A_219 = arith.index_cast %parallel_loop3A_218 : i32 to index
        %parallel_loop3A_220 = tpu.vector_load %arg5[%parallel_loop3A_219] {strides = array<i32>} : memref<2688xf32, #tpu.memory_space<vmem>>, vector<16xf32>,
        %parallel_loop3A_221 = arith.constant 128 : i32
        %parallel_loop3A_222 = arith.addi %parallel_loop3A_100, %parallel_loop3A_221 : i32
        %parallel_loop3A_223 = arith.constant 0 : i32
        %parallel_loop3A_224 = arith.addi %parallel_loop3A_222, %parallel_loop3A_223 : i32
        %parallel_loop3A_225 = arith.index_cast %parallel_loop3A_224 : i32 to index
        %parallel_loop3A_226 = tpu.vector_load %arg6[%parallel_loop3A_225] {strides = array<i32>} : memref<51200xf32, #tpu.memory_space<vmem>>, vector<16xf32>,
        tpu.vector_store %arg6[%parallel_loop3A_225], %parallel_loop3A_192 {strides = array<i32>} : memref<51200xf32, #tpu.memory_space<vmem>>, vector<16xf32>,
        %parallel_loop3A_227 = arith.constant 128 : i32
        %parallel_loop3A_228 = arith.addi %parallel_loop3A_100, %parallel_loop3A_227 : i32
        %parallel_loop3A_229 = arith.constant 16 : i32
        %parallel_loop3A_230 = arith.addi %parallel_loop3A_228, %parallel_loop3A_229 : i32
        %parallel_loop3A_231 = arith.index_cast %parallel_loop3A_230 : i32 to index
        %parallel_loop3A_232 = tpu.vector_load %arg6[%parallel_loop3A_231] {strides = array<i32>} : memref<51200xf32, #tpu.memory_space<vmem>>, vector<16xf32>,
        tpu.vector_store %arg6[%parallel_loop3A_231], %parallel_loop3A_196 {strides = array<i32>} : memref<51200xf32, #tpu.memory_space<vmem>>, vector<16xf32>,
        %parallel_loop3A_233 = arith.constant 128 : i32
        %parallel_loop3A_234 = arith.addi %parallel_loop3A_100, %parallel_loop3A_233 : i32
        %parallel_loop3A_235 = arith.constant 32 : i32
        %parallel_loop3A_236 = arith.addi %parallel_loop3A_234, %parallel_loop3A_235 : i32
        %parallel_loop3A_237 = arith.index_cast %parallel_loop3A_236 : i32 to index
        %parallel_loop3A_238 = tpu.vector_load %arg6[%parallel_loop3A_237] {strides = array<i32>} : memref<51200xf32, #tpu.memory_space<vmem>>, vector<16xf32>,
        tpu.vector_store %arg6[%parallel_loop3A_237], %parallel_loop3A_200 {strides = array<i32>} : memref<51200xf32, #tpu.memory_space<vmem>>, vector<16xf32>,
        %parallel_loop3A_239 = arith.constant 128 : i32
        %parallel_loop3A_240 = arith.addi %parallel_loop3A_100, %parallel_loop3A_239 : i32
        %parallel_loop3A_241 = arith.constant 48 : i32
        %parallel_loop3A_242 = arith.addi %parallel_loop3A_240, %parallel_loop3A_241 : i32
        %parallel_loop3A_243 = arith.index_cast %parallel_loop3A_242 : i32 to index
        %parallel_loop3A_244 = tpu.vector_load %arg6[%parallel_loop3A_243] {strides = array<i32>} : memref<51200xf32, #tpu.memory_space<vmem>>, vector<16xf32>,
        tpu.vector_store %arg6[%parallel_loop3A_243], %parallel_loop3A_204 {strides = array<i32>} : memref<51200xf32, #tpu.memory_space<vmem>>, vector<16xf32>,
        %parallel_loop3A_245 = arith.constant 128 : i32
        %parallel_loop3A_246 = arith.addi %parallel_loop3A_100, %parallel_loop3A_245 : i32
        %parallel_loop3A_247 = arith.constant 64 : i32
        %parallel_loop3A_248 = arith.addi %parallel_loop3A_246, %parallel_loop3A_247 : i32
        %parallel_loop3A_249 = arith.index_cast %parallel_loop3A_248 : i32 to index
        %parallel_loop3A_250 = tpu.vector_load %arg6[%parallel_loop3A_249] {strides = array<i32>} : memref<51200xf32, #tpu.memory_space<vmem>>, vector<16xf32>,
        tpu.vector_store %arg6[%parallel_loop3A_249], %parallel_loop3A_208 {strides = array<i32>} : memref<51200xf32, #tpu.memory_space<vmem>>, vector<16xf32>,
        %parallel_loop3A_251 = arith.constant 128 : i32
        %parallel_loop3A_252 = arith.addi %parallel_loop3A_100, %parallel_loop3A_251 : i32
        %parallel_loop3A_253 = arith.constant 80 : i32
        %parallel_loop3A_254 = arith.addi %parallel_loop3A_252, %parallel_loop3A_253 : i32
        %parallel_loop3A_255 = arith.index_cast %parallel_loop3A_254 : i32 to index
        %parallel_loop3A_256 = tpu.vector_load %arg6[%parallel_loop3A_255] {strides = array<i32>} : memref<51200xf32, #tpu.memory_space<vmem>>, vector<16xf32>,
        tpu.vector_store %arg6[%parallel_loop3A_255], %parallel_loop3A_212 {strides = array<i32>} : memref<51200xf32, #tpu.memory_space<vmem>>, vector<16xf32>,
        %parallel_loop3A_257 = arith.constant 128 : i32
        %parallel_loop3A_258 = arith.addi %parallel_loop3A_100, %parallel_loop3A_257 : i32
        %parallel_loop3A_259 = arith.constant 96 : i32
        %parallel_loop3A_260 = arith.addi %parallel_loop3A_258, %parallel_loop3A_259 : i32
        %parallel_loop3A_261 = arith.index_cast %parallel_loop3A_260 : i32 to index
        %parallel_loop3A_262 = tpu.vector_load %arg6[%parallel_loop3A_261] {strides = array<i32>} : memref<51200xf32, #tpu.memory_space<vmem>>, vector<16xf32>,
        tpu.vector_store %arg6[%parallel_loop3A_261], %parallel_loop3A_216 {strides = array<i32>} : memref<51200xf32, #tpu.memory_space<vmem>>, vector<16xf32>,
        %parallel_loop3A_263 = arith.constant 128 : i32
        %parallel_loop3A_264 = arith.addi %parallel_loop3A_100, %parallel_loop3A_263 : i32
        %parallel_loop3A_265 = arith.constant 112 : i32
        %parallel_loop3A_266 = arith.addi %parallel_loop3A_264, %parallel_loop3A_265 : i32
        %parallel_loop3A_267 = arith.index_cast %parallel_loop3A_266 : i32 to index
        %parallel_loop3A_268 = tpu.vector_load %arg6[%parallel_loop3A_267] {strides = array<i32>} : memref<51200xf32, #tpu.memory_space<vmem>>, vector<16xf32>,
        tpu.vector_store %arg6[%parallel_loop3A_267], %parallel_loop3A_220 {strides = array<i32>} : memref<51200xf32, #tpu.memory_space<vmem>>, vector<16xf32>,
        %parallel_loop3A_269 = vector.extract_strided_slice %parallel_loop3A_96 {offsets = [2], sizes = [1], strides = [1]} : vector<16xi32> to vector<1xi32>
        %parallel_loop3A_270 = vector.extract %parallel_loop3A_269[0] : i32 from vector<1xi32>
        %parallel_loop3A_271 = arith.constant 128 : i32
        %parallel_loop3A_272 = arith.muli %parallel_loop3A_270, %parallel_loop3A_271 : i32
        %parallel_loop3A_273 = arith.constant 0 : i32
        %parallel_loop3A_274 = arith.addi %parallel_loop3A_272, %parallel_loop3A_273 : i32
        %parallel_loop3A_275 = arith.index_cast %parallel_loop3A_274 : i32 to index
        %parallel_loop3A_276 = tpu.vector_load %arg5[%parallel_loop3A_275] {strides = array<i32>} : memref<2688xf32, #tpu.memory_space<vmem>>, vector<16xf32>,
        %parallel_loop3A_277 = arith.constant 16 : i32
        %parallel_loop3A_278 = arith.addi %parallel_loop3A_272, %parallel_loop3A_277 : i32
        %parallel_loop3A_279 = arith.index_cast %parallel_loop3A_278 : i32 to index
        %parallel_loop3A_280 = tpu.vector_load %arg5[%parallel_loop3A_279] {strides = array<i32>} : memref<2688xf32, #tpu.memory_space<vmem>>, vector<16xf32>,
        %parallel_loop3A_281 = arith.constant 32 : i32
        %parallel_loop3A_282 = arith.addi %parallel_loop3A_272, %parallel_loop3A_281 : i32
        %parallel_loop3A_283 = arith.index_cast %parallel_loop3A_282 : i32 to index
        %parallel_loop3A_284 = tpu.vector_load %arg5[%parallel_loop3A_283] {strides = array<i32>} : memref<2688xf32, #tpu.memory_space<vmem>>, vector<16xf32>,
        %parallel_loop3A_285 = arith.constant 48 : i32
        %parallel_loop3A_286 = arith.addi %parallel_loop3A_272, %parallel_loop3A_285 : i32
        %parallel_loop3A_287 = arith.index_cast %parallel_loop3A_286 : i32 to index
        %parallel_loop3A_288 = tpu.vector_load %arg5[%parallel_loop3A_287] {strides = array<i32>} : memref<2688xf32, #tpu.memory_space<vmem>>, vector<16xf32>,
        %parallel_loop3A_289 = arith.constant 64 : i32
        %parallel_loop3A_290 = arith.addi %parallel_loop3A_272, %parallel_loop3A_289 : i32
        %parallel_loop3A_291 = arith.index_cast %parallel_loop3A_290 : i32 to index
        %parallel_loop3A_292 = tpu.vector_load %arg5[%parallel_loop3A_291] {strides = array<i32>} : memref<2688xf32, #tpu.memory_space<vmem>>, vector<16xf32>,
        %parallel_loop3A_293 = arith.constant 80 : i32
        %parallel_loop3A_294 = arith.addi %parallel_loop3A_272, %parallel_loop3A_293 : i32
        %parallel_loop3A_295 = arith.index_cast %parallel_loop3A_294 : i32 to index
        %parallel_loop3A_296 = tpu.vector_load %arg5[%parallel_loop3A_295] {strides = array<i32>} : memref<2688xf32, #tpu.memory_space<vmem>>, vector<16xf32>,
        %parallel_loop3A_297 = arith.constant 96 : i32
        %parallel_loop3A_298 = arith.addi %parallel_loop3A_272, %parallel_loop3A_297 : i32
        %parallel_loop3A_299 = arith.index_cast %parallel_loop3A_298 : i32 to index
        %parallel_loop3A_300 = tpu.vector_load %arg5[%parallel_loop3A_299] {strides = array<i32>} : memref<2688xf32, #tpu.memory_space<vmem>>, vector<16xf32>,
        %parallel_loop3A_301 = arith.constant 112 : i32
        %parallel_loop3A_302 = arith.addi %parallel_loop3A_272, %parallel_loop3A_301 : i32
        %parallel_loop3A_303 = arith.index_cast %parallel_loop3A_302 : i32 to index
        %parallel_loop3A_304 = tpu.vector_load %arg5[%parallel_loop3A_303] {strides = array<i32>} : memref<2688xf32, #tpu.memory_space<vmem>>, vector<16xf32>,
        %parallel_loop3A_305 = arith.constant 256 : i32
        %parallel_loop3A_306 = arith.addi %parallel_loop3A_100, %parallel_loop3A_305 : i32
        %parallel_loop3A_307 = arith.constant 0 : i32
        %parallel_loop3A_308 = arith.addi %parallel_loop3A_306, %parallel_loop3A_307 : i32
        %parallel_loop3A_309 = arith.index_cast %parallel_loop3A_308 : i32 to index
        %parallel_loop3A_310 = tpu.vector_load %arg6[%parallel_loop3A_309] {strides = array<i32>} : memref<51200xf32, #tpu.memory_space<vmem>>, vector<16xf32>,
        tpu.vector_store %arg6[%parallel_loop3A_309], %parallel_loop3A_276 {strides = array<i32>} : memref<51200xf32, #tpu.memory_space<vmem>>, vector<16xf32>,
        %parallel_loop3A_311 = arith.constant 256 : i32
        %parallel_loop3A_312 = arith.addi %parallel_loop3A_100, %parallel_loop3A_311 : i32
        %parallel_loop3A_313 = arith.constant 16 : i32
        %parallel_loop3A_314 = arith.addi %parallel_loop3A_312, %parallel_loop3A_313 : i32
        %parallel_loop3A_315 = arith.index_cast %parallel_loop3A_314 : i32 to index
        %parallel_loop3A_316 = tpu.vector_load %arg6[%parallel_loop3A_315] {strides = array<i32>} : memref<51200xf32, #tpu.memory_space<vmem>>, vector<16xf32>,
        tpu.vector_store %arg6[%parallel_loop3A_315], %parallel_loop3A_280 {strides = array<i32>} : memref<51200xf32, #tpu.memory_space<vmem>>, vector<16xf32>,
        %parallel_loop3A_317 = arith.constant 256 : i32
        %parallel_loop3A_318 = arith.addi %parallel_loop3A_100, %parallel_loop3A_317 : i32
        %parallel_loop3A_319 = arith.constant 32 : i32
        %parallel_loop3A_320 = arith.addi %parallel_loop3A_318, %parallel_loop3A_319 : i32
        %parallel_loop3A_321 = arith.index_cast %parallel_loop3A_320 : i32 to index
        %parallel_loop3A_322 = tpu.vector_load %arg6[%parallel_loop3A_321] {strides = array<i32>} : memref<51200xf32, #tpu.memory_space<vmem>>, vector<16xf32>,
        tpu.vector_store %arg6[%parallel_loop3A_321], %parallel_loop3A_284 {strides = array<i32>} : memref<51200xf32, #tpu.memory_space<vmem>>, vector<16xf32>,
        %parallel_loop3A_323 = arith.constant 256 : i32
        %parallel_loop3A_324 = arith.addi %parallel_loop3A_100, %parallel_loop3A_323 : i32
        %parallel_loop3A_325 = arith.constant 48 : i32
        %parallel_loop3A_326 = arith.addi %parallel_loop3A_324, %parallel_loop3A_325 : i32
        %parallel_loop3A_327 = arith.index_cast %parallel_loop3A_326 : i32 to index
        %parallel_loop3A_328 = tpu.vector_load %arg6[%parallel_loop3A_327] {strides = array<i32>} : memref<51200xf32, #tpu.memory_space<vmem>>, vector<16xf32>,
        tpu.vector_store %arg6[%parallel_loop3A_327], %parallel_loop3A_288 {strides = array<i32>} : memref<51200xf32, #tpu.memory_space<vmem>>, vector<16xf32>,
        %parallel_loop3A_329 = arith.constant 256 : i32
        %parallel_loop3A_330 = arith.addi %parallel_loop3A_100, %parallel_loop3A_329 : i32
        %parallel_loop3A_331 = arith.constant 64 : i32
        %parallel_loop3A_332 = arith.addi %parallel_loop3A_330, %parallel_loop3A_331 : i32
        %parallel_loop3A_333 = arith.index_cast %parallel_loop3A_332 : i32 to index
        %parallel_loop3A_334 = tpu.vector_load %arg6[%parallel_loop3A_333] {strides = array<i32>} : memref<51200xf32, #tpu.memory_space<vmem>>, vector<16xf32>,
        tpu.vector_store %arg6[%parallel_loop3A_333], %parallel_loop3A_292 {strides = array<i32>} : memref<51200xf32, #tpu.memory_space<vmem>>, vector<16xf32>,
        %parallel_loop3A_335 = arith.constant 256 : i32
        %parallel_loop3A_336 = arith.addi %parallel_loop3A_100, %parallel_loop3A_335 : i32
        %parallel_loop3A_337 = arith.constant 80 : i32
        %parallel_loop3A_338 = arith.addi %parallel_loop3A_336, %parallel_loop3A_337 : i32
        %parallel_loop3A_339 = arith.index_cast %parallel_loop3A_338 : i32 to index
        %parallel_loop3A_340 = tpu.vector_load %arg6[%parallel_loop3A_339] {strides = array<i32>} : memref<51200xf32, #tpu.memory_space<vmem>>, vector<16xf32>,
        tpu.vector_store %arg6[%parallel_loop3A_339], %parallel_loop3A_296 {strides = array<i32>} : memref<51200xf32, #tpu.memory_space<vmem>>, vector<16xf32>,
        %parallel_loop3A_341 = arith.constant 256 : i32
        %parallel_loop3A_342 = arith.addi %parallel_loop3A_100, %parallel_loop3A_341 : i32
        %parallel_loop3A_343 = arith.constant 96 : i32
        %parallel_loop3A_344 = arith.addi %parallel_loop3A_342, %parallel_loop3A_343 : i32
        %parallel_loop3A_345 = arith.index_cast %parallel_loop3A_344 : i32 to index
        %parallel_loop3A_346 = tpu.vector_load %arg6[%parallel_loop3A_345] {strides = array<i32>} : memref<51200xf32, #tpu.memory_space<vmem>>, vector<16xf32>,
        tpu.vector_store %arg6[%parallel_loop3A_345], %parallel_loop3A_300 {strides = array<i32>} : memref<51200xf32, #tpu.memory_space<vmem>>, vector<16xf32>,
        %parallel_loop3A_347 = arith.constant 256 : i32
        %parallel_loop3A_348 = arith.addi %parallel_loop3A_100, %parallel_loop3A_347 : i32
        %parallel_loop3A_349 = arith.constant 112 : i32
        %parallel_loop3A_350 = arith.addi %parallel_loop3A_348, %parallel_loop3A_349 : i32
        %parallel_loop3A_351 = arith.index_cast %parallel_loop3A_350 : i32 to index
        %parallel_loop3A_352 = tpu.vector_load %arg6[%parallel_loop3A_351] {strides = array<i32>} : memref<51200xf32, #tpu.memory_space<vmem>>, vector<16xf32>,
        tpu.vector_store %arg6[%parallel_loop3A_351], %parallel_loop3A_304 {strides = array<i32>} : memref<51200xf32, #tpu.memory_space<vmem>>, vector<16xf32>,
        %parallel_loop3A_353 = vector.extract_strided_slice %parallel_loop3A_96 {offsets = [3], sizes = [1], strides = [1]} : vector<16xi32> to vector<1xi32>
        %parallel_loop3A_354 = vector.extract %parallel_loop3A_353[0] : i32 from vector<1xi32>
        %parallel_loop3A_355 = arith.constant 128 : i32
        %parallel_loop3A_356 = arith.muli %parallel_loop3A_354, %parallel_loop3A_355 : i32
        %parallel_loop3A_357 = arith.constant 0 : i32
        %parallel_loop3A_358 = arith.addi %parallel_loop3A_356, %parallel_loop3A_357 : i32
        %parallel_loop3A_359 = arith.index_cast %parallel_loop3A_358 : i32 to index
        %parallel_loop3A_360 = tpu.vector_load %arg5[%parallel_loop3A_359] {strides = array<i32>} : memref<2688xf32, #tpu.memory_space<vmem>>, vector<16xf32>,
        %parallel_loop3A_361 = arith.constant 16 : i32
        %parallel_loop3A_362 = arith.addi %parallel_loop3A_356, %parallel_loop3A_361 : i32
        %parallel_loop3A_363 = arith.index_cast %parallel_loop3A_362 : i32 to index
        %parallel_loop3A_364 = tpu.vector_load %arg5[%parallel_loop3A_363] {strides = array<i32>} : memref<2688xf32, #tpu.memory_space<vmem>>, vector<16xf32>,
        %parallel_loop3A_365 = arith.constant 32 : i32
        %parallel_loop3A_366 = arith.addi %parallel_loop3A_356, %parallel_loop3A_365 : i32
        %parallel_loop3A_367 = arith.index_cast %parallel_loop3A_366 : i32 to index
        %parallel_loop3A_368 = tpu.vector_load %arg5[%parallel_loop3A_367] {strides = array<i32>} : memref<2688xf32, #tpu.memory_space<vmem>>, vector<16xf32>,
        %parallel_loop3A_369 = arith.constant 48 : i32
        %parallel_loop3A_370 = arith.addi %parallel_loop3A_356, %parallel_loop3A_369 : i32
        %parallel_loop3A_371 = arith.index_cast %parallel_loop3A_370 : i32 to index
        %parallel_loop3A_372 = tpu.vector_load %arg5[%parallel_loop3A_371] {strides = array<i32>} : memref<2688xf32, #tpu.memory_space<vmem>>, vector<16xf32>,
        %parallel_loop3A_373 = arith.constant 64 : i32
        %parallel_loop3A_374 = arith.addi %parallel_loop3A_356, %parallel_loop3A_373 : i32
        %parallel_loop3A_375 = arith.index_cast %parallel_loop3A_374 : i32 to index
        %parallel_loop3A_376 = tpu.vector_load %arg5[%parallel_loop3A_375] {strides = array<i32>} : memref<2688xf32, #tpu.memory_space<vmem>>, vector<16xf32>,
        %parallel_loop3A_377 = arith.constant 80 : i32
        %parallel_loop3A_378 = arith.addi %parallel_loop3A_356, %parallel_loop3A_377 : i32
        %parallel_loop3A_379 = arith.index_cast %parallel_loop3A_378 : i32 to index
        %parallel_loop3A_380 = tpu.vector_load %arg5[%parallel_loop3A_379] {strides = array<i32>} : memref<2688xf32, #tpu.memory_space<vmem>>, vector<16xf32>,
        %parallel_loop3A_381 = arith.constant 96 : i32
        %parallel_loop3A_382 = arith.addi %parallel_loop3A_356, %parallel_loop3A_381 : i32
        %parallel_loop3A_383 = arith.index_cast %parallel_loop3A_382 : i32 to index
        %parallel_loop3A_384 = tpu.vector_load %arg5[%parallel_loop3A_383] {strides = array<i32>} : memref<2688xf32, #tpu.memory_space<vmem>>, vector<16xf32>,
        %parallel_loop3A_385 = arith.constant 112 : i32
        %parallel_loop3A_386 = arith.addi %parallel_loop3A_356, %parallel_loop3A_385 : i32
        %parallel_loop3A_387 = arith.index_cast %parallel_loop3A_386 : i32 to index
        %parallel_loop3A_388 = tpu.vector_load %arg5[%parallel_loop3A_387] {strides = array<i32>} : memref<2688xf32, #tpu.memory_space<vmem>>, vector<16xf32>,
        %parallel_loop3A_389 = arith.constant 384 : i32
        %parallel_loop3A_390 = arith.addi %parallel_loop3A_100, %parallel_loop3A_389 : i32
        %parallel_loop3A_391 = arith.constant 0 : i32
        %parallel_loop3A_392 = arith.addi %parallel_loop3A_390, %parallel_loop3A_391 : i32
        %parallel_loop3A_393 = arith.index_cast %parallel_loop3A_392 : i32 to index
        %parallel_loop3A_394 = tpu.vector_load %arg6[%parallel_loop3A_393] {strides = array<i32>} : memref<51200xf32, #tpu.memory_space<vmem>>, vector<16xf32>,
        tpu.vector_store %arg6[%parallel_loop3A_393], %parallel_loop3A_360 {strides = array<i32>} : memref<51200xf32, #tpu.memory_space<vmem>>, vector<16xf32>,
        %parallel_loop3A_395 = arith.constant 384 : i32
        %parallel_loop3A_396 = arith.addi %parallel_loop3A_100, %parallel_loop3A_395 : i32
        %parallel_loop3A_397 = arith.constant 16 : i32
        %parallel_loop3A_398 = arith.addi %parallel_loop3A_396, %parallel_loop3A_397 : i32
        %parallel_loop3A_399 = arith.index_cast %parallel_loop3A_398 : i32 to index
        %parallel_loop3A_400 = tpu.vector_load %arg6[%parallel_loop3A_399] {strides = array<i32>} : memref<51200xf32, #tpu.memory_space<vmem>>, vector<16xf32>,
        tpu.vector_store %arg6[%parallel_loop3A_399], %parallel_loop3A_364 {strides = array<i32>} : memref<51200xf32, #tpu.memory_space<vmem>>, vector<16xf32>,
        %parallel_loop3A_401 = arith.constant 384 : i32
        %parallel_loop3A_402 = arith.addi %parallel_loop3A_100, %parallel_loop3A_401 : i32
        %parallel_loop3A_403 = arith.constant 32 : i32
        %parallel_loop3A_404 = arith.addi %parallel_loop3A_402, %parallel_loop3A_403 : i32
        %parallel_loop3A_405 = arith.index_cast %parallel_loop3A_404 : i32 to index
        %parallel_loop3A_406 = tpu.vector_load %arg6[%parallel_loop3A_405] {strides = array<i32>} : memref<51200xf32, #tpu.memory_space<vmem>>, vector<16xf32>,
        tpu.vector_store %arg6[%parallel_loop3A_405], %parallel_loop3A_368 {strides = array<i32>} : memref<51200xf32, #tpu.memory_space<vmem>>, vector<16xf32>,
        %parallel_loop3A_407 = arith.constant 384 : i32
        %parallel_loop3A_408 = arith.addi %parallel_loop3A_100, %parallel_loop3A_407 : i32
        %parallel_loop3A_409 = arith.constant 48 : i32
        %parallel_loop3A_410 = arith.addi %parallel_loop3A_408, %parallel_loop3A_409 : i32
        %parallel_loop3A_411 = arith.index_cast %parallel_loop3A_410 : i32 to index
        %parallel_loop3A_412 = tpu.vector_load %arg6[%parallel_loop3A_411] {strides = array<i32>} : memref<51200xf32, #tpu.memory_space<vmem>>, vector<16xf32>,
        tpu.vector_store %arg6[%parallel_loop3A_411], %parallel_loop3A_372 {strides = array<i32>} : memref<51200xf32, #tpu.memory_space<vmem>>, vector<16xf32>,
        %parallel_loop3A_413 = arith.constant 384 : i32
        %parallel_loop3A_414 = arith.addi %parallel_loop3A_100, %parallel_loop3A_413 : i32
        %parallel_loop3A_415 = arith.constant 64 : i32
        %parallel_loop3A_416 = arith.addi %parallel_loop3A_414, %parallel_loop3A_415 : i32
        %parallel_loop3A_417 = arith.index_cast %parallel_loop3A_416 : i32 to index
        %parallel_loop3A_418 = tpu.vector_load %arg6[%parallel_loop3A_417] {strides = array<i32>} : memref<51200xf32, #tpu.memory_space<vmem>>, vector<16xf32>,
        tpu.vector_store %arg6[%parallel_loop3A_417], %parallel_loop3A_376 {strides = array<i32>} : memref<51200xf32, #tpu.memory_space<vmem>>, vector<16xf32>,
        %parallel_loop3A_419 = arith.constant 384 : i32
        %parallel_loop3A_420 = arith.addi %parallel_loop3A_100, %parallel_loop3A_419 : i32
        %parallel_loop3A_421 = arith.constant 80 : i32
        %parallel_loop3A_422 = arith.addi %parallel_loop3A_420, %parallel_loop3A_421 : i32
        %parallel_loop3A_423 = arith.index_cast %parallel_loop3A_422 : i32 to index
        %parallel_loop3A_424 = tpu.vector_load %arg6[%parallel_loop3A_423] {strides = array<i32>} : memref<51200xf32, #tpu.memory_space<vmem>>, vector<16xf32>,
        tpu.vector_store %arg6[%parallel_loop3A_423], %parallel_loop3A_380 {strides = array<i32>} : memref<51200xf32, #tpu.memory_space<vmem>>, vector<16xf32>,
        %parallel_loop3A_425 = arith.constant 384 : i32
        %parallel_loop3A_426 = arith.addi %parallel_loop3A_100, %parallel_loop3A_425 : i32
        %parallel_loop3A_427 = arith.constant 96 : i32
        %parallel_loop3A_428 = arith.addi %parallel_loop3A_426, %parallel_loop3A_427 : i32
        %parallel_loop3A_429 = arith.index_cast %parallel_loop3A_428 : i32 to index
        %parallel_loop3A_430 = tpu.vector_load %arg6[%parallel_loop3A_429] {strides = array<i32>} : memref<51200xf32, #tpu.memory_space<vmem>>, vector<16xf32>,
        tpu.vector_store %arg6[%parallel_loop3A_429], %parallel_loop3A_384 {strides = array<i32>} : memref<51200xf32, #tpu.memory_space<vmem>>, vector<16xf32>,
        %parallel_loop3A_431 = arith.constant 384 : i32
        %parallel_loop3A_432 = arith.addi %parallel_loop3A_100, %parallel_loop3A_431 : i32
        %parallel_loop3A_433 = arith.constant 112 : i32
        %parallel_loop3A_434 = arith.addi %parallel_loop3A_432, %parallel_loop3A_433 : i32
        %parallel_loop3A_435 = arith.index_cast %parallel_loop3A_434 : i32 to index
        %parallel_loop3A_436 = tpu.vector_load %arg6[%parallel_loop3A_435] {strides = array<i32>} : memref<51200xf32, #tpu.memory_space<vmem>>, vector<16xf32>,
        tpu.vector_store %arg6[%parallel_loop3A_435], %parallel_loop3A_388 {strides = array<i32>} : memref<51200xf32, #tpu.memory_space<vmem>>, vector<16xf32>,
        %parallel_loop3A_437 = vector.extract_strided_slice %parallel_loop3A_96 {offsets = [4], sizes = [1], strides = [1]} : vector<16xi32> to vector<1xi32>
        %parallel_loop3A_438 = vector.extract %parallel_loop3A_437[0] : i32 from vector<1xi32>
        %parallel_loop3A_439 = arith.constant 128 : i32
        %parallel_loop3A_440 = arith.muli %parallel_loop3A_438, %parallel_loop3A_439 : i32
        %parallel_loop3A_441 = arith.constant 0 : i32
        %parallel_loop3A_442 = arith.addi %parallel_loop3A_440, %parallel_loop3A_441 : i32
        %parallel_loop3A_443 = arith.index_cast %parallel_loop3A_442 : i32 to index
        %parallel_loop3A_444 = tpu.vector_load %arg5[%parallel_loop3A_443] {strides = array<i32>} : memref<2688xf32, #tpu.memory_space<vmem>>, vector<16xf32>,
        %parallel_loop3A_445 = arith.constant 16 : i32
        %parallel_loop3A_446 = arith.addi %parallel_loop3A_440, %parallel_loop3A_445 : i32
        %parallel_loop3A_447 = arith.index_cast %parallel_loop3A_446 : i32 to index
        %parallel_loop3A_448 = tpu.vector_load %arg5[%parallel_loop3A_447] {strides = array<i32>} : memref<2688xf32, #tpu.memory_space<vmem>>, vector<16xf32>,
        %parallel_loop3A_449 = arith.constant 32 : i32
        %parallel_loop3A_450 = arith.addi %parallel_loop3A_440, %parallel_loop3A_449 : i32
        %parallel_loop3A_451 = arith.index_cast %parallel_loop3A_450 : i32 to index
        %parallel_loop3A_452 = tpu.vector_load %arg5[%parallel_loop3A_451] {strides = array<i32>} : memref<2688xf32, #tpu.memory_space<vmem>>, vector<16xf32>,
        %parallel_loop3A_453 = arith.constant 48 : i32
        %parallel_loop3A_454 = arith.addi %parallel_loop3A_440, %parallel_loop3A_453 : i32
        %parallel_loop3A_455 = arith.index_cast %parallel_loop3A_454 : i32 to index
        %parallel_loop3A_456 = tpu.vector_load %arg5[%parallel_loop3A_455] {strides = array<i32>} : memref<2688xf32, #tpu.memory_space<vmem>>, vector<16xf32>,
        %parallel_loop3A_457 = arith.constant 64 : i32
        %parallel_loop3A_458 = arith.addi %parallel_loop3A_440, %parallel_loop3A_457 : i32
        %parallel_loop3A_459 = arith.index_cast %parallel_loop3A_458 : i32 to index
        %parallel_loop3A_460 = tpu.vector_load %arg5[%parallel_loop3A_459] {strides = array<i32>} : memref<2688xf32, #tpu.memory_space<vmem>>, vector<16xf32>,
        %parallel_loop3A_461 = arith.constant 80 : i32
        %parallel_loop3A_462 = arith.addi %parallel_loop3A_440, %parallel_loop3A_461 : i32
        %parallel_loop3A_463 = arith.index_cast %parallel_loop3A_462 : i32 to index
        %parallel_loop3A_464 = tpu.vector_load %arg5[%parallel_loop3A_463] {strides = array<i32>} : memref<2688xf32, #tpu.memory_space<vmem>>, vector<16xf32>,
        %parallel_loop3A_465 = arith.constant 96 : i32
        %parallel_loop3A_466 = arith.addi %parallel_loop3A_440, %parallel_loop3A_465 : i32
        %parallel_loop3A_467 = arith.index_cast %parallel_loop3A_466 : i32 to index
        %parallel_loop3A_468 = tpu.vector_load %arg5[%parallel_loop3A_467] {strides = array<i32>} : memref<2688xf32, #tpu.memory_space<vmem>>, vector<16xf32>,
        %parallel_loop3A_469 = arith.constant 112 : i32
        %parallel_loop3A_470 = arith.addi %parallel_loop3A_440, %parallel_loop3A_469 : i32
        %parallel_loop3A_471 = arith.index_cast %parallel_loop3A_470 : i32 to index
        %parallel_loop3A_472 = tpu.vector_load %arg5[%parallel_loop3A_471] {strides = array<i32>} : memref<2688xf32, #tpu.memory_space<vmem>>, vector<16xf32>,
        %parallel_loop3A_473 = arith.constant 512 : i32
        %parallel_loop3A_474 = arith.addi %parallel_loop3A_100, %parallel_loop3A_473 : i32
        %parallel_loop3A_475 = arith.constant 0 : i32
        %parallel_loop3A_476 = arith.addi %parallel_loop3A_474, %parallel_loop3A_475 : i32
        %parallel_loop3A_477 = arith.index_cast %parallel_loop3A_476 : i32 to index
        %parallel_loop3A_478 = tpu.vector_load %arg6[%parallel_loop3A_477] {strides = array<i32>} : memref<51200xf32, #tpu.memory_space<vmem>>, vector<16xf32>,
        tpu.vector_store %arg6[%parallel_loop3A_477], %parallel_loop3A_444 {strides = array<i32>} : memref<51200xf32, #tpu.memory_space<vmem>>, vector<16xf32>,
        %parallel_loop3A_479 = arith.constant 512 : i32
        %parallel_loop3A_480 = arith.addi %parallel_loop3A_100, %parallel_loop3A_479 : i32
        %parallel_loop3A_481 = arith.constant 16 : i32
        %parallel_loop3A_482 = arith.addi %parallel_loop3A_480, %parallel_loop3A_481 : i32
        %parallel_loop3A_483 = arith.index_cast %parallel_loop3A_482 : i32 to index
        %parallel_loop3A_484 = tpu.vector_load %arg6[%parallel_loop3A_483] {strides = array<i32>} : memref<51200xf32, #tpu.memory_space<vmem>>, vector<16xf32>,
        tpu.vector_store %arg6[%parallel_loop3A_483], %parallel_loop3A_448 {strides = array<i32>} : memref<51200xf32, #tpu.memory_space<vmem>>, vector<16xf32>,
        %parallel_loop3A_485 = arith.constant 512 : i32
        %parallel_loop3A_486 = arith.addi %parallel_loop3A_100, %parallel_loop3A_485 : i32
        %parallel_loop3A_487 = arith.constant 32 : i32
        %parallel_loop3A_488 = arith.addi %parallel_loop3A_486, %parallel_loop3A_487 : i32
        %parallel_loop3A_489 = arith.index_cast %parallel_loop3A_488 : i32 to index
        %parallel_loop3A_490 = tpu.vector_load %arg6[%parallel_loop3A_489] {strides = array<i32>} : memref<51200xf32, #tpu.memory_space<vmem>>, vector<16xf32>,
        tpu.vector_store %arg6[%parallel_loop3A_489], %parallel_loop3A_452 {strides = array<i32>} : memref<51200xf32, #tpu.memory_space<vmem>>, vector<16xf32>,
        %parallel_loop3A_491 = arith.constant 512 : i32
        %parallel_loop3A_492 = arith.addi %parallel_loop3A_100, %parallel_loop3A_491 : i32
        %parallel_loop3A_493 = arith.constant 48 : i32
        %parallel_loop3A_494 = arith.addi %parallel_loop3A_492, %parallel_loop3A_493 : i32
        %parallel_loop3A_495 = arith.index_cast %parallel_loop3A_494 : i32 to index
        %parallel_loop3A_496 = tpu.vector_load %arg6[%parallel_loop3A_495] {strides = array<i32>} : memref<51200xf32, #tpu.memory_space<vmem>>, vector<16xf32>,
        tpu.vector_store %arg6[%parallel_loop3A_495], %parallel_loop3A_456 {strides = array<i32>} : memref<51200xf32, #tpu.memory_space<vmem>>, vector<16xf32>,
        %parallel_loop3A_497 = arith.constant 512 : i32
        %parallel_loop3A_498 = arith.addi %parallel_loop3A_100, %parallel_loop3A_497 : i32
        %parallel_loop3A_499 = arith.constant 64 : i32
        %parallel_loop3A_500 = arith.addi %parallel_loop3A_498, %parallel_loop3A_499 : i32
        %parallel_loop3A_501 = arith.index_cast %parallel_loop3A_500 : i32 to index
        %parallel_loop3A_502 = tpu.vector_load %arg6[%parallel_loop3A_501] {strides = array<i32>} : memref<51200xf32, #tpu.memory_space<vmem>>, vector<16xf32>,
        tpu.vector_store %arg6[%parallel_loop3A_501], %parallel_loop3A_460 {strides = array<i32>} : memref<51200xf32, #tpu.memory_space<vmem>>, vector<16xf32>,
        %parallel_loop3A_503 = arith.constant 512 : i32
        %parallel_loop3A_504 = arith.addi %parallel_loop3A_100, %parallel_loop3A_503 : i32
        %parallel_loop3A_505 = arith.constant 80 : i32
        %parallel_loop3A_506 = arith.addi %parallel_loop3A_504, %parallel_loop3A_505 : i32
        %parallel_loop3A_507 = arith.index_cast %parallel_loop3A_506 : i32 to index
        %parallel_loop3A_508 = tpu.vector_load %arg6[%parallel_loop3A_507] {strides = array<i32>} : memref<51200xf32, #tpu.memory_space<vmem>>, vector<16xf32>,
        tpu.vector_store %arg6[%parallel_loop3A_507], %parallel_loop3A_464 {strides = array<i32>} : memref<51200xf32, #tpu.memory_space<vmem>>, vector<16xf32>,
        %parallel_loop3A_509 = arith.constant 512 : i32
        %parallel_loop3A_510 = arith.addi %parallel_loop3A_100, %parallel_loop3A_509 : i32
        %parallel_loop3A_511 = arith.constant 96 : i32
        %parallel_loop3A_512 = arith.addi %parallel_loop3A_510, %parallel_loop3A_511 : i32
        %parallel_loop3A_513 = arith.index_cast %parallel_loop3A_512 : i32 to index
        %parallel_loop3A_514 = tpu.vector_load %arg6[%parallel_loop3A_513] {strides = array<i32>} : memref<51200xf32, #tpu.memory_space<vmem>>, vector<16xf32>,
        tpu.vector_store %arg6[%parallel_loop3A_513], %parallel_loop3A_468 {strides = array<i32>} : memref<51200xf32, #tpu.memory_space<vmem>>, vector<16xf32>,
        %parallel_loop3A_515 = arith.constant 512 : i32
        %parallel_loop3A_516 = arith.addi %parallel_loop3A_100, %parallel_loop3A_515 : i32
        %parallel_loop3A_517 = arith.constant 112 : i32
        %parallel_loop3A_518 = arith.addi %parallel_loop3A_516, %parallel_loop3A_517 : i32
        %parallel_loop3A_519 = arith.index_cast %parallel_loop3A_518 : i32 to index
        %parallel_loop3A_520 = tpu.vector_load %arg6[%parallel_loop3A_519] {strides = array<i32>} : memref<51200xf32, #tpu.memory_space<vmem>>, vector<16xf32>,
        tpu.vector_store %arg6[%parallel_loop3A_519], %parallel_loop3A_472 {strides = array<i32>} : memref<51200xf32, #tpu.memory_space<vmem>>, vector<16xf32>,
        %parallel_loop3A_521 = vector.extract_strided_slice %parallel_loop3A_96 {offsets = [5], sizes = [1], strides = [1]} : vector<16xi32> to vector<1xi32>
        %parallel_loop3A_522 = vector.extract %parallel_loop3A_521[0] : i32 from vector<1xi32>
        %parallel_loop3A_523 = arith.constant 128 : i32
        %parallel_loop3A_524 = arith.muli %parallel_loop3A_522, %parallel_loop3A_523 : i32
        %parallel_loop3A_525 = arith.constant 0 : i32
        %parallel_loop3A_526 = arith.addi %parallel_loop3A_524, %parallel_loop3A_525 : i32
        %parallel_loop3A_527 = arith.index_cast %parallel_loop3A_526 : i32 to index
        %parallel_loop3A_528 = tpu.vector_load %arg5[%parallel_loop3A_527] {strides = array<i32>} : memref<2688xf32, #tpu.memory_space<vmem>>, vector<16xf32>,
        %parallel_loop3A_529 = arith.constant 16 : i32
        %parallel_loop3A_530 = arith.addi %parallel_loop3A_524, %parallel_loop3A_529 : i32
        %parallel_loop3A_531 = arith.index_cast %parallel_loop3A_530 : i32 to index
        %parallel_loop3A_532 = tpu.vector_load %arg5[%parallel_loop3A_531] {strides = array<i32>} : memref<2688xf32, #tpu.memory_space<vmem>>, vector<16xf32>,
        %parallel_loop3A_533 = arith.constant 32 : i32
        %parallel_loop3A_534 = arith.addi %parallel_loop3A_524, %parallel_loop3A_533 : i32
        %parallel_loop3A_535 = arith.index_cast %parallel_loop3A_534 : i32 to index
        %parallel_loop3A_536 = tpu.vector_load %arg5[%parallel_loop3A_535] {strides = array<i32>} : memref<2688xf32, #tpu.memory_space<vmem>>, vector<16xf32>,
        %parallel_loop3A_537 = arith.constant 48 : i32
        %parallel_loop3A_538 = arith.addi %parallel_loop3A_524, %parallel_loop3A_537 : i32
        %parallel_loop3A_539 = arith.index_cast %parallel_loop3A_538 : i32 to index
        %parallel_loop3A_540 = tpu.vector_load %arg5[%parallel_loop3A_539] {strides = array<i32>} : memref<2688xf32, #tpu.memory_space<vmem>>, vector<16xf32>,
        %parallel_loop3A_541 = arith.constant 64 : i32
        %parallel_loop3A_542 = arith.addi %parallel_loop3A_524, %parallel_loop3A_541 : i32
        %parallel_loop3A_543 = arith.index_cast %parallel_loop3A_542 : i32 to index
        %parallel_loop3A_544 = tpu.vector_load %arg5[%parallel_loop3A_543] {strides = array<i32>} : memref<2688xf32, #tpu.memory_space<vmem>>, vector<16xf32>,
        %parallel_loop3A_545 = arith.constant 80 : i32
        %parallel_loop3A_546 = arith.addi %parallel_loop3A_524, %parallel_loop3A_545 : i32
        %parallel_loop3A_547 = arith.index_cast %parallel_loop3A_546 : i32 to index
        %parallel_loop3A_548 = tpu.vector_load %arg5[%parallel_loop3A_547] {strides = array<i32>} : memref<2688xf32, #tpu.memory_space<vmem>>, vector<16xf32>,
        %parallel_loop3A_549 = arith.constant 96 : i32
        %parallel_loop3A_550 = arith.addi %parallel_loop3A_524, %parallel_loop3A_549 : i32
        %parallel_loop3A_551 = arith.index_cast %parallel_loop3A_550 : i32 to index
        %parallel_loop3A_552 = tpu.vector_load %arg5[%parallel_loop3A_551] {strides = array<i32>} : memref<2688xf32, #tpu.memory_space<vmem>>, vector<16xf32>,
        %parallel_loop3A_553 = arith.constant 112 : i32
        %parallel_loop3A_554 = arith.addi %parallel_loop3A_524, %parallel_loop3A_553 : i32
        %parallel_loop3A_555 = arith.index_cast %parallel_loop3A_554 : i32 to index
        %parallel_loop3A_556 = tpu.vector_load %arg5[%parallel_loop3A_555] {strides = array<i32>} : memref<2688xf32, #tpu.memory_space<vmem>>, vector<16xf32>,
        %parallel_loop3A_557 = arith.constant 640 : i32
        %parallel_loop3A_558 = arith.addi %parallel_loop3A_100, %parallel_loop3A_557 : i32
        %parallel_loop3A_559 = arith.constant 0 : i32
        %parallel_loop3A_560 = arith.addi %parallel_loop3A_558, %parallel_loop3A_559 : i32
        %parallel_loop3A_561 = arith.index_cast %parallel_loop3A_560 : i32 to index
        %parallel_loop3A_562 = tpu.vector_load %arg6[%parallel_loop3A_561] {strides = array<i32>} : memref<51200xf32, #tpu.memory_space<vmem>>, vector<16xf32>,
        tpu.vector_store %arg6[%parallel_loop3A_561], %parallel_loop3A_528 {strides = array<i32>} : memref<51200xf32, #tpu.memory_space<vmem>>, vector<16xf32>,
        %parallel_loop3A_563 = arith.constant 640 : i32
        %parallel_loop3A_564 = arith.addi %parallel_loop3A_100, %parallel_loop3A_563 : i32
        %parallel_loop3A_565 = arith.constant 16 : i32
        %parallel_loop3A_566 = arith.addi %parallel_loop3A_564, %parallel_loop3A_565 : i32
        %parallel_loop3A_567 = arith.index_cast %parallel_loop3A_566 : i32 to index
        %parallel_loop3A_568 = tpu.vector_load %arg6[%parallel_loop3A_567] {strides = array<i32>} : memref<51200xf32, #tpu.memory_space<vmem>>, vector<16xf32>,
        tpu.vector_store %arg6[%parallel_loop3A_567], %parallel_loop3A_532 {strides = array<i32>} : memref<51200xf32, #tpu.memory_space<vmem>>, vector<16xf32>,
        %parallel_loop3A_569 = arith.constant 640 : i32
        %parallel_loop3A_570 = arith.addi %parallel_loop3A_100, %parallel_loop3A_569 : i32
        %parallel_loop3A_571 = arith.constant 32 : i32
        %parallel_loop3A_572 = arith.addi %parallel_loop3A_570, %parallel_loop3A_571 : i32
        %parallel_loop3A_573 = arith.index_cast %parallel_loop3A_572 : i32 to index
        %parallel_loop3A_574 = tpu.vector_load %arg6[%parallel_loop3A_573] {strides = array<i32>} : memref<51200xf32, #tpu.memory_space<vmem>>, vector<16xf32>,
        tpu.vector_store %arg6[%parallel_loop3A_573], %parallel_loop3A_536 {strides = array<i32>} : memref<51200xf32, #tpu.memory_space<vmem>>, vector<16xf32>,
        %parallel_loop3A_575 = arith.constant 640 : i32
        %parallel_loop3A_576 = arith.addi %parallel_loop3A_100, %parallel_loop3A_575 : i32
        %parallel_loop3A_577 = arith.constant 48 : i32
        %parallel_loop3A_578 = arith.addi %parallel_loop3A_576, %parallel_loop3A_577 : i32
        %parallel_loop3A_579 = arith.index_cast %parallel_loop3A_578 : i32 to index
        %parallel_loop3A_580 = tpu.vector_load %arg6[%parallel_loop3A_579] {strides = array<i32>} : memref<51200xf32, #tpu.memory_space<vmem>>, vector<16xf32>,
        tpu.vector_store %arg6[%parallel_loop3A_579], %parallel_loop3A_540 {strides = array<i32>} : memref<51200xf32, #tpu.memory_space<vmem>>, vector<16xf32>,
        %parallel_loop3A_581 = arith.constant 640 : i32
        %parallel_loop3A_582 = arith.addi %parallel_loop3A_100, %parallel_loop3A_581 : i32
        %parallel_loop3A_583 = arith.constant 64 : i32
        %parallel_loop3A_584 = arith.addi %parallel_loop3A_582, %parallel_loop3A_583 : i32
        %parallel_loop3A_585 = arith.index_cast %parallel_loop3A_584 : i32 to index
        %parallel_loop3A_586 = tpu.vector_load %arg6[%parallel_loop3A_585] {strides = array<i32>} : memref<51200xf32, #tpu.memory_space<vmem>>, vector<16xf32>,
        tpu.vector_store %arg6[%parallel_loop3A_585], %parallel_loop3A_544 {strides = array<i32>} : memref<51200xf32, #tpu.memory_space<vmem>>, vector<16xf32>,
        %parallel_loop3A_587 = arith.constant 640 : i32
        %parallel_loop3A_588 = arith.addi %parallel_loop3A_100, %parallel_loop3A_587 : i32
        %parallel_loop3A_589 = arith.constant 80 : i32
        %parallel_loop3A_590 = arith.addi %parallel_loop3A_588, %parallel_loop3A_589 : i32
        %parallel_loop3A_591 = arith.index_cast %parallel_loop3A_590 : i32 to index
        %parallel_loop3A_592 = tpu.vector_load %arg6[%parallel_loop3A_591] {strides = array<i32>} : memref<51200xf32, #tpu.memory_space<vmem>>, vector<16xf32>,
        tpu.vector_store %arg6[%parallel_loop3A_591], %parallel_loop3A_548 {strides = array<i32>} : memref<51200xf32, #tpu.memory_space<vmem>>, vector<16xf32>,
        %parallel_loop3A_593 = arith.constant 640 : i32
        %parallel_loop3A_594 = arith.addi %parallel_loop3A_100, %parallel_loop3A_593 : i32
        %parallel_loop3A_595 = arith.constant 96 : i32
        %parallel_loop3A_596 = arith.addi %parallel_loop3A_594, %parallel_loop3A_595 : i32
        %parallel_loop3A_597 = arith.index_cast %parallel_loop3A_596 : i32 to index
        %parallel_loop3A_598 = tpu.vector_load %arg6[%parallel_loop3A_597] {strides = array<i32>} : memref<51200xf32, #tpu.memory_space<vmem>>, vector<16xf32>,
        tpu.vector_store %arg6[%parallel_loop3A_597], %parallel_loop3A_552 {strides = array<i32>} : memref<51200xf32, #tpu.memory_space<vmem>>, vector<16xf32>,
        %parallel_loop3A_599 = arith.constant 640 : i32
        %parallel_loop3A_600 = arith.addi %parallel_loop3A_100, %parallel_loop3A_599 : i32
        %parallel_loop3A_601 = arith.constant 112 : i32
        %parallel_loop3A_602 = arith.addi %parallel_loop3A_600, %parallel_loop3A_601 : i32
        %parallel_loop3A_603 = arith.index_cast %parallel_loop3A_602 : i32 to index
        %parallel_loop3A_604 = tpu.vector_load %arg6[%parallel_loop3A_603] {strides = array<i32>} : memref<51200xf32, #tpu.memory_space<vmem>>, vector<16xf32>,
        tpu.vector_store %arg6[%parallel_loop3A_603], %parallel_loop3A_556 {strides = array<i32>} : memref<51200xf32, #tpu.memory_space<vmem>>, vector<16xf32>,
        %parallel_loop3A_605 = vector.extract_strided_slice %parallel_loop3A_96 {offsets = [6], sizes = [1], strides = [1]} : vector<16xi32> to vector<1xi32>
        %parallel_loop3A_606 = vector.extract %parallel_loop3A_605[0] : i32 from vector<1xi32>
        %parallel_loop3A_607 = arith.constant 128 : i32
        %parallel_loop3A_608 = arith.muli %parallel_loop3A_606, %parallel_loop3A_607 : i32
        %parallel_loop3A_609 = arith.constant 0 : i32
        %parallel_loop3A_610 = arith.addi %parallel_loop3A_608, %parallel_loop3A_609 : i32
        %parallel_loop3A_611 = arith.index_cast %parallel_loop3A_610 : i32 to index
        %parallel_loop3A_612 = tpu.vector_load %arg5[%parallel_loop3A_611] {strides = array<i32>} : memref<2688xf32, #tpu.memory_space<vmem>>, vector<16xf32>,
        %parallel_loop3A_613 = arith.constant 16 : i32
        %parallel_loop3A_614 = arith.addi %parallel_loop3A_608, %parallel_loop3A_613 : i32
        %parallel_loop3A_615 = arith.index_cast %parallel_loop3A_614 : i32 to index
        %parallel_loop3A_616 = tpu.vector_load %arg5[%parallel_loop3A_615] {strides = array<i32>} : memref<2688xf32, #tpu.memory_space<vmem>>, vector<16xf32>,
        %parallel_loop3A_617 = arith.constant 32 : i32
        %parallel_loop3A_618 = arith.addi %parallel_loop3A_608, %parallel_loop3A_617 : i32
        %parallel_loop3A_619 = arith.index_cast %parallel_loop3A_618 : i32 to index
        %parallel_loop3A_620 = tpu.vector_load %arg5[%parallel_loop3A_619] {strides = array<i32>} : memref<2688xf32, #tpu.memory_space<vmem>>, vector<16xf32>,
        %parallel_loop3A_621 = arith.constant 48 : i32
        %parallel_loop3A_622 = arith.addi %parallel_loop3A_608, %parallel_loop3A_621 : i32
        %parallel_loop3A_623 = arith.index_cast %parallel_loop3A_622 : i32 to index
        %parallel_loop3A_624 = tpu.vector_load %arg5[%parallel_loop3A_623] {strides = array<i32>} : memref<2688xf32, #tpu.memory_space<vmem>>, vector<16xf32>,
        %parallel_loop3A_625 = arith.constant 64 : i32
        %parallel_loop3A_626 = arith.addi %parallel_loop3A_608, %parallel_loop3A_625 : i32
        %parallel_loop3A_627 = arith.index_cast %parallel_loop3A_626 : i32 to index
        %parallel_loop3A_628 = tpu.vector_load %arg5[%parallel_loop3A_627] {strides = array<i32>} : memref<2688xf32, #tpu.memory_space<vmem>>, vector<16xf32>,
        %parallel_loop3A_629 = arith.constant 80 : i32
        %parallel_loop3A_630 = arith.addi %parallel_loop3A_608, %parallel_loop3A_629 : i32
        %parallel_loop3A_631 = arith.index_cast %parallel_loop3A_630 : i32 to index
        %parallel_loop3A_632 = tpu.vector_load %arg5[%parallel_loop3A_631] {strides = array<i32>} : memref<2688xf32, #tpu.memory_space<vmem>>, vector<16xf32>,
        %parallel_loop3A_633 = arith.constant 96 : i32
        %parallel_loop3A_634 = arith.addi %parallel_loop3A_608, %parallel_loop3A_633 : i32
        %parallel_loop3A_635 = arith.index_cast %parallel_loop3A_634 : i32 to index
        %parallel_loop3A_636 = tpu.vector_load %arg5[%parallel_loop3A_635] {strides = array<i32>} : memref<2688xf32, #tpu.memory_space<vmem>>, vector<16xf32>,
        %parallel_loop3A_637 = arith.constant 112 : i32
        %parallel_loop3A_638 = arith.addi %parallel_loop3A_608, %parallel_loop3A_637 : i32
        %parallel_loop3A_639 = arith.index_cast %parallel_loop3A_638 : i32 to index
        %parallel_loop3A_640 = tpu.vector_load %arg5[%parallel_loop3A_639] {strides = array<i32>} : memref<2688xf32, #tpu.memory_space<vmem>>, vector<16xf32>,
        %parallel_loop3A_641 = arith.constant 768 : i32
        %parallel_loop3A_642 = arith.addi %parallel_loop3A_100, %parallel_loop3A_641 : i32
        %parallel_loop3A_643 = arith.constant 0 : i32
        %parallel_loop3A_644 = arith.addi %parallel_loop3A_642, %parallel_loop3A_643 : i32
        %parallel_loop3A_645 = arith.index_cast %parallel_loop3A_644 : i32 to index
        %parallel_loop3A_646 = tpu.vector_load %arg6[%parallel_loop3A_645] {strides = array<i32>} : memref<51200xf32, #tpu.memory_space<vmem>>, vector<16xf32>,
        tpu.vector_store %arg6[%parallel_loop3A_645], %parallel_loop3A_612 {strides = array<i32>} : memref<51200xf32, #tpu.memory_space<vmem>>, vector<16xf32>,
        %parallel_loop3A_647 = arith.constant 768 : i32
        %parallel_loop3A_648 = arith.addi %parallel_loop3A_100, %parallel_loop3A_647 : i32
        %parallel_loop3A_649 = arith.constant 16 : i32
        %parallel_loop3A_650 = arith.addi %parallel_loop3A_648, %parallel_loop3A_649 : i32
        %parallel_loop3A_651 = arith.index_cast %parallel_loop3A_650 : i32 to index
        %parallel_loop3A_652 = tpu.vector_load %arg6[%parallel_loop3A_651] {strides = array<i32>} : memref<51200xf32, #tpu.memory_space<vmem>>, vector<16xf32>,
        tpu.vector_store %arg6[%parallel_loop3A_651], %parallel_loop3A_616 {strides = array<i32>} : memref<51200xf32, #tpu.memory_space<vmem>>, vector<16xf32>,
        %parallel_loop3A_653 = arith.constant 768 : i32
        %parallel_loop3A_654 = arith.addi %parallel_loop3A_100, %parallel_loop3A_653 : i32
        %parallel_loop3A_655 = arith.constant 32 : i32
        %parallel_loop3A_656 = arith.addi %parallel_loop3A_654, %parallel_loop3A_655 : i32
        %parallel_loop3A_657 = arith.index_cast %parallel_loop3A_656 : i32 to index
        %parallel_loop3A_658 = tpu.vector_load %arg6[%parallel_loop3A_657] {strides = array<i32>} : memref<51200xf32, #tpu.memory_space<vmem>>, vector<16xf32>,
        tpu.vector_store %arg6[%parallel_loop3A_657], %parallel_loop3A_620 {strides = array<i32>} : memref<51200xf32, #tpu.memory_space<vmem>>, vector<16xf32>,
        %parallel_loop3A_659 = arith.constant 768 : i32
        %parallel_loop3A_660 = arith.addi %parallel_loop3A_100, %parallel_loop3A_659 : i32
        %parallel_loop3A_661 = arith.constant 48 : i32
        %parallel_loop3A_662 = arith.addi %parallel_loop3A_660, %parallel_loop3A_661 : i32
        %parallel_loop3A_663 = arith.index_cast %parallel_loop3A_662 : i32 to index
        %parallel_loop3A_664 = tpu.vector_load %arg6[%parallel_loop3A_663] {strides = array<i32>} : memref<51200xf32, #tpu.memory_space<vmem>>, vector<16xf32>,
        tpu.vector_store %arg6[%parallel_loop3A_663], %parallel_loop3A_624 {strides = array<i32>} : memref<51200xf32, #tpu.memory_space<vmem>>, vector<16xf32>,
        %parallel_loop3A_665 = arith.constant 768 : i32
        %parallel_loop3A_666 = arith.addi %parallel_loop3A_100, %parallel_loop3A_665 : i32
        %parallel_loop3A_667 = arith.constant 64 : i32
        %parallel_loop3A_668 = arith.addi %parallel_loop3A_666, %parallel_loop3A_667 : i32
        %parallel_loop3A_669 = arith.index_cast %parallel_loop3A_668 : i32 to index
        %parallel_loop3A_670 = tpu.vector_load %arg6[%parallel_loop3A_669] {strides = array<i32>} : memref<51200xf32, #tpu.memory_space<vmem>>, vector<16xf32>,
        tpu.vector_store %arg6[%parallel_loop3A_669], %parallel_loop3A_628 {strides = array<i32>} : memref<51200xf32, #tpu.memory_space<vmem>>, vector<16xf32>,
        %parallel_loop3A_671 = arith.constant 768 : i32
        %parallel_loop3A_672 = arith.addi %parallel_loop3A_100, %parallel_loop3A_671 : i32
        %parallel_loop3A_673 = arith.constant 80 : i32
        %parallel_loop3A_674 = arith.addi %parallel_loop3A_672, %parallel_loop3A_673 : i32
        %parallel_loop3A_675 = arith.index_cast %parallel_loop3A_674 : i32 to index
        %parallel_loop3A_676 = tpu.vector_load %arg6[%parallel_loop3A_675] {strides = array<i32>} : memref<51200xf32, #tpu.memory_space<vmem>>, vector<16xf32>,
        tpu.vector_store %arg6[%parallel_loop3A_675], %parallel_loop3A_632 {strides = array<i32>} : memref<51200xf32, #tpu.memory_space<vmem>>, vector<16xf32>,
        %parallel_loop3A_677 = arith.constant 768 : i32
        %parallel_loop3A_678 = arith.addi %parallel_loop3A_100, %parallel_loop3A_677 : i32
        %parallel_loop3A_679 = arith.constant 96 : i32
        %parallel_loop3A_680 = arith.addi %parallel_loop3A_678, %parallel_loop3A_679 : i32
        %parallel_loop3A_681 = arith.index_cast %parallel_loop3A_680 : i32 to index
        %parallel_loop3A_682 = tpu.vector_load %arg6[%parallel_loop3A_681] {strides = array<i32>} : memref<51200xf32, #tpu.memory_space<vmem>>, vector<16xf32>,
        tpu.vector_store %arg6[%parallel_loop3A_681], %parallel_loop3A_636 {strides = array<i32>} : memref<51200xf32, #tpu.memory_space<vmem>>, vector<16xf32>,
        %parallel_loop3A_683 = arith.constant 768 : i32
        %parallel_loop3A_684 = arith.addi %parallel_loop3A_100, %parallel_loop3A_683 : i32
        %parallel_loop3A_685 = arith.constant 112 : i32
        %parallel_loop3A_686 = arith.addi %parallel_loop3A_684, %parallel_loop3A_685 : i32
        %parallel_loop3A_687 = arith.index_cast %parallel_loop3A_686 : i32 to index
        %parallel_loop3A_688 = tpu.vector_load %arg6[%parallel_loop3A_687] {strides = array<i32>} : memref<51200xf32, #tpu.memory_space<vmem>>, vector<16xf32>,
        tpu.vector_store %arg6[%parallel_loop3A_687], %parallel_loop3A_640 {strides = array<i32>} : memref<51200xf32, #tpu.memory_space<vmem>>, vector<16xf32>,
        %parallel_loop3A_689 = vector.extract_strided_slice %parallel_loop3A_96 {offsets = [7], sizes = [1], strides = [1]} : vector<16xi32> to vector<1xi32>
        %parallel_loop3A_690 = vector.extract %parallel_loop3A_689[0] : i32 from vector<1xi32>
        %parallel_loop3A_691 = arith.constant 128 : i32
        %parallel_loop3A_692 = arith.muli %parallel_loop3A_690, %parallel_loop3A_691 : i32
        %parallel_loop3A_693 = arith.constant 0 : i32
        %parallel_loop3A_694 = arith.addi %parallel_loop3A_692, %parallel_loop3A_693 : i32
        %parallel_loop3A_695 = arith.index_cast %parallel_loop3A_694 : i32 to index
        %parallel_loop3A_696 = tpu.vector_load %arg5[%parallel_loop3A_695] {strides = array<i32>} : memref<2688xf32, #tpu.memory_space<vmem>>, vector<16xf32>,
        %parallel_loop3A_697 = arith.constant 16 : i32
        %parallel_loop3A_698 = arith.addi %parallel_loop3A_692, %parallel_loop3A_697 : i32
        %parallel_loop3A_699 = arith.index_cast %parallel_loop3A_698 : i32 to index
        %parallel_loop3A_700 = tpu.vector_load %arg5[%parallel_loop3A_699] {strides = array<i32>} : memref<2688xf32, #tpu.memory_space<vmem>>, vector<16xf32>,
        %parallel_loop3A_701 = arith.constant 32 : i32
        %parallel_loop3A_702 = arith.addi %parallel_loop3A_692, %parallel_loop3A_701 : i32
        %parallel_loop3A_703 = arith.index_cast %parallel_loop3A_702 : i32 to index
        %parallel_loop3A_704 = tpu.vector_load %arg5[%parallel_loop3A_703] {strides = array<i32>} : memref<2688xf32, #tpu.memory_space<vmem>>, vector<16xf32>,
        %parallel_loop3A_705 = arith.constant 48 : i32
        %parallel_loop3A_706 = arith.addi %parallel_loop3A_692, %parallel_loop3A_705 : i32
        %parallel_loop3A_707 = arith.index_cast %parallel_loop3A_706 : i32 to index
        %parallel_loop3A_708 = tpu.vector_load %arg5[%parallel_loop3A_707] {strides = array<i32>} : memref<2688xf32, #tpu.memory_space<vmem>>, vector<16xf32>,
        %parallel_loop3A_709 = arith.constant 64 : i32
        %parallel_loop3A_710 = arith.addi %parallel_loop3A_692, %parallel_loop3A_709 : i32
        %parallel_loop3A_711 = arith.index_cast %parallel_loop3A_710 : i32 to index
        %parallel_loop3A_712 = tpu.vector_load %arg5[%parallel_loop3A_711] {strides = array<i32>} : memref<2688xf32, #tpu.memory_space<vmem>>, vector<16xf32>,
        %parallel_loop3A_713 = arith.constant 80 : i32
        %parallel_loop3A_714 = arith.addi %parallel_loop3A_692, %parallel_loop3A_713 : i32
        %parallel_loop3A_715 = arith.index_cast %parallel_loop3A_714 : i32 to index
        %parallel_loop3A_716 = tpu.vector_load %arg5[%parallel_loop3A_715] {strides = array<i32>} : memref<2688xf32, #tpu.memory_space<vmem>>, vector<16xf32>,
        %parallel_loop3A_717 = arith.constant 96 : i32
        %parallel_loop3A_718 = arith.addi %parallel_loop3A_692, %parallel_loop3A_717 : i32
        %parallel_loop3A_719 = arith.index_cast %parallel_loop3A_718 : i32 to index
        %parallel_loop3A_720 = tpu.vector_load %arg5[%parallel_loop3A_719] {strides = array<i32>} : memref<2688xf32, #tpu.memory_space<vmem>>, vector<16xf32>,
        %parallel_loop3A_721 = arith.constant 112 : i32
        %parallel_loop3A_722 = arith.addi %parallel_loop3A_692, %parallel_loop3A_721 : i32
        %parallel_loop3A_723 = arith.index_cast %parallel_loop3A_722 : i32 to index
        %parallel_loop3A_724 = tpu.vector_load %arg5[%parallel_loop3A_723] {strides = array<i32>} : memref<2688xf32, #tpu.memory_space<vmem>>, vector<16xf32>,
        %parallel_loop3A_725 = arith.constant 896 : i32
        %parallel_loop3A_726 = arith.addi %parallel_loop3A_100, %parallel_loop3A_725 : i32
        %parallel_loop3A_727 = arith.constant 0 : i32
        %parallel_loop3A_728 = arith.addi %parallel_loop3A_726, %parallel_loop3A_727 : i32
        %parallel_loop3A_729 = arith.index_cast %parallel_loop3A_728 : i32 to index
        %parallel_loop3A_730 = tpu.vector_load %arg6[%parallel_loop3A_729] {strides = array<i32>} : memref<51200xf32, #tpu.memory_space<vmem>>, vector<16xf32>,
        tpu.vector_store %arg6[%parallel_loop3A_729], %parallel_loop3A_696 {strides = array<i32>} : memref<51200xf32, #tpu.memory_space<vmem>>, vector<16xf32>,
        %parallel_loop3A_731 = arith.constant 896 : i32
        %parallel_loop3A_732 = arith.addi %parallel_loop3A_100, %parallel_loop3A_731 : i32
        %parallel_loop3A_733 = arith.constant 16 : i32
        %parallel_loop3A_734 = arith.addi %parallel_loop3A_732, %parallel_loop3A_733 : i32
        %parallel_loop3A_735 = arith.index_cast %parallel_loop3A_734 : i32 to index
        %parallel_loop3A_736 = tpu.vector_load %arg6[%parallel_loop3A_735] {strides = array<i32>} : memref<51200xf32, #tpu.memory_space<vmem>>, vector<16xf32>,
        tpu.vector_store %arg6[%parallel_loop3A_735], %parallel_loop3A_700 {strides = array<i32>} : memref<51200xf32, #tpu.memory_space<vmem>>, vector<16xf32>,
        %parallel_loop3A_737 = arith.constant 896 : i32
        %parallel_loop3A_738 = arith.addi %parallel_loop3A_100, %parallel_loop3A_737 : i32
        %parallel_loop3A_739 = arith.constant 32 : i32
        %parallel_loop3A_740 = arith.addi %parallel_loop3A_738, %parallel_loop3A_739 : i32
        %parallel_loop3A_741 = arith.index_cast %parallel_loop3A_740 : i32 to index
        %parallel_loop3A_742 = tpu.vector_load %arg6[%parallel_loop3A_741] {strides = array<i32>} : memref<51200xf32, #tpu.memory_space<vmem>>, vector<16xf32>,
        tpu.vector_store %arg6[%parallel_loop3A_741], %parallel_loop3A_704 {strides = array<i32>} : memref<51200xf32, #tpu.memory_space<vmem>>, vector<16xf32>,
        %parallel_loop3A_743 = arith.constant 896 : i32
        %parallel_loop3A_744 = arith.addi %parallel_loop3A_100, %parallel_loop3A_743 : i32
        %parallel_loop3A_745 = arith.constant 48 : i32
        %parallel_loop3A_746 = arith.addi %parallel_loop3A_744, %parallel_loop3A_745 : i32
        %parallel_loop3A_747 = arith.index_cast %parallel_loop3A_746 : i32 to index
        %parallel_loop3A_748 = tpu.vector_load %arg6[%parallel_loop3A_747] {strides = array<i32>} : memref<51200xf32, #tpu.memory_space<vmem>>, vector<16xf32>,
        tpu.vector_store %arg6[%parallel_loop3A_747], %parallel_loop3A_708 {strides = array<i32>} : memref<51200xf32, #tpu.memory_space<vmem>>, vector<16xf32>,
        %parallel_loop3A_749 = arith.constant 896 : i32
        %parallel_loop3A_750 = arith.addi %parallel_loop3A_100, %parallel_loop3A_749 : i32
        %parallel_loop3A_751 = arith.constant 64 : i32
        %parallel_loop3A_752 = arith.addi %parallel_loop3A_750, %parallel_loop3A_751 : i32
        %parallel_loop3A_753 = arith.index_cast %parallel_loop3A_752 : i32 to index
        %parallel_loop3A_754 = tpu.vector_load %arg6[%parallel_loop3A_753] {strides = array<i32>} : memref<51200xf32, #tpu.memory_space<vmem>>, vector<16xf32>,
        tpu.vector_store %arg6[%parallel_loop3A_753], %parallel_loop3A_712 {strides = array<i32>} : memref<51200xf32, #tpu.memory_space<vmem>>, vector<16xf32>,
        %parallel_loop3A_755 = arith.constant 896 : i32
        %parallel_loop3A_756 = arith.addi %parallel_loop3A_100, %parallel_loop3A_755 : i32
        %parallel_loop3A_757 = arith.constant 80 : i32
        %parallel_loop3A_758 = arith.addi %parallel_loop3A_756, %parallel_loop3A_757 : i32
        %parallel_loop3A_759 = arith.index_cast %parallel_loop3A_758 : i32 to index
        %parallel_loop3A_760 = tpu.vector_load %arg6[%parallel_loop3A_759] {strides = array<i32>} : memref<51200xf32, #tpu.memory_space<vmem>>, vector<16xf32>,
        tpu.vector_store %arg6[%parallel_loop3A_759], %parallel_loop3A_716 {strides = array<i32>} : memref<51200xf32, #tpu.memory_space<vmem>>, vector<16xf32>,
        %parallel_loop3A_761 = arith.constant 896 : i32
        %parallel_loop3A_762 = arith.addi %parallel_loop3A_100, %parallel_loop3A_761 : i32
        %parallel_loop3A_763 = arith.constant 96 : i32
        %parallel_loop3A_764 = arith.addi %parallel_loop3A_762, %parallel_loop3A_763 : i32
        %parallel_loop3A_765 = arith.index_cast %parallel_loop3A_764 : i32 to index
        %parallel_loop3A_766 = tpu.vector_load %arg6[%parallel_loop3A_765] {strides = array<i32>} : memref<51200xf32, #tpu.memory_space<vmem>>, vector<16xf32>,
        tpu.vector_store %arg6[%parallel_loop3A_765], %parallel_loop3A_720 {strides = array<i32>} : memref<51200xf32, #tpu.memory_space<vmem>>, vector<16xf32>,
        %parallel_loop3A_767 = arith.constant 896 : i32
        %parallel_loop3A_768 = arith.addi %parallel_loop3A_100, %parallel_loop3A_767 : i32
        %parallel_loop3A_769 = arith.constant 112 : i32
        %parallel_loop3A_770 = arith.addi %parallel_loop3A_768, %parallel_loop3A_769 : i32
        %parallel_loop3A_771 = arith.index_cast %parallel_loop3A_770 : i32 to index
        %parallel_loop3A_772 = tpu.vector_load %arg6[%parallel_loop3A_771] {strides = array<i32>} : memref<51200xf32, #tpu.memory_space<vmem>>, vector<16xf32>,
        tpu.vector_store %arg6[%parallel_loop3A_771], %parallel_loop3A_724 {strides = array<i32>} : memref<51200xf32, #tpu.memory_space<vmem>>, vector<16xf32>,
        %parallel_loop3A_773 = vector.extract_strided_slice %parallel_loop3A_96 {offsets = [8], sizes = [1], strides = [1]} : vector<16xi32> to vector<1xi32>
        %parallel_loop3A_774 = vector.extract %parallel_loop3A_773[0] : i32 from vector<1xi32>
        %parallel_loop3A_775 = arith.constant 128 : i32
        %parallel_loop3A_776 = arith.muli %parallel_loop3A_774, %parallel_loop3A_775 : i32
        %parallel_loop3A_777 = arith.constant 0 : i32
        %parallel_loop3A_778 = arith.addi %parallel_loop3A_776, %parallel_loop3A_777 : i32
        %parallel_loop3A_779 = arith.index_cast %parallel_loop3A_778 : i32 to index
        %parallel_loop3A_780 = tpu.vector_load %arg5[%parallel_loop3A_779] {strides = array<i32>} : memref<2688xf32, #tpu.memory_space<vmem>>, vector<16xf32>,
        %parallel_loop3A_781 = arith.constant 16 : i32
        %parallel_loop3A_782 = arith.addi %parallel_loop3A_776, %parallel_loop3A_781 : i32
        %parallel_loop3A_783 = arith.index_cast %parallel_loop3A_782 : i32 to index
        %parallel_loop3A_784 = tpu.vector_load %arg5[%parallel_loop3A_783] {strides = array<i32>} : memref<2688xf32, #tpu.memory_space<vmem>>, vector<16xf32>,
        %parallel_loop3A_785 = arith.constant 32 : i32
        %parallel_loop3A_786 = arith.addi %parallel_loop3A_776, %parallel_loop3A_785 : i32
        %parallel_loop3A_787 = arith.index_cast %parallel_loop3A_786 : i32 to index
        %parallel_loop3A_788 = tpu.vector_load %arg5[%parallel_loop3A_787] {strides = array<i32>} : memref<2688xf32, #tpu.memory_space<vmem>>, vector<16xf32>,
        %parallel_loop3A_789 = arith.constant 48 : i32
        %parallel_loop3A_790 = arith.addi %parallel_loop3A_776, %parallel_loop3A_789 : i32
        %parallel_loop3A_791 = arith.index_cast %parallel_loop3A_790 : i32 to index
        %parallel_loop3A_792 = tpu.vector_load %arg5[%parallel_loop3A_791] {strides = array<i32>} : memref<2688xf32, #tpu.memory_space<vmem>>, vector<16xf32>,
        %parallel_loop3A_793 = arith.constant 64 : i32
        %parallel_loop3A_794 = arith.addi %parallel_loop3A_776, %parallel_loop3A_793 : i32
        %parallel_loop3A_795 = arith.index_cast %parallel_loop3A_794 : i32 to index
        %parallel_loop3A_796 = tpu.vector_load %arg5[%parallel_loop3A_795] {strides = array<i32>} : memref<2688xf32, #tpu.memory_space<vmem>>, vector<16xf32>,
        %parallel_loop3A_797 = arith.constant 80 : i32
        %parallel_loop3A_798 = arith.addi %parallel_loop3A_776, %parallel_loop3A_797 : i32
        %parallel_loop3A_799 = arith.index_cast %parallel_loop3A_798 : i32 to index
        %parallel_loop3A_800 = tpu.vector_load %arg5[%parallel_loop3A_799] {strides = array<i32>} : memref<2688xf32, #tpu.memory_space<vmem>>, vector<16xf32>,
        %parallel_loop3A_801 = arith.constant 96 : i32
        %parallel_loop3A_802 = arith.addi %parallel_loop3A_776, %parallel_loop3A_801 : i32
        %parallel_loop3A_803 = arith.index_cast %parallel_loop3A_802 : i32 to index
        %parallel_loop3A_804 = tpu.vector_load %arg5[%parallel_loop3A_803] {strides = array<i32>} : memref<2688xf32, #tpu.memory_space<vmem>>, vector<16xf32>,
        %parallel_loop3A_805 = arith.constant 112 : i32
        %parallel_loop3A_806 = arith.addi %parallel_loop3A_776, %parallel_loop3A_805 : i32
        %parallel_loop3A_807 = arith.index_cast %parallel_loop3A_806 : i32 to index
        %parallel_loop3A_808 = tpu.vector_load %arg5[%parallel_loop3A_807] {strides = array<i32>} : memref<2688xf32, #tpu.memory_space<vmem>>, vector<16xf32>,
        %parallel_loop3A_809 = arith.constant 1024 : i32
        %parallel_loop3A_810 = arith.addi %parallel_loop3A_100, %parallel_loop3A_809 : i32
        %parallel_loop3A_811 = arith.constant 0 : i32
        %parallel_loop3A_812 = arith.addi %parallel_loop3A_810, %parallel_loop3A_811 : i32
        %parallel_loop3A_813 = arith.index_cast %parallel_loop3A_812 : i32 to index
        %parallel_loop3A_814 = tpu.vector_load %arg6[%parallel_loop3A_813] {strides = array<i32>} : memref<51200xf32, #tpu.memory_space<vmem>>, vector<16xf32>,
        tpu.vector_store %arg6[%parallel_loop3A_813], %parallel_loop3A_780 {strides = array<i32>} : memref<51200xf32, #tpu.memory_space<vmem>>, vector<16xf32>,
        %parallel_loop3A_815 = arith.constant 1024 : i32
        %parallel_loop3A_816 = arith.addi %parallel_loop3A_100, %parallel_loop3A_815 : i32
        %parallel_loop3A_817 = arith.constant 16 : i32
        %parallel_loop3A_818 = arith.addi %parallel_loop3A_816, %parallel_loop3A_817 : i32
        %parallel_loop3A_819 = arith.index_cast %parallel_loop3A_818 : i32 to index
        %parallel_loop3A_820 = tpu.vector_load %arg6[%parallel_loop3A_819] {strides = array<i32>} : memref<51200xf32, #tpu.memory_space<vmem>>, vector<16xf32>,
        tpu.vector_store %arg6[%parallel_loop3A_819], %parallel_loop3A_784 {strides = array<i32>} : memref<51200xf32, #tpu.memory_space<vmem>>, vector<16xf32>,
        %parallel_loop3A_821 = arith.constant 1024 : i32
        %parallel_loop3A_822 = arith.addi %parallel_loop3A_100, %parallel_loop3A_821 : i32
        %parallel_loop3A_823 = arith.constant 32 : i32
        %parallel_loop3A_824 = arith.addi %parallel_loop3A_822, %parallel_loop3A_823 : i32
        %parallel_loop3A_825 = arith.index_cast %parallel_loop3A_824 : i32 to index
        %parallel_loop3A_826 = tpu.vector_load %arg6[%parallel_loop3A_825] {strides = array<i32>} : memref<51200xf32, #tpu.memory_space<vmem>>, vector<16xf32>,
        tpu.vector_store %arg6[%parallel_loop3A_825], %parallel_loop3A_788 {strides = array<i32>} : memref<51200xf32, #tpu.memory_space<vmem>>, vector<16xf32>,
        %parallel_loop3A_827 = arith.constant 1024 : i32
        %parallel_loop3A_828 = arith.addi %parallel_loop3A_100, %parallel_loop3A_827 : i32
        %parallel_loop3A_829 = arith.constant 48 : i32
        %parallel_loop3A_830 = arith.addi %parallel_loop3A_828, %parallel_loop3A_829 : i32
        %parallel_loop3A_831 = arith.index_cast %parallel_loop3A_830 : i32 to index
        %parallel_loop3A_832 = tpu.vector_load %arg6[%parallel_loop3A_831] {strides = array<i32>} : memref<51200xf32, #tpu.memory_space<vmem>>, vector<16xf32>,
        tpu.vector_store %arg6[%parallel_loop3A_831], %parallel_loop3A_792 {strides = array<i32>} : memref<51200xf32, #tpu.memory_space<vmem>>, vector<16xf32>,
        %parallel_loop3A_833 = arith.constant 1024 : i32
        %parallel_loop3A_834 = arith.addi %parallel_loop3A_100, %parallel_loop3A_833 : i32
        %parallel_loop3A_835 = arith.constant 64 : i32
        %parallel_loop3A_836 = arith.addi %parallel_loop3A_834, %parallel_loop3A_835 : i32
        %parallel_loop3A_837 = arith.index_cast %parallel_loop3A_836 : i32 to index
        %parallel_loop3A_838 = tpu.vector_load %arg6[%parallel_loop3A_837] {strides = array<i32>} : memref<51200xf32, #tpu.memory_space<vmem>>, vector<16xf32>,
        tpu.vector_store %arg6[%parallel_loop3A_837], %parallel_loop3A_796 {strides = array<i32>} : memref<51200xf32, #tpu.memory_space<vmem>>, vector<16xf32>,
        %parallel_loop3A_839 = arith.constant 1024 : i32
        %parallel_loop3A_840 = arith.addi %parallel_loop3A_100, %parallel_loop3A_839 : i32
        %parallel_loop3A_841 = arith.constant 80 : i32
        %parallel_loop3A_842 = arith.addi %parallel_loop3A_840, %parallel_loop3A_841 : i32
        %parallel_loop3A_843 = arith.index_cast %parallel_loop3A_842 : i32 to index
        %parallel_loop3A_844 = tpu.vector_load %arg6[%parallel_loop3A_843] {strides = array<i32>} : memref<51200xf32, #tpu.memory_space<vmem>>, vector<16xf32>,
        tpu.vector_store %arg6[%parallel_loop3A_843], %parallel_loop3A_800 {strides = array<i32>} : memref<51200xf32, #tpu.memory_space<vmem>>, vector<16xf32>,
        %parallel_loop3A_845 = arith.constant 1024 : i32
        %parallel_loop3A_846 = arith.addi %parallel_loop3A_100, %parallel_loop3A_845 : i32
        %parallel_loop3A_847 = arith.constant 96 : i32
        %parallel_loop3A_848 = arith.addi %parallel_loop3A_846, %parallel_loop3A_847 : i32
        %parallel_loop3A_849 = arith.index_cast %parallel_loop3A_848 : i32 to index
        %parallel_loop3A_850 = tpu.vector_load %arg6[%parallel_loop3A_849] {strides = array<i32>} : memref<51200xf32, #tpu.memory_space<vmem>>, vector<16xf32>,
        tpu.vector_store %arg6[%parallel_loop3A_849], %parallel_loop3A_804 {strides = array<i32>} : memref<51200xf32, #tpu.memory_space<vmem>>, vector<16xf32>,
        %parallel_loop3A_851 = arith.constant 1024 : i32
        %parallel_loop3A_852 = arith.addi %parallel_loop3A_100, %parallel_loop3A_851 : i32
        %parallel_loop3A_853 = arith.constant 112 : i32
        %parallel_loop3A_854 = arith.addi %parallel_loop3A_852, %parallel_loop3A_853 : i32
        %parallel_loop3A_855 = arith.index_cast %parallel_loop3A_854 : i32 to index
        %parallel_loop3A_856 = tpu.vector_load %arg6[%parallel_loop3A_855] {strides = array<i32>} : memref<51200xf32, #tpu.memory_space<vmem>>, vector<16xf32>,
        tpu.vector_store %arg6[%parallel_loop3A_855], %parallel_loop3A_808 {strides = array<i32>} : memref<51200xf32, #tpu.memory_space<vmem>>, vector<16xf32>,
        %parallel_loop3A_857 = vector.extract_strided_slice %parallel_loop3A_96 {offsets = [9], sizes = [1], strides = [1]} : vector<16xi32> to vector<1xi32>
        %parallel_loop3A_858 = vector.extract %parallel_loop3A_857[0] : i32 from vector<1xi32>
        %parallel_loop3A_859 = arith.constant 128 : i32
        %parallel_loop3A_860 = arith.muli %parallel_loop3A_858, %parallel_loop3A_859 : i32
        %parallel_loop3A_861 = arith.constant 0 : i32
        %parallel_loop3A_862 = arith.addi %parallel_loop3A_860, %parallel_loop3A_861 : i32
        %parallel_loop3A_863 = arith.index_cast %parallel_loop3A_862 : i32 to index
        %parallel_loop3A_864 = tpu.vector_load %arg5[%parallel_loop3A_863] {strides = array<i32>} : memref<2688xf32, #tpu.memory_space<vmem>>, vector<16xf32>,
        %parallel_loop3A_865 = arith.constant 16 : i32
        %parallel_loop3A_866 = arith.addi %parallel_loop3A_860, %parallel_loop3A_865 : i32
        %parallel_loop3A_867 = arith.index_cast %parallel_loop3A_866 : i32 to index
        %parallel_loop3A_868 = tpu.vector_load %arg5[%parallel_loop3A_867] {strides = array<i32>} : memref<2688xf32, #tpu.memory_space<vmem>>, vector<16xf32>,
        %parallel_loop3A_869 = arith.constant 32 : i32
        %parallel_loop3A_870 = arith.addi %parallel_loop3A_860, %parallel_loop3A_869 : i32
        %parallel_loop3A_871 = arith.index_cast %parallel_loop3A_870 : i32 to index
        %parallel_loop3A_872 = tpu.vector_load %arg5[%parallel_loop3A_871] {strides = array<i32>} : memref<2688xf32, #tpu.memory_space<vmem>>, vector<16xf32>,
        %parallel_loop3A_873 = arith.constant 48 : i32
        %parallel_loop3A_874 = arith.addi %parallel_loop3A_860, %parallel_loop3A_873 : i32
        %parallel_loop3A_875 = arith.index_cast %parallel_loop3A_874 : i32 to index
        %parallel_loop3A_876 = tpu.vector_load %arg5[%parallel_loop3A_875] {strides = array<i32>} : memref<2688xf32, #tpu.memory_space<vmem>>, vector<16xf32>,
        %parallel_loop3A_877 = arith.constant 64 : i32
        %parallel_loop3A_878 = arith.addi %parallel_loop3A_860, %parallel_loop3A_877 : i32
        %parallel_loop3A_879 = arith.index_cast %parallel_loop3A_878 : i32 to index
        %parallel_loop3A_880 = tpu.vector_load %arg5[%parallel_loop3A_879] {strides = array<i32>} : memref<2688xf32, #tpu.memory_space<vmem>>, vector<16xf32>,
        %parallel_loop3A_881 = arith.constant 80 : i32
        %parallel_loop3A_882 = arith.addi %parallel_loop3A_860, %parallel_loop3A_881 : i32
        %parallel_loop3A_883 = arith.index_cast %parallel_loop3A_882 : i32 to index
        %parallel_loop3A_884 = tpu.vector_load %arg5[%parallel_loop3A_883] {strides = array<i32>} : memref<2688xf32, #tpu.memory_space<vmem>>, vector<16xf32>,
        %parallel_loop3A_885 = arith.constant 96 : i32
        %parallel_loop3A_886 = arith.addi %parallel_loop3A_860, %parallel_loop3A_885 : i32
        %parallel_loop3A_887 = arith.index_cast %parallel_loop3A_886 : i32 to index
        %parallel_loop3A_888 = tpu.vector_load %arg5[%parallel_loop3A_887] {strides = array<i32>} : memref<2688xf32, #tpu.memory_space<vmem>>, vector<16xf32>,
        %parallel_loop3A_889 = arith.constant 112 : i32
        %parallel_loop3A_890 = arith.addi %parallel_loop3A_860, %parallel_loop3A_889 : i32
        %parallel_loop3A_891 = arith.index_cast %parallel_loop3A_890 : i32 to index
        %parallel_loop3A_892 = tpu.vector_load %arg5[%parallel_loop3A_891] {strides = array<i32>} : memref<2688xf32, #tpu.memory_space<vmem>>, vector<16xf32>,
        %parallel_loop3A_893 = arith.constant 1152 : i32
        %parallel_loop3A_894 = arith.addi %parallel_loop3A_100, %parallel_loop3A_893 : i32
        %parallel_loop3A_895 = arith.constant 0 : i32
        %parallel_loop3A_896 = arith.addi %parallel_loop3A_894, %parallel_loop3A_895 : i32
        %parallel_loop3A_897 = arith.index_cast %parallel_loop3A_896 : i32 to index
        %parallel_loop3A_898 = tpu.vector_load %arg6[%parallel_loop3A_897] {strides = array<i32>} : memref<51200xf32, #tpu.memory_space<vmem>>, vector<16xf32>,
        tpu.vector_store %arg6[%parallel_loop3A_897], %parallel_loop3A_864 {strides = array<i32>} : memref<51200xf32, #tpu.memory_space<vmem>>, vector<16xf32>,
        %parallel_loop3A_899 = arith.constant 1152 : i32
        %parallel_loop3A_900 = arith.addi %parallel_loop3A_100, %parallel_loop3A_899 : i32
        %parallel_loop3A_901 = arith.constant 16 : i32
        %parallel_loop3A_902 = arith.addi %parallel_loop3A_900, %parallel_loop3A_901 : i32
        %parallel_loop3A_903 = arith.index_cast %parallel_loop3A_902 : i32 to index
        %parallel_loop3A_904 = tpu.vector_load %arg6[%parallel_loop3A_903] {strides = array<i32>} : memref<51200xf32, #tpu.memory_space<vmem>>, vector<16xf32>,
        tpu.vector_store %arg6[%parallel_loop3A_903], %parallel_loop3A_868 {strides = array<i32>} : memref<51200xf32, #tpu.memory_space<vmem>>, vector<16xf32>,
        %parallel_loop3A_905 = arith.constant 1152 : i32
        %parallel_loop3A_906 = arith.addi %parallel_loop3A_100, %parallel_loop3A_905 : i32
        %parallel_loop3A_907 = arith.constant 32 : i32
        %parallel_loop3A_908 = arith.addi %parallel_loop3A_906, %parallel_loop3A_907 : i32
        %parallel_loop3A_909 = arith.index_cast %parallel_loop3A_908 : i32 to index
        %parallel_loop3A_910 = tpu.vector_load %arg6[%parallel_loop3A_909] {strides = array<i32>} : memref<51200xf32, #tpu.memory_space<vmem>>, vector<16xf32>,
        tpu.vector_store %arg6[%parallel_loop3A_909], %parallel_loop3A_872 {strides = array<i32>} : memref<51200xf32, #tpu.memory_space<vmem>>, vector<16xf32>,
        %parallel_loop3A_911 = arith.constant 1152 : i32
        %parallel_loop3A_912 = arith.addi %parallel_loop3A_100, %parallel_loop3A_911 : i32
        %parallel_loop3A_913 = arith.constant 48 : i32
        %parallel_loop3A_914 = arith.addi %parallel_loop3A_912, %parallel_loop3A_913 : i32
        %parallel_loop3A_915 = arith.index_cast %parallel_loop3A_914 : i32 to index
        %parallel_loop3A_916 = tpu.vector_load %arg6[%parallel_loop3A_915] {strides = array<i32>} : memref<51200xf32, #tpu.memory_space<vmem>>, vector<16xf32>,
        tpu.vector_store %arg6[%parallel_loop3A_915], %parallel_loop3A_876 {strides = array<i32>} : memref<51200xf32, #tpu.memory_space<vmem>>, vector<16xf32>,
        %parallel_loop3A_917 = arith.constant 1152 : i32
        %parallel_loop3A_918 = arith.addi %parallel_loop3A_100, %parallel_loop3A_917 : i32
        %parallel_loop3A_919 = arith.constant 64 : i32
        %parallel_loop3A_920 = arith.addi %parallel_loop3A_918, %parallel_loop3A_919 : i32
        %parallel_loop3A_921 = arith.index_cast %parallel_loop3A_920 : i32 to index
        %parallel_loop3A_922 = tpu.vector_load %arg6[%parallel_loop3A_921] {strides = array<i32>} : memref<51200xf32, #tpu.memory_space<vmem>>, vector<16xf32>,
        tpu.vector_store %arg6[%parallel_loop3A_921], %parallel_loop3A_880 {strides = array<i32>} : memref<51200xf32, #tpu.memory_space<vmem>>, vector<16xf32>,
        %parallel_loop3A_923 = arith.constant 1152 : i32
        %parallel_loop3A_924 = arith.addi %parallel_loop3A_100, %parallel_loop3A_923 : i32
        %parallel_loop3A_925 = arith.constant 80 : i32
        %parallel_loop3A_926 = arith.addi %parallel_loop3A_924, %parallel_loop3A_925 : i32
        %parallel_loop3A_927 = arith.index_cast %parallel_loop3A_926 : i32 to index
        %parallel_loop3A_928 = tpu.vector_load %arg6[%parallel_loop3A_927] {strides = array<i32>} : memref<51200xf32, #tpu.memory_space<vmem>>, vector<16xf32>,
        tpu.vector_store %arg6[%parallel_loop3A_927], %parallel_loop3A_884 {strides = array<i32>} : memref<51200xf32, #tpu.memory_space<vmem>>, vector<16xf32>,
        %parallel_loop3A_929 = arith.constant 1152 : i32
        %parallel_loop3A_930 = arith.addi %parallel_loop3A_100, %parallel_loop3A_929 : i32
        %parallel_loop3A_931 = arith.constant 96 : i32
        %parallel_loop3A_932 = arith.addi %parallel_loop3A_930, %parallel_loop3A_931 : i32
        %parallel_loop3A_933 = arith.index_cast %parallel_loop3A_932 : i32 to index
        %parallel_loop3A_934 = tpu.vector_load %arg6[%parallel_loop3A_933] {strides = array<i32>} : memref<51200xf32, #tpu.memory_space<vmem>>, vector<16xf32>,
        tpu.vector_store %arg6[%parallel_loop3A_933], %parallel_loop3A_888 {strides = array<i32>} : memref<51200xf32, #tpu.memory_space<vmem>>, vector<16xf32>,
        %parallel_loop3A_935 = arith.constant 1152 : i32
        %parallel_loop3A_936 = arith.addi %parallel_loop3A_100, %parallel_loop3A_935 : i32
        %parallel_loop3A_937 = arith.constant 112 : i32
        %parallel_loop3A_938 = arith.addi %parallel_loop3A_936, %parallel_loop3A_937 : i32
        %parallel_loop3A_939 = arith.index_cast %parallel_loop3A_938 : i32 to index
        %parallel_loop3A_940 = tpu.vector_load %arg6[%parallel_loop3A_939] {strides = array<i32>} : memref<51200xf32, #tpu.memory_space<vmem>>, vector<16xf32>,
        tpu.vector_store %arg6[%parallel_loop3A_939], %parallel_loop3A_892 {strides = array<i32>} : memref<51200xf32, #tpu.memory_space<vmem>>, vector<16xf32>,
        %parallel_loop3A_941 = vector.extract_strided_slice %parallel_loop3A_96 {offsets = [10], sizes = [1], strides = [1]} : vector<16xi32> to vector<1xi32>
        %parallel_loop3A_942 = vector.extract %parallel_loop3A_941[0] : i32 from vector<1xi32>
        %parallel_loop3A_943 = arith.constant 128 : i32
        %parallel_loop3A_944 = arith.muli %parallel_loop3A_942, %parallel_loop3A_943 : i32
        %parallel_loop3A_945 = arith.constant 0 : i32
        %parallel_loop3A_946 = arith.addi %parallel_loop3A_944, %parallel_loop3A_945 : i32
        %parallel_loop3A_947 = arith.index_cast %parallel_loop3A_946 : i32 to index
        %parallel_loop3A_948 = tpu.vector_load %arg5[%parallel_loop3A_947] {strides = array<i32>} : memref<2688xf32, #tpu.memory_space<vmem>>, vector<16xf32>,
        %parallel_loop3A_949 = arith.constant 16 : i32
        %parallel_loop3A_950 = arith.addi %parallel_loop3A_944, %parallel_loop3A_949 : i32
        %parallel_loop3A_951 = arith.index_cast %parallel_loop3A_950 : i32 to index
        %parallel_loop3A_952 = tpu.vector_load %arg5[%parallel_loop3A_951] {strides = array<i32>} : memref<2688xf32, #tpu.memory_space<vmem>>, vector<16xf32>,
        %parallel_loop3A_953 = arith.constant 32 : i32
        %parallel_loop3A_954 = arith.addi %parallel_loop3A_944, %parallel_loop3A_953 : i32
        %parallel_loop3A_955 = arith.index_cast %parallel_loop3A_954 : i32 to index
        %parallel_loop3A_956 = tpu.vector_load %arg5[%parallel_loop3A_955] {strides = array<i32>} : memref<2688xf32, #tpu.memory_space<vmem>>, vector<16xf32>,
        %parallel_loop3A_957 = arith.constant 48 : i32
        %parallel_loop3A_958 = arith.addi %parallel_loop3A_944, %parallel_loop3A_957 : i32
        %parallel_loop3A_959 = arith.index_cast %parallel_loop3A_958 : i32 to index
        %parallel_loop3A_960 = tpu.vector_load %arg5[%parallel_loop3A_959] {strides = array<i32>} : memref<2688xf32, #tpu.memory_space<vmem>>, vector<16xf32>,
        %parallel_loop3A_961 = arith.constant 64 : i32
        %parallel_loop3A_962 = arith.addi %parallel_loop3A_944, %parallel_loop3A_961 : i32
        %parallel_loop3A_963 = arith.index_cast %parallel_loop3A_962 : i32 to index
        %parallel_loop3A_964 = tpu.vector_load %arg5[%parallel_loop3A_963] {strides = array<i32>} : memref<2688xf32, #tpu.memory_space<vmem>>, vector<16xf32>,
        %parallel_loop3A_965 = arith.constant 80 : i32
        %parallel_loop3A_966 = arith.addi %parallel_loop3A_944, %parallel_loop3A_965 : i32
        %parallel_loop3A_967 = arith.index_cast %parallel_loop3A_966 : i32 to index
        %parallel_loop3A_968 = tpu.vector_load %arg5[%parallel_loop3A_967] {strides = array<i32>} : memref<2688xf32, #tpu.memory_space<vmem>>, vector<16xf32>,
        %parallel_loop3A_969 = arith.constant 96 : i32
        %parallel_loop3A_970 = arith.addi %parallel_loop3A_944, %parallel_loop3A_969 : i32
        %parallel_loop3A_971 = arith.index_cast %parallel_loop3A_970 : i32 to index
        %parallel_loop3A_972 = tpu.vector_load %arg5[%parallel_loop3A_971] {strides = array<i32>} : memref<2688xf32, #tpu.memory_space<vmem>>, vector<16xf32>,
        %parallel_loop3A_973 = arith.constant 112 : i32
        %parallel_loop3A_974 = arith.addi %parallel_loop3A_944, %parallel_loop3A_973 : i32
        %parallel_loop3A_975 = arith.index_cast %parallel_loop3A_974 : i32 to index
        %parallel_loop3A_976 = tpu.vector_load %arg5[%parallel_loop3A_975] {strides = array<i32>} : memref<2688xf32, #tpu.memory_space<vmem>>, vector<16xf32>,
        %parallel_loop3A_977 = arith.constant 1280 : i32
        %parallel_loop3A_978 = arith.addi %parallel_loop3A_100, %parallel_loop3A_977 : i32
        %parallel_loop3A_979 = arith.constant 0 : i32
        %parallel_loop3A_980 = arith.addi %parallel_loop3A_978, %parallel_loop3A_979 : i32
        %parallel_loop3A_981 = arith.index_cast %parallel_loop3A_980 : i32 to index
        %parallel_loop3A_982 = tpu.vector_load %arg6[%parallel_loop3A_981] {strides = array<i32>} : memref<51200xf32, #tpu.memory_space<vmem>>, vector<16xf32>,
        tpu.vector_store %arg6[%parallel_loop3A_981], %parallel_loop3A_948 {strides = array<i32>} : memref<51200xf32, #tpu.memory_space<vmem>>, vector<16xf32>,
        %parallel_loop3A_983 = arith.constant 1280 : i32
        %parallel_loop3A_984 = arith.addi %parallel_loop3A_100, %parallel_loop3A_983 : i32
        %parallel_loop3A_985 = arith.constant 16 : i32
        %parallel_loop3A_986 = arith.addi %parallel_loop3A_984, %parallel_loop3A_985 : i32
        %parallel_loop3A_987 = arith.index_cast %parallel_loop3A_986 : i32 to index
        %parallel_loop3A_988 = tpu.vector_load %arg6[%parallel_loop3A_987] {strides = array<i32>} : memref<51200xf32, #tpu.memory_space<vmem>>, vector<16xf32>,
        tpu.vector_store %arg6[%parallel_loop3A_987], %parallel_loop3A_952 {strides = array<i32>} : memref<51200xf32, #tpu.memory_space<vmem>>, vector<16xf32>,
        %parallel_loop3A_989 = arith.constant 1280 : i32
        %parallel_loop3A_990 = arith.addi %parallel_loop3A_100, %parallel_loop3A_989 : i32
        %parallel_loop3A_991 = arith.constant 32 : i32
        %parallel_loop3A_992 = arith.addi %parallel_loop3A_990, %parallel_loop3A_991 : i32
        %parallel_loop3A_993 = arith.index_cast %parallel_loop3A_992 : i32 to index
        %parallel_loop3A_994 = tpu.vector_load %arg6[%parallel_loop3A_993] {strides = array<i32>} : memref<51200xf32, #tpu.memory_space<vmem>>, vector<16xf32>,
        tpu.vector_store %arg6[%parallel_loop3A_993], %parallel_loop3A_956 {strides = array<i32>} : memref<51200xf32, #tpu.memory_space<vmem>>, vector<16xf32>,
        %parallel_loop3A_995 = arith.constant 1280 : i32
        %parallel_loop3A_996 = arith.addi %parallel_loop3A_100, %parallel_loop3A_995 : i32
        %parallel_loop3A_997 = arith.constant 48 : i32
        %parallel_loop3A_998 = arith.addi %parallel_loop3A_996, %parallel_loop3A_997 : i32
        %parallel_loop3A_999 = arith.index_cast %parallel_loop3A_998 : i32 to index
        %parallel_loop3A_1000 = tpu.vector_load %arg6[%parallel_loop3A_999] {strides = array<i32>} : memref<51200xf32, #tpu.memory_space<vmem>>, vector<16xf32>,
        tpu.vector_store %arg6[%parallel_loop3A_999], %parallel_loop3A_960 {strides = array<i32>} : memref<51200xf32, #tpu.memory_space<vmem>>, vector<16xf32>,
        %parallel_loop3A_1001 = arith.constant 1280 : i32
        %parallel_loop3A_1002 = arith.addi %parallel_loop3A_100, %parallel_loop3A_1001 : i32
        %parallel_loop3A_1003 = arith.constant 64 : i32
        %parallel_loop3A_1004 = arith.addi %parallel_loop3A_1002, %parallel_loop3A_1003 : i32
        %parallel_loop3A_1005 = arith.index_cast %parallel_loop3A_1004 : i32 to index
        %parallel_loop3A_1006 = tpu.vector_load %arg6[%parallel_loop3A_1005] {strides = array<i32>} : memref<51200xf32, #tpu.memory_space<vmem>>, vector<16xf32>,
        tpu.vector_store %arg6[%parallel_loop3A_1005], %parallel_loop3A_964 {strides = array<i32>} : memref<51200xf32, #tpu.memory_space<vmem>>, vector<16xf32>,
        %parallel_loop3A_1007 = arith.constant 1280 : i32
        %parallel_loop3A_1008 = arith.addi %parallel_loop3A_100, %parallel_loop3A_1007 : i32
        %parallel_loop3A_1009 = arith.constant 80 : i32
        %parallel_loop3A_1010 = arith.addi %parallel_loop3A_1008, %parallel_loop3A_1009 : i32
        %parallel_loop3A_1011 = arith.index_cast %parallel_loop3A_1010 : i32 to index
        %parallel_loop3A_1012 = tpu.vector_load %arg6[%parallel_loop3A_1011] {strides = array<i32>} : memref<51200xf32, #tpu.memory_space<vmem>>, vector<16xf32>,
        tpu.vector_store %arg6[%parallel_loop3A_1011], %parallel_loop3A_968 {strides = array<i32>} : memref<51200xf32, #tpu.memory_space<vmem>>, vector<16xf32>,
        %parallel_loop3A_1013 = arith.constant 1280 : i32
        %parallel_loop3A_1014 = arith.addi %parallel_loop3A_100, %parallel_loop3A_1013 : i32
        %parallel_loop3A_1015 = arith.constant 96 : i32
        %parallel_loop3A_1016 = arith.addi %parallel_loop3A_1014, %parallel_loop3A_1015 : i32
        %parallel_loop3A_1017 = arith.index_cast %parallel_loop3A_1016 : i32 to index
        %parallel_loop3A_1018 = tpu.vector_load %arg6[%parallel_loop3A_1017] {strides = array<i32>} : memref<51200xf32, #tpu.memory_space<vmem>>, vector<16xf32>,
        tpu.vector_store %arg6[%parallel_loop3A_1017], %parallel_loop3A_972 {strides = array<i32>} : memref<51200xf32, #tpu.memory_space<vmem>>, vector<16xf32>,
        %parallel_loop3A_1019 = arith.constant 1280 : i32
        %parallel_loop3A_1020 = arith.addi %parallel_loop3A_100, %parallel_loop3A_1019 : i32
        %parallel_loop3A_1021 = arith.constant 112 : i32
        %parallel_loop3A_1022 = arith.addi %parallel_loop3A_1020, %parallel_loop3A_1021 : i32
        %parallel_loop3A_1023 = arith.index_cast %parallel_loop3A_1022 : i32 to index
        %parallel_loop3A_1024 = tpu.vector_load %arg6[%parallel_loop3A_1023] {strides = array<i32>} : memref<51200xf32, #tpu.memory_space<vmem>>, vector<16xf32>,
        tpu.vector_store %arg6[%parallel_loop3A_1023], %parallel_loop3A_976 {strides = array<i32>} : memref<51200xf32, #tpu.memory_space<vmem>>, vector<16xf32>,
        %parallel_loop3A_1025 = vector.extract_strided_slice %parallel_loop3A_96 {offsets = [11], sizes = [1], strides = [1]} : vector<16xi32> to vector<1xi32>
        %parallel_loop3A_1026 = vector.extract %parallel_loop3A_1025[0] : i32 from vector<1xi32>
        %parallel_loop3A_1027 = arith.constant 128 : i32
        %parallel_loop3A_1028 = arith.muli %parallel_loop3A_1026, %parallel_loop3A_1027 : i32
        %parallel_loop3A_1029 = arith.constant 0 : i32
        %parallel_loop3A_1030 = arith.addi %parallel_loop3A_1028, %parallel_loop3A_1029 : i32
        %parallel_loop3A_1031 = arith.index_cast %parallel_loop3A_1030 : i32 to index
        %parallel_loop3A_1032 = tpu.vector_load %arg5[%parallel_loop3A_1031] {strides = array<i32>} : memref<2688xf32, #tpu.memory_space<vmem>>, vector<16xf32>,
        %parallel_loop3A_1033 = arith.constant 16 : i32
        %parallel_loop3A_1034 = arith.addi %parallel_loop3A_1028, %parallel_loop3A_1033 : i32
        %parallel_loop3A_1035 = arith.index_cast %parallel_loop3A_1034 : i32 to index
        %parallel_loop3A_1036 = tpu.vector_load %arg5[%parallel_loop3A_1035] {strides = array<i32>} : memref<2688xf32, #tpu.memory_space<vmem>>, vector<16xf32>,
        %parallel_loop3A_1037 = arith.constant 32 : i32
        %parallel_loop3A_1038 = arith.addi %parallel_loop3A_1028, %parallel_loop3A_1037 : i32
        %parallel_loop3A_1039 = arith.index_cast %parallel_loop3A_1038 : i32 to index
        %parallel_loop3A_1040 = tpu.vector_load %arg5[%parallel_loop3A_1039] {strides = array<i32>} : memref<2688xf32, #tpu.memory_space<vmem>>, vector<16xf32>,
        %parallel_loop3A_1041 = arith.constant 48 : i32
        %parallel_loop3A_1042 = arith.addi %parallel_loop3A_1028, %parallel_loop3A_1041 : i32
        %parallel_loop3A_1043 = arith.index_cast %parallel_loop3A_1042 : i32 to index
        %parallel_loop3A_1044 = tpu.vector_load %arg5[%parallel_loop3A_1043] {strides = array<i32>} : memref<2688xf32, #tpu.memory_space<vmem>>, vector<16xf32>,
        %parallel_loop3A_1045 = arith.constant 64 : i32
        %parallel_loop3A_1046 = arith.addi %parallel_loop3A_1028, %parallel_loop3A_1045 : i32
        %parallel_loop3A_1047 = arith.index_cast %parallel_loop3A_1046 : i32 to index
        %parallel_loop3A_1048 = tpu.vector_load %arg5[%parallel_loop3A_1047] {strides = array<i32>} : memref<2688xf32, #tpu.memory_space<vmem>>, vector<16xf32>,
        %parallel_loop3A_1049 = arith.constant 80 : i32
        %parallel_loop3A_1050 = arith.addi %parallel_loop3A_1028, %parallel_loop3A_1049 : i32
        %parallel_loop3A_1051 = arith.index_cast %parallel_loop3A_1050 : i32 to index
        %parallel_loop3A_1052 = tpu.vector_load %arg5[%parallel_loop3A_1051] {strides = array<i32>} : memref<2688xf32, #tpu.memory_space<vmem>>, vector<16xf32>,
        %parallel_loop3A_1053 = arith.constant 96 : i32
        %parallel_loop3A_1054 = arith.addi %parallel_loop3A_1028, %parallel_loop3A_1053 : i32
        %parallel_loop3A_1055 = arith.index_cast %parallel_loop3A_1054 : i32 to index
        %parallel_loop3A_1056 = tpu.vector_load %arg5[%parallel_loop3A_1055] {strides = array<i32>} : memref<2688xf32, #tpu.memory_space<vmem>>, vector<16xf32>,
        %parallel_loop3A_1057 = arith.constant 112 : i32
        %parallel_loop3A_1058 = arith.addi %parallel_loop3A_1028, %parallel_loop3A_1057 : i32
        %parallel_loop3A_1059 = arith.index_cast %parallel_loop3A_1058 : i32 to index
        %parallel_loop3A_1060 = tpu.vector_load %arg5[%parallel_loop3A_1059] {strides = array<i32>} : memref<2688xf32, #tpu.memory_space<vmem>>, vector<16xf32>,
        %parallel_loop3A_1061 = arith.constant 1408 : i32
        %parallel_loop3A_1062 = arith.addi %parallel_loop3A_100, %parallel_loop3A_1061 : i32
        %parallel_loop3A_1063 = arith.constant 0 : i32
        %parallel_loop3A_1064 = arith.addi %parallel_loop3A_1062, %parallel_loop3A_1063 : i32
        %parallel_loop3A_1065 = arith.index_cast %parallel_loop3A_1064 : i32 to index
        %parallel_loop3A_1066 = tpu.vector_load %arg6[%parallel_loop3A_1065] {strides = array<i32>} : memref<51200xf32, #tpu.memory_space<vmem>>, vector<16xf32>,
        tpu.vector_store %arg6[%parallel_loop3A_1065], %parallel_loop3A_1032 {strides = array<i32>} : memref<51200xf32, #tpu.memory_space<vmem>>, vector<16xf32>,
        %parallel_loop3A_1067 = arith.constant 1408 : i32
        %parallel_loop3A_1068 = arith.addi %parallel_loop3A_100, %parallel_loop3A_1067 : i32
        %parallel_loop3A_1069 = arith.constant 16 : i32
        %parallel_loop3A_1070 = arith.addi %parallel_loop3A_1068, %parallel_loop3A_1069 : i32
        %parallel_loop3A_1071 = arith.index_cast %parallel_loop3A_1070 : i32 to index
        %parallel_loop3A_1072 = tpu.vector_load %arg6[%parallel_loop3A_1071] {strides = array<i32>} : memref<51200xf32, #tpu.memory_space<vmem>>, vector<16xf32>,
        tpu.vector_store %arg6[%parallel_loop3A_1071], %parallel_loop3A_1036 {strides = array<i32>} : memref<51200xf32, #tpu.memory_space<vmem>>, vector<16xf32>,
        %parallel_loop3A_1073 = arith.constant 1408 : i32
        %parallel_loop3A_1074 = arith.addi %parallel_loop3A_100, %parallel_loop3A_1073 : i32
        %parallel_loop3A_1075 = arith.constant 32 : i32
        %parallel_loop3A_1076 = arith.addi %parallel_loop3A_1074, %parallel_loop3A_1075 : i32
        %parallel_loop3A_1077 = arith.index_cast %parallel_loop3A_1076 : i32 to index
        %parallel_loop3A_1078 = tpu.vector_load %arg6[%parallel_loop3A_1077] {strides = array<i32>} : memref<51200xf32, #tpu.memory_space<vmem>>, vector<16xf32>,
        tpu.vector_store %arg6[%parallel_loop3A_1077], %parallel_loop3A_1040 {strides = array<i32>} : memref<51200xf32, #tpu.memory_space<vmem>>, vector<16xf32>,
        %parallel_loop3A_1079 = arith.constant 1408 : i32
        %parallel_loop3A_1080 = arith.addi %parallel_loop3A_100, %parallel_loop3A_1079 : i32
        %parallel_loop3A_1081 = arith.constant 48 : i32
        %parallel_loop3A_1082 = arith.addi %parallel_loop3A_1080, %parallel_loop3A_1081 : i32
        %parallel_loop3A_1083 = arith.index_cast %parallel_loop3A_1082 : i32 to index
        %parallel_loop3A_1084 = tpu.vector_load %arg6[%parallel_loop3A_1083] {strides = array<i32>} : memref<51200xf32, #tpu.memory_space<vmem>>, vector<16xf32>,
        tpu.vector_store %arg6[%parallel_loop3A_1083], %parallel_loop3A_1044 {strides = array<i32>} : memref<51200xf32, #tpu.memory_space<vmem>>, vector<16xf32>,
        %parallel_loop3A_1085 = arith.constant 1408 : i32
        %parallel_loop3A_1086 = arith.addi %parallel_loop3A_100, %parallel_loop3A_1085 : i32
        %parallel_loop3A_1087 = arith.constant 64 : i32
        %parallel_loop3A_1088 = arith.addi %parallel_loop3A_1086, %parallel_loop3A_1087 : i32
        %parallel_loop3A_1089 = arith.index_cast %parallel_loop3A_1088 : i32 to index
        %parallel_loop3A_1090 = tpu.vector_load %arg6[%parallel_loop3A_1089] {strides = array<i32>} : memref<51200xf32, #tpu.memory_space<vmem>>, vector<16xf32>,
        tpu.vector_store %arg6[%parallel_loop3A_1089], %parallel_loop3A_1048 {strides = array<i32>} : memref<51200xf32, #tpu.memory_space<vmem>>, vector<16xf32>,
        %parallel_loop3A_1091 = arith.constant 1408 : i32
        %parallel_loop3A_1092 = arith.addi %parallel_loop3A_100, %parallel_loop3A_1091 : i32
        %parallel_loop3A_1093 = arith.constant 80 : i32
        %parallel_loop3A_1094 = arith.addi %parallel_loop3A_1092, %parallel_loop3A_1093 : i32
        %parallel_loop3A_1095 = arith.index_cast %parallel_loop3A_1094 : i32 to index
        %parallel_loop3A_1096 = tpu.vector_load %arg6[%parallel_loop3A_1095] {strides = array<i32>} : memref<51200xf32, #tpu.memory_space<vmem>>, vector<16xf32>,
        tpu.vector_store %arg6[%parallel_loop3A_1095], %parallel_loop3A_1052 {strides = array<i32>} : memref<51200xf32, #tpu.memory_space<vmem>>, vector<16xf32>,
        %parallel_loop3A_1097 = arith.constant 1408 : i32
        %parallel_loop3A_1098 = arith.addi %parallel_loop3A_100, %parallel_loop3A_1097 : i32
        %parallel_loop3A_1099 = arith.constant 96 : i32
        %parallel_loop3A_1100 = arith.addi %parallel_loop3A_1098, %parallel_loop3A_1099 : i32
        %parallel_loop3A_1101 = arith.index_cast %parallel_loop3A_1100 : i32 to index
        %parallel_loop3A_1102 = tpu.vector_load %arg6[%parallel_loop3A_1101] {strides = array<i32>} : memref<51200xf32, #tpu.memory_space<vmem>>, vector<16xf32>,
        tpu.vector_store %arg6[%parallel_loop3A_1101], %parallel_loop3A_1056 {strides = array<i32>} : memref<51200xf32, #tpu.memory_space<vmem>>, vector<16xf32>,
        %parallel_loop3A_1103 = arith.constant 1408 : i32
        %parallel_loop3A_1104 = arith.addi %parallel_loop3A_100, %parallel_loop3A_1103 : i32
        %parallel_loop3A_1105 = arith.constant 112 : i32
        %parallel_loop3A_1106 = arith.addi %parallel_loop3A_1104, %parallel_loop3A_1105 : i32
        %parallel_loop3A_1107 = arith.index_cast %parallel_loop3A_1106 : i32 to index
        %parallel_loop3A_1108 = tpu.vector_load %arg6[%parallel_loop3A_1107] {strides = array<i32>} : memref<51200xf32, #tpu.memory_space<vmem>>, vector<16xf32>,
        tpu.vector_store %arg6[%parallel_loop3A_1107], %parallel_loop3A_1060 {strides = array<i32>} : memref<51200xf32, #tpu.memory_space<vmem>>, vector<16xf32>,
        %parallel_loop3A_1109 = vector.extract_strided_slice %parallel_loop3A_96 {offsets = [12], sizes = [1], strides = [1]} : vector<16xi32> to vector<1xi32>
        %parallel_loop3A_1110 = vector.extract %parallel_loop3A_1109[0] : i32 from vector<1xi32>
        %parallel_loop3A_1111 = arith.constant 128 : i32
        %parallel_loop3A_1112 = arith.muli %parallel_loop3A_1110, %parallel_loop3A_1111 : i32
        %parallel_loop3A_1113 = arith.constant 0 : i32
        %parallel_loop3A_1114 = arith.addi %parallel_loop3A_1112, %parallel_loop3A_1113 : i32
        %parallel_loop3A_1115 = arith.index_cast %parallel_loop3A_1114 : i32 to index
        %parallel_loop3A_1116 = tpu.vector_load %arg5[%parallel_loop3A_1115] {strides = array<i32>} : memref<2688xf32, #tpu.memory_space<vmem>>, vector<16xf32>,
        %parallel_loop3A_1117 = arith.constant 16 : i32
        %parallel_loop3A_1118 = arith.addi %parallel_loop3A_1112, %parallel_loop3A_1117 : i32
        %parallel_loop3A_1119 = arith.index_cast %parallel_loop3A_1118 : i32 to index
        %parallel_loop3A_1120 = tpu.vector_load %arg5[%parallel_loop3A_1119] {strides = array<i32>} : memref<2688xf32, #tpu.memory_space<vmem>>, vector<16xf32>,
        %parallel_loop3A_1121 = arith.constant 32 : i32
        %parallel_loop3A_1122 = arith.addi %parallel_loop3A_1112, %parallel_loop3A_1121 : i32
        %parallel_loop3A_1123 = arith.index_cast %parallel_loop3A_1122 : i32 to index
        %parallel_loop3A_1124 = tpu.vector_load %arg5[%parallel_loop3A_1123] {strides = array<i32>} : memref<2688xf32, #tpu.memory_space<vmem>>, vector<16xf32>,
        %parallel_loop3A_1125 = arith.constant 48 : i32
        %parallel_loop3A_1126 = arith.addi %parallel_loop3A_1112, %parallel_loop3A_1125 : i32
        %parallel_loop3A_1127 = arith.index_cast %parallel_loop3A_1126 : i32 to index
        %parallel_loop3A_1128 = tpu.vector_load %arg5[%parallel_loop3A_1127] {strides = array<i32>} : memref<2688xf32, #tpu.memory_space<vmem>>, vector<16xf32>,
        %parallel_loop3A_1129 = arith.constant 64 : i32
        %parallel_loop3A_1130 = arith.addi %parallel_loop3A_1112, %parallel_loop3A_1129 : i32
        %parallel_loop3A_1131 = arith.index_cast %parallel_loop3A_1130 : i32 to index
        %parallel_loop3A_1132 = tpu.vector_load %arg5[%parallel_loop3A_1131] {strides = array<i32>} : memref<2688xf32, #tpu.memory_space<vmem>>, vector<16xf32>,
        %parallel_loop3A_1133 = arith.constant 80 : i32
        %parallel_loop3A_1134 = arith.addi %parallel_loop3A_1112, %parallel_loop3A_1133 : i32
        %parallel_loop3A_1135 = arith.index_cast %parallel_loop3A_1134 : i32 to index
        %parallel_loop3A_1136 = tpu.vector_load %arg5[%parallel_loop3A_1135] {strides = array<i32>} : memref<2688xf32, #tpu.memory_space<vmem>>, vector<16xf32>,
        %parallel_loop3A_1137 = arith.constant 96 : i32
        %parallel_loop3A_1138 = arith.addi %parallel_loop3A_1112, %parallel_loop3A_1137 : i32
        %parallel_loop3A_1139 = arith.index_cast %parallel_loop3A_1138 : i32 to index
        %parallel_loop3A_1140 = tpu.vector_load %arg5[%parallel_loop3A_1139] {strides = array<i32>} : memref<2688xf32, #tpu.memory_space<vmem>>, vector<16xf32>,
        %parallel_loop3A_1141 = arith.constant 112 : i32
        %parallel_loop3A_1142 = arith.addi %parallel_loop3A_1112, %parallel_loop3A_1141 : i32
        %parallel_loop3A_1143 = arith.index_cast %parallel_loop3A_1142 : i32 to index
        %parallel_loop3A_1144 = tpu.vector_load %arg5[%parallel_loop3A_1143] {strides = array<i32>} : memref<2688xf32, #tpu.memory_space<vmem>>, vector<16xf32>,
        %parallel_loop3A_1145 = arith.constant 1536 : i32
        %parallel_loop3A_1146 = arith.addi %parallel_loop3A_100, %parallel_loop3A_1145 : i32
        %parallel_loop3A_1147 = arith.constant 0 : i32
        %parallel_loop3A_1148 = arith.addi %parallel_loop3A_1146, %parallel_loop3A_1147 : i32
        %parallel_loop3A_1149 = arith.index_cast %parallel_loop3A_1148 : i32 to index
        %parallel_loop3A_1150 = tpu.vector_load %arg6[%parallel_loop3A_1149] {strides = array<i32>} : memref<51200xf32, #tpu.memory_space<vmem>>, vector<16xf32>,
        tpu.vector_store %arg6[%parallel_loop3A_1149], %parallel_loop3A_1116 {strides = array<i32>} : memref<51200xf32, #tpu.memory_space<vmem>>, vector<16xf32>,
        %parallel_loop3A_1151 = arith.constant 1536 : i32
        %parallel_loop3A_1152 = arith.addi %parallel_loop3A_100, %parallel_loop3A_1151 : i32
        %parallel_loop3A_1153 = arith.constant 16 : i32
        %parallel_loop3A_1154 = arith.addi %parallel_loop3A_1152, %parallel_loop3A_1153 : i32
        %parallel_loop3A_1155 = arith.index_cast %parallel_loop3A_1154 : i32 to index
        %parallel_loop3A_1156 = tpu.vector_load %arg6[%parallel_loop3A_1155] {strides = array<i32>} : memref<51200xf32, #tpu.memory_space<vmem>>, vector<16xf32>,
        tpu.vector_store %arg6[%parallel_loop3A_1155], %parallel_loop3A_1120 {strides = array<i32>} : memref<51200xf32, #tpu.memory_space<vmem>>, vector<16xf32>,
        %parallel_loop3A_1157 = arith.constant 1536 : i32
        %parallel_loop3A_1158 = arith.addi %parallel_loop3A_100, %parallel_loop3A_1157 : i32
        %parallel_loop3A_1159 = arith.constant 32 : i32
        %parallel_loop3A_1160 = arith.addi %parallel_loop3A_1158, %parallel_loop3A_1159 : i32
        %parallel_loop3A_1161 = arith.index_cast %parallel_loop3A_1160 : i32 to index
        %parallel_loop3A_1162 = tpu.vector_load %arg6[%parallel_loop3A_1161] {strides = array<i32>} : memref<51200xf32, #tpu.memory_space<vmem>>, vector<16xf32>,
        tpu.vector_store %arg6[%parallel_loop3A_1161], %parallel_loop3A_1124 {strides = array<i32>} : memref<51200xf32, #tpu.memory_space<vmem>>, vector<16xf32>,
        %parallel_loop3A_1163 = arith.constant 1536 : i32
        %parallel_loop3A_1164 = arith.addi %parallel_loop3A_100, %parallel_loop3A_1163 : i32
        %parallel_loop3A_1165 = arith.constant 48 : i32
        %parallel_loop3A_1166 = arith.addi %parallel_loop3A_1164, %parallel_loop3A_1165 : i32
        %parallel_loop3A_1167 = arith.index_cast %parallel_loop3A_1166 : i32 to index
        %parallel_loop3A_1168 = tpu.vector_load %arg6[%parallel_loop3A_1167] {strides = array<i32>} : memref<51200xf32, #tpu.memory_space<vmem>>, vector<16xf32>,
        tpu.vector_store %arg6[%parallel_loop3A_1167], %parallel_loop3A_1128 {strides = array<i32>} : memref<51200xf32, #tpu.memory_space<vmem>>, vector<16xf32>,
        %parallel_loop3A_1169 = arith.constant 1536 : i32
        %parallel_loop3A_1170 = arith.addi %parallel_loop3A_100, %parallel_loop3A_1169 : i32
        %parallel_loop3A_1171 = arith.constant 64 : i32
        %parallel_loop3A_1172 = arith.addi %parallel_loop3A_1170, %parallel_loop3A_1171 : i32
        %parallel_loop3A_1173 = arith.index_cast %parallel_loop3A_1172 : i32 to index
        %parallel_loop3A_1174 = tpu.vector_load %arg6[%parallel_loop3A_1173] {strides = array<i32>} : memref<51200xf32, #tpu.memory_space<vmem>>, vector<16xf32>,
        tpu.vector_store %arg6[%parallel_loop3A_1173], %parallel_loop3A_1132 {strides = array<i32>} : memref<51200xf32, #tpu.memory_space<vmem>>, vector<16xf32>,
        %parallel_loop3A_1175 = arith.constant 1536 : i32
        %parallel_loop3A_1176 = arith.addi %parallel_loop3A_100, %parallel_loop3A_1175 : i32
        %parallel_loop3A_1177 = arith.constant 80 : i32
        %parallel_loop3A_1178 = arith.addi %parallel_loop3A_1176, %parallel_loop3A_1177 : i32
        %parallel_loop3A_1179 = arith.index_cast %parallel_loop3A_1178 : i32 to index
        %parallel_loop3A_1180 = tpu.vector_load %arg6[%parallel_loop3A_1179] {strides = array<i32>} : memref<51200xf32, #tpu.memory_space<vmem>>, vector<16xf32>,
        tpu.vector_store %arg6[%parallel_loop3A_1179], %parallel_loop3A_1136 {strides = array<i32>} : memref<51200xf32, #tpu.memory_space<vmem>>, vector<16xf32>,
        %parallel_loop3A_1181 = arith.constant 1536 : i32
        %parallel_loop3A_1182 = arith.addi %parallel_loop3A_100, %parallel_loop3A_1181 : i32
        %parallel_loop3A_1183 = arith.constant 96 : i32
        %parallel_loop3A_1184 = arith.addi %parallel_loop3A_1182, %parallel_loop3A_1183 : i32
        %parallel_loop3A_1185 = arith.index_cast %parallel_loop3A_1184 : i32 to index
        %parallel_loop3A_1186 = tpu.vector_load %arg6[%parallel_loop3A_1185] {strides = array<i32>} : memref<51200xf32, #tpu.memory_space<vmem>>, vector<16xf32>,
        tpu.vector_store %arg6[%parallel_loop3A_1185], %parallel_loop3A_1140 {strides = array<i32>} : memref<51200xf32, #tpu.memory_space<vmem>>, vector<16xf32>,
        %parallel_loop3A_1187 = arith.constant 1536 : i32
        %parallel_loop3A_1188 = arith.addi %parallel_loop3A_100, %parallel_loop3A_1187 : i32
        %parallel_loop3A_1189 = arith.constant 112 : i32
        %parallel_loop3A_1190 = arith.addi %parallel_loop3A_1188, %parallel_loop3A_1189 : i32
        %parallel_loop3A_1191 = arith.index_cast %parallel_loop3A_1190 : i32 to index
        %parallel_loop3A_1192 = tpu.vector_load %arg6[%parallel_loop3A_1191] {strides = array<i32>} : memref<51200xf32, #tpu.memory_space<vmem>>, vector<16xf32>,
        tpu.vector_store %arg6[%parallel_loop3A_1191], %parallel_loop3A_1144 {strides = array<i32>} : memref<51200xf32, #tpu.memory_space<vmem>>, vector<16xf32>,
        %parallel_loop3A_1193 = vector.extract_strided_slice %parallel_loop3A_96 {offsets = [13], sizes = [1], strides = [1]} : vector<16xi32> to vector<1xi32>
        %parallel_loop3A_1194 = vector.extract %parallel_loop3A_1193[0] : i32 from vector<1xi32>
        %parallel_loop3A_1195 = arith.constant 128 : i32
        %parallel_loop3A_1196 = arith.muli %parallel_loop3A_1194, %parallel_loop3A_1195 : i32
        %parallel_loop3A_1197 = arith.constant 0 : i32
        %parallel_loop3A_1198 = arith.addi %parallel_loop3A_1196, %parallel_loop3A_1197 : i32
        %parallel_loop3A_1199 = arith.index_cast %parallel_loop3A_1198 : i32 to index
        %parallel_loop3A_1200 = tpu.vector_load %arg5[%parallel_loop3A_1199] {strides = array<i32>} : memref<2688xf32, #tpu.memory_space<vmem>>, vector<16xf32>,
        %parallel_loop3A_1201 = arith.constant 16 : i32
        %parallel_loop3A_1202 = arith.addi %parallel_loop3A_1196, %parallel_loop3A_1201 : i32
        %parallel_loop3A_1203 = arith.index_cast %parallel_loop3A_1202 : i32 to index
        %parallel_loop3A_1204 = tpu.vector_load %arg5[%parallel_loop3A_1203] {strides = array<i32>} : memref<2688xf32, #tpu.memory_space<vmem>>, vector<16xf32>,
        %parallel_loop3A_1205 = arith.constant 32 : i32
        %parallel_loop3A_1206 = arith.addi %parallel_loop3A_1196, %parallel_loop3A_1205 : i32
        %parallel_loop3A_1207 = arith.index_cast %parallel_loop3A_1206 : i32 to index
        %parallel_loop3A_1208 = tpu.vector_load %arg5[%parallel_loop3A_1207] {strides = array<i32>} : memref<2688xf32, #tpu.memory_space<vmem>>, vector<16xf32>,
        %parallel_loop3A_1209 = arith.constant 48 : i32
        %parallel_loop3A_1210 = arith.addi %parallel_loop3A_1196, %parallel_loop3A_1209 : i32
        %parallel_loop3A_1211 = arith.index_cast %parallel_loop3A_1210 : i32 to index
        %parallel_loop3A_1212 = tpu.vector_load %arg5[%parallel_loop3A_1211] {strides = array<i32>} : memref<2688xf32, #tpu.memory_space<vmem>>, vector<16xf32>,
        %parallel_loop3A_1213 = arith.constant 64 : i32
        %parallel_loop3A_1214 = arith.addi %parallel_loop3A_1196, %parallel_loop3A_1213 : i32
        %parallel_loop3A_1215 = arith.index_cast %parallel_loop3A_1214 : i32 to index
        %parallel_loop3A_1216 = tpu.vector_load %arg5[%parallel_loop3A_1215] {strides = array<i32>} : memref<2688xf32, #tpu.memory_space<vmem>>, vector<16xf32>,
        %parallel_loop3A_1217 = arith.constant 80 : i32
        %parallel_loop3A_1218 = arith.addi %parallel_loop3A_1196, %parallel_loop3A_1217 : i32
        %parallel_loop3A_1219 = arith.index_cast %parallel_loop3A_1218 : i32 to index
        %parallel_loop3A_1220 = tpu.vector_load %arg5[%parallel_loop3A_1219] {strides = array<i32>} : memref<2688xf32, #tpu.memory_space<vmem>>, vector<16xf32>,
        %parallel_loop3A_1221 = arith.constant 96 : i32
        %parallel_loop3A_1222 = arith.addi %parallel_loop3A_1196, %parallel_loop3A_1221 : i32
        %parallel_loop3A_1223 = arith.index_cast %parallel_loop3A_1222 : i32 to index
        %parallel_loop3A_1224 = tpu.vector_load %arg5[%parallel_loop3A_1223] {strides = array<i32>} : memref<2688xf32, #tpu.memory_space<vmem>>, vector<16xf32>,
        %parallel_loop3A_1225 = arith.constant 112 : i32
        %parallel_loop3A_1226 = arith.addi %parallel_loop3A_1196, %parallel_loop3A_1225 : i32
        %parallel_loop3A_1227 = arith.index_cast %parallel_loop3A_1226 : i32 to index
        %parallel_loop3A_1228 = tpu.vector_load %arg5[%parallel_loop3A_1227] {strides = array<i32>} : memref<2688xf32, #tpu.memory_space<vmem>>, vector<16xf32>,
        %parallel_loop3A_1229 = arith.constant 1664 : i32
        %parallel_loop3A_1230 = arith.addi %parallel_loop3A_100, %parallel_loop3A_1229 : i32
        %parallel_loop3A_1231 = arith.constant 0 : i32
        %parallel_loop3A_1232 = arith.addi %parallel_loop3A_1230, %parallel_loop3A_1231 : i32
        %parallel_loop3A_1233 = arith.index_cast %parallel_loop3A_1232 : i32 to index
        %parallel_loop3A_1234 = tpu.vector_load %arg6[%parallel_loop3A_1233] {strides = array<i32>} : memref<51200xf32, #tpu.memory_space<vmem>>, vector<16xf32>,
        tpu.vector_store %arg6[%parallel_loop3A_1233], %parallel_loop3A_1200 {strides = array<i32>} : memref<51200xf32, #tpu.memory_space<vmem>>, vector<16xf32>,
        %parallel_loop3A_1235 = arith.constant 1664 : i32
        %parallel_loop3A_1236 = arith.addi %parallel_loop3A_100, %parallel_loop3A_1235 : i32
        %parallel_loop3A_1237 = arith.constant 16 : i32
        %parallel_loop3A_1238 = arith.addi %parallel_loop3A_1236, %parallel_loop3A_1237 : i32
        %parallel_loop3A_1239 = arith.index_cast %parallel_loop3A_1238 : i32 to index
        %parallel_loop3A_1240 = tpu.vector_load %arg6[%parallel_loop3A_1239] {strides = array<i32>} : memref<51200xf32, #tpu.memory_space<vmem>>, vector<16xf32>,
        tpu.vector_store %arg6[%parallel_loop3A_1239], %parallel_loop3A_1204 {strides = array<i32>} : memref<51200xf32, #tpu.memory_space<vmem>>, vector<16xf32>,
        %parallel_loop3A_1241 = arith.constant 1664 : i32
        %parallel_loop3A_1242 = arith.addi %parallel_loop3A_100, %parallel_loop3A_1241 : i32
        %parallel_loop3A_1243 = arith.constant 32 : i32
        %parallel_loop3A_1244 = arith.addi %parallel_loop3A_1242, %parallel_loop3A_1243 : i32
        %parallel_loop3A_1245 = arith.index_cast %parallel_loop3A_1244 : i32 to index
        %parallel_loop3A_1246 = tpu.vector_load %arg6[%parallel_loop3A_1245] {strides = array<i32>} : memref<51200xf32, #tpu.memory_space<vmem>>, vector<16xf32>,
        tpu.vector_store %arg6[%parallel_loop3A_1245], %parallel_loop3A_1208 {strides = array<i32>} : memref<51200xf32, #tpu.memory_space<vmem>>, vector<16xf32>,
        %parallel_loop3A_1247 = arith.constant 1664 : i32
        %parallel_loop3A_1248 = arith.addi %parallel_loop3A_100, %parallel_loop3A_1247 : i32
        %parallel_loop3A_1249 = arith.constant 48 : i32
        %parallel_loop3A_1250 = arith.addi %parallel_loop3A_1248, %parallel_loop3A_1249 : i32
        %parallel_loop3A_1251 = arith.index_cast %parallel_loop3A_1250 : i32 to index
        %parallel_loop3A_1252 = tpu.vector_load %arg6[%parallel_loop3A_1251] {strides = array<i32>} : memref<51200xf32, #tpu.memory_space<vmem>>, vector<16xf32>,
        tpu.vector_store %arg6[%parallel_loop3A_1251], %parallel_loop3A_1212 {strides = array<i32>} : memref<51200xf32, #tpu.memory_space<vmem>>, vector<16xf32>,
        %parallel_loop3A_1253 = arith.constant 1664 : i32
        %parallel_loop3A_1254 = arith.addi %parallel_loop3A_100, %parallel_loop3A_1253 : i32
        %parallel_loop3A_1255 = arith.constant 64 : i32
        %parallel_loop3A_1256 = arith.addi %parallel_loop3A_1254, %parallel_loop3A_1255 : i32
        %parallel_loop3A_1257 = arith.index_cast %parallel_loop3A_1256 : i32 to index
        %parallel_loop3A_1258 = tpu.vector_load %arg6[%parallel_loop3A_1257] {strides = array<i32>} : memref<51200xf32, #tpu.memory_space<vmem>>, vector<16xf32>,
        tpu.vector_store %arg6[%parallel_loop3A_1257], %parallel_loop3A_1216 {strides = array<i32>} : memref<51200xf32, #tpu.memory_space<vmem>>, vector<16xf32>,
        %parallel_loop3A_1259 = arith.constant 1664 : i32
        %parallel_loop3A_1260 = arith.addi %parallel_loop3A_100, %parallel_loop3A_1259 : i32
        %parallel_loop3A_1261 = arith.constant 80 : i32
        %parallel_loop3A_1262 = arith.addi %parallel_loop3A_1260, %parallel_loop3A_1261 : i32
        %parallel_loop3A_1263 = arith.index_cast %parallel_loop3A_1262 : i32 to index
        %parallel_loop3A_1264 = tpu.vector_load %arg6[%parallel_loop3A_1263] {strides = array<i32>} : memref<51200xf32, #tpu.memory_space<vmem>>, vector<16xf32>,
        tpu.vector_store %arg6[%parallel_loop3A_1263], %parallel_loop3A_1220 {strides = array<i32>} : memref<51200xf32, #tpu.memory_space<vmem>>, vector<16xf32>,
        %parallel_loop3A_1265 = arith.constant 1664 : i32
        %parallel_loop3A_1266 = arith.addi %parallel_loop3A_100, %parallel_loop3A_1265 : i32
        %parallel_loop3A_1267 = arith.constant 96 : i32
        %parallel_loop3A_1268 = arith.addi %parallel_loop3A_1266, %parallel_loop3A_1267 : i32
        %parallel_loop3A_1269 = arith.index_cast %parallel_loop3A_1268 : i32 to index
        %parallel_loop3A_1270 = tpu.vector_load %arg6[%parallel_loop3A_1269] {strides = array<i32>} : memref<51200xf32, #tpu.memory_space<vmem>>, vector<16xf32>,
        tpu.vector_store %arg6[%parallel_loop3A_1269], %parallel_loop3A_1224 {strides = array<i32>} : memref<51200xf32, #tpu.memory_space<vmem>>, vector<16xf32>,
        %parallel_loop3A_1271 = arith.constant 1664 : i32
        %parallel_loop3A_1272 = arith.addi %parallel_loop3A_100, %parallel_loop3A_1271 : i32
        %parallel_loop3A_1273 = arith.constant 112 : i32
        %parallel_loop3A_1274 = arith.addi %parallel_loop3A_1272, %parallel_loop3A_1273 : i32
        %parallel_loop3A_1275 = arith.index_cast %parallel_loop3A_1274 : i32 to index
        %parallel_loop3A_1276 = tpu.vector_load %arg6[%parallel_loop3A_1275] {strides = array<i32>} : memref<51200xf32, #tpu.memory_space<vmem>>, vector<16xf32>,
        tpu.vector_store %arg6[%parallel_loop3A_1275], %parallel_loop3A_1228 {strides = array<i32>} : memref<51200xf32, #tpu.memory_space<vmem>>, vector<16xf32>,
        %parallel_loop3A_1277 = vector.extract_strided_slice %parallel_loop3A_96 {offsets = [14], sizes = [1], strides = [1]} : vector<16xi32> to vector<1xi32>
        %parallel_loop3A_1278 = vector.extract %parallel_loop3A_1277[0] : i32 from vector<1xi32>
        %parallel_loop3A_1279 = arith.constant 128 : i32
        %parallel_loop3A_1280 = arith.muli %parallel_loop3A_1278, %parallel_loop3A_1279 : i32
        %parallel_loop3A_1281 = arith.constant 0 : i32
        %parallel_loop3A_1282 = arith.addi %parallel_loop3A_1280, %parallel_loop3A_1281 : i32
        %parallel_loop3A_1283 = arith.index_cast %parallel_loop3A_1282 : i32 to index
        %parallel_loop3A_1284 = tpu.vector_load %arg5[%parallel_loop3A_1283] {strides = array<i32>} : memref<2688xf32, #tpu.memory_space<vmem>>, vector<16xf32>,
        %parallel_loop3A_1285 = arith.constant 16 : i32
        %parallel_loop3A_1286 = arith.addi %parallel_loop3A_1280, %parallel_loop3A_1285 : i32
        %parallel_loop3A_1287 = arith.index_cast %parallel_loop3A_1286 : i32 to index
        %parallel_loop3A_1288 = tpu.vector_load %arg5[%parallel_loop3A_1287] {strides = array<i32>} : memref<2688xf32, #tpu.memory_space<vmem>>, vector<16xf32>,
        %parallel_loop3A_1289 = arith.constant 32 : i32
        %parallel_loop3A_1290 = arith.addi %parallel_loop3A_1280, %parallel_loop3A_1289 : i32
        %parallel_loop3A_1291 = arith.index_cast %parallel_loop3A_1290 : i32 to index
        %parallel_loop3A_1292 = tpu.vector_load %arg5[%parallel_loop3A_1291] {strides = array<i32>} : memref<2688xf32, #tpu.memory_space<vmem>>, vector<16xf32>,
        %parallel_loop3A_1293 = arith.constant 48 : i32
        %parallel_loop3A_1294 = arith.addi %parallel_loop3A_1280, %parallel_loop3A_1293 : i32
        %parallel_loop3A_1295 = arith.index_cast %parallel_loop3A_1294 : i32 to index
        %parallel_loop3A_1296 = tpu.vector_load %arg5[%parallel_loop3A_1295] {strides = array<i32>} : memref<2688xf32, #tpu.memory_space<vmem>>, vector<16xf32>,
        %parallel_loop3A_1297 = arith.constant 64 : i32
        %parallel_loop3A_1298 = arith.addi %parallel_loop3A_1280, %parallel_loop3A_1297 : i32
        %parallel_loop3A_1299 = arith.index_cast %parallel_loop3A_1298 : i32 to index
        %parallel_loop3A_1300 = tpu.vector_load %arg5[%parallel_loop3A_1299] {strides = array<i32>} : memref<2688xf32, #tpu.memory_space<vmem>>, vector<16xf32>,
        %parallel_loop3A_1301 = arith.constant 80 : i32
        %parallel_loop3A_1302 = arith.addi %parallel_loop3A_1280, %parallel_loop3A_1301 : i32
        %parallel_loop3A_1303 = arith.index_cast %parallel_loop3A_1302 : i32 to index
        %parallel_loop3A_1304 = tpu.vector_load %arg5[%parallel_loop3A_1303] {strides = array<i32>} : memref<2688xf32, #tpu.memory_space<vmem>>, vector<16xf32>,
        %parallel_loop3A_1305 = arith.constant 96 : i32
        %parallel_loop3A_1306 = arith.addi %parallel_loop3A_1280, %parallel_loop3A_1305 : i32
        %parallel_loop3A_1307 = arith.index_cast %parallel_loop3A_1306 : i32 to index
        %parallel_loop3A_1308 = tpu.vector_load %arg5[%parallel_loop3A_1307] {strides = array<i32>} : memref<2688xf32, #tpu.memory_space<vmem>>, vector<16xf32>,
        %parallel_loop3A_1309 = arith.constant 112 : i32
        %parallel_loop3A_1310 = arith.addi %parallel_loop3A_1280, %parallel_loop3A_1309 : i32
        %parallel_loop3A_1311 = arith.index_cast %parallel_loop3A_1310 : i32 to index
        %parallel_loop3A_1312 = tpu.vector_load %arg5[%parallel_loop3A_1311] {strides = array<i32>} : memref<2688xf32, #tpu.memory_space<vmem>>, vector<16xf32>,
        %parallel_loop3A_1313 = arith.constant 1792 : i32
        %parallel_loop3A_1314 = arith.addi %parallel_loop3A_100, %parallel_loop3A_1313 : i32
        %parallel_loop3A_1315 = arith.constant 0 : i32
        %parallel_loop3A_1316 = arith.addi %parallel_loop3A_1314, %parallel_loop3A_1315 : i32
        %parallel_loop3A_1317 = arith.index_cast %parallel_loop3A_1316 : i32 to index
        %parallel_loop3A_1318 = tpu.vector_load %arg6[%parallel_loop3A_1317] {strides = array<i32>} : memref<51200xf32, #tpu.memory_space<vmem>>, vector<16xf32>,
        tpu.vector_store %arg6[%parallel_loop3A_1317], %parallel_loop3A_1284 {strides = array<i32>} : memref<51200xf32, #tpu.memory_space<vmem>>, vector<16xf32>,
        %parallel_loop3A_1319 = arith.constant 1792 : i32
        %parallel_loop3A_1320 = arith.addi %parallel_loop3A_100, %parallel_loop3A_1319 : i32
        %parallel_loop3A_1321 = arith.constant 16 : i32
        %parallel_loop3A_1322 = arith.addi %parallel_loop3A_1320, %parallel_loop3A_1321 : i32
        %parallel_loop3A_1323 = arith.index_cast %parallel_loop3A_1322 : i32 to index
        %parallel_loop3A_1324 = tpu.vector_load %arg6[%parallel_loop3A_1323] {strides = array<i32>} : memref<51200xf32, #tpu.memory_space<vmem>>, vector<16xf32>,
        tpu.vector_store %arg6[%parallel_loop3A_1323], %parallel_loop3A_1288 {strides = array<i32>} : memref<51200xf32, #tpu.memory_space<vmem>>, vector<16xf32>,
        %parallel_loop3A_1325 = arith.constant 1792 : i32
        %parallel_loop3A_1326 = arith.addi %parallel_loop3A_100, %parallel_loop3A_1325 : i32
        %parallel_loop3A_1327 = arith.constant 32 : i32
        %parallel_loop3A_1328 = arith.addi %parallel_loop3A_1326, %parallel_loop3A_1327 : i32
        %parallel_loop3A_1329 = arith.index_cast %parallel_loop3A_1328 : i32 to index
        %parallel_loop3A_1330 = tpu.vector_load %arg6[%parallel_loop3A_1329] {strides = array<i32>} : memref<51200xf32, #tpu.memory_space<vmem>>, vector<16xf32>,
        tpu.vector_store %arg6[%parallel_loop3A_1329], %parallel_loop3A_1292 {strides = array<i32>} : memref<51200xf32, #tpu.memory_space<vmem>>, vector<16xf32>,
        %parallel_loop3A_1331 = arith.constant 1792 : i32
        %parallel_loop3A_1332 = arith.addi %parallel_loop3A_100, %parallel_loop3A_1331 : i32
        %parallel_loop3A_1333 = arith.constant 48 : i32
        %parallel_loop3A_1334 = arith.addi %parallel_loop3A_1332, %parallel_loop3A_1333 : i32
        %parallel_loop3A_1335 = arith.index_cast %parallel_loop3A_1334 : i32 to index
        %parallel_loop3A_1336 = tpu.vector_load %arg6[%parallel_loop3A_1335] {strides = array<i32>} : memref<51200xf32, #tpu.memory_space<vmem>>, vector<16xf32>,
        tpu.vector_store %arg6[%parallel_loop3A_1335], %parallel_loop3A_1296 {strides = array<i32>} : memref<51200xf32, #tpu.memory_space<vmem>>, vector<16xf32>,
        %parallel_loop3A_1337 = arith.constant 1792 : i32
        %parallel_loop3A_1338 = arith.addi %parallel_loop3A_100, %parallel_loop3A_1337 : i32
        %parallel_loop3A_1339 = arith.constant 64 : i32
        %parallel_loop3A_1340 = arith.addi %parallel_loop3A_1338, %parallel_loop3A_1339 : i32
        %parallel_loop3A_1341 = arith.index_cast %parallel_loop3A_1340 : i32 to index
        %parallel_loop3A_1342 = tpu.vector_load %arg6[%parallel_loop3A_1341] {strides = array<i32>} : memref<51200xf32, #tpu.memory_space<vmem>>, vector<16xf32>,
        tpu.vector_store %arg6[%parallel_loop3A_1341], %parallel_loop3A_1300 {strides = array<i32>} : memref<51200xf32, #tpu.memory_space<vmem>>, vector<16xf32>,
        %parallel_loop3A_1343 = arith.constant 1792 : i32
        %parallel_loop3A_1344 = arith.addi %parallel_loop3A_100, %parallel_loop3A_1343 : i32
        %parallel_loop3A_1345 = arith.constant 80 : i32
        %parallel_loop3A_1346 = arith.addi %parallel_loop3A_1344, %parallel_loop3A_1345 : i32
        %parallel_loop3A_1347 = arith.index_cast %parallel_loop3A_1346 : i32 to index
        %parallel_loop3A_1348 = tpu.vector_load %arg6[%parallel_loop3A_1347] {strides = array<i32>} : memref<51200xf32, #tpu.memory_space<vmem>>, vector<16xf32>,
        tpu.vector_store %arg6[%parallel_loop3A_1347], %parallel_loop3A_1304 {strides = array<i32>} : memref<51200xf32, #tpu.memory_space<vmem>>, vector<16xf32>,
        %parallel_loop3A_1349 = arith.constant 1792 : i32
        %parallel_loop3A_1350 = arith.addi %parallel_loop3A_100, %parallel_loop3A_1349 : i32
        %parallel_loop3A_1351 = arith.constant 96 : i32
        %parallel_loop3A_1352 = arith.addi %parallel_loop3A_1350, %parallel_loop3A_1351 : i32
        %parallel_loop3A_1353 = arith.index_cast %parallel_loop3A_1352 : i32 to index
        %parallel_loop3A_1354 = tpu.vector_load %arg6[%parallel_loop3A_1353] {strides = array<i32>} : memref<51200xf32, #tpu.memory_space<vmem>>, vector<16xf32>,
        tpu.vector_store %arg6[%parallel_loop3A_1353], %parallel_loop3A_1308 {strides = array<i32>} : memref<51200xf32, #tpu.memory_space<vmem>>, vector<16xf32>,
        %parallel_loop3A_1355 = arith.constant 1792 : i32
        %parallel_loop3A_1356 = arith.addi %parallel_loop3A_100, %parallel_loop3A_1355 : i32
        %parallel_loop3A_1357 = arith.constant 112 : i32
        %parallel_loop3A_1358 = arith.addi %parallel_loop3A_1356, %parallel_loop3A_1357 : i32
        %parallel_loop3A_1359 = arith.index_cast %parallel_loop3A_1358 : i32 to index
        %parallel_loop3A_1360 = tpu.vector_load %arg6[%parallel_loop3A_1359] {strides = array<i32>} : memref<51200xf32, #tpu.memory_space<vmem>>, vector<16xf32>,
        tpu.vector_store %arg6[%parallel_loop3A_1359], %parallel_loop3A_1312 {strides = array<i32>} : memref<51200xf32, #tpu.memory_space<vmem>>, vector<16xf32>,
        %parallel_loop3A_1361 = vector.extract_strided_slice %parallel_loop3A_96 {offsets = [15], sizes = [1], strides = [1]} : vector<16xi32> to vector<1xi32>
        %parallel_loop3A_1362 = vector.extract %parallel_loop3A_1361[0] : i32 from vector<1xi32>
        %parallel_loop3A_1363 = arith.constant 128 : i32
        %parallel_loop3A_1364 = arith.muli %parallel_loop3A_1362, %parallel_loop3A_1363 : i32
        %parallel_loop3A_1365 = arith.constant 0 : i32
        %parallel_loop3A_1366 = arith.addi %parallel_loop3A_1364, %parallel_loop3A_1365 : i32
        %parallel_loop3A_1367 = arith.index_cast %parallel_loop3A_1366 : i32 to index
        %parallel_loop3A_1368 = tpu.vector_load %arg5[%parallel_loop3A_1367] {strides = array<i32>} : memref<2688xf32, #tpu.memory_space<vmem>>, vector<16xf32>,
        %parallel_loop3A_1369 = arith.constant 16 : i32
        %parallel_loop3A_1370 = arith.addi %parallel_loop3A_1364, %parallel_loop3A_1369 : i32
        %parallel_loop3A_1371 = arith.index_cast %parallel_loop3A_1370 : i32 to index
        %parallel_loop3A_1372 = tpu.vector_load %arg5[%parallel_loop3A_1371] {strides = array<i32>} : memref<2688xf32, #tpu.memory_space<vmem>>, vector<16xf32>,
        %parallel_loop3A_1373 = arith.constant 32 : i32
        %parallel_loop3A_1374 = arith.addi %parallel_loop3A_1364, %parallel_loop3A_1373 : i32
        %parallel_loop3A_1375 = arith.index_cast %parallel_loop3A_1374 : i32 to index
        %parallel_loop3A_1376 = tpu.vector_load %arg5[%parallel_loop3A_1375] {strides = array<i32>} : memref<2688xf32, #tpu.memory_space<vmem>>, vector<16xf32>,
        %parallel_loop3A_1377 = arith.constant 48 : i32
        %parallel_loop3A_1378 = arith.addi %parallel_loop3A_1364, %parallel_loop3A_1377 : i32
        %parallel_loop3A_1379 = arith.index_cast %parallel_loop3A_1378 : i32 to index
        %parallel_loop3A_1380 = tpu.vector_load %arg5[%parallel_loop3A_1379] {strides = array<i32>} : memref<2688xf32, #tpu.memory_space<vmem>>, vector<16xf32>,
        %parallel_loop3A_1381 = arith.constant 64 : i32
        %parallel_loop3A_1382 = arith.addi %parallel_loop3A_1364, %parallel_loop3A_1381 : i32
        %parallel_loop3A_1383 = arith.index_cast %parallel_loop3A_1382 : i32 to index
        %parallel_loop3A_1384 = tpu.vector_load %arg5[%parallel_loop3A_1383] {strides = array<i32>} : memref<2688xf32, #tpu.memory_space<vmem>>, vector<16xf32>,
        %parallel_loop3A_1385 = arith.constant 80 : i32
        %parallel_loop3A_1386 = arith.addi %parallel_loop3A_1364, %parallel_loop3A_1385 : i32
        %parallel_loop3A_1387 = arith.index_cast %parallel_loop3A_1386 : i32 to index
        %parallel_loop3A_1388 = tpu.vector_load %arg5[%parallel_loop3A_1387] {strides = array<i32>} : memref<2688xf32, #tpu.memory_space<vmem>>, vector<16xf32>,
        %parallel_loop3A_1389 = arith.constant 96 : i32
        %parallel_loop3A_1390 = arith.addi %parallel_loop3A_1364, %parallel_loop3A_1389 : i32
        %parallel_loop3A_1391 = arith.index_cast %parallel_loop3A_1390 : i32 to index
        %parallel_loop3A_1392 = tpu.vector_load %arg5[%parallel_loop3A_1391] {strides = array<i32>} : memref<2688xf32, #tpu.memory_space<vmem>>, vector<16xf32>,
        %parallel_loop3A_1393 = arith.constant 112 : i32
        %parallel_loop3A_1394 = arith.addi %parallel_loop3A_1364, %parallel_loop3A_1393 : i32
        %parallel_loop3A_1395 = arith.index_cast %parallel_loop3A_1394 : i32 to index
        %parallel_loop3A_1396 = tpu.vector_load %arg5[%parallel_loop3A_1395] {strides = array<i32>} : memref<2688xf32, #tpu.memory_space<vmem>>, vector<16xf32>,
        %parallel_loop3A_1397 = arith.constant 1920 : i32
        %parallel_loop3A_1398 = arith.addi %parallel_loop3A_100, %parallel_loop3A_1397 : i32
        %parallel_loop3A_1399 = arith.constant 0 : i32
        %parallel_loop3A_1400 = arith.addi %parallel_loop3A_1398, %parallel_loop3A_1399 : i32
        %parallel_loop3A_1401 = arith.index_cast %parallel_loop3A_1400 : i32 to index
        %parallel_loop3A_1402 = tpu.vector_load %arg6[%parallel_loop3A_1401] {strides = array<i32>} : memref<51200xf32, #tpu.memory_space<vmem>>, vector<16xf32>,
        tpu.vector_store %arg6[%parallel_loop3A_1401], %parallel_loop3A_1368 {strides = array<i32>} : memref<51200xf32, #tpu.memory_space<vmem>>, vector<16xf32>,
        %parallel_loop3A_1403 = arith.constant 1920 : i32
        %parallel_loop3A_1404 = arith.addi %parallel_loop3A_100, %parallel_loop3A_1403 : i32
        %parallel_loop3A_1405 = arith.constant 16 : i32
        %parallel_loop3A_1406 = arith.addi %parallel_loop3A_1404, %parallel_loop3A_1405 : i32
        %parallel_loop3A_1407 = arith.index_cast %parallel_loop3A_1406 : i32 to index
        %parallel_loop3A_1408 = tpu.vector_load %arg6[%parallel_loop3A_1407] {strides = array<i32>} : memref<51200xf32, #tpu.memory_space<vmem>>, vector<16xf32>,
        tpu.vector_store %arg6[%parallel_loop3A_1407], %parallel_loop3A_1372 {strides = array<i32>} : memref<51200xf32, #tpu.memory_space<vmem>>, vector<16xf32>,
        %parallel_loop3A_1409 = arith.constant 1920 : i32
        %parallel_loop3A_1410 = arith.addi %parallel_loop3A_100, %parallel_loop3A_1409 : i32
        %parallel_loop3A_1411 = arith.constant 32 : i32
        %parallel_loop3A_1412 = arith.addi %parallel_loop3A_1410, %parallel_loop3A_1411 : i32
        %parallel_loop3A_1413 = arith.index_cast %parallel_loop3A_1412 : i32 to index
        %parallel_loop3A_1414 = tpu.vector_load %arg6[%parallel_loop3A_1413] {strides = array<i32>} : memref<51200xf32, #tpu.memory_space<vmem>>, vector<16xf32>,
        tpu.vector_store %arg6[%parallel_loop3A_1413], %parallel_loop3A_1376 {strides = array<i32>} : memref<51200xf32, #tpu.memory_space<vmem>>, vector<16xf32>,
        %parallel_loop3A_1415 = arith.constant 1920 : i32
        %parallel_loop3A_1416 = arith.addi %parallel_loop3A_100, %parallel_loop3A_1415 : i32
        %parallel_loop3A_1417 = arith.constant 48 : i32
        %parallel_loop3A_1418 = arith.addi %parallel_loop3A_1416, %parallel_loop3A_1417 : i32
        %parallel_loop3A_1419 = arith.index_cast %parallel_loop3A_1418 : i32 to index
        %parallel_loop3A_1420 = tpu.vector_load %arg6[%parallel_loop3A_1419] {strides = array<i32>} : memref<51200xf32, #tpu.memory_space<vmem>>, vector<16xf32>,
        tpu.vector_store %arg6[%parallel_loop3A_1419], %parallel_loop3A_1380 {strides = array<i32>} : memref<51200xf32, #tpu.memory_space<vmem>>, vector<16xf32>,
        %parallel_loop3A_1421 = arith.constant 1920 : i32
        %parallel_loop3A_1422 = arith.addi %parallel_loop3A_100, %parallel_loop3A_1421 : i32
        %parallel_loop3A_1423 = arith.constant 64 : i32
        %parallel_loop3A_1424 = arith.addi %parallel_loop3A_1422, %parallel_loop3A_1423 : i32
        %parallel_loop3A_1425 = arith.index_cast %parallel_loop3A_1424 : i32 to index
        %parallel_loop3A_1426 = tpu.vector_load %arg6[%parallel_loop3A_1425] {strides = array<i32>} : memref<51200xf32, #tpu.memory_space<vmem>>, vector<16xf32>,
        tpu.vector_store %arg6[%parallel_loop3A_1425], %parallel_loop3A_1384 {strides = array<i32>} : memref<51200xf32, #tpu.memory_space<vmem>>, vector<16xf32>,
        %parallel_loop3A_1427 = arith.constant 1920 : i32
        %parallel_loop3A_1428 = arith.addi %parallel_loop3A_100, %parallel_loop3A_1427 : i32
        %parallel_loop3A_1429 = arith.constant 80 : i32
        %parallel_loop3A_1430 = arith.addi %parallel_loop3A_1428, %parallel_loop3A_1429 : i32
        %parallel_loop3A_1431 = arith.index_cast %parallel_loop3A_1430 : i32 to index
        %parallel_loop3A_1432 = tpu.vector_load %arg6[%parallel_loop3A_1431] {strides = array<i32>} : memref<51200xf32, #tpu.memory_space<vmem>>, vector<16xf32>,
        tpu.vector_store %arg6[%parallel_loop3A_1431], %parallel_loop3A_1388 {strides = array<i32>} : memref<51200xf32, #tpu.memory_space<vmem>>, vector<16xf32>,
        %parallel_loop3A_1433 = arith.constant 1920 : i32
        %parallel_loop3A_1434 = arith.addi %parallel_loop3A_100, %parallel_loop3A_1433 : i32
        %parallel_loop3A_1435 = arith.constant 96 : i32
        %parallel_loop3A_1436 = arith.addi %parallel_loop3A_1434, %parallel_loop3A_1435 : i32
        %parallel_loop3A_1437 = arith.index_cast %parallel_loop3A_1436 : i32 to index
        %parallel_loop3A_1438 = tpu.vector_load %arg6[%parallel_loop3A_1437] {strides = array<i32>} : memref<51200xf32, #tpu.memory_space<vmem>>, vector<16xf32>,
        tpu.vector_store %arg6[%parallel_loop3A_1437], %parallel_loop3A_1392 {strides = array<i32>} : memref<51200xf32, #tpu.memory_space<vmem>>, vector<16xf32>,
        %parallel_loop3A_1439 = arith.constant 1920 : i32
        %parallel_loop3A_1440 = arith.addi %parallel_loop3A_100, %parallel_loop3A_1439 : i32
        %parallel_loop3A_1441 = arith.constant 112 : i32
        %parallel_loop3A_1442 = arith.addi %parallel_loop3A_1440, %parallel_loop3A_1441 : i32
        %parallel_loop3A_1443 = arith.index_cast %parallel_loop3A_1442 : i32 to index
        %parallel_loop3A_1444 = tpu.vector_load %arg6[%parallel_loop3A_1443] {strides = array<i32>} : memref<51200xf32, #tpu.memory_space<vmem>>, vector<16xf32>,
        tpu.vector_store %arg6[%parallel_loop3A_1443], %parallel_loop3A_1396 {strides = array<i32>} : memref<51200xf32, #tpu.memory_space<vmem>>, vector<16xf32>,
      } {sc.loop_unroll_factor = 5 : i64, sc.parallel_access}
      %sub3A_56 = arith.constant 1 : i32
      %sub3A_57 = arith.subi %select_n3A_9, %sub3A_56 : i32
      %min3A_58 = arith.minsi %add3A_46, %sub3A_57 : i32
      %add3A_59 = arith.addi %select_n3A, %min3A_58 : i32
      %mul3A_60 = arith.constant 51200 : i32
      %mul3A_61 = arith.muli %add3A_59, %mul3A_60 : i32
      %multiple_of3A_62 = tpu.assume_multiple %mul3A_61, 8 : i32
      %dma_start3A = tpu.memref_slice %arg4[%multiple_of3A_62] : memref<12800000xf32, #tpu.memory_space<hbm>> -> memref<51200xf32, #tpu.memory_space<hbm>>
      %dma_start3A_63 = tpu.memref_slice %arg4[%multiple_of3A_62] : memref<12800000xf32, #tpu.memory_space<hbm>> -> memref<51200xf32, #tpu.memory_space<hbm>>
      tpu.enqueue_dma source(%arg6 : memref<51200xf32, #tpu.memory_space<vmem>>) target(%dma_start3A_63 : memref<51200xf32, #tpu.memory_space<hbm>>) target_semaphore(%arg9 : memref<!tpu.dma_semaphore, #tpu.memory_space<semaphore_mem>>)
      %mul3A_64 = arith.constant 2 : i32
      %mul3A_65 = arith.muli %scan3A_41, %mul3A_64 : i32
      %add3A_66 = arith.constant 1 : i32
      %add3A_67 = arith.addi %mul3A_65, %add3A_66 : i32
      %gt3A_68 = arith.constant 0 : i32
      %gt3A_69 = arith.cmpi sgt, %scan3A_41, %gt3A_68 : i32
      %convert_element_type3A_70 = arith.extui %gt3A_69 : i1 to i32
      %cond3A_71 = arith.constant 0 : i32
      %cond3A_72 = arith.cmpi ne, %convert_element_type3A_70, %cond3A_71 : i32
      scf.if %cond3A_72 {
        %sub3A_91 = arith.constant 2 : i32
        %sub3A_92 = arith.subi %add3A_67, %sub3A_91 : i32
        %sub3A_93 = arith.constant 1 : i32
        %sub3A_94 = arith.subi %select_n3A_9, %sub3A_93 : i32
        %min3A_95 = arith.minsi %sub3A_92, %sub3A_94 : i32
        %add3A_96 = arith.addi %select_n3A, %min3A_95 : i32
        %mul3A_97 = arith.constant 51200 : i32
        %mul3A_98 = arith.muli %add3A_96, %mul3A_97 : i32
        %multiple_of3A_99 = tpu.assume_multiple %mul3A_98, 8 : i32
        %dma_wait3A_100 = tpu.memref_slice %arg4[%multiple_of3A_99] : memref<12800000xf32, #tpu.memory_space<hbm>> -> memref<51200xf32, #tpu.memory_space<hbm>>
        %dma_wait3A_101 = tpu.memref_slice %arg4[%multiple_of3A_99] : memref<12800000xf32, #tpu.memory_space<hbm>> -> memref<51200xf32, #tpu.memory_space<hbm>>
        tpu.wait_dma2 semaphore(%arg10 : memref<!tpu.dma_semaphore, #tpu.memory_space<semaphore_mem>>) src(%arg7 : memref<51200xf32, #tpu.memory_space<vmem>>) dst(%dma_wait3A_101 : memref<51200xf32, #tpu.memory_space<hbm>>)
      } else {
      }
      %sub3A_73 = arith.constant 1 : i32
      %sub3A_74 = arith.subi %select_n3A_9, %sub3A_73 : i32
      %min3A_75 = arith.minsi %add3A_67, %sub3A_74 : i32
      %mul3A_76 = arith.constant 400 : i32
      %mul3A_77 = arith.muli %mul3A_76, %min3A_75 : i32
      %parallel_loop3A_78 = arith.constant 0 : i32
      %parallel_loop3A_79 = arith.constant 25 : i32
      %parallel_loop3A_80 = arith.constant 1 : i32
      scf.for %parallel_loop3A_91 = %parallel_loop3A_78 to %parallel_loop3A_79 step %parallel_loop3A_80  : i32 {
        %parallel_loop3A_92 = arith.constant 16 : i32
        %parallel_loop3A_93 = arith.muli %parallel_loop3A_92, %parallel_loop3A_91 : i32
        %parallel_loop3A_94 = arith.addi %mul3A_77, %parallel_loop3A_93 : i32
        %parallel_loop3A_95 = arith.index_cast %parallel_loop3A_94 : i32 to index
        %parallel_loop3A_96 = tpu.vector_load %arg8[%parallel_loop3A_95] {strides = array<i32>} : memref<3200xi32, #tpu.memory_space<vmem>>, vector<16xi32>,
        %parallel_loop3A_97 = arith.constant 16 : i32
        %parallel_loop3A_98 = arith.muli %parallel_loop3A_97, %parallel_loop3A_91 : i32
        %parallel_loop3A_99 = arith.constant 128 : i32
        %parallel_loop3A_100 = arith.muli %parallel_loop3A_98, %parallel_loop3A_99 : i32
        %parallel_loop3A_101 = vector.extract_strided_slice %parallel_loop3A_96 {offsets = [0], sizes = [1], strides = [1]} : vector<16xi32> to vector<1xi32>
        %parallel_loop3A_102 = vector.extract %parallel_loop3A_101[0] : i32 from vector<1xi32>
        %parallel_loop3A_103 = arith.constant 128 : i32
        %parallel_loop3A_104 = arith.muli %parallel_loop3A_102, %parallel_loop3A_103 : i32
        %parallel_loop3A_105 = arith.constant 0 : i32
        %parallel_loop3A_106 = arith.addi %parallel_loop3A_104, %parallel_loop3A_105 : i32
        %parallel_loop3A_107 = arith.index_cast %parallel_loop3A_106 : i32 to index
        %parallel_loop3A_108 = tpu.vector_load %arg5[%parallel_loop3A_107] {strides = array<i32>} : memref<2688xf32, #tpu.memory_space<vmem>>, vector<16xf32>,
        %parallel_loop3A_109 = arith.constant 16 : i32
        %parallel_loop3A_110 = arith.addi %parallel_loop3A_104, %parallel_loop3A_109 : i32
        %parallel_loop3A_111 = arith.index_cast %parallel_loop3A_110 : i32 to index
        %parallel_loop3A_112 = tpu.vector_load %arg5[%parallel_loop3A_111] {strides = array<i32>} : memref<2688xf32, #tpu.memory_space<vmem>>, vector<16xf32>,
        %parallel_loop3A_113 = arith.constant 32 : i32
        %parallel_loop3A_114 = arith.addi %parallel_loop3A_104, %parallel_loop3A_113 : i32
        %parallel_loop3A_115 = arith.index_cast %parallel_loop3A_114 : i32 to index
        %parallel_loop3A_116 = tpu.vector_load %arg5[%parallel_loop3A_115] {strides = array<i32>} : memref<2688xf32, #tpu.memory_space<vmem>>, vector<16xf32>,
        %parallel_loop3A_117 = arith.constant 48 : i32
        %parallel_loop3A_118 = arith.addi %parallel_loop3A_104, %parallel_loop3A_117 : i32
        %parallel_loop3A_119 = arith.index_cast %parallel_loop3A_118 : i32 to index
        %parallel_loop3A_120 = tpu.vector_load %arg5[%parallel_loop3A_119] {strides = array<i32>} : memref<2688xf32, #tpu.memory_space<vmem>>, vector<16xf32>,
        %parallel_loop3A_121 = arith.constant 64 : i32
        %parallel_loop3A_122 = arith.addi %parallel_loop3A_104, %parallel_loop3A_121 : i32
        %parallel_loop3A_123 = arith.index_cast %parallel_loop3A_122 : i32 to index
        %parallel_loop3A_124 = tpu.vector_load %arg5[%parallel_loop3A_123] {strides = array<i32>} : memref<2688xf32, #tpu.memory_space<vmem>>, vector<16xf32>,
        %parallel_loop3A_125 = arith.constant 80 : i32
        %parallel_loop3A_126 = arith.addi %parallel_loop3A_104, %parallel_loop3A_125 : i32
        %parallel_loop3A_127 = arith.index_cast %parallel_loop3A_126 : i32 to index
        %parallel_loop3A_128 = tpu.vector_load %arg5[%parallel_loop3A_127] {strides = array<i32>} : memref<2688xf32, #tpu.memory_space<vmem>>, vector<16xf32>,
        %parallel_loop3A_129 = arith.constant 96 : i32
        %parallel_loop3A_130 = arith.addi %parallel_loop3A_104, %parallel_loop3A_129 : i32
        %parallel_loop3A_131 = arith.index_cast %parallel_loop3A_130 : i32 to index
        %parallel_loop3A_132 = tpu.vector_load %arg5[%parallel_loop3A_131] {strides = array<i32>} : memref<2688xf32, #tpu.memory_space<vmem>>, vector<16xf32>,
        %parallel_loop3A_133 = arith.constant 112 : i32
        %parallel_loop3A_134 = arith.addi %parallel_loop3A_104, %parallel_loop3A_133 : i32
        %parallel_loop3A_135 = arith.index_cast %parallel_loop3A_134 : i32 to index
        %parallel_loop3A_136 = tpu.vector_load %arg5[%parallel_loop3A_135] {strides = array<i32>} : memref<2688xf32, #tpu.memory_space<vmem>>, vector<16xf32>,
        %parallel_loop3A_137 = arith.constant 0 : i32
        %parallel_loop3A_138 = arith.addi %parallel_loop3A_100, %parallel_loop3A_137 : i32
        %parallel_loop3A_139 = arith.constant 0 : i32
        %parallel_loop3A_140 = arith.addi %parallel_loop3A_138, %parallel_loop3A_139 : i32
        %parallel_loop3A_141 = arith.index_cast %parallel_loop3A_140 : i32 to index
        %parallel_loop3A_142 = tpu.vector_load %arg7[%parallel_loop3A_141] {strides = array<i32>} : memref<51200xf32, #tpu.memory_space<vmem>>, vector<16xf32>,
        tpu.vector_store %arg7[%parallel_loop3A_141], %parallel_loop3A_108 {strides = array<i32>} : memref<51200xf32, #tpu.memory_space<vmem>>, vector<16xf32>,
        %parallel_loop3A_143 = arith.constant 0 : i32
        %parallel_loop3A_144 = arith.addi %parallel_loop3A_100, %parallel_loop3A_143 : i32
        %parallel_loop3A_145 = arith.constant 16 : i32
        %parallel_loop3A_146 = arith.addi %parallel_loop3A_144, %parallel_loop3A_145 : i32
        %parallel_loop3A_147 = arith.index_cast %parallel_loop3A_146 : i32 to index
        %parallel_loop3A_148 = tpu.vector_load %arg7[%parallel_loop3A_147] {strides = array<i32>} : memref<51200xf32, #tpu.memory_space<vmem>>, vector<16xf32>,
        tpu.vector_store %arg7[%parallel_loop3A_147], %parallel_loop3A_112 {strides = array<i32>} : memref<51200xf32, #tpu.memory_space<vmem>>, vector<16xf32>,
        %parallel_loop3A_149 = arith.constant 0 : i32
        %parallel_loop3A_150 = arith.addi %parallel_loop3A_100, %parallel_loop3A_149 : i32
        %parallel_loop3A_151 = arith.constant 32 : i32
        %parallel_loop3A_152 = arith.addi %parallel_loop3A_150, %parallel_loop3A_151 : i32
        %parallel_loop3A_153 = arith.index_cast %parallel_loop3A_152 : i32 to index
        %parallel_loop3A_154 = tpu.vector_load %arg7[%parallel_loop3A_153] {strides = array<i32>} : memref<51200xf32, #tpu.memory_space<vmem>>, vector<16xf32>,
        tpu.vector_store %arg7[%parallel_loop3A_153], %parallel_loop3A_116 {strides = array<i32>} : memref<51200xf32, #tpu.memory_space<vmem>>, vector<16xf32>,
        %parallel_loop3A_155 = arith.constant 0 : i32
        %parallel_loop3A_156 = arith.addi %parallel_loop3A_100, %parallel_loop3A_155 : i32
        %parallel_loop3A_157 = arith.constant 48 : i32
        %parallel_loop3A_158 = arith.addi %parallel_loop3A_156, %parallel_loop3A_157 : i32
        %parallel_loop3A_159 = arith.index_cast %parallel_loop3A_158 : i32 to index
        %parallel_loop3A_160 = tpu.vector_load %arg7[%parallel_loop3A_159] {strides = array<i32>} : memref<51200xf32, #tpu.memory_space<vmem>>, vector<16xf32>,
        tpu.vector_store %arg7[%parallel_loop3A_159], %parallel_loop3A_120 {strides = array<i32>} : memref<51200xf32, #tpu.memory_space<vmem>>, vector<16xf32>,
        %parallel_loop3A_161 = arith.constant 0 : i32
        %parallel_loop3A_162 = arith.addi %parallel_loop3A_100, %parallel_loop3A_161 : i32
        %parallel_loop3A_163 = arith.constant 64 : i32
        %parallel_loop3A_164 = arith.addi %parallel_loop3A_162, %parallel_loop3A_163 : i32
        %parallel_loop3A_165 = arith.index_cast %parallel_loop3A_164 : i32 to index
        %parallel_loop3A_166 = tpu.vector_load %arg7[%parallel_loop3A_165] {strides = array<i32>} : memref<51200xf32, #tpu.memory_space<vmem>>, vector<16xf32>,
        tpu.vector_store %arg7[%parallel_loop3A_165], %parallel_loop3A_124 {strides = array<i32>} : memref<51200xf32, #tpu.memory_space<vmem>>, vector<16xf32>,
        %parallel_loop3A_167 = arith.constant 0 : i32
        %parallel_loop3A_168 = arith.addi %parallel_loop3A_100, %parallel_loop3A_167 : i32
        %parallel_loop3A_169 = arith.constant 80 : i32
        %parallel_loop3A_170 = arith.addi %parallel_loop3A_168, %parallel_loop3A_169 : i32
        %parallel_loop3A_171 = arith.index_cast %parallel_loop3A_170 : i32 to index
        %parallel_loop3A_172 = tpu.vector_load %arg7[%parallel_loop3A_171] {strides = array<i32>} : memref<51200xf32, #tpu.memory_space<vmem>>, vector<16xf32>,
        tpu.vector_store %arg7[%parallel_loop3A_171], %parallel_loop3A_128 {strides = array<i32>} : memref<51200xf32, #tpu.memory_space<vmem>>, vector<16xf32>,
        %parallel_loop3A_173 = arith.constant 0 : i32
        %parallel_loop3A_174 = arith.addi %parallel_loop3A_100, %parallel_loop3A_173 : i32
        %parallel_loop3A_175 = arith.constant 96 : i32
        %parallel_loop3A_176 = arith.addi %parallel_loop3A_174, %parallel_loop3A_175 : i32
        %parallel_loop3A_177 = arith.index_cast %parallel_loop3A_176 : i32 to index
        %parallel_loop3A_178 = tpu.vector_load %arg7[%parallel_loop3A_177] {strides = array<i32>} : memref<51200xf32, #tpu.memory_space<vmem>>, vector<16xf32>,
        tpu.vector_store %arg7[%parallel_loop3A_177], %parallel_loop3A_132 {strides = array<i32>} : memref<51200xf32, #tpu.memory_space<vmem>>, vector<16xf32>,
        %parallel_loop3A_179 = arith.constant 0 : i32
        %parallel_loop3A_180 = arith.addi %parallel_loop3A_100, %parallel_loop3A_179 : i32
        %parallel_loop3A_181 = arith.constant 112 : i32
        %parallel_loop3A_182 = arith.addi %parallel_loop3A_180, %parallel_loop3A_181 : i32
        %parallel_loop3A_183 = arith.index_cast %parallel_loop3A_182 : i32 to index
        %parallel_loop3A_184 = tpu.vector_load %arg7[%parallel_loop3A_183] {strides = array<i32>} : memref<51200xf32, #tpu.memory_space<vmem>>, vector<16xf32>,
        tpu.vector_store %arg7[%parallel_loop3A_183], %parallel_loop3A_136 {strides = array<i32>} : memref<51200xf32, #tpu.memory_space<vmem>>, vector<16xf32>,
        %parallel_loop3A_185 = vector.extract_strided_slice %parallel_loop3A_96 {offsets = [1], sizes = [1], strides = [1]} : vector<16xi32> to vector<1xi32>
        %parallel_loop3A_186 = vector.extract %parallel_loop3A_185[0] : i32 from vector<1xi32>
        %parallel_loop3A_187 = arith.constant 128 : i32
        %parallel_loop3A_188 = arith.muli %parallel_loop3A_186, %parallel_loop3A_187 : i32
        %parallel_loop3A_189 = arith.constant 0 : i32
        %parallel_loop3A_190 = arith.addi %parallel_loop3A_188, %parallel_loop3A_189 : i32
        %parallel_loop3A_191 = arith.index_cast %parallel_loop3A_190 : i32 to index
        %parallel_loop3A_192 = tpu.vector_load %arg5[%parallel_loop3A_191] {strides = array<i32>} : memref<2688xf32, #tpu.memory_space<vmem>>, vector<16xf32>,
        %parallel_loop3A_193 = arith.constant 16 : i32
        %parallel_loop3A_194 = arith.addi %parallel_loop3A_188, %parallel_loop3A_193 : i32
        %parallel_loop3A_195 = arith.index_cast %parallel_loop3A_194 : i32 to index
        %parallel_loop3A_196 = tpu.vector_load %arg5[%parallel_loop3A_195] {strides = array<i32>} : memref<2688xf32, #tpu.memory_space<vmem>>, vector<16xf32>,
        %parallel_loop3A_197 = arith.constant 32 : i32
        %parallel_loop3A_198 = arith.addi %parallel_loop3A_188, %parallel_loop3A_197 : i32
        %parallel_loop3A_199 = arith.index_cast %parallel_loop3A_198 : i32 to index
        %parallel_loop3A_200 = tpu.vector_load %arg5[%parallel_loop3A_199] {strides = array<i32>} : memref<2688xf32, #tpu.memory_space<vmem>>, vector<16xf32>,
        %parallel_loop3A_201 = arith.constant 48 : i32
        %parallel_loop3A_202 = arith.addi %parallel_loop3A_188, %parallel_loop3A_201 : i32
        %parallel_loop3A_203 = arith.index_cast %parallel_loop3A_202 : i32 to index
        %parallel_loop3A_204 = tpu.vector_load %arg5[%parallel_loop3A_203] {strides = array<i32>} : memref<2688xf32, #tpu.memory_space<vmem>>, vector<16xf32>,
        %parallel_loop3A_205 = arith.constant 64 : i32
        %parallel_loop3A_206 = arith.addi %parallel_loop3A_188, %parallel_loop3A_205 : i32
        %parallel_loop3A_207 = arith.index_cast %parallel_loop3A_206 : i32 to index
        %parallel_loop3A_208 = tpu.vector_load %arg5[%parallel_loop3A_207] {strides = array<i32>} : memref<2688xf32, #tpu.memory_space<vmem>>, vector<16xf32>,
        %parallel_loop3A_209 = arith.constant 80 : i32
        %parallel_loop3A_210 = arith.addi %parallel_loop3A_188, %parallel_loop3A_209 : i32
        %parallel_loop3A_211 = arith.index_cast %parallel_loop3A_210 : i32 to index
        %parallel_loop3A_212 = tpu.vector_load %arg5[%parallel_loop3A_211] {strides = array<i32>} : memref<2688xf32, #tpu.memory_space<vmem>>, vector<16xf32>,
        %parallel_loop3A_213 = arith.constant 96 : i32
        %parallel_loop3A_214 = arith.addi %parallel_loop3A_188, %parallel_loop3A_213 : i32
        %parallel_loop3A_215 = arith.index_cast %parallel_loop3A_214 : i32 to index
        %parallel_loop3A_216 = tpu.vector_load %arg5[%parallel_loop3A_215] {strides = array<i32>} : memref<2688xf32, #tpu.memory_space<vmem>>, vector<16xf32>,
        %parallel_loop3A_217 = arith.constant 112 : i32
        %parallel_loop3A_218 = arith.addi %parallel_loop3A_188, %parallel_loop3A_217 : i32
        %parallel_loop3A_219 = arith.index_cast %parallel_loop3A_218 : i32 to index
        %parallel_loop3A_220 = tpu.vector_load %arg5[%parallel_loop3A_219] {strides = array<i32>} : memref<2688xf32, #tpu.memory_space<vmem>>, vector<16xf32>,
        %parallel_loop3A_221 = arith.constant 128 : i32
        %parallel_loop3A_222 = arith.addi %parallel_loop3A_100, %parallel_loop3A_221 : i32
        %parallel_loop3A_223 = arith.constant 0 : i32
        %parallel_loop3A_224 = arith.addi %parallel_loop3A_222, %parallel_loop3A_223 : i32
        %parallel_loop3A_225 = arith.index_cast %parallel_loop3A_224 : i32 to index
        %parallel_loop3A_226 = tpu.vector_load %arg7[%parallel_loop3A_225] {strides = array<i32>} : memref<51200xf32, #tpu.memory_space<vmem>>, vector<16xf32>,
        tpu.vector_store %arg7[%parallel_loop3A_225], %parallel_loop3A_192 {strides = array<i32>} : memref<51200xf32, #tpu.memory_space<vmem>>, vector<16xf32>,
        %parallel_loop3A_227 = arith.constant 128 : i32
        %parallel_loop3A_228 = arith.addi %parallel_loop3A_100, %parallel_loop3A_227 : i32
        %parallel_loop3A_229 = arith.constant 16 : i32
        %parallel_loop3A_230 = arith.addi %parallel_loop3A_228, %parallel_loop3A_229 : i32
        %parallel_loop3A_231 = arith.index_cast %parallel_loop3A_230 : i32 to index
        %parallel_loop3A_232 = tpu.vector_load %arg7[%parallel_loop3A_231] {strides = array<i32>} : memref<51200xf32, #tpu.memory_space<vmem>>, vector<16xf32>,
        tpu.vector_store %arg7[%parallel_loop3A_231], %parallel_loop3A_196 {strides = array<i32>} : memref<51200xf32, #tpu.memory_space<vmem>>, vector<16xf32>,
        %parallel_loop3A_233 = arith.constant 128 : i32
        %parallel_loop3A_234 = arith.addi %parallel_loop3A_100, %parallel_loop3A_233 : i32
        %parallel_loop3A_235 = arith.constant 32 : i32
        %parallel_loop3A_236 = arith.addi %parallel_loop3A_234, %parallel_loop3A_235 : i32
        %parallel_loop3A_237 = arith.index_cast %parallel_loop3A_236 : i32 to index
        %parallel_loop3A_238 = tpu.vector_load %arg7[%parallel_loop3A_237] {strides = array<i32>} : memref<51200xf32, #tpu.memory_space<vmem>>, vector<16xf32>,
        tpu.vector_store %arg7[%parallel_loop3A_237], %parallel_loop3A_200 {strides = array<i32>} : memref<51200xf32, #tpu.memory_space<vmem>>, vector<16xf32>,
        %parallel_loop3A_239 = arith.constant 128 : i32
        %parallel_loop3A_240 = arith.addi %parallel_loop3A_100, %parallel_loop3A_239 : i32
        %parallel_loop3A_241 = arith.constant 48 : i32
        %parallel_loop3A_242 = arith.addi %parallel_loop3A_240, %parallel_loop3A_241 : i32
        %parallel_loop3A_243 = arith.index_cast %parallel_loop3A_242 : i32 to index
        %parallel_loop3A_244 = tpu.vector_load %arg7[%parallel_loop3A_243] {strides = array<i32>} : memref<51200xf32, #tpu.memory_space<vmem>>, vector<16xf32>,
        tpu.vector_store %arg7[%parallel_loop3A_243], %parallel_loop3A_204 {strides = array<i32>} : memref<51200xf32, #tpu.memory_space<vmem>>, vector<16xf32>,
        %parallel_loop3A_245 = arith.constant 128 : i32
        %parallel_loop3A_246 = arith.addi %parallel_loop3A_100, %parallel_loop3A_245 : i32
        %parallel_loop3A_247 = arith.constant 64 : i32
        %parallel_loop3A_248 = arith.addi %parallel_loop3A_246, %parallel_loop3A_247 : i32
        %parallel_loop3A_249 = arith.index_cast %parallel_loop3A_248 : i32 to index
        %parallel_loop3A_250 = tpu.vector_load %arg7[%parallel_loop3A_249] {strides = array<i32>} : memref<51200xf32, #tpu.memory_space<vmem>>, vector<16xf32>,
        tpu.vector_store %arg7[%parallel_loop3A_249], %parallel_loop3A_208 {strides = array<i32>} : memref<51200xf32, #tpu.memory_space<vmem>>, vector<16xf32>,
        %parallel_loop3A_251 = arith.constant 128 : i32
        %parallel_loop3A_252 = arith.addi %parallel_loop3A_100, %parallel_loop3A_251 : i32
        %parallel_loop3A_253 = arith.constant 80 : i32
        %parallel_loop3A_254 = arith.addi %parallel_loop3A_252, %parallel_loop3A_253 : i32
        %parallel_loop3A_255 = arith.index_cast %parallel_loop3A_254 : i32 to index
        %parallel_loop3A_256 = tpu.vector_load %arg7[%parallel_loop3A_255] {strides = array<i32>} : memref<51200xf32, #tpu.memory_space<vmem>>, vector<16xf32>,
        tpu.vector_store %arg7[%parallel_loop3A_255], %parallel_loop3A_212 {strides = array<i32>} : memref<51200xf32, #tpu.memory_space<vmem>>, vector<16xf32>,
        %parallel_loop3A_257 = arith.constant 128 : i32
        %parallel_loop3A_258 = arith.addi %parallel_loop3A_100, %parallel_loop3A_257 : i32
        %parallel_loop3A_259 = arith.constant 96 : i32
        %parallel_loop3A_260 = arith.addi %parallel_loop3A_258, %parallel_loop3A_259 : i32
        %parallel_loop3A_261 = arith.index_cast %parallel_loop3A_260 : i32 to index
        %parallel_loop3A_262 = tpu.vector_load %arg7[%parallel_loop3A_261] {strides = array<i32>} : memref<51200xf32, #tpu.memory_space<vmem>>, vector<16xf32>,
        tpu.vector_store %arg7[%parallel_loop3A_261], %parallel_loop3A_216 {strides = array<i32>} : memref<51200xf32, #tpu.memory_space<vmem>>, vector<16xf32>,
        %parallel_loop3A_263 = arith.constant 128 : i32
        %parallel_loop3A_264 = arith.addi %parallel_loop3A_100, %parallel_loop3A_263 : i32
        %parallel_loop3A_265 = arith.constant 112 : i32
        %parallel_loop3A_266 = arith.addi %parallel_loop3A_264, %parallel_loop3A_265 : i32
        %parallel_loop3A_267 = arith.index_cast %parallel_loop3A_266 : i32 to index
        %parallel_loop3A_268 = tpu.vector_load %arg7[%parallel_loop3A_267] {strides = array<i32>} : memref<51200xf32, #tpu.memory_space<vmem>>, vector<16xf32>,
        tpu.vector_store %arg7[%parallel_loop3A_267], %parallel_loop3A_220 {strides = array<i32>} : memref<51200xf32, #tpu.memory_space<vmem>>, vector<16xf32>,
        %parallel_loop3A_269 = vector.extract_strided_slice %parallel_loop3A_96 {offsets = [2], sizes = [1], strides = [1]} : vector<16xi32> to vector<1xi32>
        %parallel_loop3A_270 = vector.extract %parallel_loop3A_269[0] : i32 from vector<1xi32>
        %parallel_loop3A_271 = arith.constant 128 : i32
        %parallel_loop3A_272 = arith.muli %parallel_loop3A_270, %parallel_loop3A_271 : i32
        %parallel_loop3A_273 = arith.constant 0 : i32
        %parallel_loop3A_274 = arith.addi %parallel_loop3A_272, %parallel_loop3A_273 : i32
        %parallel_loop3A_275 = arith.index_cast %parallel_loop3A_274 : i32 to index
        %parallel_loop3A_276 = tpu.vector_load %arg5[%parallel_loop3A_275] {strides = array<i32>} : memref<2688xf32, #tpu.memory_space<vmem>>, vector<16xf32>,
        %parallel_loop3A_277 = arith.constant 16 : i32
        %parallel_loop3A_278 = arith.addi %parallel_loop3A_272, %parallel_loop3A_277 : i32
        %parallel_loop3A_279 = arith.index_cast %parallel_loop3A_278 : i32 to index
        %parallel_loop3A_280 = tpu.vector_load %arg5[%parallel_loop3A_279] {strides = array<i32>} : memref<2688xf32, #tpu.memory_space<vmem>>, vector<16xf32>,
        %parallel_loop3A_281 = arith.constant 32 : i32
        %parallel_loop3A_282 = arith.addi %parallel_loop3A_272, %parallel_loop3A_281 : i32
        %parallel_loop3A_283 = arith.index_cast %parallel_loop3A_282 : i32 to index
        %parallel_loop3A_284 = tpu.vector_load %arg5[%parallel_loop3A_283] {strides = array<i32>} : memref<2688xf32, #tpu.memory_space<vmem>>, vector<16xf32>,
        %parallel_loop3A_285 = arith.constant 48 : i32
        %parallel_loop3A_286 = arith.addi %parallel_loop3A_272, %parallel_loop3A_285 : i32
        %parallel_loop3A_287 = arith.index_cast %parallel_loop3A_286 : i32 to index
        %parallel_loop3A_288 = tpu.vector_load %arg5[%parallel_loop3A_287] {strides = array<i32>} : memref<2688xf32, #tpu.memory_space<vmem>>, vector<16xf32>,
        %parallel_loop3A_289 = arith.constant 64 : i32
        %parallel_loop3A_290 = arith.addi %parallel_loop3A_272, %parallel_loop3A_289 : i32
        %parallel_loop3A_291 = arith.index_cast %parallel_loop3A_290 : i32 to index
        %parallel_loop3A_292 = tpu.vector_load %arg5[%parallel_loop3A_291] {strides = array<i32>} : memref<2688xf32, #tpu.memory_space<vmem>>, vector<16xf32>,
        %parallel_loop3A_293 = arith.constant 80 : i32
        %parallel_loop3A_294 = arith.addi %parallel_loop3A_272, %parallel_loop3A_293 : i32
        %parallel_loop3A_295 = arith.index_cast %parallel_loop3A_294 : i32 to index
        %parallel_loop3A_296 = tpu.vector_load %arg5[%parallel_loop3A_295] {strides = array<i32>} : memref<2688xf32, #tpu.memory_space<vmem>>, vector<16xf32>,
        %parallel_loop3A_297 = arith.constant 96 : i32
        %parallel_loop3A_298 = arith.addi %parallel_loop3A_272, %parallel_loop3A_297 : i32
        %parallel_loop3A_299 = arith.index_cast %parallel_loop3A_298 : i32 to index
        %parallel_loop3A_300 = tpu.vector_load %arg5[%parallel_loop3A_299] {strides = array<i32>} : memref<2688xf32, #tpu.memory_space<vmem>>, vector<16xf32>,
        %parallel_loop3A_301 = arith.constant 112 : i32
        %parallel_loop3A_302 = arith.addi %parallel_loop3A_272, %parallel_loop3A_301 : i32
        %parallel_loop3A_303 = arith.index_cast %parallel_loop3A_302 : i32 to index
        %parallel_loop3A_304 = tpu.vector_load %arg5[%parallel_loop3A_303] {strides = array<i32>} : memref<2688xf32, #tpu.memory_space<vmem>>, vector<16xf32>,
        %parallel_loop3A_305 = arith.constant 256 : i32
        %parallel_loop3A_306 = arith.addi %parallel_loop3A_100, %parallel_loop3A_305 : i32
        %parallel_loop3A_307 = arith.constant 0 : i32
        %parallel_loop3A_308 = arith.addi %parallel_loop3A_306, %parallel_loop3A_307 : i32
        %parallel_loop3A_309 = arith.index_cast %parallel_loop3A_308 : i32 to index
        %parallel_loop3A_310 = tpu.vector_load %arg7[%parallel_loop3A_309] {strides = array<i32>} : memref<51200xf32, #tpu.memory_space<vmem>>, vector<16xf32>,
        tpu.vector_store %arg7[%parallel_loop3A_309], %parallel_loop3A_276 {strides = array<i32>} : memref<51200xf32, #tpu.memory_space<vmem>>, vector<16xf32>,
        %parallel_loop3A_311 = arith.constant 256 : i32
        %parallel_loop3A_312 = arith.addi %parallel_loop3A_100, %parallel_loop3A_311 : i32
        %parallel_loop3A_313 = arith.constant 16 : i32
        %parallel_loop3A_314 = arith.addi %parallel_loop3A_312, %parallel_loop3A_313 : i32
        %parallel_loop3A_315 = arith.index_cast %parallel_loop3A_314 : i32 to index
        %parallel_loop3A_316 = tpu.vector_load %arg7[%parallel_loop3A_315] {strides = array<i32>} : memref<51200xf32, #tpu.memory_space<vmem>>, vector<16xf32>,
        tpu.vector_store %arg7[%parallel_loop3A_315], %parallel_loop3A_280 {strides = array<i32>} : memref<51200xf32, #tpu.memory_space<vmem>>, vector<16xf32>,
        %parallel_loop3A_317 = arith.constant 256 : i32
        %parallel_loop3A_318 = arith.addi %parallel_loop3A_100, %parallel_loop3A_317 : i32
        %parallel_loop3A_319 = arith.constant 32 : i32
        %parallel_loop3A_320 = arith.addi %parallel_loop3A_318, %parallel_loop3A_319 : i32
        %parallel_loop3A_321 = arith.index_cast %parallel_loop3A_320 : i32 to index
        %parallel_loop3A_322 = tpu.vector_load %arg7[%parallel_loop3A_321] {strides = array<i32>} : memref<51200xf32, #tpu.memory_space<vmem>>, vector<16xf32>,
        tpu.vector_store %arg7[%parallel_loop3A_321], %parallel_loop3A_284 {strides = array<i32>} : memref<51200xf32, #tpu.memory_space<vmem>>, vector<16xf32>,
        %parallel_loop3A_323 = arith.constant 256 : i32
        %parallel_loop3A_324 = arith.addi %parallel_loop3A_100, %parallel_loop3A_323 : i32
        %parallel_loop3A_325 = arith.constant 48 : i32
        %parallel_loop3A_326 = arith.addi %parallel_loop3A_324, %parallel_loop3A_325 : i32
        %parallel_loop3A_327 = arith.index_cast %parallel_loop3A_326 : i32 to index
        %parallel_loop3A_328 = tpu.vector_load %arg7[%parallel_loop3A_327] {strides = array<i32>} : memref<51200xf32, #tpu.memory_space<vmem>>, vector<16xf32>,
        tpu.vector_store %arg7[%parallel_loop3A_327], %parallel_loop3A_288 {strides = array<i32>} : memref<51200xf32, #tpu.memory_space<vmem>>, vector<16xf32>,
        %parallel_loop3A_329 = arith.constant 256 : i32
        %parallel_loop3A_330 = arith.addi %parallel_loop3A_100, %parallel_loop3A_329 : i32
        %parallel_loop3A_331 = arith.constant 64 : i32
        %parallel_loop3A_332 = arith.addi %parallel_loop3A_330, %parallel_loop3A_331 : i32
        %parallel_loop3A_333 = arith.index_cast %parallel_loop3A_332 : i32 to index
        %parallel_loop3A_334 = tpu.vector_load %arg7[%parallel_loop3A_333] {strides = array<i32>} : memref<51200xf32, #tpu.memory_space<vmem>>, vector<16xf32>,
        tpu.vector_store %arg7[%parallel_loop3A_333], %parallel_loop3A_292 {strides = array<i32>} : memref<51200xf32, #tpu.memory_space<vmem>>, vector<16xf32>,
        %parallel_loop3A_335 = arith.constant 256 : i32
        %parallel_loop3A_336 = arith.addi %parallel_loop3A_100, %parallel_loop3A_335 : i32
        %parallel_loop3A_337 = arith.constant 80 : i32
        %parallel_loop3A_338 = arith.addi %parallel_loop3A_336, %parallel_loop3A_337 : i32
        %parallel_loop3A_339 = arith.index_cast %parallel_loop3A_338 : i32 to index
        %parallel_loop3A_340 = tpu.vector_load %arg7[%parallel_loop3A_339] {strides = array<i32>} : memref<51200xf32, #tpu.memory_space<vmem>>, vector<16xf32>,
        tpu.vector_store %arg7[%parallel_loop3A_339], %parallel_loop3A_296 {strides = array<i32>} : memref<51200xf32, #tpu.memory_space<vmem>>, vector<16xf32>,
        %parallel_loop3A_341 = arith.constant 256 : i32
        %parallel_loop3A_342 = arith.addi %parallel_loop3A_100, %parallel_loop3A_341 : i32
        %parallel_loop3A_343 = arith.constant 96 : i32
        %parallel_loop3A_344 = arith.addi %parallel_loop3A_342, %parallel_loop3A_343 : i32
        %parallel_loop3A_345 = arith.index_cast %parallel_loop3A_344 : i32 to index
        %parallel_loop3A_346 = tpu.vector_load %arg7[%parallel_loop3A_345] {strides = array<i32>} : memref<51200xf32, #tpu.memory_space<vmem>>, vector<16xf32>,
        tpu.vector_store %arg7[%parallel_loop3A_345], %parallel_loop3A_300 {strides = array<i32>} : memref<51200xf32, #tpu.memory_space<vmem>>, vector<16xf32>,
        %parallel_loop3A_347 = arith.constant 256 : i32
        %parallel_loop3A_348 = arith.addi %parallel_loop3A_100, %parallel_loop3A_347 : i32
        %parallel_loop3A_349 = arith.constant 112 : i32
        %parallel_loop3A_350 = arith.addi %parallel_loop3A_348, %parallel_loop3A_349 : i32
        %parallel_loop3A_351 = arith.index_cast %parallel_loop3A_350 : i32 to index
        %parallel_loop3A_352 = tpu.vector_load %arg7[%parallel_loop3A_351] {strides = array<i32>} : memref<51200xf32, #tpu.memory_space<vmem>>, vector<16xf32>,
        tpu.vector_store %arg7[%parallel_loop3A_351], %parallel_loop3A_304 {strides = array<i32>} : memref<51200xf32, #tpu.memory_space<vmem>>, vector<16xf32>,
        %parallel_loop3A_353 = vector.extract_strided_slice %parallel_loop3A_96 {offsets = [3], sizes = [1], strides = [1]} : vector<16xi32> to vector<1xi32>
        %parallel_loop3A_354 = vector.extract %parallel_loop3A_353[0] : i32 from vector<1xi32>
        %parallel_loop3A_355 = arith.constant 128 : i32
        %parallel_loop3A_356 = arith.muli %parallel_loop3A_354, %parallel_loop3A_355 : i32
        %parallel_loop3A_357 = arith.constant 0 : i32
        %parallel_loop3A_358 = arith.addi %parallel_loop3A_356, %parallel_loop3A_357 : i32
        %parallel_loop3A_359 = arith.index_cast %parallel_loop3A_358 : i32 to index
        %parallel_loop3A_360 = tpu.vector_load %arg5[%parallel_loop3A_359] {strides = array<i32>} : memref<2688xf32, #tpu.memory_space<vmem>>, vector<16xf32>,
        %parallel_loop3A_361 = arith.constant 16 : i32
        %parallel_loop3A_362 = arith.addi %parallel_loop3A_356, %parallel_loop3A_361 : i32
        %parallel_loop3A_363 = arith.index_cast %parallel_loop3A_362 : i32 to index
        %parallel_loop3A_364 = tpu.vector_load %arg5[%parallel_loop3A_363] {strides = array<i32>} : memref<2688xf32, #tpu.memory_space<vmem>>, vector<16xf32>,
        %parallel_loop3A_365 = arith.constant 32 : i32
        %parallel_loop3A_366 = arith.addi %parallel_loop3A_356, %parallel_loop3A_365 : i32
        %parallel_loop3A_367 = arith.index_cast %parallel_loop3A_366 : i32 to index
        %parallel_loop3A_368 = tpu.vector_load %arg5[%parallel_loop3A_367] {strides = array<i32>} : memref<2688xf32, #tpu.memory_space<vmem>>, vector<16xf32>,
        %parallel_loop3A_369 = arith.constant 48 : i32
        %parallel_loop3A_370 = arith.addi %parallel_loop3A_356, %parallel_loop3A_369 : i32
        %parallel_loop3A_371 = arith.index_cast %parallel_loop3A_370 : i32 to index
        %parallel_loop3A_372 = tpu.vector_load %arg5[%parallel_loop3A_371] {strides = array<i32>} : memref<2688xf32, #tpu.memory_space<vmem>>, vector<16xf32>,
        %parallel_loop3A_373 = arith.constant 64 : i32
        %parallel_loop3A_374 = arith.addi %parallel_loop3A_356, %parallel_loop3A_373 : i32
        %parallel_loop3A_375 = arith.index_cast %parallel_loop3A_374 : i32 to index
        %parallel_loop3A_376 = tpu.vector_load %arg5[%parallel_loop3A_375] {strides = array<i32>} : memref<2688xf32, #tpu.memory_space<vmem>>, vector<16xf32>,
        %parallel_loop3A_377 = arith.constant 80 : i32
        %parallel_loop3A_378 = arith.addi %parallel_loop3A_356, %parallel_loop3A_377 : i32
        %parallel_loop3A_379 = arith.index_cast %parallel_loop3A_378 : i32 to index
        %parallel_loop3A_380 = tpu.vector_load %arg5[%parallel_loop3A_379] {strides = array<i32>} : memref<2688xf32, #tpu.memory_space<vmem>>, vector<16xf32>,
        %parallel_loop3A_381 = arith.constant 96 : i32
        %parallel_loop3A_382 = arith.addi %parallel_loop3A_356, %parallel_loop3A_381 : i32
        %parallel_loop3A_383 = arith.index_cast %parallel_loop3A_382 : i32 to index
        %parallel_loop3A_384 = tpu.vector_load %arg5[%parallel_loop3A_383] {strides = array<i32>} : memref<2688xf32, #tpu.memory_space<vmem>>, vector<16xf32>,
        %parallel_loop3A_385 = arith.constant 112 : i32
        %parallel_loop3A_386 = arith.addi %parallel_loop3A_356, %parallel_loop3A_385 : i32
        %parallel_loop3A_387 = arith.index_cast %parallel_loop3A_386 : i32 to index
        %parallel_loop3A_388 = tpu.vector_load %arg5[%parallel_loop3A_387] {strides = array<i32>} : memref<2688xf32, #tpu.memory_space<vmem>>, vector<16xf32>,
        %parallel_loop3A_389 = arith.constant 384 : i32
        %parallel_loop3A_390 = arith.addi %parallel_loop3A_100, %parallel_loop3A_389 : i32
        %parallel_loop3A_391 = arith.constant 0 : i32
        %parallel_loop3A_392 = arith.addi %parallel_loop3A_390, %parallel_loop3A_391 : i32
        %parallel_loop3A_393 = arith.index_cast %parallel_loop3A_392 : i32 to index
        %parallel_loop3A_394 = tpu.vector_load %arg7[%parallel_loop3A_393] {strides = array<i32>} : memref<51200xf32, #tpu.memory_space<vmem>>, vector<16xf32>,
        tpu.vector_store %arg7[%parallel_loop3A_393], %parallel_loop3A_360 {strides = array<i32>} : memref<51200xf32, #tpu.memory_space<vmem>>, vector<16xf32>,
        %parallel_loop3A_395 = arith.constant 384 : i32
        %parallel_loop3A_396 = arith.addi %parallel_loop3A_100, %parallel_loop3A_395 : i32
        %parallel_loop3A_397 = arith.constant 16 : i32
        %parallel_loop3A_398 = arith.addi %parallel_loop3A_396, %parallel_loop3A_397 : i32
        %parallel_loop3A_399 = arith.index_cast %parallel_loop3A_398 : i32 to index
        %parallel_loop3A_400 = tpu.vector_load %arg7[%parallel_loop3A_399] {strides = array<i32>} : memref<51200xf32, #tpu.memory_space<vmem>>, vector<16xf32>,
        tpu.vector_store %arg7[%parallel_loop3A_399], %parallel_loop3A_364 {strides = array<i32>} : memref<51200xf32, #tpu.memory_space<vmem>>, vector<16xf32>,
        %parallel_loop3A_401 = arith.constant 384 : i32
        %parallel_loop3A_402 = arith.addi %parallel_loop3A_100, %parallel_loop3A_401 : i32
        %parallel_loop3A_403 = arith.constant 32 : i32
        %parallel_loop3A_404 = arith.addi %parallel_loop3A_402, %parallel_loop3A_403 : i32
        %parallel_loop3A_405 = arith.index_cast %parallel_loop3A_404 : i32 to index
        %parallel_loop3A_406 = tpu.vector_load %arg7[%parallel_loop3A_405] {strides = array<i32>} : memref<51200xf32, #tpu.memory_space<vmem>>, vector<16xf32>,
        tpu.vector_store %arg7[%parallel_loop3A_405], %parallel_loop3A_368 {strides = array<i32>} : memref<51200xf32, #tpu.memory_space<vmem>>, vector<16xf32>,
        %parallel_loop3A_407 = arith.constant 384 : i32
        %parallel_loop3A_408 = arith.addi %parallel_loop3A_100, %parallel_loop3A_407 : i32
        %parallel_loop3A_409 = arith.constant 48 : i32
        %parallel_loop3A_410 = arith.addi %parallel_loop3A_408, %parallel_loop3A_409 : i32
        %parallel_loop3A_411 = arith.index_cast %parallel_loop3A_410 : i32 to index
        %parallel_loop3A_412 = tpu.vector_load %arg7[%parallel_loop3A_411] {strides = array<i32>} : memref<51200xf32, #tpu.memory_space<vmem>>, vector<16xf32>,
        tpu.vector_store %arg7[%parallel_loop3A_411], %parallel_loop3A_372 {strides = array<i32>} : memref<51200xf32, #tpu.memory_space<vmem>>, vector<16xf32>,
        %parallel_loop3A_413 = arith.constant 384 : i32
        %parallel_loop3A_414 = arith.addi %parallel_loop3A_100, %parallel_loop3A_413 : i32
        %parallel_loop3A_415 = arith.constant 64 : i32
        %parallel_loop3A_416 = arith.addi %parallel_loop3A_414, %parallel_loop3A_415 : i32
        %parallel_loop3A_417 = arith.index_cast %parallel_loop3A_416 : i32 to index
        %parallel_loop3A_418 = tpu.vector_load %arg7[%parallel_loop3A_417] {strides = array<i32>} : memref<51200xf32, #tpu.memory_space<vmem>>, vector<16xf32>,
        tpu.vector_store %arg7[%parallel_loop3A_417], %parallel_loop3A_376 {strides = array<i32>} : memref<51200xf32, #tpu.memory_space<vmem>>, vector<16xf32>,
        %parallel_loop3A_419 = arith.constant 384 : i32
        %parallel_loop3A_420 = arith.addi %parallel_loop3A_100, %parallel_loop3A_419 : i32
        %parallel_loop3A_421 = arith.constant 80 : i32
        %parallel_loop3A_422 = arith.addi %parallel_loop3A_420, %parallel_loop3A_421 : i32
        %parallel_loop3A_423 = arith.index_cast %parallel_loop3A_422 : i32 to index
        %parallel_loop3A_424 = tpu.vector_load %arg7[%parallel_loop3A_423] {strides = array<i32>} : memref<51200xf32, #tpu.memory_space<vmem>>, vector<16xf32>,
        tpu.vector_store %arg7[%parallel_loop3A_423], %parallel_loop3A_380 {strides = array<i32>} : memref<51200xf32, #tpu.memory_space<vmem>>, vector<16xf32>,
        %parallel_loop3A_425 = arith.constant 384 : i32
        %parallel_loop3A_426 = arith.addi %parallel_loop3A_100, %parallel_loop3A_425 : i32
        %parallel_loop3A_427 = arith.constant 96 : i32
        %parallel_loop3A_428 = arith.addi %parallel_loop3A_426, %parallel_loop3A_427 : i32
        %parallel_loop3A_429 = arith.index_cast %parallel_loop3A_428 : i32 to index
        %parallel_loop3A_430 = tpu.vector_load %arg7[%parallel_loop3A_429] {strides = array<i32>} : memref<51200xf32, #tpu.memory_space<vmem>>, vector<16xf32>,
        tpu.vector_store %arg7[%parallel_loop3A_429], %parallel_loop3A_384 {strides = array<i32>} : memref<51200xf32, #tpu.memory_space<vmem>>, vector<16xf32>,
        %parallel_loop3A_431 = arith.constant 384 : i32
        %parallel_loop3A_432 = arith.addi %parallel_loop3A_100, %parallel_loop3A_431 : i32
        %parallel_loop3A_433 = arith.constant 112 : i32
        %parallel_loop3A_434 = arith.addi %parallel_loop3A_432, %parallel_loop3A_433 : i32
        %parallel_loop3A_435 = arith.index_cast %parallel_loop3A_434 : i32 to index
        %parallel_loop3A_436 = tpu.vector_load %arg7[%parallel_loop3A_435] {strides = array<i32>} : memref<51200xf32, #tpu.memory_space<vmem>>, vector<16xf32>,
        tpu.vector_store %arg7[%parallel_loop3A_435], %parallel_loop3A_388 {strides = array<i32>} : memref<51200xf32, #tpu.memory_space<vmem>>, vector<16xf32>,
        %parallel_loop3A_437 = vector.extract_strided_slice %parallel_loop3A_96 {offsets = [4], sizes = [1], strides = [1]} : vector<16xi32> to vector<1xi32>
        %parallel_loop3A_438 = vector.extract %parallel_loop3A_437[0] : i32 from vector<1xi32>
        %parallel_loop3A_439 = arith.constant 128 : i32
        %parallel_loop3A_440 = arith.muli %parallel_loop3A_438, %parallel_loop3A_439 : i32
        %parallel_loop3A_441 = arith.constant 0 : i32
        %parallel_loop3A_442 = arith.addi %parallel_loop3A_440, %parallel_loop3A_441 : i32
        %parallel_loop3A_443 = arith.index_cast %parallel_loop3A_442 : i32 to index
        %parallel_loop3A_444 = tpu.vector_load %arg5[%parallel_loop3A_443] {strides = array<i32>} : memref<2688xf32, #tpu.memory_space<vmem>>, vector<16xf32>,
        %parallel_loop3A_445 = arith.constant 16 : i32
        %parallel_loop3A_446 = arith.addi %parallel_loop3A_440, %parallel_loop3A_445 : i32
        %parallel_loop3A_447 = arith.index_cast %parallel_loop3A_446 : i32 to index
        %parallel_loop3A_448 = tpu.vector_load %arg5[%parallel_loop3A_447] {strides = array<i32>} : memref<2688xf32, #tpu.memory_space<vmem>>, vector<16xf32>,
        %parallel_loop3A_449 = arith.constant 32 : i32
        %parallel_loop3A_450 = arith.addi %parallel_loop3A_440, %parallel_loop3A_449 : i32
        %parallel_loop3A_451 = arith.index_cast %parallel_loop3A_450 : i32 to index
        %parallel_loop3A_452 = tpu.vector_load %arg5[%parallel_loop3A_451] {strides = array<i32>} : memref<2688xf32, #tpu.memory_space<vmem>>, vector<16xf32>,
        %parallel_loop3A_453 = arith.constant 48 : i32
        %parallel_loop3A_454 = arith.addi %parallel_loop3A_440, %parallel_loop3A_453 : i32
        %parallel_loop3A_455 = arith.index_cast %parallel_loop3A_454 : i32 to index
        %parallel_loop3A_456 = tpu.vector_load %arg5[%parallel_loop3A_455] {strides = array<i32>} : memref<2688xf32, #tpu.memory_space<vmem>>, vector<16xf32>,
        %parallel_loop3A_457 = arith.constant 64 : i32
        %parallel_loop3A_458 = arith.addi %parallel_loop3A_440, %parallel_loop3A_457 : i32
        %parallel_loop3A_459 = arith.index_cast %parallel_loop3A_458 : i32 to index
        %parallel_loop3A_460 = tpu.vector_load %arg5[%parallel_loop3A_459] {strides = array<i32>} : memref<2688xf32, #tpu.memory_space<vmem>>, vector<16xf32>,
        %parallel_loop3A_461 = arith.constant 80 : i32
        %parallel_loop3A_462 = arith.addi %parallel_loop3A_440, %parallel_loop3A_461 : i32
        %parallel_loop3A_463 = arith.index_cast %parallel_loop3A_462 : i32 to index
        %parallel_loop3A_464 = tpu.vector_load %arg5[%parallel_loop3A_463] {strides = array<i32>} : memref<2688xf32, #tpu.memory_space<vmem>>, vector<16xf32>,
        %parallel_loop3A_465 = arith.constant 96 : i32
        %parallel_loop3A_466 = arith.addi %parallel_loop3A_440, %parallel_loop3A_465 : i32
        %parallel_loop3A_467 = arith.index_cast %parallel_loop3A_466 : i32 to index
        %parallel_loop3A_468 = tpu.vector_load %arg5[%parallel_loop3A_467] {strides = array<i32>} : memref<2688xf32, #tpu.memory_space<vmem>>, vector<16xf32>,
        %parallel_loop3A_469 = arith.constant 112 : i32
        %parallel_loop3A_470 = arith.addi %parallel_loop3A_440, %parallel_loop3A_469 : i32
        %parallel_loop3A_471 = arith.index_cast %parallel_loop3A_470 : i32 to index
        %parallel_loop3A_472 = tpu.vector_load %arg5[%parallel_loop3A_471] {strides = array<i32>} : memref<2688xf32, #tpu.memory_space<vmem>>, vector<16xf32>,
        %parallel_loop3A_473 = arith.constant 512 : i32
        %parallel_loop3A_474 = arith.addi %parallel_loop3A_100, %parallel_loop3A_473 : i32
        %parallel_loop3A_475 = arith.constant 0 : i32
        %parallel_loop3A_476 = arith.addi %parallel_loop3A_474, %parallel_loop3A_475 : i32
        %parallel_loop3A_477 = arith.index_cast %parallel_loop3A_476 : i32 to index
        %parallel_loop3A_478 = tpu.vector_load %arg7[%parallel_loop3A_477] {strides = array<i32>} : memref<51200xf32, #tpu.memory_space<vmem>>, vector<16xf32>,
        tpu.vector_store %arg7[%parallel_loop3A_477], %parallel_loop3A_444 {strides = array<i32>} : memref<51200xf32, #tpu.memory_space<vmem>>, vector<16xf32>,
        %parallel_loop3A_479 = arith.constant 512 : i32
        %parallel_loop3A_480 = arith.addi %parallel_loop3A_100, %parallel_loop3A_479 : i32
        %parallel_loop3A_481 = arith.constant 16 : i32
        %parallel_loop3A_482 = arith.addi %parallel_loop3A_480, %parallel_loop3A_481 : i32
        %parallel_loop3A_483 = arith.index_cast %parallel_loop3A_482 : i32 to index
        %parallel_loop3A_484 = tpu.vector_load %arg7[%parallel_loop3A_483] {strides = array<i32>} : memref<51200xf32, #tpu.memory_space<vmem>>, vector<16xf32>,
        tpu.vector_store %arg7[%parallel_loop3A_483], %parallel_loop3A_448 {strides = array<i32>} : memref<51200xf32, #tpu.memory_space<vmem>>, vector<16xf32>,
        %parallel_loop3A_485 = arith.constant 512 : i32
        %parallel_loop3A_486 = arith.addi %parallel_loop3A_100, %parallel_loop3A_485 : i32
        %parallel_loop3A_487 = arith.constant 32 : i32
        %parallel_loop3A_488 = arith.addi %parallel_loop3A_486, %parallel_loop3A_487 : i32
        %parallel_loop3A_489 = arith.index_cast %parallel_loop3A_488 : i32 to index
        %parallel_loop3A_490 = tpu.vector_load %arg7[%parallel_loop3A_489] {strides = array<i32>} : memref<51200xf32, #tpu.memory_space<vmem>>, vector<16xf32>,
        tpu.vector_store %arg7[%parallel_loop3A_489], %parallel_loop3A_452 {strides = array<i32>} : memref<51200xf32, #tpu.memory_space<vmem>>, vector<16xf32>,
        %parallel_loop3A_491 = arith.constant 512 : i32
        %parallel_loop3A_492 = arith.addi %parallel_loop3A_100, %parallel_loop3A_491 : i32
        %parallel_loop3A_493 = arith.constant 48 : i32
        %parallel_loop3A_494 = arith.addi %parallel_loop3A_492, %parallel_loop3A_493 : i32
        %parallel_loop3A_495 = arith.index_cast %parallel_loop3A_494 : i32 to index
        %parallel_loop3A_496 = tpu.vector_load %arg7[%parallel_loop3A_495] {strides = array<i32>} : memref<51200xf32, #tpu.memory_space<vmem>>, vector<16xf32>,
        tpu.vector_store %arg7[%parallel_loop3A_495], %parallel_loop3A_456 {strides = array<i32>} : memref<51200xf32, #tpu.memory_space<vmem>>, vector<16xf32>,
        %parallel_loop3A_497 = arith.constant 512 : i32
        %parallel_loop3A_498 = arith.addi %parallel_loop3A_100, %parallel_loop3A_497 : i32
        %parallel_loop3A_499 = arith.constant 64 : i32
        %parallel_loop3A_500 = arith.addi %parallel_loop3A_498, %parallel_loop3A_499 : i32
        %parallel_loop3A_501 = arith.index_cast %parallel_loop3A_500 : i32 to index
        %parallel_loop3A_502 = tpu.vector_load %arg7[%parallel_loop3A_501] {strides = array<i32>} : memref<51200xf32, #tpu.memory_space<vmem>>, vector<16xf32>,
        tpu.vector_store %arg7[%parallel_loop3A_501], %parallel_loop3A_460 {strides = array<i32>} : memref<51200xf32, #tpu.memory_space<vmem>>, vector<16xf32>,
        %parallel_loop3A_503 = arith.constant 512 : i32
        %parallel_loop3A_504 = arith.addi %parallel_loop3A_100, %parallel_loop3A_503 : i32
        %parallel_loop3A_505 = arith.constant 80 : i32
        %parallel_loop3A_506 = arith.addi %parallel_loop3A_504, %parallel_loop3A_505 : i32
        %parallel_loop3A_507 = arith.index_cast %parallel_loop3A_506 : i32 to index
        %parallel_loop3A_508 = tpu.vector_load %arg7[%parallel_loop3A_507] {strides = array<i32>} : memref<51200xf32, #tpu.memory_space<vmem>>, vector<16xf32>,
        tpu.vector_store %arg7[%parallel_loop3A_507], %parallel_loop3A_464 {strides = array<i32>} : memref<51200xf32, #tpu.memory_space<vmem>>, vector<16xf32>,
        %parallel_loop3A_509 = arith.constant 512 : i32
        %parallel_loop3A_510 = arith.addi %parallel_loop3A_100, %parallel_loop3A_509 : i32
        %parallel_loop3A_511 = arith.constant 96 : i32
        %parallel_loop3A_512 = arith.addi %parallel_loop3A_510, %parallel_loop3A_511 : i32
        %parallel_loop3A_513 = arith.index_cast %parallel_loop3A_512 : i32 to index
        %parallel_loop3A_514 = tpu.vector_load %arg7[%parallel_loop3A_513] {strides = array<i32>} : memref<51200xf32, #tpu.memory_space<vmem>>, vector<16xf32>,
        tpu.vector_store %arg7[%parallel_loop3A_513], %parallel_loop3A_468 {strides = array<i32>} : memref<51200xf32, #tpu.memory_space<vmem>>, vector<16xf32>,
        %parallel_loop3A_515 = arith.constant 512 : i32
        %parallel_loop3A_516 = arith.addi %parallel_loop3A_100, %parallel_loop3A_515 : i32
        %parallel_loop3A_517 = arith.constant 112 : i32
        %parallel_loop3A_518 = arith.addi %parallel_loop3A_516, %parallel_loop3A_517 : i32
        %parallel_loop3A_519 = arith.index_cast %parallel_loop3A_518 : i32 to index
        %parallel_loop3A_520 = tpu.vector_load %arg7[%parallel_loop3A_519] {strides = array<i32>} : memref<51200xf32, #tpu.memory_space<vmem>>, vector<16xf32>,
        tpu.vector_store %arg7[%parallel_loop3A_519], %parallel_loop3A_472 {strides = array<i32>} : memref<51200xf32, #tpu.memory_space<vmem>>, vector<16xf32>,
        %parallel_loop3A_521 = vector.extract_strided_slice %parallel_loop3A_96 {offsets = [5], sizes = [1], strides = [1]} : vector<16xi32> to vector<1xi32>
        %parallel_loop3A_522 = vector.extract %parallel_loop3A_521[0] : i32 from vector<1xi32>
        %parallel_loop3A_523 = arith.constant 128 : i32
        %parallel_loop3A_524 = arith.muli %parallel_loop3A_522, %parallel_loop3A_523 : i32
        %parallel_loop3A_525 = arith.constant 0 : i32
        %parallel_loop3A_526 = arith.addi %parallel_loop3A_524, %parallel_loop3A_525 : i32
        %parallel_loop3A_527 = arith.index_cast %parallel_loop3A_526 : i32 to index
        %parallel_loop3A_528 = tpu.vector_load %arg5[%parallel_loop3A_527] {strides = array<i32>} : memref<2688xf32, #tpu.memory_space<vmem>>, vector<16xf32>,
        %parallel_loop3A_529 = arith.constant 16 : i32
        %parallel_loop3A_530 = arith.addi %parallel_loop3A_524, %parallel_loop3A_529 : i32
        %parallel_loop3A_531 = arith.index_cast %parallel_loop3A_530 : i32 to index
        %parallel_loop3A_532 = tpu.vector_load %arg5[%parallel_loop3A_531] {strides = array<i32>} : memref<2688xf32, #tpu.memory_space<vmem>>, vector<16xf32>,
        %parallel_loop3A_533 = arith.constant 32 : i32
        %parallel_loop3A_534 = arith.addi %parallel_loop3A_524, %parallel_loop3A_533 : i32
        %parallel_loop3A_535 = arith.index_cast %parallel_loop3A_534 : i32 to index
        %parallel_loop3A_536 = tpu.vector_load %arg5[%parallel_loop3A_535] {strides = array<i32>} : memref<2688xf32, #tpu.memory_space<vmem>>, vector<16xf32>,
        %parallel_loop3A_537 = arith.constant 48 : i32
        %parallel_loop3A_538 = arith.addi %parallel_loop3A_524, %parallel_loop3A_537 : i32
        %parallel_loop3A_539 = arith.index_cast %parallel_loop3A_538 : i32 to index
        %parallel_loop3A_540 = tpu.vector_load %arg5[%parallel_loop3A_539] {strides = array<i32>} : memref<2688xf32, #tpu.memory_space<vmem>>, vector<16xf32>,
        %parallel_loop3A_541 = arith.constant 64 : i32
        %parallel_loop3A_542 = arith.addi %parallel_loop3A_524, %parallel_loop3A_541 : i32
        %parallel_loop3A_543 = arith.index_cast %parallel_loop3A_542 : i32 to index
        %parallel_loop3A_544 = tpu.vector_load %arg5[%parallel_loop3A_543] {strides = array<i32>} : memref<2688xf32, #tpu.memory_space<vmem>>, vector<16xf32>,
        %parallel_loop3A_545 = arith.constant 80 : i32
        %parallel_loop3A_546 = arith.addi %parallel_loop3A_524, %parallel_loop3A_545 : i32
        %parallel_loop3A_547 = arith.index_cast %parallel_loop3A_546 : i32 to index
        %parallel_loop3A_548 = tpu.vector_load %arg5[%parallel_loop3A_547] {strides = array<i32>} : memref<2688xf32, #tpu.memory_space<vmem>>, vector<16xf32>,
        %parallel_loop3A_549 = arith.constant 96 : i32
        %parallel_loop3A_550 = arith.addi %parallel_loop3A_524, %parallel_loop3A_549 : i32
        %parallel_loop3A_551 = arith.index_cast %parallel_loop3A_550 : i32 to index
        %parallel_loop3A_552 = tpu.vector_load %arg5[%parallel_loop3A_551] {strides = array<i32>} : memref<2688xf32, #tpu.memory_space<vmem>>, vector<16xf32>,
        %parallel_loop3A_553 = arith.constant 112 : i32
        %parallel_loop3A_554 = arith.addi %parallel_loop3A_524, %parallel_loop3A_553 : i32
        %parallel_loop3A_555 = arith.index_cast %parallel_loop3A_554 : i32 to index
        %parallel_loop3A_556 = tpu.vector_load %arg5[%parallel_loop3A_555] {strides = array<i32>} : memref<2688xf32, #tpu.memory_space<vmem>>, vector<16xf32>,
        %parallel_loop3A_557 = arith.constant 640 : i32
        %parallel_loop3A_558 = arith.addi %parallel_loop3A_100, %parallel_loop3A_557 : i32
        %parallel_loop3A_559 = arith.constant 0 : i32
        %parallel_loop3A_560 = arith.addi %parallel_loop3A_558, %parallel_loop3A_559 : i32
        %parallel_loop3A_561 = arith.index_cast %parallel_loop3A_560 : i32 to index
        %parallel_loop3A_562 = tpu.vector_load %arg7[%parallel_loop3A_561] {strides = array<i32>} : memref<51200xf32, #tpu.memory_space<vmem>>, vector<16xf32>,
        tpu.vector_store %arg7[%parallel_loop3A_561], %parallel_loop3A_528 {strides = array<i32>} : memref<51200xf32, #tpu.memory_space<vmem>>, vector<16xf32>,
        %parallel_loop3A_563 = arith.constant 640 : i32
        %parallel_loop3A_564 = arith.addi %parallel_loop3A_100, %parallel_loop3A_563 : i32
        %parallel_loop3A_565 = arith.constant 16 : i32
        %parallel_loop3A_566 = arith.addi %parallel_loop3A_564, %parallel_loop3A_565 : i32
        %parallel_loop3A_567 = arith.index_cast %parallel_loop3A_566 : i32 to index
        %parallel_loop3A_568 = tpu.vector_load %arg7[%parallel_loop3A_567] {strides = array<i32>} : memref<51200xf32, #tpu.memory_space<vmem>>, vector<16xf32>,
        tpu.vector_store %arg7[%parallel_loop3A_567], %parallel_loop3A_532 {strides = array<i32>} : memref<51200xf32, #tpu.memory_space<vmem>>, vector<16xf32>,
        %parallel_loop3A_569 = arith.constant 640 : i32
        %parallel_loop3A_570 = arith.addi %parallel_loop3A_100, %parallel_loop3A_569 : i32
        %parallel_loop3A_571 = arith.constant 32 : i32
        %parallel_loop3A_572 = arith.addi %parallel_loop3A_570, %parallel_loop3A_571 : i32
        %parallel_loop3A_573 = arith.index_cast %parallel_loop3A_572 : i32 to index
        %parallel_loop3A_574 = tpu.vector_load %arg7[%parallel_loop3A_573] {strides = array<i32>} : memref<51200xf32, #tpu.memory_space<vmem>>, vector<16xf32>,
        tpu.vector_store %arg7[%parallel_loop3A_573], %parallel_loop3A_536 {strides = array<i32>} : memref<51200xf32, #tpu.memory_space<vmem>>, vector<16xf32>,
        %parallel_loop3A_575 = arith.constant 640 : i32
        %parallel_loop3A_576 = arith.addi %parallel_loop3A_100, %parallel_loop3A_575 : i32
        %parallel_loop3A_577 = arith.constant 48 : i32
        %parallel_loop3A_578 = arith.addi %parallel_loop3A_576, %parallel_loop3A_577 : i32
        %parallel_loop3A_579 = arith.index_cast %parallel_loop3A_578 : i32 to index
        %parallel_loop3A_580 = tpu.vector_load %arg7[%parallel_loop3A_579] {strides = array<i32>} : memref<51200xf32, #tpu.memory_space<vmem>>, vector<16xf32>,
        tpu.vector_store %arg7[%parallel_loop3A_579], %parallel_loop3A_540 {strides = array<i32>} : memref<51200xf32, #tpu.memory_space<vmem>>, vector<16xf32>,
        %parallel_loop3A_581 = arith.constant 640 : i32
        %parallel_loop3A_582 = arith.addi %parallel_loop3A_100, %parallel_loop3A_581 : i32
        %parallel_loop3A_583 = arith.constant 64 : i32
        %parallel_loop3A_584 = arith.addi %parallel_loop3A_582, %parallel_loop3A_583 : i32
        %parallel_loop3A_585 = arith.index_cast %parallel_loop3A_584 : i32 to index
        %parallel_loop3A_586 = tpu.vector_load %arg7[%parallel_loop3A_585] {strides = array<i32>} : memref<51200xf32, #tpu.memory_space<vmem>>, vector<16xf32>,
        tpu.vector_store %arg7[%parallel_loop3A_585], %parallel_loop3A_544 {strides = array<i32>} : memref<51200xf32, #tpu.memory_space<vmem>>, vector<16xf32>,
        %parallel_loop3A_587 = arith.constant 640 : i32
        %parallel_loop3A_588 = arith.addi %parallel_loop3A_100, %parallel_loop3A_587 : i32
        %parallel_loop3A_589 = arith.constant 80 : i32
        %parallel_loop3A_590 = arith.addi %parallel_loop3A_588, %parallel_loop3A_589 : i32
        %parallel_loop3A_591 = arith.index_cast %parallel_loop3A_590 : i32 to index
        %parallel_loop3A_592 = tpu.vector_load %arg7[%parallel_loop3A_591] {strides = array<i32>} : memref<51200xf32, #tpu.memory_space<vmem>>, vector<16xf32>,
        tpu.vector_store %arg7[%parallel_loop3A_591], %parallel_loop3A_548 {strides = array<i32>} : memref<51200xf32, #tpu.memory_space<vmem>>, vector<16xf32>,
        %parallel_loop3A_593 = arith.constant 640 : i32
        %parallel_loop3A_594 = arith.addi %parallel_loop3A_100, %parallel_loop3A_593 : i32
        %parallel_loop3A_595 = arith.constant 96 : i32
        %parallel_loop3A_596 = arith.addi %parallel_loop3A_594, %parallel_loop3A_595 : i32
        %parallel_loop3A_597 = arith.index_cast %parallel_loop3A_596 : i32 to index
        %parallel_loop3A_598 = tpu.vector_load %arg7[%parallel_loop3A_597] {strides = array<i32>} : memref<51200xf32, #tpu.memory_space<vmem>>, vector<16xf32>,
        tpu.vector_store %arg7[%parallel_loop3A_597], %parallel_loop3A_552 {strides = array<i32>} : memref<51200xf32, #tpu.memory_space<vmem>>, vector<16xf32>,
        %parallel_loop3A_599 = arith.constant 640 : i32
        %parallel_loop3A_600 = arith.addi %parallel_loop3A_100, %parallel_loop3A_599 : i32
        %parallel_loop3A_601 = arith.constant 112 : i32
        %parallel_loop3A_602 = arith.addi %parallel_loop3A_600, %parallel_loop3A_601 : i32
        %parallel_loop3A_603 = arith.index_cast %parallel_loop3A_602 : i32 to index
        %parallel_loop3A_604 = tpu.vector_load %arg7[%parallel_loop3A_603] {strides = array<i32>} : memref<51200xf32, #tpu.memory_space<vmem>>, vector<16xf32>,
        tpu.vector_store %arg7[%parallel_loop3A_603], %parallel_loop3A_556 {strides = array<i32>} : memref<51200xf32, #tpu.memory_space<vmem>>, vector<16xf32>,
        %parallel_loop3A_605 = vector.extract_strided_slice %parallel_loop3A_96 {offsets = [6], sizes = [1], strides = [1]} : vector<16xi32> to vector<1xi32>
        %parallel_loop3A_606 = vector.extract %parallel_loop3A_605[0] : i32 from vector<1xi32>
        %parallel_loop3A_607 = arith.constant 128 : i32
        %parallel_loop3A_608 = arith.muli %parallel_loop3A_606, %parallel_loop3A_607 : i32
        %parallel_loop3A_609 = arith.constant 0 : i32
        %parallel_loop3A_610 = arith.addi %parallel_loop3A_608, %parallel_loop3A_609 : i32
        %parallel_loop3A_611 = arith.index_cast %parallel_loop3A_610 : i32 to index
        %parallel_loop3A_612 = tpu.vector_load %arg5[%parallel_loop3A_611] {strides = array<i32>} : memref<2688xf32, #tpu.memory_space<vmem>>, vector<16xf32>,
        %parallel_loop3A_613 = arith.constant 16 : i32
        %parallel_loop3A_614 = arith.addi %parallel_loop3A_608, %parallel_loop3A_613 : i32
        %parallel_loop3A_615 = arith.index_cast %parallel_loop3A_614 : i32 to index
        %parallel_loop3A_616 = tpu.vector_load %arg5[%parallel_loop3A_615] {strides = array<i32>} : memref<2688xf32, #tpu.memory_space<vmem>>, vector<16xf32>,
        %parallel_loop3A_617 = arith.constant 32 : i32
        %parallel_loop3A_618 = arith.addi %parallel_loop3A_608, %parallel_loop3A_617 : i32
        %parallel_loop3A_619 = arith.index_cast %parallel_loop3A_618 : i32 to index
        %parallel_loop3A_620 = tpu.vector_load %arg5[%parallel_loop3A_619] {strides = array<i32>} : memref<2688xf32, #tpu.memory_space<vmem>>, vector<16xf32>,
        %parallel_loop3A_621 = arith.constant 48 : i32
        %parallel_loop3A_622 = arith.addi %parallel_loop3A_608, %parallel_loop3A_621 : i32
        %parallel_loop3A_623 = arith.index_cast %parallel_loop3A_622 : i32 to index
        %parallel_loop3A_624 = tpu.vector_load %arg5[%parallel_loop3A_623] {strides = array<i32>} : memref<2688xf32, #tpu.memory_space<vmem>>, vector<16xf32>,
        %parallel_loop3A_625 = arith.constant 64 : i32
        %parallel_loop3A_626 = arith.addi %parallel_loop3A_608, %parallel_loop3A_625 : i32
        %parallel_loop3A_627 = arith.index_cast %parallel_loop3A_626 : i32 to index
        %parallel_loop3A_628 = tpu.vector_load %arg5[%parallel_loop3A_627] {strides = array<i32>} : memref<2688xf32, #tpu.memory_space<vmem>>, vector<16xf32>,
        %parallel_loop3A_629 = arith.constant 80 : i32
        %parallel_loop3A_630 = arith.addi %parallel_loop3A_608, %parallel_loop3A_629 : i32
        %parallel_loop3A_631 = arith.index_cast %parallel_loop3A_630 : i32 to index
        %parallel_loop3A_632 = tpu.vector_load %arg5[%parallel_loop3A_631] {strides = array<i32>} : memref<2688xf32, #tpu.memory_space<vmem>>, vector<16xf32>,
        %parallel_loop3A_633 = arith.constant 96 : i32
        %parallel_loop3A_634 = arith.addi %parallel_loop3A_608, %parallel_loop3A_633 : i32
        %parallel_loop3A_635 = arith.index_cast %parallel_loop3A_634 : i32 to index
        %parallel_loop3A_636 = tpu.vector_load %arg5[%parallel_loop3A_635] {strides = array<i32>} : memref<2688xf32, #tpu.memory_space<vmem>>, vector<16xf32>,
        %parallel_loop3A_637 = arith.constant 112 : i32
        %parallel_loop3A_638 = arith.addi %parallel_loop3A_608, %parallel_loop3A_637 : i32
        %parallel_loop3A_639 = arith.index_cast %parallel_loop3A_638 : i32 to index
        %parallel_loop3A_640 = tpu.vector_load %arg5[%parallel_loop3A_639] {strides = array<i32>} : memref<2688xf32, #tpu.memory_space<vmem>>, vector<16xf32>,
        %parallel_loop3A_641 = arith.constant 768 : i32
        %parallel_loop3A_642 = arith.addi %parallel_loop3A_100, %parallel_loop3A_641 : i32
        %parallel_loop3A_643 = arith.constant 0 : i32
        %parallel_loop3A_644 = arith.addi %parallel_loop3A_642, %parallel_loop3A_643 : i32
        %parallel_loop3A_645 = arith.index_cast %parallel_loop3A_644 : i32 to index
        %parallel_loop3A_646 = tpu.vector_load %arg7[%parallel_loop3A_645] {strides = array<i32>} : memref<51200xf32, #tpu.memory_space<vmem>>, vector<16xf32>,
        tpu.vector_store %arg7[%parallel_loop3A_645], %parallel_loop3A_612 {strides = array<i32>} : memref<51200xf32, #tpu.memory_space<vmem>>, vector<16xf32>,
        %parallel_loop3A_647 = arith.constant 768 : i32
        %parallel_loop3A_648 = arith.addi %parallel_loop3A_100, %parallel_loop3A_647 : i32
        %parallel_loop3A_649 = arith.constant 16 : i32
        %parallel_loop3A_650 = arith.addi %parallel_loop3A_648, %parallel_loop3A_649 : i32
        %parallel_loop3A_651 = arith.index_cast %parallel_loop3A_650 : i32 to index
        %parallel_loop3A_652 = tpu.vector_load %arg7[%parallel_loop3A_651] {strides = array<i32>} : memref<51200xf32, #tpu.memory_space<vmem>>, vector<16xf32>,
        tpu.vector_store %arg7[%parallel_loop3A_651], %parallel_loop3A_616 {strides = array<i32>} : memref<51200xf32, #tpu.memory_space<vmem>>, vector<16xf32>,
        %parallel_loop3A_653 = arith.constant 768 : i32
        %parallel_loop3A_654 = arith.addi %parallel_loop3A_100, %parallel_loop3A_653 : i32
        %parallel_loop3A_655 = arith.constant 32 : i32
        %parallel_loop3A_656 = arith.addi %parallel_loop3A_654, %parallel_loop3A_655 : i32
        %parallel_loop3A_657 = arith.index_cast %parallel_loop3A_656 : i32 to index
        %parallel_loop3A_658 = tpu.vector_load %arg7[%parallel_loop3A_657] {strides = array<i32>} : memref<51200xf32, #tpu.memory_space<vmem>>, vector<16xf32>,
        tpu.vector_store %arg7[%parallel_loop3A_657], %parallel_loop3A_620 {strides = array<i32>} : memref<51200xf32, #tpu.memory_space<vmem>>, vector<16xf32>,
        %parallel_loop3A_659 = arith.constant 768 : i32
        %parallel_loop3A_660 = arith.addi %parallel_loop3A_100, %parallel_loop3A_659 : i32
        %parallel_loop3A_661 = arith.constant 48 : i32
        %parallel_loop3A_662 = arith.addi %parallel_loop3A_660, %parallel_loop3A_661 : i32
        %parallel_loop3A_663 = arith.index_cast %parallel_loop3A_662 : i32 to index
        %parallel_loop3A_664 = tpu.vector_load %arg7[%parallel_loop3A_663] {strides = array<i32>} : memref<51200xf32, #tpu.memory_space<vmem>>, vector<16xf32>,
        tpu.vector_store %arg7[%parallel_loop3A_663], %parallel_loop3A_624 {strides = array<i32>} : memref<51200xf32, #tpu.memory_space<vmem>>, vector<16xf32>,
        %parallel_loop3A_665 = arith.constant 768 : i32
        %parallel_loop3A_666 = arith.addi %parallel_loop3A_100, %parallel_loop3A_665 : i32
        %parallel_loop3A_667 = arith.constant 64 : i32
        %parallel_loop3A_668 = arith.addi %parallel_loop3A_666, %parallel_loop3A_667 : i32
        %parallel_loop3A_669 = arith.index_cast %parallel_loop3A_668 : i32 to index
        %parallel_loop3A_670 = tpu.vector_load %arg7[%parallel_loop3A_669] {strides = array<i32>} : memref<51200xf32, #tpu.memory_space<vmem>>, vector<16xf32>,
        tpu.vector_store %arg7[%parallel_loop3A_669], %parallel_loop3A_628 {strides = array<i32>} : memref<51200xf32, #tpu.memory_space<vmem>>, vector<16xf32>,
        %parallel_loop3A_671 = arith.constant 768 : i32
        %parallel_loop3A_672 = arith.addi %parallel_loop3A_100, %parallel_loop3A_671 : i32
        %parallel_loop3A_673 = arith.constant 80 : i32
        %parallel_loop3A_674 = arith.addi %parallel_loop3A_672, %parallel_loop3A_673 : i32
        %parallel_loop3A_675 = arith.index_cast %parallel_loop3A_674 : i32 to index
        %parallel_loop3A_676 = tpu.vector_load %arg7[%parallel_loop3A_675] {strides = array<i32>} : memref<51200xf32, #tpu.memory_space<vmem>>, vector<16xf32>,
        tpu.vector_store %arg7[%parallel_loop3A_675], %parallel_loop3A_632 {strides = array<i32>} : memref<51200xf32, #tpu.memory_space<vmem>>, vector<16xf32>,
        %parallel_loop3A_677 = arith.constant 768 : i32
        %parallel_loop3A_678 = arith.addi %parallel_loop3A_100, %parallel_loop3A_677 : i32
        %parallel_loop3A_679 = arith.constant 96 : i32
        %parallel_loop3A_680 = arith.addi %parallel_loop3A_678, %parallel_loop3A_679 : i32
        %parallel_loop3A_681 = arith.index_cast %parallel_loop3A_680 : i32 to index
        %parallel_loop3A_682 = tpu.vector_load %arg7[%parallel_loop3A_681] {strides = array<i32>} : memref<51200xf32, #tpu.memory_space<vmem>>, vector<16xf32>,
        tpu.vector_store %arg7[%parallel_loop3A_681], %parallel_loop3A_636 {strides = array<i32>} : memref<51200xf32, #tpu.memory_space<vmem>>, vector<16xf32>,
        %parallel_loop3A_683 = arith.constant 768 : i32
        %parallel_loop3A_684 = arith.addi %parallel_loop3A_100, %parallel_loop3A_683 : i32
        %parallel_loop3A_685 = arith.constant 112 : i32
        %parallel_loop3A_686 = arith.addi %parallel_loop3A_684, %parallel_loop3A_685 : i32
        %parallel_loop3A_687 = arith.index_cast %parallel_loop3A_686 : i32 to index
        %parallel_loop3A_688 = tpu.vector_load %arg7[%parallel_loop3A_687] {strides = array<i32>} : memref<51200xf32, #tpu.memory_space<vmem>>, vector<16xf32>,
        tpu.vector_store %arg7[%parallel_loop3A_687], %parallel_loop3A_640 {strides = array<i32>} : memref<51200xf32, #tpu.memory_space<vmem>>, vector<16xf32>,
        %parallel_loop3A_689 = vector.extract_strided_slice %parallel_loop3A_96 {offsets = [7], sizes = [1], strides = [1]} : vector<16xi32> to vector<1xi32>
        %parallel_loop3A_690 = vector.extract %parallel_loop3A_689[0] : i32 from vector<1xi32>
        %parallel_loop3A_691 = arith.constant 128 : i32
        %parallel_loop3A_692 = arith.muli %parallel_loop3A_690, %parallel_loop3A_691 : i32
        %parallel_loop3A_693 = arith.constant 0 : i32
        %parallel_loop3A_694 = arith.addi %parallel_loop3A_692, %parallel_loop3A_693 : i32
        %parallel_loop3A_695 = arith.index_cast %parallel_loop3A_694 : i32 to index
        %parallel_loop3A_696 = tpu.vector_load %arg5[%parallel_loop3A_695] {strides = array<i32>} : memref<2688xf32, #tpu.memory_space<vmem>>, vector<16xf32>,
        %parallel_loop3A_697 = arith.constant 16 : i32
        %parallel_loop3A_698 = arith.addi %parallel_loop3A_692, %parallel_loop3A_697 : i32
        %parallel_loop3A_699 = arith.index_cast %parallel_loop3A_698 : i32 to index
        %parallel_loop3A_700 = tpu.vector_load %arg5[%parallel_loop3A_699] {strides = array<i32>} : memref<2688xf32, #tpu.memory_space<vmem>>, vector<16xf32>,
        %parallel_loop3A_701 = arith.constant 32 : i32
        %parallel_loop3A_702 = arith.addi %parallel_loop3A_692, %parallel_loop3A_701 : i32
        %parallel_loop3A_703 = arith.index_cast %parallel_loop3A_702 : i32 to index
        %parallel_loop3A_704 = tpu.vector_load %arg5[%parallel_loop3A_703] {strides = array<i32>} : memref<2688xf32, #tpu.memory_space<vmem>>, vector<16xf32>,
        %parallel_loop3A_705 = arith.constant 48 : i32
        %parallel_loop3A_706 = arith.addi %parallel_loop3A_692, %parallel_loop3A_705 : i32
        %parallel_loop3A_707 = arith.index_cast %parallel_loop3A_706 : i32 to index
        %parallel_loop3A_708 = tpu.vector_load %arg5[%parallel_loop3A_707] {strides = array<i32>} : memref<2688xf32, #tpu.memory_space<vmem>>, vector<16xf32>,
        %parallel_loop3A_709 = arith.constant 64 : i32
        %parallel_loop3A_710 = arith.addi %parallel_loop3A_692, %parallel_loop3A_709 : i32
        %parallel_loop3A_711 = arith.index_cast %parallel_loop3A_710 : i32 to index
        %parallel_loop3A_712 = tpu.vector_load %arg5[%parallel_loop3A_711] {strides = array<i32>} : memref<2688xf32, #tpu.memory_space<vmem>>, vector<16xf32>,
        %parallel_loop3A_713 = arith.constant 80 : i32
        %parallel_loop3A_714 = arith.addi %parallel_loop3A_692, %parallel_loop3A_713 : i32
        %parallel_loop3A_715 = arith.index_cast %parallel_loop3A_714 : i32 to index
        %parallel_loop3A_716 = tpu.vector_load %arg5[%parallel_loop3A_715] {strides = array<i32>} : memref<2688xf32, #tpu.memory_space<vmem>>, vector<16xf32>,
        %parallel_loop3A_717 = arith.constant 96 : i32
        %parallel_loop3A_718 = arith.addi %parallel_loop3A_692, %parallel_loop3A_717 : i32
        %parallel_loop3A_719 = arith.index_cast %parallel_loop3A_718 : i32 to index
        %parallel_loop3A_720 = tpu.vector_load %arg5[%parallel_loop3A_719] {strides = array<i32>} : memref<2688xf32, #tpu.memory_space<vmem>>, vector<16xf32>,
        %parallel_loop3A_721 = arith.constant 112 : i32
        %parallel_loop3A_722 = arith.addi %parallel_loop3A_692, %parallel_loop3A_721 : i32
        %parallel_loop3A_723 = arith.index_cast %parallel_loop3A_722 : i32 to index
        %parallel_loop3A_724 = tpu.vector_load %arg5[%parallel_loop3A_723] {strides = array<i32>} : memref<2688xf32, #tpu.memory_space<vmem>>, vector<16xf32>,
        %parallel_loop3A_725 = arith.constant 896 : i32
        %parallel_loop3A_726 = arith.addi %parallel_loop3A_100, %parallel_loop3A_725 : i32
        %parallel_loop3A_727 = arith.constant 0 : i32
        %parallel_loop3A_728 = arith.addi %parallel_loop3A_726, %parallel_loop3A_727 : i32
        %parallel_loop3A_729 = arith.index_cast %parallel_loop3A_728 : i32 to index
        %parallel_loop3A_730 = tpu.vector_load %arg7[%parallel_loop3A_729] {strides = array<i32>} : memref<51200xf32, #tpu.memory_space<vmem>>, vector<16xf32>,
        tpu.vector_store %arg7[%parallel_loop3A_729], %parallel_loop3A_696 {strides = array<i32>} : memref<51200xf32, #tpu.memory_space<vmem>>, vector<16xf32>,
        %parallel_loop3A_731 = arith.constant 896 : i32
        %parallel_loop3A_732 = arith.addi %parallel_loop3A_100, %parallel_loop3A_731 : i32
        %parallel_loop3A_733 = arith.constant 16 : i32
        %parallel_loop3A_734 = arith.addi %parallel_loop3A_732, %parallel_loop3A_733 : i32
        %parallel_loop3A_735 = arith.index_cast %parallel_loop3A_734 : i32 to index
        %parallel_loop3A_736 = tpu.vector_load %arg7[%parallel_loop3A_735] {strides = array<i32>} : memref<51200xf32, #tpu.memory_space<vmem>>, vector<16xf32>,
        tpu.vector_store %arg7[%parallel_loop3A_735], %parallel_loop3A_700 {strides = array<i32>} : memref<51200xf32, #tpu.memory_space<vmem>>, vector<16xf32>,
        %parallel_loop3A_737 = arith.constant 896 : i32
        %parallel_loop3A_738 = arith.addi %parallel_loop3A_100, %parallel_loop3A_737 : i32
        %parallel_loop3A_739 = arith.constant 32 : i32
        %parallel_loop3A_740 = arith.addi %parallel_loop3A_738, %parallel_loop3A_739 : i32
        %parallel_loop3A_741 = arith.index_cast %parallel_loop3A_740 : i32 to index
        %parallel_loop3A_742 = tpu.vector_load %arg7[%parallel_loop3A_741] {strides = array<i32>} : memref<51200xf32, #tpu.memory_space<vmem>>, vector<16xf32>,
        tpu.vector_store %arg7[%parallel_loop3A_741], %parallel_loop3A_704 {strides = array<i32>} : memref<51200xf32, #tpu.memory_space<vmem>>, vector<16xf32>,
        %parallel_loop3A_743 = arith.constant 896 : i32
        %parallel_loop3A_744 = arith.addi %parallel_loop3A_100, %parallel_loop3A_743 : i32
        %parallel_loop3A_745 = arith.constant 48 : i32
        %parallel_loop3A_746 = arith.addi %parallel_loop3A_744, %parallel_loop3A_745 : i32
        %parallel_loop3A_747 = arith.index_cast %parallel_loop3A_746 : i32 to index
        %parallel_loop3A_748 = tpu.vector_load %arg7[%parallel_loop3A_747] {strides = array<i32>} : memref<51200xf32, #tpu.memory_space<vmem>>, vector<16xf32>,
        tpu.vector_store %arg7[%parallel_loop3A_747], %parallel_loop3A_708 {strides = array<i32>} : memref<51200xf32, #tpu.memory_space<vmem>>, vector<16xf32>,
        %parallel_loop3A_749 = arith.constant 896 : i32
        %parallel_loop3A_750 = arith.addi %parallel_loop3A_100, %parallel_loop3A_749 : i32
        %parallel_loop3A_751 = arith.constant 64 : i32
        %parallel_loop3A_752 = arith.addi %parallel_loop3A_750, %parallel_loop3A_751 : i32
        %parallel_loop3A_753 = arith.index_cast %parallel_loop3A_752 : i32 to index
        %parallel_loop3A_754 = tpu.vector_load %arg7[%parallel_loop3A_753] {strides = array<i32>} : memref<51200xf32, #tpu.memory_space<vmem>>, vector<16xf32>,
        tpu.vector_store %arg7[%parallel_loop3A_753], %parallel_loop3A_712 {strides = array<i32>} : memref<51200xf32, #tpu.memory_space<vmem>>, vector<16xf32>,
        %parallel_loop3A_755 = arith.constant 896 : i32
        %parallel_loop3A_756 = arith.addi %parallel_loop3A_100, %parallel_loop3A_755 : i32
        %parallel_loop3A_757 = arith.constant 80 : i32
        %parallel_loop3A_758 = arith.addi %parallel_loop3A_756, %parallel_loop3A_757 : i32
        %parallel_loop3A_759 = arith.index_cast %parallel_loop3A_758 : i32 to index
        %parallel_loop3A_760 = tpu.vector_load %arg7[%parallel_loop3A_759] {strides = array<i32>} : memref<51200xf32, #tpu.memory_space<vmem>>, vector<16xf32>,
        tpu.vector_store %arg7[%parallel_loop3A_759], %parallel_loop3A_716 {strides = array<i32>} : memref<51200xf32, #tpu.memory_space<vmem>>, vector<16xf32>,
        %parallel_loop3A_761 = arith.constant 896 : i32
        %parallel_loop3A_762 = arith.addi %parallel_loop3A_100, %parallel_loop3A_761 : i32
        %parallel_loop3A_763 = arith.constant 96 : i32
        %parallel_loop3A_764 = arith.addi %parallel_loop3A_762, %parallel_loop3A_763 : i32
        %parallel_loop3A_765 = arith.index_cast %parallel_loop3A_764 : i32 to index
        %parallel_loop3A_766 = tpu.vector_load %arg7[%parallel_loop3A_765] {strides = array<i32>} : memref<51200xf32, #tpu.memory_space<vmem>>, vector<16xf32>,
        tpu.vector_store %arg7[%parallel_loop3A_765], %parallel_loop3A_720 {strides = array<i32>} : memref<51200xf32, #tpu.memory_space<vmem>>, vector<16xf32>,
        %parallel_loop3A_767 = arith.constant 896 : i32
        %parallel_loop3A_768 = arith.addi %parallel_loop3A_100, %parallel_loop3A_767 : i32
        %parallel_loop3A_769 = arith.constant 112 : i32
        %parallel_loop3A_770 = arith.addi %parallel_loop3A_768, %parallel_loop3A_769 : i32
        %parallel_loop3A_771 = arith.index_cast %parallel_loop3A_770 : i32 to index
        %parallel_loop3A_772 = tpu.vector_load %arg7[%parallel_loop3A_771] {strides = array<i32>} : memref<51200xf32, #tpu.memory_space<vmem>>, vector<16xf32>,
        tpu.vector_store %arg7[%parallel_loop3A_771], %parallel_loop3A_724 {strides = array<i32>} : memref<51200xf32, #tpu.memory_space<vmem>>, vector<16xf32>,
        %parallel_loop3A_773 = vector.extract_strided_slice %parallel_loop3A_96 {offsets = [8], sizes = [1], strides = [1]} : vector<16xi32> to vector<1xi32>
        %parallel_loop3A_774 = vector.extract %parallel_loop3A_773[0] : i32 from vector<1xi32>
        %parallel_loop3A_775 = arith.constant 128 : i32
        %parallel_loop3A_776 = arith.muli %parallel_loop3A_774, %parallel_loop3A_775 : i32
        %parallel_loop3A_777 = arith.constant 0 : i32
        %parallel_loop3A_778 = arith.addi %parallel_loop3A_776, %parallel_loop3A_777 : i32
        %parallel_loop3A_779 = arith.index_cast %parallel_loop3A_778 : i32 to index
        %parallel_loop3A_780 = tpu.vector_load %arg5[%parallel_loop3A_779] {strides = array<i32>} : memref<2688xf32, #tpu.memory_space<vmem>>, vector<16xf32>,
        %parallel_loop3A_781 = arith.constant 16 : i32
        %parallel_loop3A_782 = arith.addi %parallel_loop3A_776, %parallel_loop3A_781 : i32
        %parallel_loop3A_783 = arith.index_cast %parallel_loop3A_782 : i32 to index
        %parallel_loop3A_784 = tpu.vector_load %arg5[%parallel_loop3A_783] {strides = array<i32>} : memref<2688xf32, #tpu.memory_space<vmem>>, vector<16xf32>,
        %parallel_loop3A_785 = arith.constant 32 : i32
        %parallel_loop3A_786 = arith.addi %parallel_loop3A_776, %parallel_loop3A_785 : i32
        %parallel_loop3A_787 = arith.index_cast %parallel_loop3A_786 : i32 to index
        %parallel_loop3A_788 = tpu.vector_load %arg5[%parallel_loop3A_787] {strides = array<i32>} : memref<2688xf32, #tpu.memory_space<vmem>>, vector<16xf32>,
        %parallel_loop3A_789 = arith.constant 48 : i32
        %parallel_loop3A_790 = arith.addi %parallel_loop3A_776, %parallel_loop3A_789 : i32
        %parallel_loop3A_791 = arith.index_cast %parallel_loop3A_790 : i32 to index
        %parallel_loop3A_792 = tpu.vector_load %arg5[%parallel_loop3A_791] {strides = array<i32>} : memref<2688xf32, #tpu.memory_space<vmem>>, vector<16xf32>,
        %parallel_loop3A_793 = arith.constant 64 : i32
        %parallel_loop3A_794 = arith.addi %parallel_loop3A_776, %parallel_loop3A_793 : i32
        %parallel_loop3A_795 = arith.index_cast %parallel_loop3A_794 : i32 to index
        %parallel_loop3A_796 = tpu.vector_load %arg5[%parallel_loop3A_795] {strides = array<i32>} : memref<2688xf32, #tpu.memory_space<vmem>>, vector<16xf32>,
        %parallel_loop3A_797 = arith.constant 80 : i32
        %parallel_loop3A_798 = arith.addi %parallel_loop3A_776, %parallel_loop3A_797 : i32
        %parallel_loop3A_799 = arith.index_cast %parallel_loop3A_798 : i32 to index
        %parallel_loop3A_800 = tpu.vector_load %arg5[%parallel_loop3A_799] {strides = array<i32>} : memref<2688xf32, #tpu.memory_space<vmem>>, vector<16xf32>,
        %parallel_loop3A_801 = arith.constant 96 : i32
        %parallel_loop3A_802 = arith.addi %parallel_loop3A_776, %parallel_loop3A_801 : i32
        %parallel_loop3A_803 = arith.index_cast %parallel_loop3A_802 : i32 to index
        %parallel_loop3A_804 = tpu.vector_load %arg5[%parallel_loop3A_803] {strides = array<i32>} : memref<2688xf32, #tpu.memory_space<vmem>>, vector<16xf32>,
        %parallel_loop3A_805 = arith.constant 112 : i32
        %parallel_loop3A_806 = arith.addi %parallel_loop3A_776, %parallel_loop3A_805 : i32
        %parallel_loop3A_807 = arith.index_cast %parallel_loop3A_806 : i32 to index
        %parallel_loop3A_808 = tpu.vector_load %arg5[%parallel_loop3A_807] {strides = array<i32>} : memref<2688xf32, #tpu.memory_space<vmem>>, vector<16xf32>,
        %parallel_loop3A_809 = arith.constant 1024 : i32
        %parallel_loop3A_810 = arith.addi %parallel_loop3A_100, %parallel_loop3A_809 : i32
        %parallel_loop3A_811 = arith.constant 0 : i32
        %parallel_loop3A_812 = arith.addi %parallel_loop3A_810, %parallel_loop3A_811 : i32
        %parallel_loop3A_813 = arith.index_cast %parallel_loop3A_812 : i32 to index
        %parallel_loop3A_814 = tpu.vector_load %arg7[%parallel_loop3A_813] {strides = array<i32>} : memref<51200xf32, #tpu.memory_space<vmem>>, vector<16xf32>,
        tpu.vector_store %arg7[%parallel_loop3A_813], %parallel_loop3A_780 {strides = array<i32>} : memref<51200xf32, #tpu.memory_space<vmem>>, vector<16xf32>,
        %parallel_loop3A_815 = arith.constant 1024 : i32
        %parallel_loop3A_816 = arith.addi %parallel_loop3A_100, %parallel_loop3A_815 : i32
        %parallel_loop3A_817 = arith.constant 16 : i32
        %parallel_loop3A_818 = arith.addi %parallel_loop3A_816, %parallel_loop3A_817 : i32
        %parallel_loop3A_819 = arith.index_cast %parallel_loop3A_818 : i32 to index
        %parallel_loop3A_820 = tpu.vector_load %arg7[%parallel_loop3A_819] {strides = array<i32>} : memref<51200xf32, #tpu.memory_space<vmem>>, vector<16xf32>,
        tpu.vector_store %arg7[%parallel_loop3A_819], %parallel_loop3A_784 {strides = array<i32>} : memref<51200xf32, #tpu.memory_space<vmem>>, vector<16xf32>,
        %parallel_loop3A_821 = arith.constant 1024 : i32
        %parallel_loop3A_822 = arith.addi %parallel_loop3A_100, %parallel_loop3A_821 : i32
        %parallel_loop3A_823 = arith.constant 32 : i32
        %parallel_loop3A_824 = arith.addi %parallel_loop3A_822, %parallel_loop3A_823 : i32
        %parallel_loop3A_825 = arith.index_cast %parallel_loop3A_824 : i32 to index
        %parallel_loop3A_826 = tpu.vector_load %arg7[%parallel_loop3A_825] {strides = array<i32>} : memref<51200xf32, #tpu.memory_space<vmem>>, vector<16xf32>,
        tpu.vector_store %arg7[%parallel_loop3A_825], %parallel_loop3A_788 {strides = array<i32>} : memref<51200xf32, #tpu.memory_space<vmem>>, vector<16xf32>,
        %parallel_loop3A_827 = arith.constant 1024 : i32
        %parallel_loop3A_828 = arith.addi %parallel_loop3A_100, %parallel_loop3A_827 : i32
        %parallel_loop3A_829 = arith.constant 48 : i32
        %parallel_loop3A_830 = arith.addi %parallel_loop3A_828, %parallel_loop3A_829 : i32
        %parallel_loop3A_831 = arith.index_cast %parallel_loop3A_830 : i32 to index
        %parallel_loop3A_832 = tpu.vector_load %arg7[%parallel_loop3A_831] {strides = array<i32>} : memref<51200xf32, #tpu.memory_space<vmem>>, vector<16xf32>,
        tpu.vector_store %arg7[%parallel_loop3A_831], %parallel_loop3A_792 {strides = array<i32>} : memref<51200xf32, #tpu.memory_space<vmem>>, vector<16xf32>,
        %parallel_loop3A_833 = arith.constant 1024 : i32
        %parallel_loop3A_834 = arith.addi %parallel_loop3A_100, %parallel_loop3A_833 : i32
        %parallel_loop3A_835 = arith.constant 64 : i32
        %parallel_loop3A_836 = arith.addi %parallel_loop3A_834, %parallel_loop3A_835 : i32
        %parallel_loop3A_837 = arith.index_cast %parallel_loop3A_836 : i32 to index
        %parallel_loop3A_838 = tpu.vector_load %arg7[%parallel_loop3A_837] {strides = array<i32>} : memref<51200xf32, #tpu.memory_space<vmem>>, vector<16xf32>,
        tpu.vector_store %arg7[%parallel_loop3A_837], %parallel_loop3A_796 {strides = array<i32>} : memref<51200xf32, #tpu.memory_space<vmem>>, vector<16xf32>,
        %parallel_loop3A_839 = arith.constant 1024 : i32
        %parallel_loop3A_840 = arith.addi %parallel_loop3A_100, %parallel_loop3A_839 : i32
        %parallel_loop3A_841 = arith.constant 80 : i32
        %parallel_loop3A_842 = arith.addi %parallel_loop3A_840, %parallel_loop3A_841 : i32
        %parallel_loop3A_843 = arith.index_cast %parallel_loop3A_842 : i32 to index
        %parallel_loop3A_844 = tpu.vector_load %arg7[%parallel_loop3A_843] {strides = array<i32>} : memref<51200xf32, #tpu.memory_space<vmem>>, vector<16xf32>,
        tpu.vector_store %arg7[%parallel_loop3A_843], %parallel_loop3A_800 {strides = array<i32>} : memref<51200xf32, #tpu.memory_space<vmem>>, vector<16xf32>,
        %parallel_loop3A_845 = arith.constant 1024 : i32
        %parallel_loop3A_846 = arith.addi %parallel_loop3A_100, %parallel_loop3A_845 : i32
        %parallel_loop3A_847 = arith.constant 96 : i32
        %parallel_loop3A_848 = arith.addi %parallel_loop3A_846, %parallel_loop3A_847 : i32
        %parallel_loop3A_849 = arith.index_cast %parallel_loop3A_848 : i32 to index
        %parallel_loop3A_850 = tpu.vector_load %arg7[%parallel_loop3A_849] {strides = array<i32>} : memref<51200xf32, #tpu.memory_space<vmem>>, vector<16xf32>,
        tpu.vector_store %arg7[%parallel_loop3A_849], %parallel_loop3A_804 {strides = array<i32>} : memref<51200xf32, #tpu.memory_space<vmem>>, vector<16xf32>,
        %parallel_loop3A_851 = arith.constant 1024 : i32
        %parallel_loop3A_852 = arith.addi %parallel_loop3A_100, %parallel_loop3A_851 : i32
        %parallel_loop3A_853 = arith.constant 112 : i32
        %parallel_loop3A_854 = arith.addi %parallel_loop3A_852, %parallel_loop3A_853 : i32
        %parallel_loop3A_855 = arith.index_cast %parallel_loop3A_854 : i32 to index
        %parallel_loop3A_856 = tpu.vector_load %arg7[%parallel_loop3A_855] {strides = array<i32>} : memref<51200xf32, #tpu.memory_space<vmem>>, vector<16xf32>,
        tpu.vector_store %arg7[%parallel_loop3A_855], %parallel_loop3A_808 {strides = array<i32>} : memref<51200xf32, #tpu.memory_space<vmem>>, vector<16xf32>,
        %parallel_loop3A_857 = vector.extract_strided_slice %parallel_loop3A_96 {offsets = [9], sizes = [1], strides = [1]} : vector<16xi32> to vector<1xi32>
        %parallel_loop3A_858 = vector.extract %parallel_loop3A_857[0] : i32 from vector<1xi32>
        %parallel_loop3A_859 = arith.constant 128 : i32
        %parallel_loop3A_860 = arith.muli %parallel_loop3A_858, %parallel_loop3A_859 : i32
        %parallel_loop3A_861 = arith.constant 0 : i32
        %parallel_loop3A_862 = arith.addi %parallel_loop3A_860, %parallel_loop3A_861 : i32
        %parallel_loop3A_863 = arith.index_cast %parallel_loop3A_862 : i32 to index
        %parallel_loop3A_864 = tpu.vector_load %arg5[%parallel_loop3A_863] {strides = array<i32>} : memref<2688xf32, #tpu.memory_space<vmem>>, vector<16xf32>,
        %parallel_loop3A_865 = arith.constant 16 : i32
        %parallel_loop3A_866 = arith.addi %parallel_loop3A_860, %parallel_loop3A_865 : i32
        %parallel_loop3A_867 = arith.index_cast %parallel_loop3A_866 : i32 to index
        %parallel_loop3A_868 = tpu.vector_load %arg5[%parallel_loop3A_867] {strides = array<i32>} : memref<2688xf32, #tpu.memory_space<vmem>>, vector<16xf32>,
        %parallel_loop3A_869 = arith.constant 32 : i32
        %parallel_loop3A_870 = arith.addi %parallel_loop3A_860, %parallel_loop3A_869 : i32
        %parallel_loop3A_871 = arith.index_cast %parallel_loop3A_870 : i32 to index
        %parallel_loop3A_872 = tpu.vector_load %arg5[%parallel_loop3A_871] {strides = array<i32>} : memref<2688xf32, #tpu.memory_space<vmem>>, vector<16xf32>,
        %parallel_loop3A_873 = arith.constant 48 : i32
        %parallel_loop3A_874 = arith.addi %parallel_loop3A_860, %parallel_loop3A_873 : i32
        %parallel_loop3A_875 = arith.index_cast %parallel_loop3A_874 : i32 to index
        %parallel_loop3A_876 = tpu.vector_load %arg5[%parallel_loop3A_875] {strides = array<i32>} : memref<2688xf32, #tpu.memory_space<vmem>>, vector<16xf32>,
        %parallel_loop3A_877 = arith.constant 64 : i32
        %parallel_loop3A_878 = arith.addi %parallel_loop3A_860, %parallel_loop3A_877 : i32
        %parallel_loop3A_879 = arith.index_cast %parallel_loop3A_878 : i32 to index
        %parallel_loop3A_880 = tpu.vector_load %arg5[%parallel_loop3A_879] {strides = array<i32>} : memref<2688xf32, #tpu.memory_space<vmem>>, vector<16xf32>,
        %parallel_loop3A_881 = arith.constant 80 : i32
        %parallel_loop3A_882 = arith.addi %parallel_loop3A_860, %parallel_loop3A_881 : i32
        %parallel_loop3A_883 = arith.index_cast %parallel_loop3A_882 : i32 to index
        %parallel_loop3A_884 = tpu.vector_load %arg5[%parallel_loop3A_883] {strides = array<i32>} : memref<2688xf32, #tpu.memory_space<vmem>>, vector<16xf32>,
        %parallel_loop3A_885 = arith.constant 96 : i32
        %parallel_loop3A_886 = arith.addi %parallel_loop3A_860, %parallel_loop3A_885 : i32
        %parallel_loop3A_887 = arith.index_cast %parallel_loop3A_886 : i32 to index
        %parallel_loop3A_888 = tpu.vector_load %arg5[%parallel_loop3A_887] {strides = array<i32>} : memref<2688xf32, #tpu.memory_space<vmem>>, vector<16xf32>,
        %parallel_loop3A_889 = arith.constant 112 : i32
        %parallel_loop3A_890 = arith.addi %parallel_loop3A_860, %parallel_loop3A_889 : i32
        %parallel_loop3A_891 = arith.index_cast %parallel_loop3A_890 : i32 to index
        %parallel_loop3A_892 = tpu.vector_load %arg5[%parallel_loop3A_891] {strides = array<i32>} : memref<2688xf32, #tpu.memory_space<vmem>>, vector<16xf32>,
        %parallel_loop3A_893 = arith.constant 1152 : i32
        %parallel_loop3A_894 = arith.addi %parallel_loop3A_100, %parallel_loop3A_893 : i32
        %parallel_loop3A_895 = arith.constant 0 : i32
        %parallel_loop3A_896 = arith.addi %parallel_loop3A_894, %parallel_loop3A_895 : i32
        %parallel_loop3A_897 = arith.index_cast %parallel_loop3A_896 : i32 to index
        %parallel_loop3A_898 = tpu.vector_load %arg7[%parallel_loop3A_897] {strides = array<i32>} : memref<51200xf32, #tpu.memory_space<vmem>>, vector<16xf32>,
        tpu.vector_store %arg7[%parallel_loop3A_897], %parallel_loop3A_864 {strides = array<i32>} : memref<51200xf32, #tpu.memory_space<vmem>>, vector<16xf32>,
        %parallel_loop3A_899 = arith.constant 1152 : i32
        %parallel_loop3A_900 = arith.addi %parallel_loop3A_100, %parallel_loop3A_899 : i32
        %parallel_loop3A_901 = arith.constant 16 : i32
        %parallel_loop3A_902 = arith.addi %parallel_loop3A_900, %parallel_loop3A_901 : i32
        %parallel_loop3A_903 = arith.index_cast %parallel_loop3A_902 : i32 to index
        %parallel_loop3A_904 = tpu.vector_load %arg7[%parallel_loop3A_903] {strides = array<i32>} : memref<51200xf32, #tpu.memory_space<vmem>>, vector<16xf32>,
        tpu.vector_store %arg7[%parallel_loop3A_903], %parallel_loop3A_868 {strides = array<i32>} : memref<51200xf32, #tpu.memory_space<vmem>>, vector<16xf32>,
        %parallel_loop3A_905 = arith.constant 1152 : i32
        %parallel_loop3A_906 = arith.addi %parallel_loop3A_100, %parallel_loop3A_905 : i32
        %parallel_loop3A_907 = arith.constant 32 : i32
        %parallel_loop3A_908 = arith.addi %parallel_loop3A_906, %parallel_loop3A_907 : i32
        %parallel_loop3A_909 = arith.index_cast %parallel_loop3A_908 : i32 to index
        %parallel_loop3A_910 = tpu.vector_load %arg7[%parallel_loop3A_909] {strides = array<i32>} : memref<51200xf32, #tpu.memory_space<vmem>>, vector<16xf32>,
        tpu.vector_store %arg7[%parallel_loop3A_909], %parallel_loop3A_872 {strides = array<i32>} : memref<51200xf32, #tpu.memory_space<vmem>>, vector<16xf32>,
        %parallel_loop3A_911 = arith.constant 1152 : i32
        %parallel_loop3A_912 = arith.addi %parallel_loop3A_100, %parallel_loop3A_911 : i32
        %parallel_loop3A_913 = arith.constant 48 : i32
        %parallel_loop3A_914 = arith.addi %parallel_loop3A_912, %parallel_loop3A_913 : i32
        %parallel_loop3A_915 = arith.index_cast %parallel_loop3A_914 : i32 to index
        %parallel_loop3A_916 = tpu.vector_load %arg7[%parallel_loop3A_915] {strides = array<i32>} : memref<51200xf32, #tpu.memory_space<vmem>>, vector<16xf32>,
        tpu.vector_store %arg7[%parallel_loop3A_915], %parallel_loop3A_876 {strides = array<i32>} : memref<51200xf32, #tpu.memory_space<vmem>>, vector<16xf32>,
        %parallel_loop3A_917 = arith.constant 1152 : i32
        %parallel_loop3A_918 = arith.addi %parallel_loop3A_100, %parallel_loop3A_917 : i32
        %parallel_loop3A_919 = arith.constant 64 : i32
        %parallel_loop3A_920 = arith.addi %parallel_loop3A_918, %parallel_loop3A_919 : i32
        %parallel_loop3A_921 = arith.index_cast %parallel_loop3A_920 : i32 to index
        %parallel_loop3A_922 = tpu.vector_load %arg7[%parallel_loop3A_921] {strides = array<i32>} : memref<51200xf32, #tpu.memory_space<vmem>>, vector<16xf32>,
        tpu.vector_store %arg7[%parallel_loop3A_921], %parallel_loop3A_880 {strides = array<i32>} : memref<51200xf32, #tpu.memory_space<vmem>>, vector<16xf32>,
        %parallel_loop3A_923 = arith.constant 1152 : i32
        %parallel_loop3A_924 = arith.addi %parallel_loop3A_100, %parallel_loop3A_923 : i32
        %parallel_loop3A_925 = arith.constant 80 : i32
        %parallel_loop3A_926 = arith.addi %parallel_loop3A_924, %parallel_loop3A_925 : i32
        %parallel_loop3A_927 = arith.index_cast %parallel_loop3A_926 : i32 to index
        %parallel_loop3A_928 = tpu.vector_load %arg7[%parallel_loop3A_927] {strides = array<i32>} : memref<51200xf32, #tpu.memory_space<vmem>>, vector<16xf32>,
        tpu.vector_store %arg7[%parallel_loop3A_927], %parallel_loop3A_884 {strides = array<i32>} : memref<51200xf32, #tpu.memory_space<vmem>>, vector<16xf32>,
        %parallel_loop3A_929 = arith.constant 1152 : i32
        %parallel_loop3A_930 = arith.addi %parallel_loop3A_100, %parallel_loop3A_929 : i32
        %parallel_loop3A_931 = arith.constant 96 : i32
        %parallel_loop3A_932 = arith.addi %parallel_loop3A_930, %parallel_loop3A_931 : i32
        %parallel_loop3A_933 = arith.index_cast %parallel_loop3A_932 : i32 to index
        %parallel_loop3A_934 = tpu.vector_load %arg7[%parallel_loop3A_933] {strides = array<i32>} : memref<51200xf32, #tpu.memory_space<vmem>>, vector<16xf32>,
        tpu.vector_store %arg7[%parallel_loop3A_933], %parallel_loop3A_888 {strides = array<i32>} : memref<51200xf32, #tpu.memory_space<vmem>>, vector<16xf32>,
        %parallel_loop3A_935 = arith.constant 1152 : i32
        %parallel_loop3A_936 = arith.addi %parallel_loop3A_100, %parallel_loop3A_935 : i32
        %parallel_loop3A_937 = arith.constant 112 : i32
        %parallel_loop3A_938 = arith.addi %parallel_loop3A_936, %parallel_loop3A_937 : i32
        %parallel_loop3A_939 = arith.index_cast %parallel_loop3A_938 : i32 to index
        %parallel_loop3A_940 = tpu.vector_load %arg7[%parallel_loop3A_939] {strides = array<i32>} : memref<51200xf32, #tpu.memory_space<vmem>>, vector<16xf32>,
        tpu.vector_store %arg7[%parallel_loop3A_939], %parallel_loop3A_892 {strides = array<i32>} : memref<51200xf32, #tpu.memory_space<vmem>>, vector<16xf32>,
        %parallel_loop3A_941 = vector.extract_strided_slice %parallel_loop3A_96 {offsets = [10], sizes = [1], strides = [1]} : vector<16xi32> to vector<1xi32>
        %parallel_loop3A_942 = vector.extract %parallel_loop3A_941[0] : i32 from vector<1xi32>
        %parallel_loop3A_943 = arith.constant 128 : i32
        %parallel_loop3A_944 = arith.muli %parallel_loop3A_942, %parallel_loop3A_943 : i32
        %parallel_loop3A_945 = arith.constant 0 : i32
        %parallel_loop3A_946 = arith.addi %parallel_loop3A_944, %parallel_loop3A_945 : i32
        %parallel_loop3A_947 = arith.index_cast %parallel_loop3A_946 : i32 to index
        %parallel_loop3A_948 = tpu.vector_load %arg5[%parallel_loop3A_947] {strides = array<i32>} : memref<2688xf32, #tpu.memory_space<vmem>>, vector<16xf32>,
        %parallel_loop3A_949 = arith.constant 16 : i32
        %parallel_loop3A_950 = arith.addi %parallel_loop3A_944, %parallel_loop3A_949 : i32
        %parallel_loop3A_951 = arith.index_cast %parallel_loop3A_950 : i32 to index
        %parallel_loop3A_952 = tpu.vector_load %arg5[%parallel_loop3A_951] {strides = array<i32>} : memref<2688xf32, #tpu.memory_space<vmem>>, vector<16xf32>,
        %parallel_loop3A_953 = arith.constant 32 : i32
        %parallel_loop3A_954 = arith.addi %parallel_loop3A_944, %parallel_loop3A_953 : i32
        %parallel_loop3A_955 = arith.index_cast %parallel_loop3A_954 : i32 to index
        %parallel_loop3A_956 = tpu.vector_load %arg5[%parallel_loop3A_955] {strides = array<i32>} : memref<2688xf32, #tpu.memory_space<vmem>>, vector<16xf32>,
        %parallel_loop3A_957 = arith.constant 48 : i32
        %parallel_loop3A_958 = arith.addi %parallel_loop3A_944, %parallel_loop3A_957 : i32
        %parallel_loop3A_959 = arith.index_cast %parallel_loop3A_958 : i32 to index
        %parallel_loop3A_960 = tpu.vector_load %arg5[%parallel_loop3A_959] {strides = array<i32>} : memref<2688xf32, #tpu.memory_space<vmem>>, vector<16xf32>,
        %parallel_loop3A_961 = arith.constant 64 : i32
        %parallel_loop3A_962 = arith.addi %parallel_loop3A_944, %parallel_loop3A_961 : i32
        %parallel_loop3A_963 = arith.index_cast %parallel_loop3A_962 : i32 to index
        %parallel_loop3A_964 = tpu.vector_load %arg5[%parallel_loop3A_963] {strides = array<i32>} : memref<2688xf32, #tpu.memory_space<vmem>>, vector<16xf32>,
        %parallel_loop3A_965 = arith.constant 80 : i32
        %parallel_loop3A_966 = arith.addi %parallel_loop3A_944, %parallel_loop3A_965 : i32
        %parallel_loop3A_967 = arith.index_cast %parallel_loop3A_966 : i32 to index
        %parallel_loop3A_968 = tpu.vector_load %arg5[%parallel_loop3A_967] {strides = array<i32>} : memref<2688xf32, #tpu.memory_space<vmem>>, vector<16xf32>,
        %parallel_loop3A_969 = arith.constant 96 : i32
        %parallel_loop3A_970 = arith.addi %parallel_loop3A_944, %parallel_loop3A_969 : i32
        %parallel_loop3A_971 = arith.index_cast %parallel_loop3A_970 : i32 to index
        %parallel_loop3A_972 = tpu.vector_load %arg5[%parallel_loop3A_971] {strides = array<i32>} : memref<2688xf32, #tpu.memory_space<vmem>>, vector<16xf32>,
        %parallel_loop3A_973 = arith.constant 112 : i32
        %parallel_loop3A_974 = arith.addi %parallel_loop3A_944, %parallel_loop3A_973 : i32
        %parallel_loop3A_975 = arith.index_cast %parallel_loop3A_974 : i32 to index
        %parallel_loop3A_976 = tpu.vector_load %arg5[%parallel_loop3A_975] {strides = array<i32>} : memref<2688xf32, #tpu.memory_space<vmem>>, vector<16xf32>,
        %parallel_loop3A_977 = arith.constant 1280 : i32
        %parallel_loop3A_978 = arith.addi %parallel_loop3A_100, %parallel_loop3A_977 : i32
        %parallel_loop3A_979 = arith.constant 0 : i32
        %parallel_loop3A_980 = arith.addi %parallel_loop3A_978, %parallel_loop3A_979 : i32
        %parallel_loop3A_981 = arith.index_cast %parallel_loop3A_980 : i32 to index
        %parallel_loop3A_982 = tpu.vector_load %arg7[%parallel_loop3A_981] {strides = array<i32>} : memref<51200xf32, #tpu.memory_space<vmem>>, vector<16xf32>,
        tpu.vector_store %arg7[%parallel_loop3A_981], %parallel_loop3A_948 {strides = array<i32>} : memref<51200xf32, #tpu.memory_space<vmem>>, vector<16xf32>,
        %parallel_loop3A_983 = arith.constant 1280 : i32
        %parallel_loop3A_984 = arith.addi %parallel_loop3A_100, %parallel_loop3A_983 : i32
        %parallel_loop3A_985 = arith.constant 16 : i32
        %parallel_loop3A_986 = arith.addi %parallel_loop3A_984, %parallel_loop3A_985 : i32
        %parallel_loop3A_987 = arith.index_cast %parallel_loop3A_986 : i32 to index
        %parallel_loop3A_988 = tpu.vector_load %arg7[%parallel_loop3A_987] {strides = array<i32>} : memref<51200xf32, #tpu.memory_space<vmem>>, vector<16xf32>,
        tpu.vector_store %arg7[%parallel_loop3A_987], %parallel_loop3A_952 {strides = array<i32>} : memref<51200xf32, #tpu.memory_space<vmem>>, vector<16xf32>,
        %parallel_loop3A_989 = arith.constant 1280 : i32
        %parallel_loop3A_990 = arith.addi %parallel_loop3A_100, %parallel_loop3A_989 : i32
        %parallel_loop3A_991 = arith.constant 32 : i32
        %parallel_loop3A_992 = arith.addi %parallel_loop3A_990, %parallel_loop3A_991 : i32
        %parallel_loop3A_993 = arith.index_cast %parallel_loop3A_992 : i32 to index
        %parallel_loop3A_994 = tpu.vector_load %arg7[%parallel_loop3A_993] {strides = array<i32>} : memref<51200xf32, #tpu.memory_space<vmem>>, vector<16xf32>,
        tpu.vector_store %arg7[%parallel_loop3A_993], %parallel_loop3A_956 {strides = array<i32>} : memref<51200xf32, #tpu.memory_space<vmem>>, vector<16xf32>,
        %parallel_loop3A_995 = arith.constant 1280 : i32
        %parallel_loop3A_996 = arith.addi %parallel_loop3A_100, %parallel_loop3A_995 : i32
        %parallel_loop3A_997 = arith.constant 48 : i32
        %parallel_loop3A_998 = arith.addi %parallel_loop3A_996, %parallel_loop3A_997 : i32
        %parallel_loop3A_999 = arith.index_cast %parallel_loop3A_998 : i32 to index
        %parallel_loop3A_1000 = tpu.vector_load %arg7[%parallel_loop3A_999] {strides = array<i32>} : memref<51200xf32, #tpu.memory_space<vmem>>, vector<16xf32>,
        tpu.vector_store %arg7[%parallel_loop3A_999], %parallel_loop3A_960 {strides = array<i32>} : memref<51200xf32, #tpu.memory_space<vmem>>, vector<16xf32>,
        %parallel_loop3A_1001 = arith.constant 1280 : i32
        %parallel_loop3A_1002 = arith.addi %parallel_loop3A_100, %parallel_loop3A_1001 : i32
        %parallel_loop3A_1003 = arith.constant 64 : i32
        %parallel_loop3A_1004 = arith.addi %parallel_loop3A_1002, %parallel_loop3A_1003 : i32
        %parallel_loop3A_1005 = arith.index_cast %parallel_loop3A_1004 : i32 to index
        %parallel_loop3A_1006 = tpu.vector_load %arg7[%parallel_loop3A_1005] {strides = array<i32>} : memref<51200xf32, #tpu.memory_space<vmem>>, vector<16xf32>,
        tpu.vector_store %arg7[%parallel_loop3A_1005], %parallel_loop3A_964 {strides = array<i32>} : memref<51200xf32, #tpu.memory_space<vmem>>, vector<16xf32>,
        %parallel_loop3A_1007 = arith.constant 1280 : i32
        %parallel_loop3A_1008 = arith.addi %parallel_loop3A_100, %parallel_loop3A_1007 : i32
        %parallel_loop3A_1009 = arith.constant 80 : i32
        %parallel_loop3A_1010 = arith.addi %parallel_loop3A_1008, %parallel_loop3A_1009 : i32
        %parallel_loop3A_1011 = arith.index_cast %parallel_loop3A_1010 : i32 to index
        %parallel_loop3A_1012 = tpu.vector_load %arg7[%parallel_loop3A_1011] {strides = array<i32>} : memref<51200xf32, #tpu.memory_space<vmem>>, vector<16xf32>,
        tpu.vector_store %arg7[%parallel_loop3A_1011], %parallel_loop3A_968 {strides = array<i32>} : memref<51200xf32, #tpu.memory_space<vmem>>, vector<16xf32>,
        %parallel_loop3A_1013 = arith.constant 1280 : i32
        %parallel_loop3A_1014 = arith.addi %parallel_loop3A_100, %parallel_loop3A_1013 : i32
        %parallel_loop3A_1015 = arith.constant 96 : i32
        %parallel_loop3A_1016 = arith.addi %parallel_loop3A_1014, %parallel_loop3A_1015 : i32
        %parallel_loop3A_1017 = arith.index_cast %parallel_loop3A_1016 : i32 to index
        %parallel_loop3A_1018 = tpu.vector_load %arg7[%parallel_loop3A_1017] {strides = array<i32>} : memref<51200xf32, #tpu.memory_space<vmem>>, vector<16xf32>,
        tpu.vector_store %arg7[%parallel_loop3A_1017], %parallel_loop3A_972 {strides = array<i32>} : memref<51200xf32, #tpu.memory_space<vmem>>, vector<16xf32>,
        %parallel_loop3A_1019 = arith.constant 1280 : i32
        %parallel_loop3A_1020 = arith.addi %parallel_loop3A_100, %parallel_loop3A_1019 : i32
        %parallel_loop3A_1021 = arith.constant 112 : i32
        %parallel_loop3A_1022 = arith.addi %parallel_loop3A_1020, %parallel_loop3A_1021 : i32
        %parallel_loop3A_1023 = arith.index_cast %parallel_loop3A_1022 : i32 to index
        %parallel_loop3A_1024 = tpu.vector_load %arg7[%parallel_loop3A_1023] {strides = array<i32>} : memref<51200xf32, #tpu.memory_space<vmem>>, vector<16xf32>,
        tpu.vector_store %arg7[%parallel_loop3A_1023], %parallel_loop3A_976 {strides = array<i32>} : memref<51200xf32, #tpu.memory_space<vmem>>, vector<16xf32>,
        %parallel_loop3A_1025 = vector.extract_strided_slice %parallel_loop3A_96 {offsets = [11], sizes = [1], strides = [1]} : vector<16xi32> to vector<1xi32>
        %parallel_loop3A_1026 = vector.extract %parallel_loop3A_1025[0] : i32 from vector<1xi32>
        %parallel_loop3A_1027 = arith.constant 128 : i32
        %parallel_loop3A_1028 = arith.muli %parallel_loop3A_1026, %parallel_loop3A_1027 : i32
        %parallel_loop3A_1029 = arith.constant 0 : i32
        %parallel_loop3A_1030 = arith.addi %parallel_loop3A_1028, %parallel_loop3A_1029 : i32
        %parallel_loop3A_1031 = arith.index_cast %parallel_loop3A_1030 : i32 to index
        %parallel_loop3A_1032 = tpu.vector_load %arg5[%parallel_loop3A_1031] {strides = array<i32>} : memref<2688xf32, #tpu.memory_space<vmem>>, vector<16xf32>,
        %parallel_loop3A_1033 = arith.constant 16 : i32
        %parallel_loop3A_1034 = arith.addi %parallel_loop3A_1028, %parallel_loop3A_1033 : i32
        %parallel_loop3A_1035 = arith.index_cast %parallel_loop3A_1034 : i32 to index
        %parallel_loop3A_1036 = tpu.vector_load %arg5[%parallel_loop3A_1035] {strides = array<i32>} : memref<2688xf32, #tpu.memory_space<vmem>>, vector<16xf32>,
        %parallel_loop3A_1037 = arith.constant 32 : i32
        %parallel_loop3A_1038 = arith.addi %parallel_loop3A_1028, %parallel_loop3A_1037 : i32
        %parallel_loop3A_1039 = arith.index_cast %parallel_loop3A_1038 : i32 to index
        %parallel_loop3A_1040 = tpu.vector_load %arg5[%parallel_loop3A_1039] {strides = array<i32>} : memref<2688xf32, #tpu.memory_space<vmem>>, vector<16xf32>,
        %parallel_loop3A_1041 = arith.constant 48 : i32
        %parallel_loop3A_1042 = arith.addi %parallel_loop3A_1028, %parallel_loop3A_1041 : i32
        %parallel_loop3A_1043 = arith.index_cast %parallel_loop3A_1042 : i32 to index
        %parallel_loop3A_1044 = tpu.vector_load %arg5[%parallel_loop3A_1043] {strides = array<i32>} : memref<2688xf32, #tpu.memory_space<vmem>>, vector<16xf32>,
        %parallel_loop3A_1045 = arith.constant 64 : i32
        %parallel_loop3A_1046 = arith.addi %parallel_loop3A_1028, %parallel_loop3A_1045 : i32
        %parallel_loop3A_1047 = arith.index_cast %parallel_loop3A_1046 : i32 to index
        %parallel_loop3A_1048 = tpu.vector_load %arg5[%parallel_loop3A_1047] {strides = array<i32>} : memref<2688xf32, #tpu.memory_space<vmem>>, vector<16xf32>,
        %parallel_loop3A_1049 = arith.constant 80 : i32
        %parallel_loop3A_1050 = arith.addi %parallel_loop3A_1028, %parallel_loop3A_1049 : i32
        %parallel_loop3A_1051 = arith.index_cast %parallel_loop3A_1050 : i32 to index
        %parallel_loop3A_1052 = tpu.vector_load %arg5[%parallel_loop3A_1051] {strides = array<i32>} : memref<2688xf32, #tpu.memory_space<vmem>>, vector<16xf32>,
        %parallel_loop3A_1053 = arith.constant 96 : i32
        %parallel_loop3A_1054 = arith.addi %parallel_loop3A_1028, %parallel_loop3A_1053 : i32
        %parallel_loop3A_1055 = arith.index_cast %parallel_loop3A_1054 : i32 to index
        %parallel_loop3A_1056 = tpu.vector_load %arg5[%parallel_loop3A_1055] {strides = array<i32>} : memref<2688xf32, #tpu.memory_space<vmem>>, vector<16xf32>,
        %parallel_loop3A_1057 = arith.constant 112 : i32
        %parallel_loop3A_1058 = arith.addi %parallel_loop3A_1028, %parallel_loop3A_1057 : i32
        %parallel_loop3A_1059 = arith.index_cast %parallel_loop3A_1058 : i32 to index
        %parallel_loop3A_1060 = tpu.vector_load %arg5[%parallel_loop3A_1059] {strides = array<i32>} : memref<2688xf32, #tpu.memory_space<vmem>>, vector<16xf32>,
        %parallel_loop3A_1061 = arith.constant 1408 : i32
        %parallel_loop3A_1062 = arith.addi %parallel_loop3A_100, %parallel_loop3A_1061 : i32
        %parallel_loop3A_1063 = arith.constant 0 : i32
        %parallel_loop3A_1064 = arith.addi %parallel_loop3A_1062, %parallel_loop3A_1063 : i32
        %parallel_loop3A_1065 = arith.index_cast %parallel_loop3A_1064 : i32 to index
        %parallel_loop3A_1066 = tpu.vector_load %arg7[%parallel_loop3A_1065] {strides = array<i32>} : memref<51200xf32, #tpu.memory_space<vmem>>, vector<16xf32>,
        tpu.vector_store %arg7[%parallel_loop3A_1065], %parallel_loop3A_1032 {strides = array<i32>} : memref<51200xf32, #tpu.memory_space<vmem>>, vector<16xf32>,
        %parallel_loop3A_1067 = arith.constant 1408 : i32
        %parallel_loop3A_1068 = arith.addi %parallel_loop3A_100, %parallel_loop3A_1067 : i32
        %parallel_loop3A_1069 = arith.constant 16 : i32
        %parallel_loop3A_1070 = arith.addi %parallel_loop3A_1068, %parallel_loop3A_1069 : i32
        %parallel_loop3A_1071 = arith.index_cast %parallel_loop3A_1070 : i32 to index
        %parallel_loop3A_1072 = tpu.vector_load %arg7[%parallel_loop3A_1071] {strides = array<i32>} : memref<51200xf32, #tpu.memory_space<vmem>>, vector<16xf32>,
        tpu.vector_store %arg7[%parallel_loop3A_1071], %parallel_loop3A_1036 {strides = array<i32>} : memref<51200xf32, #tpu.memory_space<vmem>>, vector<16xf32>,
        %parallel_loop3A_1073 = arith.constant 1408 : i32
        %parallel_loop3A_1074 = arith.addi %parallel_loop3A_100, %parallel_loop3A_1073 : i32
        %parallel_loop3A_1075 = arith.constant 32 : i32
        %parallel_loop3A_1076 = arith.addi %parallel_loop3A_1074, %parallel_loop3A_1075 : i32
        %parallel_loop3A_1077 = arith.index_cast %parallel_loop3A_1076 : i32 to index
        %parallel_loop3A_1078 = tpu.vector_load %arg7[%parallel_loop3A_1077] {strides = array<i32>} : memref<51200xf32, #tpu.memory_space<vmem>>, vector<16xf32>,
        tpu.vector_store %arg7[%parallel_loop3A_1077], %parallel_loop3A_1040 {strides = array<i32>} : memref<51200xf32, #tpu.memory_space<vmem>>, vector<16xf32>,
        %parallel_loop3A_1079 = arith.constant 1408 : i32
        %parallel_loop3A_1080 = arith.addi %parallel_loop3A_100, %parallel_loop3A_1079 : i32
        %parallel_loop3A_1081 = arith.constant 48 : i32
        %parallel_loop3A_1082 = arith.addi %parallel_loop3A_1080, %parallel_loop3A_1081 : i32
        %parallel_loop3A_1083 = arith.index_cast %parallel_loop3A_1082 : i32 to index
        %parallel_loop3A_1084 = tpu.vector_load %arg7[%parallel_loop3A_1083] {strides = array<i32>} : memref<51200xf32, #tpu.memory_space<vmem>>, vector<16xf32>,
        tpu.vector_store %arg7[%parallel_loop3A_1083], %parallel_loop3A_1044 {strides = array<i32>} : memref<51200xf32, #tpu.memory_space<vmem>>, vector<16xf32>,
        %parallel_loop3A_1085 = arith.constant 1408 : i32
        %parallel_loop3A_1086 = arith.addi %parallel_loop3A_100, %parallel_loop3A_1085 : i32
        %parallel_loop3A_1087 = arith.constant 64 : i32
        %parallel_loop3A_1088 = arith.addi %parallel_loop3A_1086, %parallel_loop3A_1087 : i32
        %parallel_loop3A_1089 = arith.index_cast %parallel_loop3A_1088 : i32 to index
        %parallel_loop3A_1090 = tpu.vector_load %arg7[%parallel_loop3A_1089] {strides = array<i32>} : memref<51200xf32, #tpu.memory_space<vmem>>, vector<16xf32>,
        tpu.vector_store %arg7[%parallel_loop3A_1089], %parallel_loop3A_1048 {strides = array<i32>} : memref<51200xf32, #tpu.memory_space<vmem>>, vector<16xf32>,
        %parallel_loop3A_1091 = arith.constant 1408 : i32
        %parallel_loop3A_1092 = arith.addi %parallel_loop3A_100, %parallel_loop3A_1091 : i32
        %parallel_loop3A_1093 = arith.constant 80 : i32
        %parallel_loop3A_1094 = arith.addi %parallel_loop3A_1092, %parallel_loop3A_1093 : i32
        %parallel_loop3A_1095 = arith.index_cast %parallel_loop3A_1094 : i32 to index
        %parallel_loop3A_1096 = tpu.vector_load %arg7[%parallel_loop3A_1095] {strides = array<i32>} : memref<51200xf32, #tpu.memory_space<vmem>>, vector<16xf32>,
        tpu.vector_store %arg7[%parallel_loop3A_1095], %parallel_loop3A_1052 {strides = array<i32>} : memref<51200xf32, #tpu.memory_space<vmem>>, vector<16xf32>,
        %parallel_loop3A_1097 = arith.constant 1408 : i32
        %parallel_loop3A_1098 = arith.addi %parallel_loop3A_100, %parallel_loop3A_1097 : i32
        %parallel_loop3A_1099 = arith.constant 96 : i32
        %parallel_loop3A_1100 = arith.addi %parallel_loop3A_1098, %parallel_loop3A_1099 : i32
        %parallel_loop3A_1101 = arith.index_cast %parallel_loop3A_1100 : i32 to index
        %parallel_loop3A_1102 = tpu.vector_load %arg7[%parallel_loop3A_1101] {strides = array<i32>} : memref<51200xf32, #tpu.memory_space<vmem>>, vector<16xf32>,
        tpu.vector_store %arg7[%parallel_loop3A_1101], %parallel_loop3A_1056 {strides = array<i32>} : memref<51200xf32, #tpu.memory_space<vmem>>, vector<16xf32>,
        %parallel_loop3A_1103 = arith.constant 1408 : i32
        %parallel_loop3A_1104 = arith.addi %parallel_loop3A_100, %parallel_loop3A_1103 : i32
        %parallel_loop3A_1105 = arith.constant 112 : i32
        %parallel_loop3A_1106 = arith.addi %parallel_loop3A_1104, %parallel_loop3A_1105 : i32
        %parallel_loop3A_1107 = arith.index_cast %parallel_loop3A_1106 : i32 to index
        %parallel_loop3A_1108 = tpu.vector_load %arg7[%parallel_loop3A_1107] {strides = array<i32>} : memref<51200xf32, #tpu.memory_space<vmem>>, vector<16xf32>,
        tpu.vector_store %arg7[%parallel_loop3A_1107], %parallel_loop3A_1060 {strides = array<i32>} : memref<51200xf32, #tpu.memory_space<vmem>>, vector<16xf32>,
        %parallel_loop3A_1109 = vector.extract_strided_slice %parallel_loop3A_96 {offsets = [12], sizes = [1], strides = [1]} : vector<16xi32> to vector<1xi32>
        %parallel_loop3A_1110 = vector.extract %parallel_loop3A_1109[0] : i32 from vector<1xi32>
        %parallel_loop3A_1111 = arith.constant 128 : i32
        %parallel_loop3A_1112 = arith.muli %parallel_loop3A_1110, %parallel_loop3A_1111 : i32
        %parallel_loop3A_1113 = arith.constant 0 : i32
        %parallel_loop3A_1114 = arith.addi %parallel_loop3A_1112, %parallel_loop3A_1113 : i32
        %parallel_loop3A_1115 = arith.index_cast %parallel_loop3A_1114 : i32 to index
        %parallel_loop3A_1116 = tpu.vector_load %arg5[%parallel_loop3A_1115] {strides = array<i32>} : memref<2688xf32, #tpu.memory_space<vmem>>, vector<16xf32>,
        %parallel_loop3A_1117 = arith.constant 16 : i32
        %parallel_loop3A_1118 = arith.addi %parallel_loop3A_1112, %parallel_loop3A_1117 : i32
        %parallel_loop3A_1119 = arith.index_cast %parallel_loop3A_1118 : i32 to index
        %parallel_loop3A_1120 = tpu.vector_load %arg5[%parallel_loop3A_1119] {strides = array<i32>} : memref<2688xf32, #tpu.memory_space<vmem>>, vector<16xf32>,
        %parallel_loop3A_1121 = arith.constant 32 : i32
        %parallel_loop3A_1122 = arith.addi %parallel_loop3A_1112, %parallel_loop3A_1121 : i32
        %parallel_loop3A_1123 = arith.index_cast %parallel_loop3A_1122 : i32 to index
        %parallel_loop3A_1124 = tpu.vector_load %arg5[%parallel_loop3A_1123] {strides = array<i32>} : memref<2688xf32, #tpu.memory_space<vmem>>, vector<16xf32>,
        %parallel_loop3A_1125 = arith.constant 48 : i32
        %parallel_loop3A_1126 = arith.addi %parallel_loop3A_1112, %parallel_loop3A_1125 : i32
        %parallel_loop3A_1127 = arith.index_cast %parallel_loop3A_1126 : i32 to index
        %parallel_loop3A_1128 = tpu.vector_load %arg5[%parallel_loop3A_1127] {strides = array<i32>} : memref<2688xf32, #tpu.memory_space<vmem>>, vector<16xf32>,
        %parallel_loop3A_1129 = arith.constant 64 : i32
        %parallel_loop3A_1130 = arith.addi %parallel_loop3A_1112, %parallel_loop3A_1129 : i32
        %parallel_loop3A_1131 = arith.index_cast %parallel_loop3A_1130 : i32 to index
        %parallel_loop3A_1132 = tpu.vector_load %arg5[%parallel_loop3A_1131] {strides = array<i32>} : memref<2688xf32, #tpu.memory_space<vmem>>, vector<16xf32>,
        %parallel_loop3A_1133 = arith.constant 80 : i32
        %parallel_loop3A_1134 = arith.addi %parallel_loop3A_1112, %parallel_loop3A_1133 : i32
        %parallel_loop3A_1135 = arith.index_cast %parallel_loop3A_1134 : i32 to index
        %parallel_loop3A_1136 = tpu.vector_load %arg5[%parallel_loop3A_1135] {strides = array<i32>} : memref<2688xf32, #tpu.memory_space<vmem>>, vector<16xf32>,
        %parallel_loop3A_1137 = arith.constant 96 : i32
        %parallel_loop3A_1138 = arith.addi %parallel_loop3A_1112, %parallel_loop3A_1137 : i32
        %parallel_loop3A_1139 = arith.index_cast %parallel_loop3A_1138 : i32 to index
        %parallel_loop3A_1140 = tpu.vector_load %arg5[%parallel_loop3A_1139] {strides = array<i32>} : memref<2688xf32, #tpu.memory_space<vmem>>, vector<16xf32>,
        %parallel_loop3A_1141 = arith.constant 112 : i32
        %parallel_loop3A_1142 = arith.addi %parallel_loop3A_1112, %parallel_loop3A_1141 : i32
        %parallel_loop3A_1143 = arith.index_cast %parallel_loop3A_1142 : i32 to index
        %parallel_loop3A_1144 = tpu.vector_load %arg5[%parallel_loop3A_1143] {strides = array<i32>} : memref<2688xf32, #tpu.memory_space<vmem>>, vector<16xf32>,
        %parallel_loop3A_1145 = arith.constant 1536 : i32
        %parallel_loop3A_1146 = arith.addi %parallel_loop3A_100, %parallel_loop3A_1145 : i32
        %parallel_loop3A_1147 = arith.constant 0 : i32
        %parallel_loop3A_1148 = arith.addi %parallel_loop3A_1146, %parallel_loop3A_1147 : i32
        %parallel_loop3A_1149 = arith.index_cast %parallel_loop3A_1148 : i32 to index
        %parallel_loop3A_1150 = tpu.vector_load %arg7[%parallel_loop3A_1149] {strides = array<i32>} : memref<51200xf32, #tpu.memory_space<vmem>>, vector<16xf32>,
        tpu.vector_store %arg7[%parallel_loop3A_1149], %parallel_loop3A_1116 {strides = array<i32>} : memref<51200xf32, #tpu.memory_space<vmem>>, vector<16xf32>,
        %parallel_loop3A_1151 = arith.constant 1536 : i32
        %parallel_loop3A_1152 = arith.addi %parallel_loop3A_100, %parallel_loop3A_1151 : i32
        %parallel_loop3A_1153 = arith.constant 16 : i32
        %parallel_loop3A_1154 = arith.addi %parallel_loop3A_1152, %parallel_loop3A_1153 : i32
        %parallel_loop3A_1155 = arith.index_cast %parallel_loop3A_1154 : i32 to index
        %parallel_loop3A_1156 = tpu.vector_load %arg7[%parallel_loop3A_1155] {strides = array<i32>} : memref<51200xf32, #tpu.memory_space<vmem>>, vector<16xf32>,
        tpu.vector_store %arg7[%parallel_loop3A_1155], %parallel_loop3A_1120 {strides = array<i32>} : memref<51200xf32, #tpu.memory_space<vmem>>, vector<16xf32>,
        %parallel_loop3A_1157 = arith.constant 1536 : i32
        %parallel_loop3A_1158 = arith.addi %parallel_loop3A_100, %parallel_loop3A_1157 : i32
        %parallel_loop3A_1159 = arith.constant 32 : i32
        %parallel_loop3A_1160 = arith.addi %parallel_loop3A_1158, %parallel_loop3A_1159 : i32
        %parallel_loop3A_1161 = arith.index_cast %parallel_loop3A_1160 : i32 to index
        %parallel_loop3A_1162 = tpu.vector_load %arg7[%parallel_loop3A_1161] {strides = array<i32>} : memref<51200xf32, #tpu.memory_space<vmem>>, vector<16xf32>,
        tpu.vector_store %arg7[%parallel_loop3A_1161], %parallel_loop3A_1124 {strides = array<i32>} : memref<51200xf32, #tpu.memory_space<vmem>>, vector<16xf32>,
        %parallel_loop3A_1163 = arith.constant 1536 : i32
        %parallel_loop3A_1164 = arith.addi %parallel_loop3A_100, %parallel_loop3A_1163 : i32
        %parallel_loop3A_1165 = arith.constant 48 : i32
        %parallel_loop3A_1166 = arith.addi %parallel_loop3A_1164, %parallel_loop3A_1165 : i32
        %parallel_loop3A_1167 = arith.index_cast %parallel_loop3A_1166 : i32 to index
        %parallel_loop3A_1168 = tpu.vector_load %arg7[%parallel_loop3A_1167] {strides = array<i32>} : memref<51200xf32, #tpu.memory_space<vmem>>, vector<16xf32>,
        tpu.vector_store %arg7[%parallel_loop3A_1167], %parallel_loop3A_1128 {strides = array<i32>} : memref<51200xf32, #tpu.memory_space<vmem>>, vector<16xf32>,
        %parallel_loop3A_1169 = arith.constant 1536 : i32
        %parallel_loop3A_1170 = arith.addi %parallel_loop3A_100, %parallel_loop3A_1169 : i32
        %parallel_loop3A_1171 = arith.constant 64 : i32
        %parallel_loop3A_1172 = arith.addi %parallel_loop3A_1170, %parallel_loop3A_1171 : i32
        %parallel_loop3A_1173 = arith.index_cast %parallel_loop3A_1172 : i32 to index
        %parallel_loop3A_1174 = tpu.vector_load %arg7[%parallel_loop3A_1173] {strides = array<i32>} : memref<51200xf32, #tpu.memory_space<vmem>>, vector<16xf32>,
        tpu.vector_store %arg7[%parallel_loop3A_1173], %parallel_loop3A_1132 {strides = array<i32>} : memref<51200xf32, #tpu.memory_space<vmem>>, vector<16xf32>,
        %parallel_loop3A_1175 = arith.constant 1536 : i32
        %parallel_loop3A_1176 = arith.addi %parallel_loop3A_100, %parallel_loop3A_1175 : i32
        %parallel_loop3A_1177 = arith.constant 80 : i32
        %parallel_loop3A_1178 = arith.addi %parallel_loop3A_1176, %parallel_loop3A_1177 : i32
        %parallel_loop3A_1179 = arith.index_cast %parallel_loop3A_1178 : i32 to index
        %parallel_loop3A_1180 = tpu.vector_load %arg7[%parallel_loop3A_1179] {strides = array<i32>} : memref<51200xf32, #tpu.memory_space<vmem>>, vector<16xf32>,
        tpu.vector_store %arg7[%parallel_loop3A_1179], %parallel_loop3A_1136 {strides = array<i32>} : memref<51200xf32, #tpu.memory_space<vmem>>, vector<16xf32>,
        %parallel_loop3A_1181 = arith.constant 1536 : i32
        %parallel_loop3A_1182 = arith.addi %parallel_loop3A_100, %parallel_loop3A_1181 : i32
        %parallel_loop3A_1183 = arith.constant 96 : i32
        %parallel_loop3A_1184 = arith.addi %parallel_loop3A_1182, %parallel_loop3A_1183 : i32
        %parallel_loop3A_1185 = arith.index_cast %parallel_loop3A_1184 : i32 to index
        %parallel_loop3A_1186 = tpu.vector_load %arg7[%parallel_loop3A_1185] {strides = array<i32>} : memref<51200xf32, #tpu.memory_space<vmem>>, vector<16xf32>,
        tpu.vector_store %arg7[%parallel_loop3A_1185], %parallel_loop3A_1140 {strides = array<i32>} : memref<51200xf32, #tpu.memory_space<vmem>>, vector<16xf32>,
        %parallel_loop3A_1187 = arith.constant 1536 : i32
        %parallel_loop3A_1188 = arith.addi %parallel_loop3A_100, %parallel_loop3A_1187 : i32
        %parallel_loop3A_1189 = arith.constant 112 : i32
        %parallel_loop3A_1190 = arith.addi %parallel_loop3A_1188, %parallel_loop3A_1189 : i32
        %parallel_loop3A_1191 = arith.index_cast %parallel_loop3A_1190 : i32 to index
        %parallel_loop3A_1192 = tpu.vector_load %arg7[%parallel_loop3A_1191] {strides = array<i32>} : memref<51200xf32, #tpu.memory_space<vmem>>, vector<16xf32>,
        tpu.vector_store %arg7[%parallel_loop3A_1191], %parallel_loop3A_1144 {strides = array<i32>} : memref<51200xf32, #tpu.memory_space<vmem>>, vector<16xf32>,
        %parallel_loop3A_1193 = vector.extract_strided_slice %parallel_loop3A_96 {offsets = [13], sizes = [1], strides = [1]} : vector<16xi32> to vector<1xi32>
        %parallel_loop3A_1194 = vector.extract %parallel_loop3A_1193[0] : i32 from vector<1xi32>
        %parallel_loop3A_1195 = arith.constant 128 : i32
        %parallel_loop3A_1196 = arith.muli %parallel_loop3A_1194, %parallel_loop3A_1195 : i32
        %parallel_loop3A_1197 = arith.constant 0 : i32
        %parallel_loop3A_1198 = arith.addi %parallel_loop3A_1196, %parallel_loop3A_1197 : i32
        %parallel_loop3A_1199 = arith.index_cast %parallel_loop3A_1198 : i32 to index
        %parallel_loop3A_1200 = tpu.vector_load %arg5[%parallel_loop3A_1199] {strides = array<i32>} : memref<2688xf32, #tpu.memory_space<vmem>>, vector<16xf32>,
        %parallel_loop3A_1201 = arith.constant 16 : i32
        %parallel_loop3A_1202 = arith.addi %parallel_loop3A_1196, %parallel_loop3A_1201 : i32
        %parallel_loop3A_1203 = arith.index_cast %parallel_loop3A_1202 : i32 to index
        %parallel_loop3A_1204 = tpu.vector_load %arg5[%parallel_loop3A_1203] {strides = array<i32>} : memref<2688xf32, #tpu.memory_space<vmem>>, vector<16xf32>,
        %parallel_loop3A_1205 = arith.constant 32 : i32
        %parallel_loop3A_1206 = arith.addi %parallel_loop3A_1196, %parallel_loop3A_1205 : i32
        %parallel_loop3A_1207 = arith.index_cast %parallel_loop3A_1206 : i32 to index
        %parallel_loop3A_1208 = tpu.vector_load %arg5[%parallel_loop3A_1207] {strides = array<i32>} : memref<2688xf32, #tpu.memory_space<vmem>>, vector<16xf32>,
        %parallel_loop3A_1209 = arith.constant 48 : i32
        %parallel_loop3A_1210 = arith.addi %parallel_loop3A_1196, %parallel_loop3A_1209 : i32
        %parallel_loop3A_1211 = arith.index_cast %parallel_loop3A_1210 : i32 to index
        %parallel_loop3A_1212 = tpu.vector_load %arg5[%parallel_loop3A_1211] {strides = array<i32>} : memref<2688xf32, #tpu.memory_space<vmem>>, vector<16xf32>,
        %parallel_loop3A_1213 = arith.constant 64 : i32
        %parallel_loop3A_1214 = arith.addi %parallel_loop3A_1196, %parallel_loop3A_1213 : i32
        %parallel_loop3A_1215 = arith.index_cast %parallel_loop3A_1214 : i32 to index
        %parallel_loop3A_1216 = tpu.vector_load %arg5[%parallel_loop3A_1215] {strides = array<i32>} : memref<2688xf32, #tpu.memory_space<vmem>>, vector<16xf32>,
        %parallel_loop3A_1217 = arith.constant 80 : i32
        %parallel_loop3A_1218 = arith.addi %parallel_loop3A_1196, %parallel_loop3A_1217 : i32
        %parallel_loop3A_1219 = arith.index_cast %parallel_loop3A_1218 : i32 to index
        %parallel_loop3A_1220 = tpu.vector_load %arg5[%parallel_loop3A_1219] {strides = array<i32>} : memref<2688xf32, #tpu.memory_space<vmem>>, vector<16xf32>,
        %parallel_loop3A_1221 = arith.constant 96 : i32
        %parallel_loop3A_1222 = arith.addi %parallel_loop3A_1196, %parallel_loop3A_1221 : i32
        %parallel_loop3A_1223 = arith.index_cast %parallel_loop3A_1222 : i32 to index
        %parallel_loop3A_1224 = tpu.vector_load %arg5[%parallel_loop3A_1223] {strides = array<i32>} : memref<2688xf32, #tpu.memory_space<vmem>>, vector<16xf32>,
        %parallel_loop3A_1225 = arith.constant 112 : i32
        %parallel_loop3A_1226 = arith.addi %parallel_loop3A_1196, %parallel_loop3A_1225 : i32
        %parallel_loop3A_1227 = arith.index_cast %parallel_loop3A_1226 : i32 to index
        %parallel_loop3A_1228 = tpu.vector_load %arg5[%parallel_loop3A_1227] {strides = array<i32>} : memref<2688xf32, #tpu.memory_space<vmem>>, vector<16xf32>,
        %parallel_loop3A_1229 = arith.constant 1664 : i32
        %parallel_loop3A_1230 = arith.addi %parallel_loop3A_100, %parallel_loop3A_1229 : i32
        %parallel_loop3A_1231 = arith.constant 0 : i32
        %parallel_loop3A_1232 = arith.addi %parallel_loop3A_1230, %parallel_loop3A_1231 : i32
        %parallel_loop3A_1233 = arith.index_cast %parallel_loop3A_1232 : i32 to index
        %parallel_loop3A_1234 = tpu.vector_load %arg7[%parallel_loop3A_1233] {strides = array<i32>} : memref<51200xf32, #tpu.memory_space<vmem>>, vector<16xf32>,
        tpu.vector_store %arg7[%parallel_loop3A_1233], %parallel_loop3A_1200 {strides = array<i32>} : memref<51200xf32, #tpu.memory_space<vmem>>, vector<16xf32>,
        %parallel_loop3A_1235 = arith.constant 1664 : i32
        %parallel_loop3A_1236 = arith.addi %parallel_loop3A_100, %parallel_loop3A_1235 : i32
        %parallel_loop3A_1237 = arith.constant 16 : i32
        %parallel_loop3A_1238 = arith.addi %parallel_loop3A_1236, %parallel_loop3A_1237 : i32
        %parallel_loop3A_1239 = arith.index_cast %parallel_loop3A_1238 : i32 to index
        %parallel_loop3A_1240 = tpu.vector_load %arg7[%parallel_loop3A_1239] {strides = array<i32>} : memref<51200xf32, #tpu.memory_space<vmem>>, vector<16xf32>,
        tpu.vector_store %arg7[%parallel_loop3A_1239], %parallel_loop3A_1204 {strides = array<i32>} : memref<51200xf32, #tpu.memory_space<vmem>>, vector<16xf32>,
        %parallel_loop3A_1241 = arith.constant 1664 : i32
        %parallel_loop3A_1242 = arith.addi %parallel_loop3A_100, %parallel_loop3A_1241 : i32
        %parallel_loop3A_1243 = arith.constant 32 : i32
        %parallel_loop3A_1244 = arith.addi %parallel_loop3A_1242, %parallel_loop3A_1243 : i32
        %parallel_loop3A_1245 = arith.index_cast %parallel_loop3A_1244 : i32 to index
        %parallel_loop3A_1246 = tpu.vector_load %arg7[%parallel_loop3A_1245] {strides = array<i32>} : memref<51200xf32, #tpu.memory_space<vmem>>, vector<16xf32>,
        tpu.vector_store %arg7[%parallel_loop3A_1245], %parallel_loop3A_1208 {strides = array<i32>} : memref<51200xf32, #tpu.memory_space<vmem>>, vector<16xf32>,
        %parallel_loop3A_1247 = arith.constant 1664 : i32
        %parallel_loop3A_1248 = arith.addi %parallel_loop3A_100, %parallel_loop3A_1247 : i32
        %parallel_loop3A_1249 = arith.constant 48 : i32
        %parallel_loop3A_1250 = arith.addi %parallel_loop3A_1248, %parallel_loop3A_1249 : i32
        %parallel_loop3A_1251 = arith.index_cast %parallel_loop3A_1250 : i32 to index
        %parallel_loop3A_1252 = tpu.vector_load %arg7[%parallel_loop3A_1251] {strides = array<i32>} : memref<51200xf32, #tpu.memory_space<vmem>>, vector<16xf32>,
        tpu.vector_store %arg7[%parallel_loop3A_1251], %parallel_loop3A_1212 {strides = array<i32>} : memref<51200xf32, #tpu.memory_space<vmem>>, vector<16xf32>,
        %parallel_loop3A_1253 = arith.constant 1664 : i32
        %parallel_loop3A_1254 = arith.addi %parallel_loop3A_100, %parallel_loop3A_1253 : i32
        %parallel_loop3A_1255 = arith.constant 64 : i32
        %parallel_loop3A_1256 = arith.addi %parallel_loop3A_1254, %parallel_loop3A_1255 : i32
        %parallel_loop3A_1257 = arith.index_cast %parallel_loop3A_1256 : i32 to index
        %parallel_loop3A_1258 = tpu.vector_load %arg7[%parallel_loop3A_1257] {strides = array<i32>} : memref<51200xf32, #tpu.memory_space<vmem>>, vector<16xf32>,
        tpu.vector_store %arg7[%parallel_loop3A_1257], %parallel_loop3A_1216 {strides = array<i32>} : memref<51200xf32, #tpu.memory_space<vmem>>, vector<16xf32>,
        %parallel_loop3A_1259 = arith.constant 1664 : i32
        %parallel_loop3A_1260 = arith.addi %parallel_loop3A_100, %parallel_loop3A_1259 : i32
        %parallel_loop3A_1261 = arith.constant 80 : i32
        %parallel_loop3A_1262 = arith.addi %parallel_loop3A_1260, %parallel_loop3A_1261 : i32
        %parallel_loop3A_1263 = arith.index_cast %parallel_loop3A_1262 : i32 to index
        %parallel_loop3A_1264 = tpu.vector_load %arg7[%parallel_loop3A_1263] {strides = array<i32>} : memref<51200xf32, #tpu.memory_space<vmem>>, vector<16xf32>,
        tpu.vector_store %arg7[%parallel_loop3A_1263], %parallel_loop3A_1220 {strides = array<i32>} : memref<51200xf32, #tpu.memory_space<vmem>>, vector<16xf32>,
        %parallel_loop3A_1265 = arith.constant 1664 : i32
        %parallel_loop3A_1266 = arith.addi %parallel_loop3A_100, %parallel_loop3A_1265 : i32
        %parallel_loop3A_1267 = arith.constant 96 : i32
        %parallel_loop3A_1268 = arith.addi %parallel_loop3A_1266, %parallel_loop3A_1267 : i32
        %parallel_loop3A_1269 = arith.index_cast %parallel_loop3A_1268 : i32 to index
        %parallel_loop3A_1270 = tpu.vector_load %arg7[%parallel_loop3A_1269] {strides = array<i32>} : memref<51200xf32, #tpu.memory_space<vmem>>, vector<16xf32>,
        tpu.vector_store %arg7[%parallel_loop3A_1269], %parallel_loop3A_1224 {strides = array<i32>} : memref<51200xf32, #tpu.memory_space<vmem>>, vector<16xf32>,
        %parallel_loop3A_1271 = arith.constant 1664 : i32
        %parallel_loop3A_1272 = arith.addi %parallel_loop3A_100, %parallel_loop3A_1271 : i32
        %parallel_loop3A_1273 = arith.constant 112 : i32
        %parallel_loop3A_1274 = arith.addi %parallel_loop3A_1272, %parallel_loop3A_1273 : i32
        %parallel_loop3A_1275 = arith.index_cast %parallel_loop3A_1274 : i32 to index
        %parallel_loop3A_1276 = tpu.vector_load %arg7[%parallel_loop3A_1275] {strides = array<i32>} : memref<51200xf32, #tpu.memory_space<vmem>>, vector<16xf32>,
        tpu.vector_store %arg7[%parallel_loop3A_1275], %parallel_loop3A_1228 {strides = array<i32>} : memref<51200xf32, #tpu.memory_space<vmem>>, vector<16xf32>,
        %parallel_loop3A_1277 = vector.extract_strided_slice %parallel_loop3A_96 {offsets = [14], sizes = [1], strides = [1]} : vector<16xi32> to vector<1xi32>
        %parallel_loop3A_1278 = vector.extract %parallel_loop3A_1277[0] : i32 from vector<1xi32>
        %parallel_loop3A_1279 = arith.constant 128 : i32
        %parallel_loop3A_1280 = arith.muli %parallel_loop3A_1278, %parallel_loop3A_1279 : i32
        %parallel_loop3A_1281 = arith.constant 0 : i32
        %parallel_loop3A_1282 = arith.addi %parallel_loop3A_1280, %parallel_loop3A_1281 : i32
        %parallel_loop3A_1283 = arith.index_cast %parallel_loop3A_1282 : i32 to index
        %parallel_loop3A_1284 = tpu.vector_load %arg5[%parallel_loop3A_1283] {strides = array<i32>} : memref<2688xf32, #tpu.memory_space<vmem>>, vector<16xf32>,
        %parallel_loop3A_1285 = arith.constant 16 : i32
        %parallel_loop3A_1286 = arith.addi %parallel_loop3A_1280, %parallel_loop3A_1285 : i32
        %parallel_loop3A_1287 = arith.index_cast %parallel_loop3A_1286 : i32 to index
        %parallel_loop3A_1288 = tpu.vector_load %arg5[%parallel_loop3A_1287] {strides = array<i32>} : memref<2688xf32, #tpu.memory_space<vmem>>, vector<16xf32>,
        %parallel_loop3A_1289 = arith.constant 32 : i32
        %parallel_loop3A_1290 = arith.addi %parallel_loop3A_1280, %parallel_loop3A_1289 : i32
        %parallel_loop3A_1291 = arith.index_cast %parallel_loop3A_1290 : i32 to index
        %parallel_loop3A_1292 = tpu.vector_load %arg5[%parallel_loop3A_1291] {strides = array<i32>} : memref<2688xf32, #tpu.memory_space<vmem>>, vector<16xf32>,
        %parallel_loop3A_1293 = arith.constant 48 : i32
        %parallel_loop3A_1294 = arith.addi %parallel_loop3A_1280, %parallel_loop3A_1293 : i32
        %parallel_loop3A_1295 = arith.index_cast %parallel_loop3A_1294 : i32 to index
        %parallel_loop3A_1296 = tpu.vector_load %arg5[%parallel_loop3A_1295] {strides = array<i32>} : memref<2688xf32, #tpu.memory_space<vmem>>, vector<16xf32>,
        %parallel_loop3A_1297 = arith.constant 64 : i32
        %parallel_loop3A_1298 = arith.addi %parallel_loop3A_1280, %parallel_loop3A_1297 : i32
        %parallel_loop3A_1299 = arith.index_cast %parallel_loop3A_1298 : i32 to index
        %parallel_loop3A_1300 = tpu.vector_load %arg5[%parallel_loop3A_1299] {strides = array<i32>} : memref<2688xf32, #tpu.memory_space<vmem>>, vector<16xf32>,
        %parallel_loop3A_1301 = arith.constant 80 : i32
        %parallel_loop3A_1302 = arith.addi %parallel_loop3A_1280, %parallel_loop3A_1301 : i32
        %parallel_loop3A_1303 = arith.index_cast %parallel_loop3A_1302 : i32 to index
        %parallel_loop3A_1304 = tpu.vector_load %arg5[%parallel_loop3A_1303] {strides = array<i32>} : memref<2688xf32, #tpu.memory_space<vmem>>, vector<16xf32>,
        %parallel_loop3A_1305 = arith.constant 96 : i32
        %parallel_loop3A_1306 = arith.addi %parallel_loop3A_1280, %parallel_loop3A_1305 : i32
        %parallel_loop3A_1307 = arith.index_cast %parallel_loop3A_1306 : i32 to index
        %parallel_loop3A_1308 = tpu.vector_load %arg5[%parallel_loop3A_1307] {strides = array<i32>} : memref<2688xf32, #tpu.memory_space<vmem>>, vector<16xf32>,
        %parallel_loop3A_1309 = arith.constant 112 : i32
        %parallel_loop3A_1310 = arith.addi %parallel_loop3A_1280, %parallel_loop3A_1309 : i32
        %parallel_loop3A_1311 = arith.index_cast %parallel_loop3A_1310 : i32 to index
        %parallel_loop3A_1312 = tpu.vector_load %arg5[%parallel_loop3A_1311] {strides = array<i32>} : memref<2688xf32, #tpu.memory_space<vmem>>, vector<16xf32>,
        %parallel_loop3A_1313 = arith.constant 1792 : i32
        %parallel_loop3A_1314 = arith.addi %parallel_loop3A_100, %parallel_loop3A_1313 : i32
        %parallel_loop3A_1315 = arith.constant 0 : i32
        %parallel_loop3A_1316 = arith.addi %parallel_loop3A_1314, %parallel_loop3A_1315 : i32
        %parallel_loop3A_1317 = arith.index_cast %parallel_loop3A_1316 : i32 to index
        %parallel_loop3A_1318 = tpu.vector_load %arg7[%parallel_loop3A_1317] {strides = array<i32>} : memref<51200xf32, #tpu.memory_space<vmem>>, vector<16xf32>,
        tpu.vector_store %arg7[%parallel_loop3A_1317], %parallel_loop3A_1284 {strides = array<i32>} : memref<51200xf32, #tpu.memory_space<vmem>>, vector<16xf32>,
        %parallel_loop3A_1319 = arith.constant 1792 : i32
        %parallel_loop3A_1320 = arith.addi %parallel_loop3A_100, %parallel_loop3A_1319 : i32
        %parallel_loop3A_1321 = arith.constant 16 : i32
        %parallel_loop3A_1322 = arith.addi %parallel_loop3A_1320, %parallel_loop3A_1321 : i32
        %parallel_loop3A_1323 = arith.index_cast %parallel_loop3A_1322 : i32 to index
        %parallel_loop3A_1324 = tpu.vector_load %arg7[%parallel_loop3A_1323] {strides = array<i32>} : memref<51200xf32, #tpu.memory_space<vmem>>, vector<16xf32>,
        tpu.vector_store %arg7[%parallel_loop3A_1323], %parallel_loop3A_1288 {strides = array<i32>} : memref<51200xf32, #tpu.memory_space<vmem>>, vector<16xf32>,
        %parallel_loop3A_1325 = arith.constant 1792 : i32
        %parallel_loop3A_1326 = arith.addi %parallel_loop3A_100, %parallel_loop3A_1325 : i32
        %parallel_loop3A_1327 = arith.constant 32 : i32
        %parallel_loop3A_1328 = arith.addi %parallel_loop3A_1326, %parallel_loop3A_1327 : i32
        %parallel_loop3A_1329 = arith.index_cast %parallel_loop3A_1328 : i32 to index
        %parallel_loop3A_1330 = tpu.vector_load %arg7[%parallel_loop3A_1329] {strides = array<i32>} : memref<51200xf32, #tpu.memory_space<vmem>>, vector<16xf32>,
        tpu.vector_store %arg7[%parallel_loop3A_1329], %parallel_loop3A_1292 {strides = array<i32>} : memref<51200xf32, #tpu.memory_space<vmem>>, vector<16xf32>,
        %parallel_loop3A_1331 = arith.constant 1792 : i32
        %parallel_loop3A_1332 = arith.addi %parallel_loop3A_100, %parallel_loop3A_1331 : i32
        %parallel_loop3A_1333 = arith.constant 48 : i32
        %parallel_loop3A_1334 = arith.addi %parallel_loop3A_1332, %parallel_loop3A_1333 : i32
        %parallel_loop3A_1335 = arith.index_cast %parallel_loop3A_1334 : i32 to index
        %parallel_loop3A_1336 = tpu.vector_load %arg7[%parallel_loop3A_1335] {strides = array<i32>} : memref<51200xf32, #tpu.memory_space<vmem>>, vector<16xf32>,
        tpu.vector_store %arg7[%parallel_loop3A_1335], %parallel_loop3A_1296 {strides = array<i32>} : memref<51200xf32, #tpu.memory_space<vmem>>, vector<16xf32>,
        %parallel_loop3A_1337 = arith.constant 1792 : i32
        %parallel_loop3A_1338 = arith.addi %parallel_loop3A_100, %parallel_loop3A_1337 : i32
        %parallel_loop3A_1339 = arith.constant 64 : i32
        %parallel_loop3A_1340 = arith.addi %parallel_loop3A_1338, %parallel_loop3A_1339 : i32
        %parallel_loop3A_1341 = arith.index_cast %parallel_loop3A_1340 : i32 to index
        %parallel_loop3A_1342 = tpu.vector_load %arg7[%parallel_loop3A_1341] {strides = array<i32>} : memref<51200xf32, #tpu.memory_space<vmem>>, vector<16xf32>,
        tpu.vector_store %arg7[%parallel_loop3A_1341], %parallel_loop3A_1300 {strides = array<i32>} : memref<51200xf32, #tpu.memory_space<vmem>>, vector<16xf32>,
        %parallel_loop3A_1343 = arith.constant 1792 : i32
        %parallel_loop3A_1344 = arith.addi %parallel_loop3A_100, %parallel_loop3A_1343 : i32
        %parallel_loop3A_1345 = arith.constant 80 : i32
        %parallel_loop3A_1346 = arith.addi %parallel_loop3A_1344, %parallel_loop3A_1345 : i32
        %parallel_loop3A_1347 = arith.index_cast %parallel_loop3A_1346 : i32 to index
        %parallel_loop3A_1348 = tpu.vector_load %arg7[%parallel_loop3A_1347] {strides = array<i32>} : memref<51200xf32, #tpu.memory_space<vmem>>, vector<16xf32>,
        tpu.vector_store %arg7[%parallel_loop3A_1347], %parallel_loop3A_1304 {strides = array<i32>} : memref<51200xf32, #tpu.memory_space<vmem>>, vector<16xf32>,
        %parallel_loop3A_1349 = arith.constant 1792 : i32
        %parallel_loop3A_1350 = arith.addi %parallel_loop3A_100, %parallel_loop3A_1349 : i32
        %parallel_loop3A_1351 = arith.constant 96 : i32
        %parallel_loop3A_1352 = arith.addi %parallel_loop3A_1350, %parallel_loop3A_1351 : i32
        %parallel_loop3A_1353 = arith.index_cast %parallel_loop3A_1352 : i32 to index
        %parallel_loop3A_1354 = tpu.vector_load %arg7[%parallel_loop3A_1353] {strides = array<i32>} : memref<51200xf32, #tpu.memory_space<vmem>>, vector<16xf32>,
        tpu.vector_store %arg7[%parallel_loop3A_1353], %parallel_loop3A_1308 {strides = array<i32>} : memref<51200xf32, #tpu.memory_space<vmem>>, vector<16xf32>,
        %parallel_loop3A_1355 = arith.constant 1792 : i32
        %parallel_loop3A_1356 = arith.addi %parallel_loop3A_100, %parallel_loop3A_1355 : i32
        %parallel_loop3A_1357 = arith.constant 112 : i32
        %parallel_loop3A_1358 = arith.addi %parallel_loop3A_1356, %parallel_loop3A_1357 : i32
        %parallel_loop3A_1359 = arith.index_cast %parallel_loop3A_1358 : i32 to index
        %parallel_loop3A_1360 = tpu.vector_load %arg7[%parallel_loop3A_1359] {strides = array<i32>} : memref<51200xf32, #tpu.memory_space<vmem>>, vector<16xf32>,
        tpu.vector_store %arg7[%parallel_loop3A_1359], %parallel_loop3A_1312 {strides = array<i32>} : memref<51200xf32, #tpu.memory_space<vmem>>, vector<16xf32>,
        %parallel_loop3A_1361 = vector.extract_strided_slice %parallel_loop3A_96 {offsets = [15], sizes = [1], strides = [1]} : vector<16xi32> to vector<1xi32>
        %parallel_loop3A_1362 = vector.extract %parallel_loop3A_1361[0] : i32 from vector<1xi32>
        %parallel_loop3A_1363 = arith.constant 128 : i32
        %parallel_loop3A_1364 = arith.muli %parallel_loop3A_1362, %parallel_loop3A_1363 : i32
        %parallel_loop3A_1365 = arith.constant 0 : i32
        %parallel_loop3A_1366 = arith.addi %parallel_loop3A_1364, %parallel_loop3A_1365 : i32
        %parallel_loop3A_1367 = arith.index_cast %parallel_loop3A_1366 : i32 to index
        %parallel_loop3A_1368 = tpu.vector_load %arg5[%parallel_loop3A_1367] {strides = array<i32>} : memref<2688xf32, #tpu.memory_space<vmem>>, vector<16xf32>,
        %parallel_loop3A_1369 = arith.constant 16 : i32
        %parallel_loop3A_1370 = arith.addi %parallel_loop3A_1364, %parallel_loop3A_1369 : i32
        %parallel_loop3A_1371 = arith.index_cast %parallel_loop3A_1370 : i32 to index
        %parallel_loop3A_1372 = tpu.vector_load %arg5[%parallel_loop3A_1371] {strides = array<i32>} : memref<2688xf32, #tpu.memory_space<vmem>>, vector<16xf32>,
        %parallel_loop3A_1373 = arith.constant 32 : i32
        %parallel_loop3A_1374 = arith.addi %parallel_loop3A_1364, %parallel_loop3A_1373 : i32
        %parallel_loop3A_1375 = arith.index_cast %parallel_loop3A_1374 : i32 to index
        %parallel_loop3A_1376 = tpu.vector_load %arg5[%parallel_loop3A_1375] {strides = array<i32>} : memref<2688xf32, #tpu.memory_space<vmem>>, vector<16xf32>,
        %parallel_loop3A_1377 = arith.constant 48 : i32
        %parallel_loop3A_1378 = arith.addi %parallel_loop3A_1364, %parallel_loop3A_1377 : i32
        %parallel_loop3A_1379 = arith.index_cast %parallel_loop3A_1378 : i32 to index
        %parallel_loop3A_1380 = tpu.vector_load %arg5[%parallel_loop3A_1379] {strides = array<i32>} : memref<2688xf32, #tpu.memory_space<vmem>>, vector<16xf32>,
        %parallel_loop3A_1381 = arith.constant 64 : i32
        %parallel_loop3A_1382 = arith.addi %parallel_loop3A_1364, %parallel_loop3A_1381 : i32
        %parallel_loop3A_1383 = arith.index_cast %parallel_loop3A_1382 : i32 to index
        %parallel_loop3A_1384 = tpu.vector_load %arg5[%parallel_loop3A_1383] {strides = array<i32>} : memref<2688xf32, #tpu.memory_space<vmem>>, vector<16xf32>,
        %parallel_loop3A_1385 = arith.constant 80 : i32
        %parallel_loop3A_1386 = arith.addi %parallel_loop3A_1364, %parallel_loop3A_1385 : i32
        %parallel_loop3A_1387 = arith.index_cast %parallel_loop3A_1386 : i32 to index
        %parallel_loop3A_1388 = tpu.vector_load %arg5[%parallel_loop3A_1387] {strides = array<i32>} : memref<2688xf32, #tpu.memory_space<vmem>>, vector<16xf32>,
        %parallel_loop3A_1389 = arith.constant 96 : i32
        %parallel_loop3A_1390 = arith.addi %parallel_loop3A_1364, %parallel_loop3A_1389 : i32
        %parallel_loop3A_1391 = arith.index_cast %parallel_loop3A_1390 : i32 to index
        %parallel_loop3A_1392 = tpu.vector_load %arg5[%parallel_loop3A_1391] {strides = array<i32>} : memref<2688xf32, #tpu.memory_space<vmem>>, vector<16xf32>,
        %parallel_loop3A_1393 = arith.constant 112 : i32
        %parallel_loop3A_1394 = arith.addi %parallel_loop3A_1364, %parallel_loop3A_1393 : i32
        %parallel_loop3A_1395 = arith.index_cast %parallel_loop3A_1394 : i32 to index
        %parallel_loop3A_1396 = tpu.vector_load %arg5[%parallel_loop3A_1395] {strides = array<i32>} : memref<2688xf32, #tpu.memory_space<vmem>>, vector<16xf32>,
        %parallel_loop3A_1397 = arith.constant 1920 : i32
        %parallel_loop3A_1398 = arith.addi %parallel_loop3A_100, %parallel_loop3A_1397 : i32
        %parallel_loop3A_1399 = arith.constant 0 : i32
        %parallel_loop3A_1400 = arith.addi %parallel_loop3A_1398, %parallel_loop3A_1399 : i32
        %parallel_loop3A_1401 = arith.index_cast %parallel_loop3A_1400 : i32 to index
        %parallel_loop3A_1402 = tpu.vector_load %arg7[%parallel_loop3A_1401] {strides = array<i32>} : memref<51200xf32, #tpu.memory_space<vmem>>, vector<16xf32>,
        tpu.vector_store %arg7[%parallel_loop3A_1401], %parallel_loop3A_1368 {strides = array<i32>} : memref<51200xf32, #tpu.memory_space<vmem>>, vector<16xf32>,
        %parallel_loop3A_1403 = arith.constant 1920 : i32
        %parallel_loop3A_1404 = arith.addi %parallel_loop3A_100, %parallel_loop3A_1403 : i32
        %parallel_loop3A_1405 = arith.constant 16 : i32
        %parallel_loop3A_1406 = arith.addi %parallel_loop3A_1404, %parallel_loop3A_1405 : i32
        %parallel_loop3A_1407 = arith.index_cast %parallel_loop3A_1406 : i32 to index
        %parallel_loop3A_1408 = tpu.vector_load %arg7[%parallel_loop3A_1407] {strides = array<i32>} : memref<51200xf32, #tpu.memory_space<vmem>>, vector<16xf32>,
        tpu.vector_store %arg7[%parallel_loop3A_1407], %parallel_loop3A_1372 {strides = array<i32>} : memref<51200xf32, #tpu.memory_space<vmem>>, vector<16xf32>,
        %parallel_loop3A_1409 = arith.constant 1920 : i32
        %parallel_loop3A_1410 = arith.addi %parallel_loop3A_100, %parallel_loop3A_1409 : i32
        %parallel_loop3A_1411 = arith.constant 32 : i32
        %parallel_loop3A_1412 = arith.addi %parallel_loop3A_1410, %parallel_loop3A_1411 : i32
        %parallel_loop3A_1413 = arith.index_cast %parallel_loop3A_1412 : i32 to index
        %parallel_loop3A_1414 = tpu.vector_load %arg7[%parallel_loop3A_1413] {strides = array<i32>} : memref<51200xf32, #tpu.memory_space<vmem>>, vector<16xf32>,
        tpu.vector_store %arg7[%parallel_loop3A_1413], %parallel_loop3A_1376 {strides = array<i32>} : memref<51200xf32, #tpu.memory_space<vmem>>, vector<16xf32>,
        %parallel_loop3A_1415 = arith.constant 1920 : i32
        %parallel_loop3A_1416 = arith.addi %parallel_loop3A_100, %parallel_loop3A_1415 : i32
        %parallel_loop3A_1417 = arith.constant 48 : i32
        %parallel_loop3A_1418 = arith.addi %parallel_loop3A_1416, %parallel_loop3A_1417 : i32
        %parallel_loop3A_1419 = arith.index_cast %parallel_loop3A_1418 : i32 to index
        %parallel_loop3A_1420 = tpu.vector_load %arg7[%parallel_loop3A_1419] {strides = array<i32>} : memref<51200xf32, #tpu.memory_space<vmem>>, vector<16xf32>,
        tpu.vector_store %arg7[%parallel_loop3A_1419], %parallel_loop3A_1380 {strides = array<i32>} : memref<51200xf32, #tpu.memory_space<vmem>>, vector<16xf32>,
        %parallel_loop3A_1421 = arith.constant 1920 : i32
        %parallel_loop3A_1422 = arith.addi %parallel_loop3A_100, %parallel_loop3A_1421 : i32
        %parallel_loop3A_1423 = arith.constant 64 : i32
        %parallel_loop3A_1424 = arith.addi %parallel_loop3A_1422, %parallel_loop3A_1423 : i32
        %parallel_loop3A_1425 = arith.index_cast %parallel_loop3A_1424 : i32 to index
        %parallel_loop3A_1426 = tpu.vector_load %arg7[%parallel_loop3A_1425] {strides = array<i32>} : memref<51200xf32, #tpu.memory_space<vmem>>, vector<16xf32>,
        tpu.vector_store %arg7[%parallel_loop3A_1425], %parallel_loop3A_1384 {strides = array<i32>} : memref<51200xf32, #tpu.memory_space<vmem>>, vector<16xf32>,
        %parallel_loop3A_1427 = arith.constant 1920 : i32
        %parallel_loop3A_1428 = arith.addi %parallel_loop3A_100, %parallel_loop3A_1427 : i32
        %parallel_loop3A_1429 = arith.constant 80 : i32
        %parallel_loop3A_1430 = arith.addi %parallel_loop3A_1428, %parallel_loop3A_1429 : i32
        %parallel_loop3A_1431 = arith.index_cast %parallel_loop3A_1430 : i32 to index
        %parallel_loop3A_1432 = tpu.vector_load %arg7[%parallel_loop3A_1431] {strides = array<i32>} : memref<51200xf32, #tpu.memory_space<vmem>>, vector<16xf32>,
        tpu.vector_store %arg7[%parallel_loop3A_1431], %parallel_loop3A_1388 {strides = array<i32>} : memref<51200xf32, #tpu.memory_space<vmem>>, vector<16xf32>,
        %parallel_loop3A_1433 = arith.constant 1920 : i32
        %parallel_loop3A_1434 = arith.addi %parallel_loop3A_100, %parallel_loop3A_1433 : i32
        %parallel_loop3A_1435 = arith.constant 96 : i32
        %parallel_loop3A_1436 = arith.addi %parallel_loop3A_1434, %parallel_loop3A_1435 : i32
        %parallel_loop3A_1437 = arith.index_cast %parallel_loop3A_1436 : i32 to index
        %parallel_loop3A_1438 = tpu.vector_load %arg7[%parallel_loop3A_1437] {strides = array<i32>} : memref<51200xf32, #tpu.memory_space<vmem>>, vector<16xf32>,
        tpu.vector_store %arg7[%parallel_loop3A_1437], %parallel_loop3A_1392 {strides = array<i32>} : memref<51200xf32, #tpu.memory_space<vmem>>, vector<16xf32>,
        %parallel_loop3A_1439 = arith.constant 1920 : i32
        %parallel_loop3A_1440 = arith.addi %parallel_loop3A_100, %parallel_loop3A_1439 : i32
        %parallel_loop3A_1441 = arith.constant 112 : i32
        %parallel_loop3A_1442 = arith.addi %parallel_loop3A_1440, %parallel_loop3A_1441 : i32
        %parallel_loop3A_1443 = arith.index_cast %parallel_loop3A_1442 : i32 to index
        %parallel_loop3A_1444 = tpu.vector_load %arg7[%parallel_loop3A_1443] {strides = array<i32>} : memref<51200xf32, #tpu.memory_space<vmem>>, vector<16xf32>,
        tpu.vector_store %arg7[%parallel_loop3A_1443], %parallel_loop3A_1396 {strides = array<i32>} : memref<51200xf32, #tpu.memory_space<vmem>>, vector<16xf32>,
      } {sc.loop_unroll_factor = 5 : i64, sc.parallel_access}
      %sub3A_81 = arith.constant 1 : i32
      %sub3A_82 = arith.subi %select_n3A_9, %sub3A_81 : i32
      %min3A_83 = arith.minsi %add3A_67, %sub3A_82 : i32
      %add3A_84 = arith.addi %select_n3A, %min3A_83 : i32
      %mul3A_85 = arith.constant 51200 : i32
      %mul3A_86 = arith.muli %add3A_84, %mul3A_85 : i32
      %multiple_of3A_87 = tpu.assume_multiple %mul3A_86, 8 : i32
      %dma_start3A_88 = tpu.memref_slice %arg4[%multiple_of3A_87] : memref<12800000xf32, #tpu.memory_space<hbm>> -> memref<51200xf32, #tpu.memory_space<hbm>>
      %dma_start3A_89 = tpu.memref_slice %arg4[%multiple_of3A_87] : memref<12800000xf32, #tpu.memory_space<hbm>> -> memref<51200xf32, #tpu.memory_space<hbm>>
      tpu.enqueue_dma source(%arg7 : memref<51200xf32, #tpu.memory_space<vmem>>) target(%dma_start3A_89 : memref<51200xf32, #tpu.memory_space<hbm>>) target_semaphore(%arg10 : memref<!tpu.dma_semaphore, #tpu.memory_space<semaphore_mem>>)
      %scan3A_90 = arith.constant 0 : i32
      scf.yield %scan3A_90 : i32
    }
    %scan3A_22 = arith.constant 4 : i32
    %sub3A_23 = arith.constant 1 : i32
    %sub3A_24 = arith.subi %select_n3A_9, %sub3A_23 : i32
    %min3A = arith.constant 6 : i32
    %min3A_25 = arith.minsi %min3A, %sub3A_24 : i32
    %add3A_26 = arith.addi %select_n3A, %min3A_25 : i32
    %mul3A_27 = arith.constant 51200 : i32
    %mul3A_28 = arith.muli %add3A_26, %mul3A_27 : i32
    %multiple_of3A_29 = tpu.assume_multiple %mul3A_28, 8 : i32
    %dma_wait3A = tpu.memref_slice %arg4[%multiple_of3A_29] : memref<12800000xf32, #tpu.memory_space<hbm>> -> memref<51200xf32, #tpu.memory_space<hbm>>
    %dma_wait3A_30 = tpu.memref_slice %arg4[%multiple_of3A_29] : memref<12800000xf32, #tpu.memory_space<hbm>> -> memref<51200xf32, #tpu.memory_space<hbm>>
    tpu.wait_dma2 semaphore(%arg9 : memref<!tpu.dma_semaphore, #tpu.memory_space<semaphore_mem>>) src(%arg6 : memref<51200xf32, #tpu.memory_space<vmem>>) dst(%dma_wait3A_30 : memref<51200xf32, #tpu.memory_space<hbm>>)
    %sub3A_31 = arith.constant 1 : i32
    %sub3A_32 = arith.subi %select_n3A_9, %sub3A_31 : i32
    %min3A_33 = arith.constant 7 : i32
    %min3A_34 = arith.minsi %min3A_33, %sub3A_32 : i32
    %add3A_35 = arith.addi %select_n3A, %min3A_34 : i32
    %mul3A_36 = arith.constant 51200 : i32
    %mul3A_37 = arith.muli %add3A_35, %mul3A_36 : i32
    %multiple_of3A_38 = tpu.assume_multiple %mul3A_37, 8 : i32
    %dma_wait3A_39 = tpu.memref_slice %arg4[%multiple_of3A_38] : memref<12800000xf32, #tpu.memory_space<hbm>> -> memref<51200xf32, #tpu.memory_space<hbm>>
    %dma_wait3A_40 = tpu.memref_slice %arg4[%multiple_of3A_38] : memref<12800000xf32, #tpu.memory_space<hbm>> -> memref<51200xf32, #tpu.memory_space<hbm>>
    tpu.wait_dma2 semaphore(%arg10 : memref<!tpu.dma_semaphore, #tpu.memory_space<semaphore_mem>>) src(%arg7 : memref<51200xf32, #tpu.memory_space<vmem>>) dst(%dma_wait3A_40 : memref<51200xf32, #tpu.memory_space<hbm>>)
    return
  }
}

</mosaic_0001>

<sc_bundles>
// kernel: kernel.3.cloned.1.call-start
scs
__scs_entry_jumppad:
0x0: {  	(pc) =	sbr.rel $0x88, $3  }
0x1: {  	(tag) =	ssettag $0x0;
	lr =	simm.s32 $0x1  }
0x2: {  	[smem:$0x3F9F] =	sst lr;
	_ =	strace $0xD0000000  }
0x3: {  	_ = 	snop  }
0x4: {  	_ = 	snop  }
0x5: {  	_ = 	snop  }
0x6: {  	_ = 	snop  }
0x7: {  	_ = 	snop  }
__scs_overlays_trampoline_lowered:
0x8: {  	[smem:$0x3FAE] =	sst s0  }
0x9: {  	[smem:$0x3FAF] =	sst s1  }
0xa: {  	[smem:$0x3FB0] =	sst s2  }
0xb: {  	[smem:$0x3FB1] =	sst s3  }
0xc: {  	[smem:$0x3FB2] =	sst s4  }
0xd: {  	[smem:$0x3FB3] =	sst s5  }
0xe: {  	[smem:$0x3FB4] =	sst s6  }
0xf: {  	[smem:$0x3FB5] =	sst s7  }
0x10: {  	[smem:$0x3FB6] =	sst s8  }
0x11: {  	[smem:$0x3FB7] =	sst s9;
	s0 =	simm.s32 @!p0 $0x0  }
0x12: {  	s1 =	sld [smem:$0x3F9D];
	s0 =	simm.s32 @p0 $0x1  }
0x13: {  	[smem:$0x3FB8] =	sst s0;
	s0 =	simm.s32 @!p1 $0x0  }
0x14: {  	s2 =	sld [smem:$0x3F9C];
	s0 =	simm.s32 @p1 $0x1  }
0x15: {  	[smem:$0x3FB9] =	sst s0;
	s0 =	simm.s32 @!p2 $0x0  }
0x16: {  	s3 =	sld [smem:$0x3FDB];
	s0 =	simm.s32 @p2 $0x1  }
0x17: {  	s4 =	simm.s32 $0x1BF5;
	[smem:$0x3FBB] =	sst s0  }
0x18: {  	s0 =	sld [smem:$0x3F9E];
	_ =	swait.ge [sflag:s4], $0x0  }
0x19: {  	s7 =	sld [smem:$0x3F9F]  }
0x1a: {  	s8 =	sadd.s32 $0xFFFFE003, lr  }
0x1b: {  	s9 =	sadd.s32 $0xFFFFFEF7, lr;
	s5 =	simm.s32 $0xFFFFFFFF;
	p2 =	slt.u32 s8, $0xFFFFF086  }
0x1c: {  	p1 =	slt.u32 s9, $0xF7A;
	s5 =	simm.s32 @!p2 $0x0  }
0x1d: {  	s5 =	simm.s32 @p1 $0x1;
	p0 =	seq.s32 s7, s2  }
0x1e: {  	s7 =	smul.u32 @!p0 $0xF7A, s2;
	p2 =	seq.s32 @!p0 s5, $0x0  }
0x1f: {  	s9 =	smul.u32 $0xF7A, s1;
	s8 =	simm.s32 @!p0 $0x1BF5;
	p2 =	por !p2, p0  }
0x20: {  	[sflag:s8] =	ssyncset.s32 @!p0 $0xFFFFF086;
	s6 =	sadd.s32 @!p0 s3, s7;
	s7 =	simm.s32 @!p0 $0x108  }
0x21: {  	s3 =	sadd.s32 s3, s9;
	s6 =	sadd.s32 @!p0 $0x88, s6;
	s7 =	simm.s32 @p2 $0x1082  }
0x22: {  	[simem:s7], [sflag:s8] =	dma.local @!p0 [hbm:s6], $0xF7A  }
0x23: {  	s9 =	sor.u32 $0xD0000000, s2;
	s6 =	simm.s32 $0x108;
	_ =	swait.ge @!p0 [sflag:s8], $0x0  }
0x24: {  	s3 =	sadd.s32 $0x88, s3;
	s6 =	simm.s32 @!p1 $0x1082;
	[sflag:s4] =	ssyncset.s32 $0xFFFFF086  }
0x25: {  	[simem:s6], [sflag:s4] =	dma.local [hbm:s3], $0xF7A  }
0x26: {  	[smem:$0x3F9F] =	sst s1;
	(tag) =	ssettag s2;
	_ =	strace s9  }
0x27: {  	s1 =	sld [smem:$0x3FAF]  }
0x28: {  	s2 =	sld [smem:$0x3FB0]  }
0x29: {  	s4 =	sld [smem:$0x3FB2]  }
0x2a: {  	p0 =	seq.s32 s5, $0x0;
	s5 =	sld [smem:$0x3FB3]  }
0x2b: {  	s6 =	sld [smem:$0x3FB4]  }
0x2c: {  	s7 =	sld [smem:$0x3FB5]  }
0x2d: {  	s3 =	simm.s32 $0x108;
	s8 =	sld [smem:$0x3FB6]  }
0x2e: {  	s3 =	simm.s32 @!p0 $0x1082;
	s9 =	sld [smem:$0x3FB7]  }
0x2f: {  	lr =	sadd.s32 s0, s3;
	s0 =	sld [smem:$0x3FAE]  }
0x30: {  	s3 =	sld [smem:$0x3FB1]  }
0x31: {  	[smem:$0x3FBA] =	sst s10  }
0x32: {  	s10 =	sld [smem:$0x3FB8];
	_ =	sdelay $0x3  }
0x33: {  	p0 =	seq.s32 s10, $0x1;
	s10 =	sld [smem:$0x3FBA];
	_ =	sdelay $0x3  }
0x34: {  	[smem:$0x3FBA] =	sst s10  }
0x35: {  	s10 =	sld [smem:$0x3FB9];
	_ =	sdelay $0x3  }
0x36: {  	p1 =	seq.s32 s10, $0x1;
	s10 =	sld [smem:$0x3FBA];
	_ =	sdelay $0x3  }
0x37: {  	[smem:$0x3FBA] =	sst s10  }
0x38: {  	s10 =	sld [smem:$0x3FBB]  }
0x39: {  	_ = 	snop;
	(pc) =	sbr.ind lr, $3  }
0x3a: {  	_ = 	snop  }
0x3b: {  	_ = 	snop  }
0x3c: {  	p2 =	seq.s32 s10, $0x1;
	s10 =	sld [smem:$0x3FBA]  }
0x3d: {  	_ =	shalt  }
0x3e: {  	_ =	shalt  }
0x3f: {  	_ =	shalt  }
0x40: {  	_ =	shalt  }
0x41: {  	_ =	shalt  }
0x42: {  	_ =	shalt  }
0x43: {  	_ =	shalt  }
0x44: {  	_ =	shalt  }
0x45: {  	_ =	shalt  }
0x46: {  	_ =	shalt  }
0x47: {  	_ =	shalt  }
0x48: {  	_ =	shalt  }
0x49: {  	_ =	shalt  }
0x4a: {  	_ =	shalt  }
0x4b: {  	_ =	shalt  }
0x4c: {  	_ =	shalt  }
0x4d: {  	_ =	shalt  }
0x4e: {  	_ =	shalt  }
0x4f: {  	_ =	shalt  }
0x50: {  	_ =	shalt  }
0x51: {  	_ =	shalt  }
0x52: {  	_ =	shalt  }
0x53: {  	_ =	shalt  }
0x54: {  	_ =	shalt  }
0x55: {  	_ =	shalt  }
0x56: {  	_ =	shalt  }
0x57: {  	_ =	shalt  }
0x58: {  	_ =	shalt  }
0x59: {  	_ =	shalt  }
0x5a: {  	_ =	shalt  }
0x5b: {  	_ =	shalt  }
0x5c: {  	_ =	shalt  }
0x5d: {  	_ =	shalt  }
0x5e: {  	_ =	shalt  }
0x5f: {  	_ =	shalt  }
0x60: {  	_ =	shalt  }
0x61: {  	_ =	shalt  }
0x62: {  	_ =	shalt  }
0x63: {  	_ =	shalt  }
0x64: {  	_ =	shalt  }
0x65: {  	_ =	shalt  }
0x66: {  	_ =	shalt  }
0x67: {  	_ =	shalt  }
0x68: {  	_ =	shalt  }
0x69: {  	_ =	shalt  }
0x6a: {  	_ =	shalt  }
0x6b: {  	_ =	shalt  }
0x6c: {  	_ =	shalt  }
0x6d: {  	_ =	shalt  }
0x6e: {  	_ =	shalt  }
0x6f: {  	_ =	shalt  }
0x70: {  	_ =	shalt  }
0x71: {  	_ =	shalt  }
0x72: {  	_ =	shalt  }
0x73: {  	_ =	shalt  }
0x74: {  	_ =	shalt  }
0x75: {  	_ =	shalt  }
0x76: {  	_ =	shalt  }
0x77: {  	_ =	shalt  }
0x78: {  	_ =	shalt  }
0x79: {  	_ =	shalt  }
0x7a: {  	_ =	shalt  }
0x7b: {  	_ =	shalt  }
0x7c: {  	_ =	shalt  }
0x7d: {  	_ =	shalt  }
0x7e: {  	_ =	shalt  }
0x7f: {  	_ =	shalt  }
0x80: {  	_ =	shalt  }
0x81: {  	_ =	shalt  }
0x82: {  	_ =	shalt  }
0x83: {  	_ =	shalt  }
0x84: {  	_ =	shalt  }
0x85: {  	_ =	shalt  }
0x86: {  	_ =	shalt  }
0x87: {  	_ =	shalt  }
.Lfunc_end0:
.L_simem_size_0:
called_computation_lowered:
.L_overlay_start_0:
0x88: {  	s2 =	sld [smem:$0x3FD9]  }
0x89: {  	s3 =	sld [smem:$0x3FFE];
	_ =	sdelay $0x1  }
0x8a: {  	s1 =	srdreg.scid  }
0x8b: {  	s0 =	sand.u32 $0x1, s1  }
0x8c: {  	s17 =	sshll.u32 s0, $0xA;
	s2 =	sadd.s32 s3, s2  }
0x8d: {  	s2 =	sadd.s32 s2, s17  }
0x8e: {  	[smem:$0x3FC6] =	sst s2  }
0x8f: {  	_ = 	snop  }
0x90: {  	s2 =	sld [smem:$0x3FC8]  }
0x91: {  	s18 =	sld [smem:$0x3FD0];
	(tm) =	ssettm $0x1  }
0x92: {  	s4 =	sld [smem:$0x3FFB];
	_ =	sdelay $0x3  }
0x93: {  	_ =	strace s4  }
0x94: {  	s4 =	sld [smem:$0x3FFC];
	_ =	sdelay $0x3  }
0x95: {  	_ =	strace s4  }
0x96: {  	s4 =	sld [smem:$0x3FFD];
	_ =	sdelay $0x3  }
0x97: {  	_ =	strace s4  }
0x98: {  	_ =	strace $0x8FFFFFFF  }
0x99: {  	s19 =	sld [smem:$0x3FDB];
	_ =	sdelay $0x1  }
0x9a: {  	s5 =	simm.s32 $_scs_section_size  }
0x9b: {  	s6 =	simm.s32 $_size__tile_overlayer_lowered;
	s7 =	simm.s32 $_tile_overlayer_lowered  }
0x9c: {  	s22 =	simm.s32 $0x1BFF;
	s21 =	sshll.u32 s7, $0x1;
	s4 =	sadd.s32 s5, s19  }
0x9d: {  	s8 =	simm.s32 $0x0;
	s20 =	sshll.u32 s6, $0x1;
	s6 =	sadd.s32 s21, s4  }
0x9e: {  	[timem:s8], [sflag:s22] =	dma.local [hbm:s6], s20  }
0x9f: {  	_ =	swait.ge [sflag:s22], s20  }
0xa0: {  	s5 =	ssub.s32 $0x0, s20;
	[sflag:s22] =	ssyncset.done $0x0  }
0xa1: {  	[sflag:s22] =	ssyncadd.s32 s5;
	_ =	sdelay $0x1  }
0xa2: {  	s23 =	simm.s32 $0x1B8B  }
0xa3: {  	_ =	swait.ge [sflag:s23], $0x1  }
0xa4: {  	[sflag:s23] =	ssyncset.done $0x0  }
0xa5: {  	s25 =	simm.s32 $0x1B8E;
	s24 =	sld [smem:$0x3FFE];
	[sflag:s23] =	ssyncadd.s32 $0xFFFFFFFF  }
0xa6: {  	s26 =	simm.s32 $execute0_lowered;
	[smem:$0x3FD2] =	sst s25  }
0xa7: {  	s6 =	sshll.u32 s26, $0x1;
	_ =	strace $0x80000046;
	[dreg:$0x1] =	wrdreg $0xFFFFFFFF  }
0xa8: {  	s28 =	simm.s32 $_size_execute0_lowered;
	s4 =	sadd.s32 s4, s6;
	[dreg:$0x0] =	wrdreg $0x0  }
0xa9: {  	s6 =	sshll.u32 s28, $0x1;
	[dreg:$0x2] =	wrdreg s4  }
0xaa: {  	[dreg:$0x3] =	wrdreg s6  }
0xab: {  	[dreg:$0x4] =	wrdreg $0xC0  }
0xac: {  	_ =	task [dreg:s8], $0x5FFFF  }
0xad: {  	[dreg:$0x1] =	wrdreg $0xFFFFFFFF  }
0xae: {  	[dreg:$0x0] =	wrdreg $0x60  }
0xaf: {  	[dreg:$0x2] =	wrdreg s2  }
0xb0: {  	[dreg:$0x3] =	wrdreg s24  }
0xb1: {  	[dreg:$0x4] =	wrdreg s18  }
0xb2: {  	[dreg:$0x5] =	wrdreg $0x9  }
0xb3: {  	_ =	task.clear_ibuf [dreg:s8], $0x6FFFF;
	_ =	strace $0x90000046  }
0xb4: {  	s29 =	simm.s32 $0x9;
	_ =	strace $0x80000048  }
0xb5: {  	_ =	swait.ge [sflag:s29], $0x1  }
0xb6: {  	[sflag:s29] =	ssyncadd.s32 $0xFFFFFFFF  }
0xb7: {  	_ =	strace $0x90000048  }
0xb8: {  	_ =	sfence  }
0xb9: {  	s30 =	sld [smem:$0x0];
	_ =	sdelay $0x2  }
0xba: {  	s31 =	sshll.u32 s1, $0xD;
	s1 =	sshrl.u32 s1, $0x2  }
0xbb: {  	s3 =	sand.u32 $0x4000, s31;
	s1 =	sadd.s32 s1, s30  }
0xbc: {  	s0 =	sor.u32 s3, s0;
	s1 =	sshll.u32 s1, $0x11  }
0xbd: {  	s0 =	sor.u32 s1, s0  }
0xbe: {  	s0 =	sadd.s32 $0x8F2B, s0  }
0xbf: {  	[sflag:s0] =	ssyncadd.remote.s32 $0x1  }
0xc0: {  	_ =	sfence.sel $0xFFFF  }
0xc1: {  	[dreg:$0x0] =	wrdreg $0xFFFFFFFF;
	(pc) =	sbr.abs _section_cstart, $3  }
0xc2: {  	[dreg:$0x1] =	wrdreg $0xFFFFFFFF  }
0xc3: {  	_ =	task.clear_ibuf [dreg:s8], $0x2FFFF;
	_ =	strace $0x9FFFFFFF  }
0xc4: {  	(tm) =	ssettm $0x7FFFFFFF  }
0xc5: {  	_ =	shalt  }
tec
execute0_lowered:
.L_overlay_start_1:
0x0: {  	(tag) =	ssettag $0x1  }
0x1: {  	s0 =	srdreg.scid  }
0x2: {  	s4 =	stileid.u32;
	s2 =	rddreg [dreg:$0x1]  }
0x3: {  	s3 =	rddreg [dreg:$0x2];
	s0 =	sand.u32 $0x1, s0;
	s1 =	sshll.u32 s4, $0x1  }
0x4: {  	s10 =	simm.s32 $0x3;
	s13 =	simm.s32 $0xA80;
	s1 =	sor.u32 s0, s1  }
0x5: {  	s14 =	simm.s32 $0xD280;
	s15 =	simm.s32 $0x1;
	s5 =	smul.u32 $0x7, s1  }
0x6: {  	s16 =	simm.s32 $0x2;
	p0 =	slt.u32 s4, $0xD;
	s1 =	sshll.u32 s1, $0x3  }
0x7: {  	s4 =	simm.s32 $0x0;
	s6 =	sadd.s32 $0x8, s1;
	s7 =	sadd.s32 $0x21, s5  }
0x8: {  	s17 =	simm.s32 $0x0;
	[smem:$0x7FF] =	sst s4;
	s7 =	smov.u32 @p0 s6  }
0x9: {  	s0 =	ssub.s32 $0x2, s0;
	s5 =	sadd.s32 $0x1A, s5;
	s6 =	smul.u32 $0x190, s7  }
0xa: {  	_ =	strace $0x80000047;
	s29 =	sshrl.u32 s0, $0x1;
	s5 =	smov.u32 @p0 s1  }
0xb: {  	s0 =	ssub.s32 s0, s29;
	s30 =	smul.u32 $0x32, s5;
	s6 =	sadd.s32 $0xFFFFFE70, s6  }
0xc: {  	s9 =	smax.u32 s0, $0x1;
	s31 =	sshrl.u32 s6, $0x3;
	s6 =	simm.s32 $0x7  }
0xd: {  	s7 =	sadd.s32 s2, s30;
	s8 =	sadd.s32 s2, s31;
	s6 =	simm.s32 @!p0 $0x6  }
.LBB2_1:
0xe: {  	s0 =	rddreg [dreg:$0x0]  }
0xf: {  	[tilespmem:s4], [sflag:$0x3] =	stream.linear.gather [hbm4b:s0+s4], $0xA80, $0x38;
	[tilespmem:$0x1A700] =	vst v63  }
0x10: {  	_ =	swait.ge [sflag:s10], $0xA80  }
0x11: {  	[sflag:s10] =	ssyncset.done $0x0  }
0x12: {  	s30 =	simm.s32 $0x19A80;
	[sflag:s10] =	ssyncadd.s32 $0xFFFFF580  }
0x13: {  	[tilespmem:s30], [sflag:$0x3] =	stream.linear.gather [hbm4b:s7+s4], $0xAF0, $0x38;
	[tilespmem:$0x1A700] =	vst v63  }
0x14: {  	_ =	swait.ge [sflag:s10], $0xAF0  }
0x15: {  	[sflag:s10] =	ssyncset.done $0x0  }
0x16: {  	s31 =	simm.s32 $0x1A570;
	[sflag:s10] =	ssyncadd.s32 $0xFFFFF510  }
0x17: {  	[tilespmem:s31], [sflag:$0x3] =	stream.linear.gather [hbm4b:s8+s4], $0x190, $0x38;
	[tilespmem:$0x1A700] =	vst v63  }
0x18: {  	_ =	swait.ge [sflag:s10], $0x190  }
0x19: {  	[sflag:s10] =	ssyncset.done $0x0  }
0x1a: {  	s18 =	simm.s32 $0x0;
	[sflag:s10] =	ssyncadd.s32 $0xFFFFFE70  }
.LBB2_2:
0x1b: {  	s0 =	smul.u32 $0xC80, s18;
	_ =	sdelay $0x1  }
0x1c: {  	p0 =	seq.s32 s18, $0x0;
	s0 =	sshra.s32 s0, $0x2  }
0x1d: {  	s1 =	simm.s32 @!p0 $0x1;
	s0 =	sadd.s32 $0x19A80, s0  }
0x1e: {  	_ =	swait.ge @!p0 [sflag:s1], $0xC800;
	v0 =	vmov s0  }
0x1f: {  	[sflag:s1] =	ssyncset.done @!p0 $0x0  }
0x20: {  	s19 =	sshll.u32 s18, $0x1;
	s20 =	simm.s32 $0x0;
	[sflag:s1] =	ssyncadd.s32 @!p0 $0xFFFF3800  }
.LBB2_3:
0x21: {  	s0 =	sshll.u32 s20, $0x4  }
0x22: {  	s0 =	sand.u32 $0x3FFFFFF0, s0  }
0x23: {  	v1 =	vld.idx.msk [tilespmem:v0+s0+$0x0 ss:$0x1], $0xffff;
	_ =	sdelay $0x4  }
0x24: {  	v1 =	vshll.u32 v1, $0x9  }
0x25: {  	v1 =	vshra.s32 v1, $0x2  }
0x26: {  	(v2sf) =	vpush v1, $0x0;
	_ =	sdelay $0xe  }
0x27: {  	s22 =	spop (v2sf)  }
0x28: {  	(v2sf) =	vpush v1, $0x1;
	v2 =	vld [tilespmem:s22+$0x0]  }
0x29: {  	v3 =	vld [tilespmem:s22+$0x10]  }
0x2a: {  	v4 =	vld [tilespmem:s22+$0x20]  }
0x2b: {  	v5 =	vld [tilespmem:s22+$0x30]  }
0x2c: {  	v6 =	vld [tilespmem:s22+$0x40]  }
0x2d: {  	v7 =	vld [tilespmem:s22+$0x50]  }
0x2e: {  	s1 =	sshll.u32 s20, $0xB;
	v8 =	vld [tilespmem:s22+$0x60]  }
0x2f: {  	v9 =	vld [tilespmem:s22+$0x70];
	s22 =	sand.u32 $0x3FFFF800, s1  }
0x30: {  	[tilespmem:s22+$0xA80] =	vst v2  }
0x31: {  	[tilespmem:s22+$0xA90] =	vst v3  }
0x32: {  	[tilespmem:s22+$0xAA0] =	vst v4  }
0x33: {  	[tilespmem:s22+$0xAB0] =	vst v5  }
0x34: {  	[tilespmem:s22+$0xAC0] =	vst v6  }
0x35: {  	[tilespmem:s22+$0xAD0] =	vst v7  }
0x36: {  	[tilespmem:s22+$0xAE0] =	vst v8  }
0x37: {  	(v2sf) =	vpush v1, $0x2;
	s23 =	spop (v2sf);
	[tilespmem:s22+$0xAF0] =	vst v9  }
0x38: {  	v2 =	vld [tilespmem:s23+$0x0]  }
0x39: {  	v3 =	vld [tilespmem:s23+$0x10]  }
0x3a: {  	v4 =	vld [tilespmem:s23+$0x20]  }
0x3b: {  	v5 =	vld [tilespmem:s23+$0x30]  }
0x3c: {  	v6 =	vld [tilespmem:s23+$0x40]  }
0x3d: {  	v7 =	vld [tilespmem:s23+$0x50]  }
0x3e: {  	v8 =	vld [tilespmem:s23+$0x60]  }
0x3f: {  	v9 =	vld [tilespmem:s23+$0x70];
	[tilespmem:s22+$0xB00] =	vst v2  }
0x40: {  	[tilespmem:s22+$0xB10] =	vst v3  }
0x41: {  	[tilespmem:s22+$0xB20] =	vst v4  }
0x42: {  	[tilespmem:s22+$0xB30] =	vst v5  }
0x43: {  	[tilespmem:s22+$0xB40] =	vst v6  }
0x44: {  	[tilespmem:s22+$0xB50] =	vst v7  }
0x45: {  	[tilespmem:s22+$0xB60] =	vst v8  }
0x46: {  	(v2sf) =	vpush v1, $0x3;
	s24 =	spop (v2sf);
	[tilespmem:s22+$0xB70] =	vst v9  }
0x47: {  	v2 =	vld [tilespmem:s24+$0x0]  }
0x48: {  	v3 =	vld [tilespmem:s24+$0x10]  }
0x49: {  	v4 =	vld [tilespmem:s24+$0x20]  }
0x4a: {  	v5 =	vld [tilespmem:s24+$0x30]  }
0x4b: {  	v6 =	vld [tilespmem:s24+$0x40]  }
0x4c: {  	v7 =	vld [tilespmem:s24+$0x50]  }
0x4d: {  	v8 =	vld [tilespmem:s24+$0x60]  }
0x4e: {  	v9 =	vld [tilespmem:s24+$0x70];
	[tilespmem:s22+$0xB80] =	vst v2  }
0x4f: {  	[tilespmem:s22+$0xB90] =	vst v3  }
0x50: {  	[tilespmem:s22+$0xBA0] =	vst v4  }
0x51: {  	[tilespmem:s22+$0xBB0] =	vst v5  }
0x52: {  	[tilespmem:s22+$0xBC0] =	vst v6  }
0x53: {  	[tilespmem:s22+$0xBD0] =	vst v7  }
0x54: {  	[tilespmem:s22+$0xBE0] =	vst v8  }
0x55: {  	(v2sf) =	vpush v1, $0x4;
	s25 =	spop (v2sf);
	[tilespmem:s22+$0xBF0] =	vst v9  }
0x56: {  	v2 =	vld [tilespmem:s25+$0x0]  }
0x57: {  	v3 =	vld [tilespmem:s25+$0x10]  }
0x58: {  	v4 =	vld [tilespmem:s25+$0x20]  }
0x59: {  	v5 =	vld [tilespmem:s25+$0x30]  }
0x5a: {  	v6 =	vld [tilespmem:s25+$0x40]  }
0x5b: {  	v7 =	vld [tilespmem:s25+$0x50]  }
0x5c: {  	v8 =	vld [tilespmem:s25+$0x60]  }
0x5d: {  	v9 =	vld [tilespmem:s25+$0x70];
	[tilespmem:s22+$0xC00] =	vst v2  }
0x5e: {  	[tilespmem:s22+$0xC10] =	vst v3  }
0x5f: {  	[tilespmem:s22+$0xC20] =	vst v4  }
0x60: {  	[tilespmem:s22+$0xC30] =	vst v5  }
0x61: {  	[tilespmem:s22+$0xC40] =	vst v6  }
0x62: {  	[tilespmem:s22+$0xC50] =	vst v7  }
0x63: {  	[tilespmem:s22+$0xC60] =	vst v8  }
0x64: {  	(v2sf) =	vpush v1, $0x5;
	s26 =	spop (v2sf);
	[tilespmem:s22+$0xC70] =	vst v9  }
0x65: {  	v2 =	vld [tilespmem:s26+$0x0]  }
0x66: {  	v3 =	vld [tilespmem:s26+$0x10]  }
0x67: {  	v4 =	vld [tilespmem:s26+$0x20]  }
0x68: {  	v5 =	vld [tilespmem:s26+$0x30]  }
0x69: {  	v6 =	vld [tilespmem:s26+$0x40]  }
0x6a: {  	v7 =	vld [tilespmem:s26+$0x50]  }
0x6b: {  	v8 =	vld [tilespmem:s26+$0x60]  }
0x6c: {  	v9 =	vld [tilespmem:s26+$0x70];
	[tilespmem:s22+$0xC80] =	vst v2  }
0x6d: {  	[tilespmem:s22+$0xC90] =	vst v3  }
0x6e: {  	[tilespmem:s22+$0xCA0] =	vst v4  }
0x6f: {  	[tilespmem:s22+$0xCB0] =	vst v5  }
0x70: {  	[tilespmem:s22+$0xCC0] =	vst v6  }
0x71: {  	[tilespmem:s22+$0xCD0] =	vst v7  }
0x72: {  	[tilespmem:s22+$0xCE0] =	vst v8  }
0x73: {  	(v2sf) =	vpush v1, $0x6;
	s28 =	spop (v2sf);
	[tilespmem:s22+$0xCF0] =	vst v9  }
0x74: {  	v2 =	vld [tilespmem:s28+$0x0]  }
0x75: {  	v3 =	vld [tilespmem:s28+$0x10]  }
0x76: {  	v4 =	vld [tilespmem:s28+$0x20]  }
0x77: {  	v5 =	vld [tilespmem:s28+$0x30]  }
0x78: {  	v6 =	vld [tilespmem:s28+$0x40]  }
0x79: {  	v7 =	vld [tilespmem:s28+$0x50]  }
0x7a: {  	v8 =	vld [tilespmem:s28+$0x60]  }
0x7b: {  	v9 =	vld [tilespmem:s28+$0x70];
	[tilespmem:s22+$0xD00] =	vst v2  }
0x7c: {  	[tilespmem:s22+$0xD10] =	vst v3  }
0x7d: {  	[tilespmem:s22+$0xD20] =	vst v4  }
0x7e: {  	[tilespmem:s22+$0xD30] =	vst v5  }
0x7f: {  	s21 =	sadd.s32 $0x1, s20;
	[tilespmem:s22+$0xD40] =	vst v6  }
0x80: {  	s30 =	sshll.u32 s21, $0x4;
	[tilespmem:s22+$0xD50] =	vst v7  }
0x81: {  	(v2sf) =	vpush v1, $0x7;
	s1 =	sand.u32 $0x3FFFFFF0, s30;
	[tilespmem:s22+$0xD60] =	vst v8  }
0x82: {  	(v2sf) =	vpush v1, $0x8;
	v19 =	vld.idx.msk [tilespmem:v0+s1+$0x0 ss:$0x1], $0xffff;
	s29 =	spop (v2sf);
	[tilespmem:s22+$0xD70] =	vst v9  }
0x83: {  	(v2sf) =	vpush v1, $0x9;
	v2 =	vld [tilespmem:s29+$0x0]  }
0x84: {  	(v2sf) =	vpush v1, $0xA;
	v3 =	vld [tilespmem:s29+$0x10]  }
0x85: {  	(v2sf) =	vpush v1, $0xB;
	v5 =	vld [tilespmem:s29+$0x20]  }
0x86: {  	(v2sf) =	vpush v1, $0xC;
	v6 =	vld [tilespmem:s29+$0x30]  }
0x87: {  	(v2sf) =	vpush v1, $0xD;
	v7 =	vld [tilespmem:s29+$0x40]  }
0x88: {  	(v2sf) =	vpush v1, $0xE;
	v4 =	vshll.u32 v19, $0x9;
	v8 =	vld [tilespmem:s29+$0x50]  }
0x89: {  	(v2sf) =	vpush v1, $0xF;
	v9 =	vld [tilespmem:s29+$0x60];
	v1 =	vshra.s32 v4, $0x2  }
0x8a: {  	v10 =	vld [tilespmem:s29+$0x70];
	(v2sf) =	vpush v1, $0x0;
	[tilespmem:s22+$0xD80] =	vst v2  }
0x8b: {  	[tilespmem:s22+$0xD90] =	vst v3  }
0x8c: {  	[tilespmem:s22+$0xDA0] =	vst v5  }
0x8d: {  	[tilespmem:s22+$0xDB0] =	vst v6  }
0x8e: {  	[tilespmem:s22+$0xDC0] =	vst v7  }
0x8f: {  	[tilespmem:s22+$0xDD0] =	vst v8  }
0x90: {  	s26 =	spop (v2sf);
	[tilespmem:s22+$0xDE0] =	vst v9  }
0x91: {  	s28 =	spop (v2sf);
	[tilespmem:s22+$0xDF0] =	vst v10  }
0x92: {  	s11 =	spop (v2sf);
	v2 =	vld [tilespmem:s26+$0x0]  }
0x93: {  	s31 =	spop (v2sf);
	v3 =	vld [tilespmem:s26+$0x10]  }
0x94: {  	s0 =	spop (v2sf);
	v20 =	vld [tilespmem:s26+$0x20]  }
0x95: {  	s2 =	spop (v2sf);
	v5 =	vld [tilespmem:s26+$0x30]  }
0x96: {  	s25 =	spop (v2sf);
	v6 =	vld [tilespmem:s26+$0x40]  }
0x97: {  	s24 =	spop (v2sf);
	v7 =	vld [tilespmem:s26+$0x50]  }
0x98: {  	s23 =	spop (v2sf);
	v8 =	vld [tilespmem:s26+$0x60]  }
0x99: {  	v9 =	vld [tilespmem:s26+$0x70];
	[tilespmem:s22+$0xE00] =	vst v2;
	s12 =	spop (v2sf)  }
0x9a: {  	(v2sf) =	vpush v1, $0x1;
	[tilespmem:s22+$0xE10] =	vst v3;
	v2 =	vld [tilespmem:s12+$0x0]  }
0x9b: {  	[tilespmem:s22+$0xE20] =	vst v20;
	v3 =	vld [tilespmem:s12+$0x10]  }
0x9c: {  	[tilespmem:s22+$0xE30] =	vst v5;
	v21 =	vld [tilespmem:s12+$0x20]  }
0x9d: {  	[tilespmem:s22+$0xE40] =	vst v6;
	v22 =	vld [tilespmem:s12+$0x30]  }
0x9e: {  	[tilespmem:s22+$0xE50] =	vst v7;
	v23 =	vld [tilespmem:s12+$0x40]  }
0x9f: {  	s21 =	sshll.u32 s21, $0xB;
	[tilespmem:s22+$0xE60] =	vst v8;
	v24 =	vld [tilespmem:s12+$0x50]  }
0xa0: {  	s21 =	sand.u32 $0x3FFFF800, s21;
	[tilespmem:s22+$0xE70] =	vst v9;
	v25 =	vld [tilespmem:s12+$0x60]  }
0xa1: {  	v26 =	vld [tilespmem:s12+$0x70];
	[tilespmem:s21+$0xA80] =	vst v2  }
0xa2: {  	v10 =	vld [tilespmem:s28+$0x0];
	[tilespmem:s21+$0xA90] =	vst v3  }
0xa3: {  	v27 =	vld [tilespmem:s28+$0x30];
	[tilespmem:s21+$0xAA0] =	vst v21  }
0xa4: {  	v28 =	vld [tilespmem:s28+$0x40];
	[tilespmem:s21+$0xAB0] =	vst v22  }
0xa5: {  	v29 =	vld [tilespmem:s28+$0x50];
	[tilespmem:s21+$0xAC0] =	vst v23  }
0xa6: {  	v30 =	vld [tilespmem:s28+$0x60];
	[tilespmem:s21+$0xAD0] =	vst v24  }
0xa7: {  	v31 =	vld [tilespmem:s28+$0x70];
	[tilespmem:s21+$0xAE0] =	vst v25  }
0xa8: {  	v2 =	vld [tilespmem:s28+$0x10];
	[tilespmem:s21+$0xAF0] =	vst v26  }
0xa9: {  	s29 =	spop (v2sf);
	v3 =	vld [tilespmem:s28+$0x20];
	[tilespmem:s22+$0xE80] =	vst v10  }
0xaa: {  	(v2sf) =	vpush v1, $0x2;
	[tilespmem:s22+$0xEB0] =	vst v27;
	v9 =	vld [tilespmem:s29+$0x0]  }
0xab: {  	[tilespmem:s22+$0xEC0] =	vst v28;
	v32 =	vld [tilespmem:s29+$0x30]  }
0xac: {  	[tilespmem:s22+$0xED0] =	vst v29;
	v33 =	vld [tilespmem:s29+$0x40]  }
0xad: {  	[tilespmem:s22+$0xEE0] =	vst v30;
	v34 =	vld [tilespmem:s29+$0x50]  }
0xae: {  	[tilespmem:s22+$0xEF0] =	vst v31;
	v35 =	vld [tilespmem:s29+$0x60]  }
0xaf: {  	v36 =	vld [tilespmem:s29+$0x70];
	[tilespmem:s22+$0xE90] =	vst v2  }
0xb0: {  	v2 =	vld [tilespmem:s29+$0x10];
	[tilespmem:s22+$0xEA0] =	vst v3  }
0xb1: {  	v3 =	vld [tilespmem:s29+$0x20];
	[tilespmem:s21+$0xB00] =	vst v9  }
0xb2: {  	v10 =	vld [tilespmem:s11+$0x0];
	[tilespmem:s21+$0xB30] =	vst v32  }
0xb3: {  	v37 =	vld [tilespmem:s11+$0x10];
	[tilespmem:s21+$0xB40] =	vst v33  }
0xb4: {  	v38 =	vld [tilespmem:s11+$0x40];
	[tilespmem:s21+$0xB50] =	vst v34  }
0xb5: {  	v39 =	vld [tilespmem:s11+$0x50];
	[tilespmem:s21+$0xB60] =	vst v35  }
0xb6: {  	v40 =	vld [tilespmem:s11+$0x60];
	[tilespmem:s21+$0xB70] =	vst v36  }
0xb7: {  	v41 =	vld [tilespmem:s11+$0x70];
	[tilespmem:s21+$0xB10] =	vst v2  }
0xb8: {  	v2 =	vld [tilespmem:s11+$0x20];
	[tilespmem:s21+$0xB20] =	vst v3  }
0xb9: {  	s30 =	spop (v2sf);
	v3 =	vld [tilespmem:s11+$0x30];
	[tilespmem:s22+$0xF00] =	vst v10  }
0xba: {  	(v2sf) =	vpush v1, $0x3;
	v8 =	vld [tilespmem:s30+$0x0];
	[tilespmem:s22+$0xF10] =	vst v37  }
0xbb: {  	v42 =	vld [tilespmem:s30+$0x10];
	[tilespmem:s22+$0xF40] =	vst v38  }
0xbc: {  	v43 =	vld [tilespmem:s30+$0x40];
	[tilespmem:s22+$0xF50] =	vst v39  }
0xbd: {  	v44 =	vld [tilespmem:s30+$0x50];
	[tilespmem:s22+$0xF60] =	vst v40  }
0xbe: {  	v45 =	vld [tilespmem:s30+$0x60];
	[tilespmem:s22+$0xF70] =	vst v41  }
0xbf: {  	v46 =	vld [tilespmem:s30+$0x70];
	[tilespmem:s22+$0xF20] =	vst v2  }
0xc0: {  	v2 =	vld [tilespmem:s30+$0x20];
	[tilespmem:s22+$0xF30] =	vst v3  }
0xc1: {  	v3 =	vld [tilespmem:s30+$0x30];
	[tilespmem:s21+$0xB80] =	vst v8  }
0xc2: {  	v10 =	vld [tilespmem:s31+$0x0];
	[tilespmem:s21+$0xB90] =	vst v42  }
0xc3: {  	v47 =	vld [tilespmem:s31+$0x10];
	[tilespmem:s21+$0xBC0] =	vst v43  }
0xc4: {  	v48 =	vld [tilespmem:s31+$0x20];
	[tilespmem:s21+$0xBD0] =	vst v44  }
0xc5: {  	v49 =	vld [tilespmem:s31+$0x50];
	[tilespmem:s21+$0xBE0] =	vst v45  }
0xc6: {  	v50 =	vld [tilespmem:s31+$0x60];
	[tilespmem:s21+$0xBF0] =	vst v46  }
0xc7: {  	v51 =	vld [tilespmem:s31+$0x70];
	[tilespmem:s21+$0xBA0] =	vst v2  }
0xc8: {  	v2 =	vld [tilespmem:s31+$0x30];
	[tilespmem:s21+$0xBB0] =	vst v3  }
0xc9: {  	v3 =	vld [tilespmem:s31+$0x40];
	s31 =	spop (v2sf);
	[tilespmem:s22+$0xF80] =	vst v10  }
0xca: {  	(v2sf) =	vpush v1, $0x4;
	v7 =	vld [tilespmem:s31+$0x0];
	[tilespmem:s22+$0xF90] =	vst v47  }
0xcb: {  	v52 =	vld [tilespmem:s31+$0x10];
	[tilespmem:s22+$0xFA0] =	vst v48  }
0xcc: {  	v53 =	vld [tilespmem:s31+$0x20];
	[tilespmem:s22+$0xFD0] =	vst v49  }
0xcd: {  	v54 =	vld [tilespmem:s31+$0x50];
	[tilespmem:s22+$0xFE0] =	vst v50  }
0xce: {  	v55 =	vld [tilespmem:s31+$0x60];
	[tilespmem:s22+$0xFF0] =	vst v51  }
0xcf: {  	v56 =	vld [tilespmem:s31+$0x70];
	[tilespmem:s22+$0xFB0] =	vst v2  }
0xd0: {  	v2 =	vld [tilespmem:s31+$0x30];
	[tilespmem:s22+$0xFC0] =	vst v3  }
0xd1: {  	v3 =	vld [tilespmem:s31+$0x40];
	[tilespmem:s21+$0xC00] =	vst v7  }
0xd2: {  	v10 =	vld [tilespmem:s0+$0x0];
	[tilespmem:s21+$0xC10] =	vst v52  }
0xd3: {  	v57 =	vld [tilespmem:s0+$0x10];
	[tilespmem:s21+$0xC20] =	vst v53  }
0xd4: {  	v58 =	vld [tilespmem:s0+$0x20];
	[tilespmem:s21+$0xC50] =	vst v54  }
0xd5: {  	v59 =	vld [tilespmem:s0+$0x30];
	[tilespmem:s21+$0xC60] =	vst v55  }
0xd6: {  	v60 =	vld [tilespmem:s0+$0x60];
	[tilespmem:s21+$0xC70] =	vst v56  }
0xd7: {  	v61 =	vld [tilespmem:s0+$0x70];
	[tilespmem:s21+$0xC30] =	vst v2  }
0xd8: {  	v2 =	vld [tilespmem:s0+$0x40];
	[tilespmem:s21+$0xC40] =	vst v3  }
0xd9: {  	s11 =	spop (v2sf);
	v3 =	vld [tilespmem:s0+$0x50];
	[tilespmem:s22+$0x1000] =	vst v10  }
0xda: {  	(v2sf) =	vpush v1, $0x5;
	v6 =	vld [tilespmem:s11+$0x0];
	[tilespmem:s22+$0x1010] =	vst v57  }
0xdb: {  	v62 =	vld [tilespmem:s11+$0x10];
	[tilespmem:s22+$0x1020] =	vst v58  }
0xdc: {  	v63 =	vld [tilespmem:s11+$0x20];
	[tilespmem:s22+$0x1030] =	vst v59  }
0xdd: {  	v12 =	vld [tilespmem:s11+$0x30];
	[tilespmem:s22+$0x1060] =	vst v60  }
0xde: {  	v13 =	vld [tilespmem:s11+$0x60];
	[tilespmem:s22+$0x1070] =	vst v61  }
0xdf: {  	v14 =	vld [tilespmem:s11+$0x70];
	[tilespmem:s22+$0x1040] =	vst v2  }
0xe0: {  	v2 =	vld [tilespmem:s11+$0x40];
	[tilespmem:s22+$0x1050] =	vst v3  }
0xe1: {  	v3 =	vld [tilespmem:s11+$0x50];
	[tilespmem:s21+$0xC80] =	vst v6  }
0xe2: {  	v10 =	vld [tilespmem:s2+$0x0];
	[tilespmem:s21+$0xC90] =	vst v62  }
0xe3: {  	v15 =	vld [tilespmem:s2+$0x10];
	[tilespmem:s21+$0xCA0] =	vst v63  }
0xe4: {  	v16 =	vld [tilespmem:s2+$0x20];
	[tilespmem:s21+$0xCB0] =	vst v12  }
0xe5: {  	v17 =	vld [tilespmem:s2+$0x30];
	[tilespmem:s21+$0xCE0] =	vst v13  }
0xe6: {  	v18 =	vld [tilespmem:s2+$0x40];
	[tilespmem:s21+$0xCF0] =	vst v14  }
0xe7: {  	v19 =	vld [tilespmem:s2+$0x70];
	[tilespmem:s21+$0xCC0] =	vst v2  }
0xe8: {  	v2 =	vld [tilespmem:s2+$0x50];
	[tilespmem:s21+$0xCD0] =	vst v3  }
0xe9: {  	s12 =	spop (v2sf);
	v3 =	vld [tilespmem:s2+$0x60];
	[tilespmem:s22+$0x1080] =	vst v10  }
0xea: {  	(v2sf) =	vpush v1, $0x6;
	v5 =	vld [tilespmem:s12+$0x0];
	[tilespmem:s22+$0x1090] =	vst v15  }
0xeb: {  	v20 =	vld [tilespmem:s12+$0x10];
	[tilespmem:s22+$0x10A0] =	vst v16  }
0xec: {  	v21 =	vld [tilespmem:s12+$0x20];
	[tilespmem:s22+$0x10B0] =	vst v17  }
0xed: {  	v22 =	vld [tilespmem:s12+$0x30];
	[tilespmem:s22+$0x10C0] =	vst v18  }
0xee: {  	v23 =	vld [tilespmem:s12+$0x40];
	[tilespmem:s22+$0x10F0] =	vst v19  }
0xef: {  	v24 =	vld [tilespmem:s12+$0x70];
	[tilespmem:s22+$0x10D0] =	vst v2  }
0xf0: {  	v2 =	vld [tilespmem:s12+$0x50];
	[tilespmem:s22+$0x10E0] =	vst v3  }
0xf1: {  	v3 =	vld [tilespmem:s12+$0x60];
	[tilespmem:s21+$0xD00] =	vst v5  }
0xf2: {  	v10 =	vld [tilespmem:s25+$0x0];
	[tilespmem:s21+$0xD10] =	vst v20  }
0xf3: {  	v25 =	vld [tilespmem:s25+$0x10];
	[tilespmem:s21+$0xD20] =	vst v21  }
0xf4: {  	v26 =	vld [tilespmem:s25+$0x20];
	[tilespmem:s21+$0xD30] =	vst v22  }
0xf5: {  	v27 =	vld [tilespmem:s25+$0x30];
	[tilespmem:s21+$0xD40] =	vst v23  }
0xf6: {  	v28 =	vld [tilespmem:s25+$0x40];
	[tilespmem:s21+$0xD70] =	vst v24  }
0xf7: {  	v29 =	vld [tilespmem:s25+$0x50];
	[tilespmem:s21+$0xD50] =	vst v2  }
0xf8: {  	v2 =	vld [tilespmem:s25+$0x60];
	[tilespmem:s21+$0xD60] =	vst v3  }
0xf9: {  	v3 =	vld [tilespmem:s25+$0x70];
	s25 =	spop (v2sf);
	[tilespmem:s22+$0x1100] =	vst v10  }
0xfa: {  	(v2sf) =	vpush v1, $0x7;
	v4 =	vld [tilespmem:s25+$0x0];
	[tilespmem:s22+$0x1110] =	vst v25  }
0xfb: {  	v30 =	vld [tilespmem:s25+$0x10];
	[tilespmem:s22+$0x1120] =	vst v26  }
0xfc: {  	v31 =	vld [tilespmem:s25+$0x20];
	[tilespmem:s22+$0x1130] =	vst v27  }
0xfd: {  	v32 =	vld [tilespmem:s25+$0x30];
	[tilespmem:s22+$0x1140] =	vst v28  }
0xfe: {  	v33 =	vld [tilespmem:s25+$0x40];
	[tilespmem:s22+$0x1150] =	vst v29  }
0xff: {  	v34 =	vld [tilespmem:s25+$0x50];
	[tilespmem:s22+$0x1160] =	vst v2  }
0x100: {  	v2 =	vld [tilespmem:s25+$0x60];
	[tilespmem:s22+$0x1170] =	vst v3  }
0x101: {  	v3 =	vld [tilespmem:s25+$0x70];
	[tilespmem:s21+$0xD80] =	vst v4  }
0x102: {  	v10 =	vld [tilespmem:s24+$0x0];
	[tilespmem:s21+$0xD90] =	vst v30  }
0x103: {  	v35 =	vld [tilespmem:s24+$0x10];
	[tilespmem:s21+$0xDA0] =	vst v31  }
0x104: {  	v36 =	vld [tilespmem:s24+$0x20];
	[tilespmem:s21+$0xDB0] =	vst v32  }
0x105: {  	v37 =	vld [tilespmem:s24+$0x30];
	[tilespmem:s21+$0xDC0] =	vst v33  }
0x106: {  	v38 =	vld [tilespmem:s24+$0x40];
	[tilespmem:s21+$0xDD0] =	vst v34  }
0x107: {  	v39 =	vld [tilespmem:s24+$0x50];
	[tilespmem:s21+$0xDE0] =	vst v2  }
0x108: {  	v40 =	vld [tilespmem:s24+$0x60];
	[tilespmem:s21+$0xDF0] =	vst v3  }
0x109: {  	s26 =	spop (v2sf);
	v2 =	vld [tilespmem:s24+$0x70];
	[tilespmem:s22+$0x1180] =	vst v10  }
0x10a: {  	(v2sf) =	vpush v1, $0x8;
	v3 =	vld [tilespmem:s26+$0x0];
	[tilespmem:s22+$0x1190] =	vst v35  }
0x10b: {  	v41 =	vld [tilespmem:s26+$0x10];
	[tilespmem:s22+$0x11A0] =	vst v36  }
0x10c: {  	v42 =	vld [tilespmem:s26+$0x20];
	[tilespmem:s22+$0x11B0] =	vst v37  }
0x10d: {  	v43 =	vld [tilespmem:s26+$0x30];
	[tilespmem:s22+$0x11C0] =	vst v38  }
0x10e: {  	v44 =	vld [tilespmem:s26+$0x40];
	[tilespmem:s22+$0x11D0] =	vst v39  }
0x10f: {  	v45 =	vld [tilespmem:s26+$0x50];
	[tilespmem:s22+$0x11E0] =	vst v40  }
0x110: {  	v46 =	vld [tilespmem:s26+$0x60];
	[tilespmem:s22+$0x11F0] =	vst v2  }
0x111: {  	v2 =	vld [tilespmem:s26+$0x70];
	[tilespmem:s21+$0xE00] =	vst v3  }
0x112: {  	v10 =	vld [tilespmem:s23+$0x0];
	[tilespmem:s21+$0xE10] =	vst v41  }
0x113: {  	v3 =	vld [tilespmem:s23+$0x10];
	[tilespmem:s21+$0xE20] =	vst v42  }
0x114: {  	v47 =	vld [tilespmem:s23+$0x20];
	[tilespmem:s21+$0xE30] =	vst v43  }
0x115: {  	v48 =	vld [tilespmem:s23+$0x30];
	[tilespmem:s21+$0xE40] =	vst v44  }
0x116: {  	v49 =	vld [tilespmem:s23+$0x40];
	[tilespmem:s21+$0xE50] =	vst v45  }
0x117: {  	v50 =	vld [tilespmem:s23+$0x50];
	[tilespmem:s21+$0xE60] =	vst v46  }
0x118: {  	v51 =	vld [tilespmem:s23+$0x60];
	[tilespmem:s21+$0xE70] =	vst v2  }
0x119: {  	s28 =	spop (v2sf);
	v52 =	vld [tilespmem:s23+$0x70];
	[tilespmem:s22+$0x1200] =	vst v10  }
0x11a: {  	v53 =	vld [tilespmem:s28+$0x0];
	[tilespmem:s22+$0x1210] =	vst v3  }
0x11b: {  	v11 =	vld [tilespmem:s28+$0x10];
	[tilespmem:s22+$0x1220] =	vst v47  }
0x11c: {  	v2 =	vld [tilespmem:s28+$0x20];
	[tilespmem:s22+$0x1230] =	vst v48  }
0x11d: {  	v3 =	vld [tilespmem:s28+$0x30];
	[tilespmem:s22+$0x1240] =	vst v49  }
0x11e: {  	v54 =	vld [tilespmem:s28+$0x40];
	[tilespmem:s22+$0x1250] =	vst v50  }
0x11f: {  	v55 =	vld [tilespmem:s28+$0x50];
	[tilespmem:s22+$0x1260] =	vst v51  }
0x120: {  	s29 =	sadd.s32 $0x2, s20;
	v56 =	vld [tilespmem:s28+$0x60];
	[tilespmem:s22+$0x1270] =	vst v52  }
0x121: {  	s30 =	sshll.u32 s29, $0x4;
	v57 =	vld [tilespmem:s28+$0x70];
	[tilespmem:s21+$0xE80] =	vst v53  }
0x122: {  	s0 =	sand.u32 $0x3FFFFFF0, s30;
	[tilespmem:s21+$0xE90] =	vst v11  }
0x123: {  	(v2sf) =	vpush v1, $0x9;
	v58 =	vld.idx.msk [tilespmem:v0+s0+$0x0 ss:$0x1], $0xffff  }
0x124: {  	(v2sf) =	vpush v1, $0xA  }
0x125: {  	(v2sf) =	vpush v1, $0xB  }
0x126: {  	(v2sf) =	vpush v1, $0xC  }
0x127: {  	(v2sf) =	vpush v1, $0xD  }
0x128: {  	(v2sf) =	vpush v1, $0xE;
	v8 =	vshll.u32 v58, $0x9  }
0x129: {  	(v2sf) =	vpush v1, $0xF;
	v1 =	vshra.s32 v8, $0x2  }
0x12a: {  	(v2sf) =	vpush v1, $0x0;
	_ =	sdelay $0x7  }
0x12b: {  	s0 =	spop (v2sf)  }
0x12c: {  	s2 =	spop (v2sf)  }
0x12d: {  	s28 =	spop (v2sf)  }
0x12e: {  	s26 =	spop (v2sf)  }
0x12f: {  	s25 =	spop (v2sf)  }
0x130: {  	s24 =	spop (v2sf)  }
0x131: {  	s22 =	spop (v2sf)  }
0x132: {  	(v2sf) =	vpush v1, $0x1;
	s31 =	spop (v2sf)  }
0x133: {  	v59 =	vld [tilespmem:s31+$0x0]  }
0x134: {  	v60 =	vld [tilespmem:s31+$0x10]  }
0x135: {  	v61 =	vld [tilespmem:s31+$0x20]  }
0x136: {  	v11 =	vld [tilespmem:s31+$0x30]  }
0x137: {  	v12 =	vld [tilespmem:s31+$0x40]  }
0x138: {  	s1 =	sshll.u32 s29, $0xB;
	v13 =	vld [tilespmem:s31+$0x50]  }
0x139: {  	s23 =	sand.u32 $0x3FFFF800, s1;
	v14 =	vld [tilespmem:s31+$0x60]  }
0x13a: {  	v15 =	vld [tilespmem:s31+$0x70];
	[tilespmem:s23+$0xA80] =	vst v59  }
0x13b: {  	[tilespmem:s23+$0xA90] =	vst v60  }
0x13c: {  	[tilespmem:s23+$0xAA0] =	vst v61  }
0x13d: {  	[tilespmem:s23+$0xAB0] =	vst v11  }
0x13e: {  	[tilespmem:s23+$0xAC0] =	vst v12  }
0x13f: {  	[tilespmem:s23+$0xAD0] =	vst v13  }
0x140: {  	[tilespmem:s23+$0xAE0] =	vst v14  }
0x141: {  	(v2sf) =	vpush v1, $0x2;
	s11 =	spop (v2sf);
	[tilespmem:s23+$0xAF0] =	vst v15  }
0x142: {  	v8 =	vld [tilespmem:s11+$0x0]  }
0x143: {  	v9 =	vld [tilespmem:s11+$0x10]  }
0x144: {  	v10 =	vld [tilespmem:s11+$0x20]  }
0x145: {  	v11 =	vld [tilespmem:s11+$0x30]  }
0x146: {  	v12 =	vld [tilespmem:s11+$0x40]  }
0x147: {  	v13 =	vld [tilespmem:s11+$0x50]  }
0x148: {  	v14 =	vld [tilespmem:s11+$0x60]  }
0x149: {  	v15 =	vld [tilespmem:s11+$0x70];
	[tilespmem:s23+$0xB00] =	vst v8  }
0x14a: {  	[tilespmem:s23+$0xB10] =	vst v9  }
0x14b: {  	[tilespmem:s23+$0xB20] =	vst v10  }
0x14c: {  	[tilespmem:s23+$0xB30] =	vst v11  }
0x14d: {  	[tilespmem:s23+$0xB40] =	vst v12  }
0x14e: {  	[tilespmem:s23+$0xB50] =	vst v13  }
0x14f: {  	[tilespmem:s23+$0xB60] =	vst v14  }
0x150: {  	(v2sf) =	vpush v1, $0x3;
	s12 =	spop (v2sf);
	[tilespmem:s23+$0xB70] =	vst v15  }
0x151: {  	v8 =	vld [tilespmem:s12+$0x0]  }
0x152: {  	v9 =	vld [tilespmem:s12+$0x10]  }
0x153: {  	v10 =	vld [tilespmem:s12+$0x20]  }
0x154: {  	v11 =	vld [tilespmem:s12+$0x30]  }
0x155: {  	v12 =	vld [tilespmem:s12+$0x40]  }
0x156: {  	v13 =	vld [tilespmem:s12+$0x50]  }
0x157: {  	v14 =	vld [tilespmem:s12+$0x60]  }
0x158: {  	v15 =	vld [tilespmem:s12+$0x70];
	[tilespmem:s23+$0xB80] =	vst v8  }
0x159: {  	[tilespmem:s23+$0xB90] =	vst v9  }
0x15a: {  	[tilespmem:s23+$0xBA0] =	vst v10  }
0x15b: {  	[tilespmem:s23+$0xBB0] =	vst v11  }
0x15c: {  	[tilespmem:s23+$0xBC0] =	vst v12  }
0x15d: {  	[tilespmem:s23+$0xBD0] =	vst v13  }
0x15e: {  	[tilespmem:s23+$0xBE0] =	vst v14  }
0x15f: {  	(v2sf) =	vpush v1, $0x4;
	s29 =	spop (v2sf);
	[tilespmem:s23+$0xBF0] =	vst v15  }
0x160: {  	v8 =	vld [tilespmem:s29+$0x0]  }
0x161: {  	v9 =	vld [tilespmem:s29+$0x10]  }
0x162: {  	v10 =	vld [tilespmem:s29+$0x20]  }
0x163: {  	v11 =	vld [tilespmem:s29+$0x30]  }
0x164: {  	v12 =	vld [tilespmem:s29+$0x40]  }
0x165: {  	v13 =	vld [tilespmem:s29+$0x50]  }
0x166: {  	v14 =	vld [tilespmem:s29+$0x60]  }
0x167: {  	v15 =	vld [tilespmem:s29+$0x70];
	[tilespmem:s23+$0xC00] =	vst v8  }
0x168: {  	[tilespmem:s23+$0xC10] =	vst v9  }
0x169: {  	[tilespmem:s23+$0xC20] =	vst v10  }
0x16a: {  	[tilespmem:s23+$0xC30] =	vst v11  }
0x16b: {  	[tilespmem:s23+$0xC40] =	vst v12  }
0x16c: {  	[tilespmem:s23+$0xC50] =	vst v13  }
0x16d: {  	[tilespmem:s23+$0xC60] =	vst v14  }
0x16e: {  	(v2sf) =	vpush v1, $0x5;
	s30 =	spop (v2sf);
	[tilespmem:s23+$0xC70] =	vst v15  }
0x16f: {  	v8 =	vld [tilespmem:s30+$0x0]  }
0x170: {  	[tilespmem:s21+$0xEA0] =	vst v2;
	v9 =	vld [tilespmem:s30+$0x10]  }
0x171: {  	[tilespmem:s21+$0xEB0] =	vst v3;
	v10 =	vld [tilespmem:s30+$0x20]  }
0x172: {  	[tilespmem:s21+$0xEC0] =	vst v54;
	v11 =	vld [tilespmem:s30+$0x30]  }
0x173: {  	[tilespmem:s21+$0xED0] =	vst v55;
	v12 =	vld [tilespmem:s30+$0x40]  }
0x174: {  	[tilespmem:s21+$0xEE0] =	vst v56;
	v13 =	vld [tilespmem:s30+$0x50]  }
0x175: {  	[tilespmem:s21+$0xEF0] =	vst v57;
	v14 =	vld [tilespmem:s30+$0x60]  }
0x176: {  	v15 =	vld [tilespmem:s30+$0x70];
	[tilespmem:s23+$0xC80] =	vst v8  }
0x177: {  	[tilespmem:s23+$0xC90] =	vst v9  }
0x178: {  	[tilespmem:s23+$0xCA0] =	vst v10  }
0x179: {  	[tilespmem:s23+$0xCB0] =	vst v11  }
0x17a: {  	[tilespmem:s23+$0xCC0] =	vst v12  }
0x17b: {  	[tilespmem:s23+$0xCD0] =	vst v13  }
0x17c: {  	[tilespmem:s23+$0xCE0] =	vst v14  }
0x17d: {  	v16 =	vld [tilespmem:s0+$0x20];
	(v2sf) =	vpush v1, $0x6;
	s31 =	spop (v2sf);
	[tilespmem:s23+$0xCF0] =	vst v15  }
0x17e: {  	v8 =	vld [tilespmem:s31+$0x0]  }
0x17f: {  	v9 =	vld [tilespmem:s31+$0x10]  }
0x180: {  	v2 =	vld [tilespmem:s31+$0x20]  }
0x181: {  	v3 =	vld [tilespmem:s31+$0x30]  }
0x182: {  	v62 =	vld [tilespmem:s31+$0x40]  }
0x183: {  	v63 =	vld [tilespmem:s31+$0x50]  }
0x184: {  	v12 =	vld [tilespmem:s31+$0x60]  }
0x185: {  	v13 =	vld [tilespmem:s31+$0x70];
	[tilespmem:s23+$0xD00] =	vst v8  }
0x186: {  	v17 =	vld [tilespmem:s0+$0x50];
	[tilespmem:s23+$0xD10] =	vst v9  }
0x187: {  	v18 =	vld [tilespmem:s0+$0x60];
	[tilespmem:s23+$0xD20] =	vst v2  }
0x188: {  	v14 =	vld [tilespmem:s0+$0x0];
	[tilespmem:s23+$0xD30] =	vst v3  }
0x189: {  	v15 =	vld [tilespmem:s0+$0x10];
	[tilespmem:s23+$0xD40] =	vst v62  }
0x18a: {  	v19 =	vld [tilespmem:s0+$0x70];
	[tilespmem:s23+$0xD50] =	vst v63  }
0x18b: {  	v2 =	vld [tilespmem:s0+$0x30];
	[tilespmem:s23+$0xD60] =	vst v12  }
0x18c: {  	s1 =	spop (v2sf);
	v3 =	vld [tilespmem:s0+$0x40];
	[tilespmem:s23+$0xD70] =	vst v13  }
0x18d: {  	(v2sf) =	vpush v1, $0x7;
	[tilespmem:s21+$0xF00] =	vst v14;
	v7 =	vld [tilespmem:s1+$0x0]  }
0x18e: {  	[tilespmem:s21+$0xF10] =	vst v15;
	v20 =	vld [tilespmem:s1+$0x10]  }
0x18f: {  	[tilespmem:s21+$0xF20] =	vst v16;
	v21 =	vld [tilespmem:s1+$0x20]  }
0x190: {  	[tilespmem:s21+$0xF50] =	vst v17;
	v22 =	vld [tilespmem:s1+$0x50]  }
0x191: {  	[tilespmem:s21+$0xF60] =	vst v18;
	v23 =	vld [tilespmem:s1+$0x60]  }
0x192: {  	[tilespmem:s21+$0xF70] =	vst v19;
	v24 =	vld [tilespmem:s1+$0x70]  }
0x193: {  	[tilespmem:s21+$0xF30] =	vst v2;
	v2 =	vld [tilespmem:s1+$0x30]  }
0x194: {  	[tilespmem:s21+$0xF40] =	vst v3;
	v3 =	vld [tilespmem:s1+$0x40]  }
0x195: {  	v10 =	vld [tilespmem:s2+$0x0];
	[tilespmem:s23+$0xD80] =	vst v7  }
0x196: {  	v25 =	vld [tilespmem:s2+$0x10];
	[tilespmem:s23+$0xD90] =	vst v20  }
0x197: {  	v26 =	vld [tilespmem:s2+$0x20];
	[tilespmem:s23+$0xDA0] =	vst v21  }
0x198: {  	v27 =	vld [tilespmem:s2+$0x30];
	[tilespmem:s23+$0xDD0] =	vst v22  }
0x199: {  	v28 =	vld [tilespmem:s2+$0x60];
	[tilespmem:s23+$0xDE0] =	vst v23  }
0x19a: {  	v29 =	vld [tilespmem:s2+$0x70];
	[tilespmem:s23+$0xDF0] =	vst v24  }
0x19b: {  	[tilespmem:s23+$0xDB0] =	vst v2;
	v2 =	vld [tilespmem:s2+$0x40]  }
0x19c: {  	s11 =	spop (v2sf);
	[tilespmem:s23+$0xDC0] =	vst v3;
	v3 =	vld [tilespmem:s2+$0x50]  }
0x19d: {  	(v2sf) =	vpush v1, $0x8;
	[tilespmem:s21+$0xF80] =	vst v10;
	v6 =	vld [tilespmem:s11+$0x0]  }
0x19e: {  	[tilespmem:s21+$0xF90] =	vst v25;
	v30 =	vld [tilespmem:s11+$0x10]  }
0x19f: {  	[tilespmem:s21+$0xFA0] =	vst v26;
	v31 =	vld [tilespmem:s11+$0x20]  }
0x1a0: {  	[tilespmem:s21+$0xFB0] =	vst v27;
	v32 =	vld [tilespmem:s11+$0x30]  }
0x1a1: {  	[tilespmem:s21+$0xFE0] =	vst v28;
	v33 =	vld [tilespmem:s11+$0x60]  }
0x1a2: {  	[tilespmem:s21+$0xFF0] =	vst v29;
	v34 =	vld [tilespmem:s11+$0x70]  }
0x1a3: {  	[tilespmem:s21+$0xFC0] =	vst v2;
	v2 =	vld [tilespmem:s11+$0x40]  }
0x1a4: {  	[tilespmem:s21+$0xFD0] =	vst v3;
	v3 =	vld [tilespmem:s11+$0x50]  }
0x1a5: {  	v10 =	vld [tilespmem:s28+$0x0];
	[tilespmem:s23+$0xE00] =	vst v6  }
0x1a6: {  	v35 =	vld [tilespmem:s28+$0x10];
	[tilespmem:s23+$0xE10] =	vst v30  }
0x1a7: {  	v36 =	vld [tilespmem:s28+$0x20];
	[tilespmem:s23+$0xE20] =	vst v31  }
0x1a8: {  	v37 =	vld [tilespmem:s28+$0x30];
	[tilespmem:s23+$0xE30] =	vst v32  }
0x1a9: {  	v38 =	vld [tilespmem:s28+$0x40];
	[tilespmem:s23+$0xE60] =	vst v33  }
0x1aa: {  	v39 =	vld [tilespmem:s28+$0x70];
	[tilespmem:s23+$0xE70] =	vst v34  }
0x1ab: {  	[tilespmem:s23+$0xE40] =	vst v2;
	v2 =	vld [tilespmem:s28+$0x50]  }
0x1ac: {  	s12 =	spop (v2sf);
	[tilespmem:s23+$0xE50] =	vst v3;
	v3 =	vld [tilespmem:s28+$0x60]  }
0x1ad: {  	(v2sf) =	vpush v1, $0x9;
	[tilespmem:s21+$0x1000] =	vst v10;
	v5 =	vld [tilespmem:s12+$0x0]  }
0x1ae: {  	[tilespmem:s21+$0x1010] =	vst v35;
	v40 =	vld [tilespmem:s12+$0x10]  }
0x1af: {  	[tilespmem:s21+$0x1020] =	vst v36;
	v41 =	vld [tilespmem:s12+$0x20]  }
0x1b0: {  	[tilespmem:s21+$0x1030] =	vst v37;
	v42 =	vld [tilespmem:s12+$0x30]  }
0x1b1: {  	[tilespmem:s21+$0x1040] =	vst v38;
	v43 =	vld [tilespmem:s12+$0x40]  }
0x1b2: {  	[tilespmem:s21+$0x1070] =	vst v39;
	v44 =	vld [tilespmem:s12+$0x70]  }
0x1b3: {  	[tilespmem:s21+$0x1050] =	vst v2;
	v2 =	vld [tilespmem:s12+$0x50]  }
0x1b4: {  	[tilespmem:s21+$0x1060] =	vst v3;
	v3 =	vld [tilespmem:s12+$0x60]  }
0x1b5: {  	v10 =	vld [tilespmem:s26+$0x0];
	[tilespmem:s23+$0xE80] =	vst v5  }
0x1b6: {  	v45 =	vld [tilespmem:s26+$0x10];
	[tilespmem:s23+$0xE90] =	vst v40  }
0x1b7: {  	v46 =	vld [tilespmem:s26+$0x20];
	[tilespmem:s23+$0xEA0] =	vst v41  }
0x1b8: {  	v47 =	vld [tilespmem:s26+$0x30];
	[tilespmem:s23+$0xEB0] =	vst v42  }
0x1b9: {  	v48 =	vld [tilespmem:s26+$0x40];
	[tilespmem:s23+$0xEC0] =	vst v43  }
0x1ba: {  	v49 =	vld [tilespmem:s26+$0x50];
	[tilespmem:s23+$0xEF0] =	vst v44  }
0x1bb: {  	[tilespmem:s23+$0xED0] =	vst v2;
	v2 =	vld [tilespmem:s26+$0x60]  }
0x1bc: {  	s28 =	spop (v2sf);
	[tilespmem:s23+$0xEE0] =	vst v3;
	v3 =	vld [tilespmem:s26+$0x70]  }
0x1bd: {  	(v2sf) =	vpush v1, $0xA;
	[tilespmem:s21+$0x1080] =	vst v10;
	v4 =	vld [tilespmem:s28+$0x0]  }
0x1be: {  	[tilespmem:s21+$0x1090] =	vst v45;
	v50 =	vld [tilespmem:s28+$0x10]  }
0x1bf: {  	[tilespmem:s21+$0x10A0] =	vst v46;
	v51 =	vld [tilespmem:s28+$0x20]  }
0x1c0: {  	[tilespmem:s21+$0x10B0] =	vst v47;
	v52 =	vld [tilespmem:s28+$0x30]  }
0x1c1: {  	[tilespmem:s21+$0x10C0] =	vst v48;
	v53 =	vld [tilespmem:s28+$0x40]  }
0x1c2: {  	[tilespmem:s21+$0x10D0] =	vst v49;
	v54 =	vld [tilespmem:s28+$0x50]  }
0x1c3: {  	[tilespmem:s21+$0x10E0] =	vst v2;
	v2 =	vld [tilespmem:s28+$0x60]  }
0x1c4: {  	[tilespmem:s21+$0x10F0] =	vst v3;
	v3 =	vld [tilespmem:s28+$0x70]  }
0x1c5: {  	v10 =	vld [tilespmem:s25+$0x0];
	[tilespmem:s23+$0xF00] =	vst v4  }
0x1c6: {  	v55 =	vld [tilespmem:s25+$0x10];
	[tilespmem:s23+$0xF10] =	vst v50  }
0x1c7: {  	v56 =	vld [tilespmem:s25+$0x20];
	[tilespmem:s23+$0xF20] =	vst v51  }
0x1c8: {  	v57 =	vld [tilespmem:s25+$0x30];
	[tilespmem:s23+$0xF30] =	vst v52  }
0x1c9: {  	v58 =	vld [tilespmem:s25+$0x40];
	[tilespmem:s23+$0xF40] =	vst v53  }
0x1ca: {  	v59 =	vld [tilespmem:s25+$0x50];
	[tilespmem:s23+$0xF50] =	vst v54  }
0x1cb: {  	v60 =	vld [tilespmem:s25+$0x60];
	[tilespmem:s23+$0xF60] =	vst v2  }
0x1cc: {  	s29 =	spop (v2sf);
	v2 =	vld [tilespmem:s25+$0x70];
	[tilespmem:s23+$0xF70] =	vst v3  }
0x1cd: {  	(v2sf) =	vpush v1, $0xB;
	[tilespmem:s21+$0x1100] =	vst v10;
	v3 =	vld [tilespmem:s29+$0x0]  }
0x1ce: {  	[tilespmem:s21+$0x1110] =	vst v55;
	v61 =	vld [tilespmem:s29+$0x10]  }
0x1cf: {  	[tilespmem:s21+$0x1120] =	vst v56;
	v62 =	vld [tilespmem:s29+$0x20]  }
0x1d0: {  	[tilespmem:s21+$0x1130] =	vst v57;
	v63 =	vld [tilespmem:s29+$0x30]  }
0x1d1: {  	[tilespmem:s21+$0x1140] =	vst v58;
	v12 =	vld [tilespmem:s29+$0x40]  }
0x1d2: {  	[tilespmem:s21+$0x1150] =	vst v59;
	v13 =	vld [tilespmem:s29+$0x50]  }
0x1d3: {  	[tilespmem:s21+$0x1160] =	vst v60;
	v14 =	vld [tilespmem:s29+$0x60]  }
0x1d4: {  	[tilespmem:s21+$0x1170] =	vst v2;
	v2 =	vld [tilespmem:s29+$0x70]  }
0x1d5: {  	v10 =	vld [tilespmem:s24+$0x0];
	[tilespmem:s23+$0xF80] =	vst v3  }
0x1d6: {  	v3 =	vld [tilespmem:s24+$0x10];
	[tilespmem:s23+$0xF90] =	vst v61  }
0x1d7: {  	v15 =	vld [tilespmem:s24+$0x20];
	[tilespmem:s23+$0xFA0] =	vst v62  }
0x1d8: {  	v16 =	vld [tilespmem:s24+$0x30];
	[tilespmem:s23+$0xFB0] =	vst v63  }
0x1d9: {  	v17 =	vld [tilespmem:s24+$0x40];
	[tilespmem:s23+$0xFC0] =	vst v12  }
0x1da: {  	v18 =	vld [tilespmem:s24+$0x50];
	[tilespmem:s23+$0xFD0] =	vst v13  }
0x1db: {  	v19 =	vld [tilespmem:s24+$0x60];
	[tilespmem:s23+$0xFE0] =	vst v14  }
0x1dc: {  	(v2sf) =	vpush v1, $0xC;
	s30 =	spop (v2sf);
	v20 =	vld [tilespmem:s24+$0x70];
	[tilespmem:s23+$0xFF0] =	vst v2  }
0x1dd: {  	v2 =	vld [tilespmem:s30+$0x0]  }
0x1de: {  	v21 =	vld [tilespmem:s30+$0x10]  }
0x1df: {  	v22 =	vld [tilespmem:s30+$0x20]  }
0x1e0: {  	v23 =	vld [tilespmem:s30+$0x30]  }
0x1e1: {  	v24 =	vld [tilespmem:s30+$0x40]  }
0x1e2: {  	v25 =	vld [tilespmem:s30+$0x50]  }
0x1e3: {  	[tilespmem:s21+$0x1180] =	vst v10;
	v26 =	vld [tilespmem:s30+$0x60]  }
0x1e4: {  	v27 =	vld [tilespmem:s30+$0x70];
	[tilespmem:s23+$0x1000] =	vst v2  }
0x1e5: {  	[tilespmem:s23+$0x1010] =	vst v21  }
0x1e6: {  	[tilespmem:s23+$0x1020] =	vst v22  }
0x1e7: {  	[tilespmem:s23+$0x1030] =	vst v23  }
0x1e8: {  	[tilespmem:s23+$0x1040] =	vst v24  }
0x1e9: {  	[tilespmem:s23+$0x1050] =	vst v25  }
0x1ea: {  	[tilespmem:s23+$0x1060] =	vst v26  }
0x1eb: {  	(v2sf) =	vpush v1, $0xD;
	s24 =	spop (v2sf);
	[tilespmem:s23+$0x1070] =	vst v27  }
0x1ec: {  	[tilespmem:s21+$0x1190] =	vst v3;
	v7 =	vld [tilespmem:s24+$0x0]  }
0x1ed: {  	[tilespmem:s21+$0x11A0] =	vst v15;
	v8 =	vld [tilespmem:s24+$0x10]  }
0x1ee: {  	[tilespmem:s21+$0x11B0] =	vst v16;
	v9 =	vld [tilespmem:s24+$0x20]  }
0x1ef: {  	[tilespmem:s21+$0x11C0] =	vst v17;
	v33 =	vld [tilespmem:s24+$0x30]  }
0x1f0: {  	[tilespmem:s21+$0x11D0] =	vst v18;
	v34 =	vld [tilespmem:s24+$0x40]  }
0x1f1: {  	[tilespmem:s21+$0x11E0] =	vst v19;
	v35 =	vld [tilespmem:s24+$0x50]  }
0x1f2: {  	[tilespmem:s21+$0x11F0] =	vst v20;
	v36 =	vld [tilespmem:s24+$0x60]  }
0x1f3: {  	v37 =	vld [tilespmem:s24+$0x70];
	[tilespmem:s23+$0x1080] =	vst v7  }
0x1f4: {  	[tilespmem:s23+$0x1090] =	vst v8  }
0x1f5: {  	[tilespmem:s23+$0x10A0] =	vst v9  }
0x1f6: {  	s31 =	sadd.s32 $0x3, s20;
	[tilespmem:s23+$0x10B0] =	vst v33  }
0x1f7: {  	s12 =	sshll.u32 s31, $0x4;
	[tilespmem:s23+$0x10C0] =	vst v34  }
0x1f8: {  	s2 =	sand.u32 $0x3FFFFFF0, s12;
	[tilespmem:s23+$0x10D0] =	vst v35  }
0x1f9: {  	v3 =	vld.idx.msk [tilespmem:v0+s2+$0x0 ss:$0x1], $0xffff;
	[tilespmem:s23+$0x10E0] =	vst v36  }
0x1fa: {  	(v2sf) =	vpush v1, $0xE;
	s25 =	spop (v2sf);
	v28 =	vld [tilespmem:s22+$0x0];
	[tilespmem:s23+$0x10F0] =	vst v37  }
0x1fb: {  	v13 =	vld [tilespmem:s25+$0x0]  }
0x1fc: {  	v46 =	vld [tilespmem:s25+$0x10]  }
0x1fd: {  	v47 =	vld [tilespmem:s25+$0x20]  }
0x1fe: {  	v48 =	vld [tilespmem:s25+$0x30]  }
0x1ff: {  	v49 =	vld [tilespmem:s25+$0x40]  }
0x200: {  	v3 =	vshll.u32 v3, $0x9;
	v50 =	vld [tilespmem:s25+$0x50]  }
0x201: {  	(v2sf) =	vpush v1, $0xF;
	v1 =	vshra.s32 v3, $0x2;
	v51 =	vld [tilespmem:s25+$0x60]  }
0x202: {  	(v2sf) =	vpush v1, $0x0;
	v52 =	vld [tilespmem:s25+$0x70];
	[tilespmem:s23+$0x1100] =	vst v13  }
0x203: {  	v29 =	vld [tilespmem:s22+$0x10];
	[tilespmem:s23+$0x1110] =	vst v46  }
0x204: {  	v30 =	vld [tilespmem:s22+$0x20];
	[tilespmem:s23+$0x1120] =	vst v47  }
0x205: {  	v31 =	vld [tilespmem:s22+$0x30];
	[tilespmem:s23+$0x1130] =	vst v48  }
0x206: {  	v32 =	vld [tilespmem:s22+$0x40];
	[tilespmem:s23+$0x1140] =	vst v49  }
0x207: {  	v6 =	vld [tilespmem:s22+$0x50];
	[tilespmem:s23+$0x1150] =	vst v50  }
0x208: {  	v2 =	vld [tilespmem:s22+$0x60];
	[tilespmem:s23+$0x1160] =	vst v51  }
0x209: {  	s26 =	spop (v2sf);
	v3 =	vld [tilespmem:s22+$0x70];
	[tilespmem:s23+$0x1170] =	vst v52  }
0x20a: {  	v13 =	vld [tilespmem:s26+$0x0]  }
0x20b: {  	v60 =	vld [tilespmem:s26+$0x10]  }
0x20c: {  	v61 =	vld [tilespmem:s26+$0x20]  }
0x20d: {  	v62 =	vld [tilespmem:s26+$0x30]  }
0x20e: {  	v63 =	vld [tilespmem:s26+$0x40]  }
0x20f: {  	v16 =	vld [tilespmem:s26+$0x50]  }
0x210: {  	s28 =	spop (v2sf);
	v17 =	vld [tilespmem:s26+$0x60]  }
0x211: {  	(v2sf) =	vpush v1, $0x1;
	v18 =	vld [tilespmem:s26+$0x70];
	s29 =	spop (v2sf)  }
0x212: {  	v38 =	vld [tilespmem:s29+$0x0]  }
0x213: {  	v39 =	vld [tilespmem:s29+$0x10]  }
0x214: {  	v40 =	vld [tilespmem:s29+$0x20]  }
0x215: {  	v41 =	vld [tilespmem:s29+$0x30]  }
0x216: {  	v42 =	vld [tilespmem:s29+$0x40]  }
0x217: {  	s1 =	sshll.u32 s31, $0xB;
	v43 =	vld [tilespmem:s29+$0x50]  }
0x218: {  	s22 =	sand.u32 $0x3FFFF800, s1;
	v44 =	vld [tilespmem:s29+$0x60];
	[tilespmem:s23+$0x1180] =	vst v13  }
0x219: {  	v45 =	vld [tilespmem:s29+$0x70];
	[tilespmem:s22+$0xA80] =	vst v38  }
0x21a: {  	[tilespmem:s22+$0xA90] =	vst v39  }
0x21b: {  	[tilespmem:s22+$0xAA0] =	vst v40  }
0x21c: {  	[tilespmem:s22+$0xAB0] =	vst v41  }
0x21d: {  	[tilespmem:s22+$0xAC0] =	vst v42  }
0x21e: {  	[tilespmem:s22+$0xAD0] =	vst v43  }
0x21f: {  	[tilespmem:s22+$0xAE0] =	vst v44  }
0x220: {  	(v2sf) =	vpush v1, $0x2;
	s30 =	spop (v2sf);
	[tilespmem:s22+$0xAF0] =	vst v45  }
0x221: {  	[tilespmem:s23+$0x1190] =	vst v60;
	v5 =	vld [tilespmem:s30+$0x0]  }
0x222: {  	[tilespmem:s23+$0x11A0] =	vst v61;
	v53 =	vld [tilespmem:s30+$0x10]  }
0x223: {  	[tilespmem:s23+$0x11B0] =	vst v62;
	v54 =	vld [tilespmem:s30+$0x20]  }
0x224: {  	[tilespmem:s23+$0x11C0] =	vst v63;
	v55 =	vld [tilespmem:s30+$0x30]  }
0x225: {  	[tilespmem:s23+$0x11D0] =	vst v16;
	v56 =	vld [tilespmem:s30+$0x40]  }
0x226: {  	[tilespmem:s23+$0x11E0] =	vst v17;
	v57 =	vld [tilespmem:s30+$0x50]  }
0x227: {  	[tilespmem:s23+$0x11F0] =	vst v18;
	v58 =	vld [tilespmem:s30+$0x60]  }
0x228: {  	v59 =	vld [tilespmem:s30+$0x70];
	[tilespmem:s22+$0xB00] =	vst v5  }
0x229: {  	[tilespmem:s22+$0xB10] =	vst v53  }
0x22a: {  	[tilespmem:s22+$0xB20] =	vst v54  }
0x22b: {  	[tilespmem:s22+$0xB30] =	vst v55  }
0x22c: {  	[tilespmem:s22+$0xB40] =	vst v56  }
0x22d: {  	[tilespmem:s22+$0xB50] =	vst v57  }
0x22e: {  	[tilespmem:s22+$0xB60] =	vst v58  }
0x22f: {  	(v2sf) =	vpush v1, $0x3;
	s31 =	spop (v2sf);
	v13 =	vld [tilespmem:s28+$0x0];
	[tilespmem:s22+$0xB70] =	vst v59  }
0x230: {  	v4 =	vld [tilespmem:s31+$0x0]  }
0x231: {  	[tilespmem:s21+$0x1200] =	vst v28;
	v19 =	vld [tilespmem:s31+$0x10]  }
0x232: {  	[tilespmem:s21+$0x1210] =	vst v29;
	v20 =	vld [tilespmem:s31+$0x20]  }
0x233: {  	[tilespmem:s21+$0x1220] =	vst v30;
	v21 =	vld [tilespmem:s31+$0x30]  }
0x234: {  	[tilespmem:s21+$0x1230] =	vst v31;
	v22 =	vld [tilespmem:s31+$0x40]  }
0x235: {  	[tilespmem:s21+$0x1240] =	vst v32;
	v23 =	vld [tilespmem:s31+$0x50]  }
0x236: {  	[tilespmem:s21+$0x1250] =	vst v6;
	v24 =	vld [tilespmem:s31+$0x60]  }
0x237: {  	v25 =	vld [tilespmem:s31+$0x70];
	[tilespmem:s22+$0xB80] =	vst v4  }
0x238: {  	v26 =	vld [tilespmem:s28+$0x10];
	[tilespmem:s22+$0xB90] =	vst v19  }
0x239: {  	v27 =	vld [tilespmem:s28+$0x20];
	[tilespmem:s22+$0xBA0] =	vst v20  }
0x23a: {  	v28 =	vld [tilespmem:s28+$0x30];
	[tilespmem:s22+$0xBB0] =	vst v21  }
0x23b: {  	v29 =	vld [tilespmem:s28+$0x40];
	[tilespmem:s22+$0xBC0] =	vst v22  }
0x23c: {  	v30 =	vld [tilespmem:s28+$0x50];
	[tilespmem:s22+$0xBD0] =	vst v23  }
0x23d: {  	v31 =	vld [tilespmem:s28+$0x60];
	[tilespmem:s22+$0xBE0] =	vst v24  }
0x23e: {  	(v2sf) =	vpush v1, $0x4;
	v32 =	vld [tilespmem:s28+$0x70];
	s1 =	spop (v2sf);
	[tilespmem:s22+$0xBF0] =	vst v25  }
0x23f: {  	[tilespmem:s21+$0x1260] =	vst v2;
	v33 =	vld [tilespmem:s1+$0x0]  }
0x240: {  	[tilespmem:s21+$0x1270] =	vst v3;
	v2 =	vld [tilespmem:s1+$0x10]  }
0x241: {  	[tilespmem:s23+$0x1200] =	vst v13;
	v3 =	vld [tilespmem:s1+$0x20]  }
0x242: {  	[tilespmem:s23+$0x1210] =	vst v26;
	v10 =	vld [tilespmem:s1+$0x30]  }
0x243: {  	[tilespmem:s23+$0x1220] =	vst v27;
	v34 =	vld [tilespmem:s1+$0x40]  }
0x244: {  	[tilespmem:s23+$0x1230] =	vst v28;
	v35 =	vld [tilespmem:s1+$0x50]  }
0x245: {  	[tilespmem:s23+$0x1240] =	vst v29;
	v36 =	vld [tilespmem:s1+$0x60]  }
0x246: {  	v37 =	vld [tilespmem:s1+$0x70];
	[tilespmem:s22+$0xC00] =	vst v33  }
0x247: {  	[tilespmem:s22+$0xC10] =	vst v2  }
0x248: {  	[tilespmem:s22+$0xC20] =	vst v3  }
0x249: {  	[tilespmem:s22+$0xC30] =	vst v10  }
0x24a: {  	[tilespmem:s22+$0xC40] =	vst v34  }
0x24b: {  	[tilespmem:s22+$0xC50] =	vst v35  }
0x24c: {  	[tilespmem:s22+$0xC60] =	vst v36  }
0x24d: {  	s11 =	spop (v2sf);
	[tilespmem:s22+$0xC70] =	vst v37  }
0x24e: {  	[tilespmem:s23+$0x1250] =	vst v30;
	v2 =	vld [tilespmem:s11+$0x0]  }
0x24f: {  	[tilespmem:s23+$0x1260] =	vst v31;
	v3 =	vld [tilespmem:s11+$0x10]  }
0x250: {  	[tilespmem:s23+$0x1270] =	vst v32;
	v4 =	vld [tilespmem:s11+$0x20]  }
0x251: {  	v5 =	vld [tilespmem:s11+$0x30];
	(v2sf) =	vpush v1, $0x5  }
0x252: {  	s21 =	sadd.s32 $0x4, s20;
	(v2sf) =	vpush v1, $0x6  }
0x253: {  	s2 =	sshll.u32 s21, $0x4;
	(v2sf) =	vpush v1, $0x7  }
0x254: {  	s0 =	sand.u32 $0x3FFFFFF0, s2;
	(v2sf) =	vpush v1, $0x8  }
0x255: {  	v38 =	vld.idx.msk [tilespmem:v0+s0+$0x0 ss:$0x1], $0xffff;
	(v2sf) =	vpush v1, $0x9  }
0x256: {  	(v2sf) =	vpush v1, $0xA  }
0x257: {  	(v2sf) =	vpush v1, $0xB  }
0x258: {  	(v2sf) =	vpush v1, $0xC  }
0x259: {  	(v2sf) =	vpush v1, $0xD  }
0x25a: {  	v6 =	vshll.u32 v38, $0x9;
	(v2sf) =	vpush v1, $0xE  }
0x25b: {  	(v2sf) =	vpush v1, $0xF;
	v1 =	vshra.s32 v6, $0x2  }
0x25c: {  	(v2sf) =	vpush v1, $0x0;
	_ =	sdelay $0x3  }
0x25d: {  	s1 =	spop (v2sf)  }
0x25e: {  	s0 =	spop (v2sf)  }
0x25f: {  	s2 =	spop (v2sf)  }
0x260: {  	s31 =	spop (v2sf)  }
0x261: {  	s30 =	spop (v2sf)  }
0x262: {  	s29 =	spop (v2sf)  }
0x263: {  	s28 =	spop (v2sf)  }
0x264: {  	s26 =	spop (v2sf)  }
0x265: {  	s25 =	spop (v2sf)  }
0x266: {  	s24 =	spop (v2sf)  }
0x267: {  	s23 =	spop (v2sf)  }
0x268: {  	(v2sf) =	vpush v1, $0x1;
	s12 =	spop (v2sf)  }
0x269: {  	v39 =	vld [tilespmem:s12+$0x0]  }
0x26a: {  	v40 =	vld [tilespmem:s12+$0x10]  }
0x26b: {  	v41 =	vld [tilespmem:s12+$0x20]  }
0x26c: {  	v42 =	vld [tilespmem:s12+$0x30]  }
0x26d: {  	v43 =	vld [tilespmem:s12+$0x40]  }
0x26e: {  	s21 =	sshll.u32 s21, $0xB;
	v44 =	vld [tilespmem:s12+$0x50]  }
0x26f: {  	s21 =	sand.u32 $0x3FFFF800, s21;
	v45 =	vld [tilespmem:s12+$0x60]  }
0x270: {  	v46 =	vld [tilespmem:s12+$0x70];
	[tilespmem:s21+$0xA80] =	vst v39  }
0x271: {  	[tilespmem:s21+$0xA90] =	vst v40  }
0x272: {  	[tilespmem:s21+$0xAA0] =	vst v41  }
0x273: {  	[tilespmem:s21+$0xAB0] =	vst v42  }
0x274: {  	[tilespmem:s21+$0xAC0] =	vst v43  }
0x275: {  	[tilespmem:s21+$0xAD0] =	vst v44  }
0x276: {  	[tilespmem:s21+$0xAE0] =	vst v45  }
0x277: {  	s12 =	spop (v2sf);
	(v2sf) =	vpush v1, $0x2;
	[tilespmem:s21+$0xAF0] =	vst v46  }
0x278: {  	v6 =	vld [tilespmem:s12+$0x0]  }
0x279: {  	v7 =	vld [tilespmem:s12+$0x10]  }
0x27a: {  	v8 =	vld [tilespmem:s12+$0x20]  }
0x27b: {  	v9 =	vld [tilespmem:s12+$0x30]  }
0x27c: {  	v10 =	vld [tilespmem:s12+$0x40]  }
0x27d: {  	v11 =	vld [tilespmem:s12+$0x50]  }
0x27e: {  	v12 =	vld [tilespmem:s12+$0x60]  }
0x27f: {  	v13 =	vld [tilespmem:s12+$0x70];
	[tilespmem:s21+$0xB00] =	vst v6  }
0x280: {  	[tilespmem:s21+$0xB10] =	vst v7  }
0x281: {  	[tilespmem:s21+$0xB20] =	vst v8  }
0x282: {  	[tilespmem:s21+$0xB30] =	vst v9  }
0x283: {  	[tilespmem:s21+$0xB40] =	vst v10  }
0x284: {  	[tilespmem:s21+$0xB50] =	vst v11  }
0x285: {  	[tilespmem:s21+$0xB60] =	vst v12  }
0x286: {  	[tilespmem:s21+$0xB70] =	vst v13;
	s12 =	spop (v2sf);
	(v2sf) =	vpush v1, $0x3  }
0x287: {  	v6 =	vld [tilespmem:s12+$0x0]  }
0x288: {  	v7 =	vld [tilespmem:s12+$0x10]  }
0x289: {  	v8 =	vld [tilespmem:s12+$0x20]  }
0x28a: {  	v9 =	vld [tilespmem:s12+$0x30]  }
0x28b: {  	v10 =	vld [tilespmem:s12+$0x40]  }
0x28c: {  	v11 =	vld [tilespmem:s12+$0x50]  }
0x28d: {  	v12 =	vld [tilespmem:s12+$0x60]  }
0x28e: {  	v13 =	vld [tilespmem:s12+$0x70];
	[tilespmem:s21+$0xB80] =	vst v6  }
0x28f: {  	[tilespmem:s21+$0xB90] =	vst v7  }
0x290: {  	[tilespmem:s21+$0xBA0] =	vst v8  }
0x291: {  	[tilespmem:s21+$0xBB0] =	vst v9  }
0x292: {  	v47 =	vld [tilespmem:s11+$0x40];
	[tilespmem:s21+$0xBC0] =	vst v10  }
0x293: {  	v48 =	vld [tilespmem:s11+$0x50];
	[tilespmem:s21+$0xBD0] =	vst v11  }
0x294: {  	v49 =	vld [tilespmem:s11+$0x60];
	[tilespmem:s21+$0xBE0] =	vst v12  }
0x295: {  	v50 =	vld [tilespmem:s11+$0x70];
	[tilespmem:s21+$0xBF0] =	vst v13;
	s12 =	spop (v2sf);
	(v2sf) =	vpush v1, $0x4  }
0x296: {  	v6 =	vld [tilespmem:s12+$0x0]  }
0x297: {  	v7 =	vld [tilespmem:s12+$0x10]  }
0x298: {  	v8 =	vld [tilespmem:s12+$0x20]  }
0x299: {  	v9 =	vld [tilespmem:s12+$0x30]  }
0x29a: {  	v10 =	vld [tilespmem:s12+$0x40]  }
0x29b: {  	v11 =	vld [tilespmem:s12+$0x50]  }
0x29c: {  	[tilespmem:s22+$0xC80] =	vst v2;
	v12 =	vld [tilespmem:s12+$0x60]  }
0x29d: {  	v13 =	vld [tilespmem:s12+$0x70];
	[tilespmem:s21+$0xC00] =	vst v6  }
0x29e: {  	[tilespmem:s21+$0xC10] =	vst v7  }
0x29f: {  	[tilespmem:s21+$0xC20] =	vst v8  }
0x2a0: {  	[tilespmem:s21+$0xC30] =	vst v9  }
0x2a1: {  	[tilespmem:s21+$0xC40] =	vst v10  }
0x2a2: {  	[tilespmem:s21+$0xC50] =	vst v11  }
0x2a3: {  	[tilespmem:s21+$0xC60] =	vst v12  }
0x2a4: {  	[tilespmem:s21+$0xC70] =	vst v13;
	s12 =	spop (v2sf)  }
0x2a5: {  	[tilespmem:s22+$0xC90] =	vst v3;
	(v2sf) =	vpush v1, $0x5;
	v2 =	vld [tilespmem:s12+$0x0]  }
0x2a6: {  	[tilespmem:s22+$0xCA0] =	vst v4;
	v3 =	vld [tilespmem:s12+$0x10]  }
0x2a7: {  	[tilespmem:s22+$0xCB0] =	vst v5;
	v51 =	vld [tilespmem:s12+$0x20]  }
0x2a8: {  	[tilespmem:s22+$0xCC0] =	vst v47;
	v52 =	vld [tilespmem:s12+$0x30]  }
0x2a9: {  	[tilespmem:s22+$0xCD0] =	vst v48;
	v53 =	vld [tilespmem:s12+$0x40]  }
0x2aa: {  	[tilespmem:s22+$0xCE0] =	vst v49;
	v54 =	vld [tilespmem:s12+$0x50]  }
0x2ab: {  	[tilespmem:s22+$0xCF0] =	vst v50;
	v55 =	vld [tilespmem:s12+$0x60]  }
0x2ac: {  	v10 =	vld [tilespmem:s12+$0x70];
	[tilespmem:s21+$0xC80] =	vst v2  }
0x2ad: {  	v56 =	vld [tilespmem:s1+$0x30];
	[tilespmem:s21+$0xC90] =	vst v3  }
0x2ae: {  	v57 =	vld [tilespmem:s1+$0x40];
	[tilespmem:s21+$0xCA0] =	vst v51  }
0x2af: {  	v9 =	vld [tilespmem:s1+$0x0];
	[tilespmem:s21+$0xCB0] =	vst v52  }
0x2b0: {  	v58 =	vld [tilespmem:s1+$0x50];
	[tilespmem:s21+$0xCC0] =	vst v53  }
0x2b1: {  	v2 =	vld [tilespmem:s1+$0x10];
	[tilespmem:s21+$0xCD0] =	vst v54  }
0x2b2: {  	v3 =	vld [tilespmem:s1+$0x20];
	[tilespmem:s21+$0xCE0] =	vst v55  }
0x2b3: {  	v59 =	vld [tilespmem:s1+$0x60];
	[tilespmem:s21+$0xCF0] =	vst v10  }
0x2b4: {  	v60 =	vld [tilespmem:s1+$0x70];
	[tilespmem:s22+$0xD00] =	vst v9;
	s12 =	spop (v2sf)  }
0x2b5: {  	[tilespmem:s22+$0xD30] =	vst v56;
	(v2sf) =	vpush v1, $0x6;
	v61 =	vld [tilespmem:s12+$0x0]  }
0x2b6: {  	[tilespmem:s22+$0xD10] =	vst v2;
	v2 =	vld [tilespmem:s12+$0x10]  }
0x2b7: {  	[tilespmem:s22+$0xD20] =	vst v3;
	v3 =	vld [tilespmem:s12+$0x20]  }
0x2b8: {  	[tilespmem:s22+$0xD40] =	vst v57;
	v62 =	vld [tilespmem:s12+$0x30]  }
0x2b9: {  	[tilespmem:s22+$0xD50] =	vst v58;
	v63 =	vld [tilespmem:s12+$0x40]  }
0x2ba: {  	[tilespmem:s22+$0xD60] =	vst v59;
	v12 =	vld [tilespmem:s12+$0x50]  }
0x2bb: {  	[tilespmem:s22+$0xD70] =	vst v60;
	v13 =	vld [tilespmem:s12+$0x60]  }
0x2bc: {  	v10 =	vld [tilespmem:s12+$0x70];
	[tilespmem:s21+$0xD00] =	vst v61  }
0x2bd: {  	v8 =	vld [tilespmem:s0+$0x0];
	[tilespmem:s21+$0xD10] =	vst v2  }
0x2be: {  	v14 =	vld [tilespmem:s0+$0x10];
	[tilespmem:s21+$0xD20] =	vst v3  }
0x2bf: {  	v15 =	vld [tilespmem:s0+$0x40];
	[tilespmem:s21+$0xD30] =	vst v62  }
0x2c0: {  	v16 =	vld [tilespmem:s0+$0x50];
	[tilespmem:s21+$0xD40] =	vst v63  }
0x2c1: {  	v17 =	vld [tilespmem:s0+$0x60];
	[tilespmem:s21+$0xD50] =	vst v12  }
0x2c2: {  	v2 =	vld [tilespmem:s0+$0x20];
	[tilespmem:s21+$0xD60] =	vst v13  }
0x2c3: {  	v3 =	vld [tilespmem:s0+$0x30];
	[tilespmem:s21+$0xD70] =	vst v10  }
0x2c4: {  	v18 =	vld [tilespmem:s0+$0x70];
	[tilespmem:s22+$0xD80] =	vst v8;
	s11 =	spop (v2sf)  }
0x2c5: {  	[tilespmem:s22+$0xD90] =	vst v14;
	(v2sf) =	vpush v1, $0x7;
	v19 =	vld [tilespmem:s11+$0x0]  }
0x2c6: {  	[tilespmem:s22+$0xDC0] =	vst v15;
	v20 =	vld [tilespmem:s11+$0x10]  }
0x2c7: {  	[tilespmem:s22+$0xDA0] =	vst v2;
	v2 =	vld [tilespmem:s11+$0x20]  }
0x2c8: {  	[tilespmem:s22+$0xDB0] =	vst v3;
	v3 =	vld [tilespmem:s11+$0x30]  }
0x2c9: {  	[tilespmem:s22+$0xDD0] =	vst v16;
	v21 =	vld [tilespmem:s11+$0x40]  }
0x2ca: {  	[tilespmem:s22+$0xDE0] =	vst v17;
	v22 =	vld [tilespmem:s11+$0x50]  }
0x2cb: {  	[tilespmem:s22+$0xDF0] =	vst v18;
	v23 =	vld [tilespmem:s11+$0x60]  }
0x2cc: {  	v10 =	vld [tilespmem:s11+$0x70];
	[tilespmem:s21+$0xD80] =	vst v19  }
0x2cd: {  	v7 =	vld [tilespmem:s2+$0x0];
	[tilespmem:s21+$0xD90] =	vst v20  }
0x2ce: {  	v24 =	vld [tilespmem:s2+$0x10];
	[tilespmem:s21+$0xDA0] =	vst v2  }
0x2cf: {  	v25 =	vld [tilespmem:s2+$0x20];
	[tilespmem:s21+$0xDB0] =	vst v3  }
0x2d0: {  	v26 =	vld [tilespmem:s2+$0x50];
	[tilespmem:s21+$0xDC0] =	vst v21  }
0x2d1: {  	v27 =	vld [tilespmem:s2+$0x60];
	[tilespmem:s21+$0xDD0] =	vst v22  }
0x2d2: {  	v28 =	vld [tilespmem:s2+$0x70];
	[tilespmem:s21+$0xDE0] =	vst v23  }
0x2d3: {  	v2 =	vld [tilespmem:s2+$0x30];
	[tilespmem:s21+$0xDF0] =	vst v10  }
0x2d4: {  	v3 =	vld [tilespmem:s2+$0x40];
	[tilespmem:s22+$0xE00] =	vst v7;
	s12 =	spop (v2sf)  }
0x2d5: {  	[tilespmem:s22+$0xE10] =	vst v24;
	(v2sf) =	vpush v1, $0x8;
	v29 =	vld [tilespmem:s12+$0x0]  }
0x2d6: {  	[tilespmem:s22+$0xE20] =	vst v25;
	v30 =	vld [tilespmem:s12+$0x10]  }
0x2d7: {  	[tilespmem:s22+$0xE50] =	vst v26;
	v31 =	vld [tilespmem:s12+$0x20]  }
0x2d8: {  	[tilespmem:s22+$0xE30] =	vst v2;
	v2 =	vld [tilespmem:s12+$0x30]  }
0x2d9: {  	[tilespmem:s22+$0xE40] =	vst v3;
	v3 =	vld [tilespmem:s12+$0x40]  }
0x2da: {  	[tilespmem:s22+$0xE60] =	vst v27;
	v32 =	vld [tilespmem:s12+$0x50]  }
0x2db: {  	[tilespmem:s22+$0xE70] =	vst v28;
	v33 =	vld [tilespmem:s12+$0x60]  }
0x2dc: {  	v10 =	vld [tilespmem:s12+$0x70];
	[tilespmem:s21+$0xE00] =	vst v29  }
0x2dd: {  	v6 =	vld [tilespmem:s31+$0x0];
	[tilespmem:s21+$0xE10] =	vst v30  }
0x2de: {  	v34 =	vld [tilespmem:s31+$0x10];
	[tilespmem:s21+$0xE20] =	vst v31  }
0x2df: {  	v35 =	vld [tilespmem:s31+$0x20];
	[tilespmem:s21+$0xE30] =	vst v2  }
0x2e0: {  	v36 =	vld [tilespmem:s31+$0x30];
	[tilespmem:s21+$0xE40] =	vst v3  }
0x2e1: {  	v37 =	vld [tilespmem:s31+$0x60];
	[tilespmem:s21+$0xE50] =	vst v32  }
0x2e2: {  	v38 =	vld [tilespmem:s31+$0x70];
	[tilespmem:s21+$0xE60] =	vst v33  }
0x2e3: {  	v2 =	vld [tilespmem:s31+$0x40];
	[tilespmem:s21+$0xE70] =	vst v10  }
0x2e4: {  	v3 =	vld [tilespmem:s31+$0x50];
	[tilespmem:s22+$0xE80] =	vst v6;
	s1 =	spop (v2sf)  }
0x2e5: {  	[tilespmem:s22+$0xE90] =	vst v34;
	(v2sf) =	vpush v1, $0x9;
	v39 =	vld [tilespmem:s1+$0x0]  }
0x2e6: {  	[tilespmem:s22+$0xEA0] =	vst v35;
	v40 =	vld [tilespmem:s1+$0x10]  }
0x2e7: {  	[tilespmem:s22+$0xEB0] =	vst v36;
	v41 =	vld [tilespmem:s1+$0x20]  }
0x2e8: {  	[tilespmem:s22+$0xEE0] =	vst v37;
	v42 =	vld [tilespmem:s1+$0x30]  }
0x2e9: {  	[tilespmem:s22+$0xEC0] =	vst v2;
	v2 =	vld [tilespmem:s1+$0x40]  }
0x2ea: {  	[tilespmem:s22+$0xED0] =	vst v3;
	v3 =	vld [tilespmem:s1+$0x50]  }
0x2eb: {  	[tilespmem:s22+$0xEF0] =	vst v38;
	v43 =	vld [tilespmem:s1+$0x60]  }
0x2ec: {  	v10 =	vld [tilespmem:s1+$0x70];
	[tilespmem:s21+$0xE80] =	vst v39  }
0x2ed: {  	v5 =	vld [tilespmem:s30+$0x0];
	[tilespmem:s21+$0xE90] =	vst v40  }
0x2ee: {  	v44 =	vld [tilespmem:s30+$0x10];
	[tilespmem:s21+$0xEA0] =	vst v41  }
0x2ef: {  	v45 =	vld [tilespmem:s30+$0x20];
	[tilespmem:s21+$0xEB0] =	vst v42  }
0x2f0: {  	v46 =	vld [tilespmem:s30+$0x30];
	[tilespmem:s21+$0xEC0] =	vst v2  }
0x2f1: {  	v47 =	vld [tilespmem:s30+$0x40];
	[tilespmem:s21+$0xED0] =	vst v3  }
0x2f2: {  	v48 =	vld [tilespmem:s30+$0x70];
	[tilespmem:s21+$0xEE0] =	vst v43  }
0x2f3: {  	v2 =	vld [tilespmem:s30+$0x50];
	[tilespmem:s21+$0xEF0] =	vst v10  }
0x2f4: {  	v3 =	vld [tilespmem:s30+$0x60];
	[tilespmem:s22+$0xF00] =	vst v5;
	s2 =	spop (v2sf)  }
0x2f5: {  	[tilespmem:s22+$0xF10] =	vst v44;
	(v2sf) =	vpush v1, $0xA;
	v49 =	vld [tilespmem:s2+$0x0]  }
0x2f6: {  	[tilespmem:s22+$0xF20] =	vst v45;
	v50 =	vld [tilespmem:s2+$0x10]  }
0x2f7: {  	[tilespmem:s22+$0xF30] =	vst v46;
	v51 =	vld [tilespmem:s2+$0x20]  }
0x2f8: {  	[tilespmem:s22+$0xF40] =	vst v47;
	v52 =	vld [tilespmem:s2+$0x30]  }
0x2f9: {  	[tilespmem:s22+$0xF70] =	vst v48;
	v53 =	vld [tilespmem:s2+$0x40]  }
0x2fa: {  	[tilespmem:s22+$0xF50] =	vst v2;
	v2 =	vld [tilespmem:s2+$0x50]  }
0x2fb: {  	[tilespmem:s22+$0xF60] =	vst v3;
	v3 =	vld [tilespmem:s2+$0x60]  }
0x2fc: {  	v10 =	vld [tilespmem:s2+$0x70];
	[tilespmem:s21+$0xF00] =	vst v49  }
0x2fd: {  	v4 =	vld [tilespmem:s29+$0x0];
	[tilespmem:s21+$0xF10] =	vst v50  }
0x2fe: {  	v54 =	vld [tilespmem:s29+$0x10];
	[tilespmem:s21+$0xF20] =	vst v51  }
0x2ff: {  	v55 =	vld [tilespmem:s29+$0x20];
	[tilespmem:s21+$0xF30] =	vst v52  }
0x300: {  	v56 =	vld [tilespmem:s29+$0x30];
	[tilespmem:s21+$0xF40] =	vst v53  }
0x301: {  	v57 =	vld [tilespmem:s29+$0x40];
	[tilespmem:s21+$0xF50] =	vst v2  }
0x302: {  	v58 =	vld [tilespmem:s29+$0x50];
	[tilespmem:s21+$0xF60] =	vst v3  }
0x303: {  	v2 =	vld [tilespmem:s29+$0x60];
	[tilespmem:s21+$0xF70] =	vst v10  }
0x304: {  	v3 =	vld [tilespmem:s29+$0x70];
	[tilespmem:s22+$0xF80] =	vst v4;
	s11 =	spop (v2sf)  }
0x305: {  	[tilespmem:s22+$0xF90] =	vst v54;
	(v2sf) =	vpush v1, $0xB;
	v59 =	vld [tilespmem:s11+$0x0]  }
0x306: {  	[tilespmem:s22+$0xFA0] =	vst v55;
	v60 =	vld [tilespmem:s11+$0x10]  }
0x307: {  	[tilespmem:s22+$0xFB0] =	vst v56;
	v61 =	vld [tilespmem:s11+$0x20]  }
0x308: {  	[tilespmem:s22+$0xFC0] =	vst v57;
	v62 =	vld [tilespmem:s11+$0x30]  }
0x309: {  	[tilespmem:s22+$0xFD0] =	vst v58;
	v63 =	vld [tilespmem:s11+$0x40]  }
0x30a: {  	[tilespmem:s22+$0xFE0] =	vst v2;
	v12 =	vld [tilespmem:s11+$0x50]  }
0x30b: {  	[tilespmem:s22+$0xFF0] =	vst v3;
	v2 =	vld [tilespmem:s11+$0x60]  }
0x30c: {  	v10 =	vld [tilespmem:s11+$0x70];
	[tilespmem:s21+$0xF80] =	vst v59  }
0x30d: {  	v3 =	vld [tilespmem:s28+$0x0];
	[tilespmem:s21+$0xF90] =	vst v60  }
0x30e: {  	v13 =	vld [tilespmem:s28+$0x10];
	[tilespmem:s21+$0xFA0] =	vst v61  }
0x30f: {  	v14 =	vld [tilespmem:s28+$0x20];
	[tilespmem:s21+$0xFB0] =	vst v62  }
0x310: {  	v15 =	vld [tilespmem:s28+$0x30];
	[tilespmem:s21+$0xFC0] =	vst v63  }
0x311: {  	v16 =	vld [tilespmem:s28+$0x40];
	[tilespmem:s21+$0xFD0] =	vst v12  }
0x312: {  	v17 =	vld [tilespmem:s28+$0x50];
	[tilespmem:s21+$0xFE0] =	vst v2  }
0x313: {  	v18 =	vld [tilespmem:s28+$0x60];
	[tilespmem:s21+$0xFF0] =	vst v10  }
0x314: {  	v2 =	vld [tilespmem:s28+$0x70];
	[tilespmem:s22+$0x1000] =	vst v3;
	s12 =	spop (v2sf)  }
0x315: {  	[tilespmem:s22+$0x1010] =	vst v13;
	(v2sf) =	vpush v1, $0xC;
	v3 =	vld [tilespmem:s12+$0x0]  }
0x316: {  	[tilespmem:s22+$0x1020] =	vst v14;
	v19 =	vld [tilespmem:s12+$0x10]  }
0x317: {  	[tilespmem:s22+$0x1030] =	vst v15;
	v20 =	vld [tilespmem:s12+$0x20]  }
0x318: {  	[tilespmem:s22+$0x1040] =	vst v16;
	v21 =	vld [tilespmem:s12+$0x30]  }
0x319: {  	[tilespmem:s22+$0x1050] =	vst v17;
	v22 =	vld [tilespmem:s12+$0x40]  }
0x31a: {  	[tilespmem:s22+$0x1060] =	vst v18;
	v23 =	vld [tilespmem:s12+$0x50]  }
0x31b: {  	[tilespmem:s22+$0x1070] =	vst v2;
	v24 =	vld [tilespmem:s12+$0x60]  }
0x31c: {  	v10 =	vld [tilespmem:s12+$0x70];
	[tilespmem:s21+$0x1000] =	vst v3  }
0x31d: {  	v2 =	vld [tilespmem:s26+$0x0];
	[tilespmem:s21+$0x1010] =	vst v19  }
0x31e: {  	v25 =	vld [tilespmem:s26+$0x20];
	[tilespmem:s21+$0x1020] =	vst v20  }
0x31f: {  	v26 =	vld [tilespmem:s26+$0x30];
	[tilespmem:s21+$0x1030] =	vst v21  }
0x320: {  	v27 =	vld [tilespmem:s26+$0x40];
	[tilespmem:s21+$0x1040] =	vst v22  }
0x321: {  	v3 =	vld [tilespmem:s26+$0x10];
	[tilespmem:s21+$0x1050] =	vst v23  }
0x322: {  	v28 =	vld [tilespmem:s26+$0x50];
	[tilespmem:s21+$0x1060] =	vst v24  }
0x323: {  	v29 =	vld [tilespmem:s26+$0x60];
	[tilespmem:s21+$0x1070] =	vst v10  }
0x324: {  	v30 =	vld [tilespmem:s26+$0x70];
	[tilespmem:s22+$0x1080] =	vst v2;
	s26 =	spop (v2sf)  }
0x325: {  	[tilespmem:s22+$0x10A0] =	vst v25;
	(v2sf) =	vpush v1, $0xD;
	v2 =	vld [tilespmem:s26+$0x0]  }
0x326: {  	[tilespmem:s22+$0x1090] =	vst v3;
	v3 =	vld [tilespmem:s26+$0x10]  }
0x327: {  	[tilespmem:s22+$0x10B0] =	vst v26;
	v31 =	vld [tilespmem:s26+$0x20]  }
0x328: {  	[tilespmem:s22+$0x10C0] =	vst v27;
	v32 =	vld [tilespmem:s26+$0x30]  }
0x329: {  	[tilespmem:s22+$0x10D0] =	vst v28;
	v33 =	vld [tilespmem:s26+$0x40]  }
0x32a: {  	[tilespmem:s22+$0x10E0] =	vst v29;
	v34 =	vld [tilespmem:s26+$0x50]  }
0x32b: {  	[tilespmem:s22+$0x10F0] =	vst v30;
	v35 =	vld [tilespmem:s26+$0x60]  }
0x32c: {  	v10 =	vld [tilespmem:s26+$0x70];
	[tilespmem:s21+$0x1080] =	vst v2  }
0x32d: {  	v9 =	vld [tilespmem:s25+$0x0];
	[tilespmem:s21+$0x1090] =	vst v3  }
0x32e: {  	v36 =	vld [tilespmem:s25+$0x30];
	[tilespmem:s21+$0x10A0] =	vst v31  }
0x32f: {  	v37 =	vld [tilespmem:s25+$0x40];
	[tilespmem:s21+$0x10B0] =	vst v32  }
0x330: {  	v38 =	vld [tilespmem:s25+$0x50];
	[tilespmem:s21+$0x10C0] =	vst v33  }
0x331: {  	v2 =	vld [tilespmem:s25+$0x10];
	[tilespmem:s21+$0x10D0] =	vst v34  }
0x332: {  	v3 =	vld [tilespmem:s25+$0x20];
	[tilespmem:s21+$0x10E0] =	vst v35  }
0x333: {  	v39 =	vld [tilespmem:s25+$0x60];
	[tilespmem:s21+$0x10F0] =	vst v10  }
0x334: {  	v40 =	vld [tilespmem:s25+$0x70];
	[tilespmem:s22+$0x1100] =	vst v9;
	s28 =	spop (v2sf)  }
0x335: {  	[tilespmem:s22+$0x1130] =	vst v36;
	(v2sf) =	vpush v1, $0xE;
	v41 =	vld [tilespmem:s28+$0x0]  }
0x336: {  	[tilespmem:s22+$0x1110] =	vst v2;
	v2 =	vld [tilespmem:s28+$0x10]  }
0x337: {  	[tilespmem:s22+$0x1120] =	vst v3;
	v3 =	vld [tilespmem:s28+$0x20]  }
0x338: {  	[tilespmem:s22+$0x1140] =	vst v37;
	v42 =	vld [tilespmem:s28+$0x30]  }
0x339: {  	[tilespmem:s22+$0x1150] =	vst v38;
	v43 =	vld [tilespmem:s28+$0x40]  }
0x33a: {  	[tilespmem:s22+$0x1160] =	vst v39;
	v44 =	vld [tilespmem:s28+$0x50]  }
0x33b: {  	[tilespmem:s22+$0x1170] =	vst v40;
	v45 =	vld [tilespmem:s28+$0x60]  }
0x33c: {  	v10 =	vld [tilespmem:s28+$0x70];
	[tilespmem:s21+$0x1100] =	vst v41  }
0x33d: {  	v8 =	vld [tilespmem:s24+$0x0];
	[tilespmem:s21+$0x1110] =	vst v2  }
0x33e: {  	v46 =	vld [tilespmem:s24+$0x30];
	[tilespmem:s21+$0x1120] =	vst v3  }
0x33f: {  	v47 =	vld [tilespmem:s24+$0x40];
	[tilespmem:s21+$0x1130] =	vst v42  }
0x340: {  	v48 =	vld [tilespmem:s24+$0x50];
	[tilespmem:s21+$0x1140] =	vst v43  }
0x341: {  	v49 =	vld [tilespmem:s24+$0x60];
	[tilespmem:s21+$0x1150] =	vst v44  }
0x342: {  	v2 =	vld [tilespmem:s24+$0x10];
	[tilespmem:s21+$0x1160] =	vst v45  }
0x343: {  	v3 =	vld [tilespmem:s24+$0x20];
	[tilespmem:s21+$0x1170] =	vst v10  }
0x344: {  	v50 =	vld [tilespmem:s24+$0x70];
	[tilespmem:s22+$0x1180] =	vst v8;
	s29 =	spop (v2sf)  }
0x345: {  	[tilespmem:s22+$0x11B0] =	vst v46;
	(v2sf) =	vpush v1, $0xF;
	v51 =	vld [tilespmem:s29+$0x0]  }
0x346: {  	[tilespmem:s22+$0x11C0] =	vst v47;
	v1 =	vld [tilespmem:s29+$0x10]  }
0x347: {  	[tilespmem:s22+$0x1190] =	vst v2;
	v2 =	vld [tilespmem:s29+$0x20]  }
0x348: {  	[tilespmem:s22+$0x11A0] =	vst v3;
	v3 =	vld [tilespmem:s29+$0x30]  }
0x349: {  	[tilespmem:s22+$0x11D0] =	vst v48;
	v52 =	vld [tilespmem:s29+$0x40]  }
0x34a: {  	[tilespmem:s22+$0x11E0] =	vst v49;
	v53 =	vld [tilespmem:s29+$0x50]  }
0x34b: {  	[tilespmem:s22+$0x11F0] =	vst v50;
	v54 =	vld [tilespmem:s29+$0x60]  }
0x34c: {  	v55 =	vld [tilespmem:s29+$0x70];
	[tilespmem:s21+$0x1180] =	vst v51  }
0x34d: {  	v9 =	vld [tilespmem:s23+$0x0];
	[tilespmem:s21+$0x1190] =	vst v1  }
0x34e: {  	v56 =	vld [tilespmem:s23+$0x10];
	[tilespmem:s21+$0x11A0] =	vst v2  }
0x34f: {  	v57 =	vld [tilespmem:s23+$0x50];
	[tilespmem:s21+$0x11B0] =	vst v3  }
0x350: {  	v58 =	vld [tilespmem:s23+$0x60];
	[tilespmem:s21+$0x11C0] =	vst v52  }
0x351: {  	v59 =	vld [tilespmem:s23+$0x70];
	[tilespmem:s21+$0x11D0] =	vst v53  }
0x352: {  	v1 =	vld [tilespmem:s23+$0x20];
	[tilespmem:s21+$0x11E0] =	vst v54  }
0x353: {  	v2 =	vld [tilespmem:s23+$0x30];
	[tilespmem:s21+$0x11F0] =	vst v55  }
0x354: {  	v3 =	vld [tilespmem:s23+$0x40];
	[tilespmem:s22+$0x1200] =	vst v9;
	s30 =	spop (v2sf)  }
0x355: {  	[tilespmem:s22+$0x1210] =	vst v56;
	v7 =	vld [tilespmem:s30+$0x0]  }
0x356: {  	[tilespmem:s22+$0x1250] =	vst v57;
	v60 =	vld [tilespmem:s30+$0x10]  }
0x357: {  	[tilespmem:s22+$0x1220] =	vst v1;
	v1 =	vld [tilespmem:s30+$0x20]  }
0x358: {  	[tilespmem:s22+$0x1230] =	vst v2;
	v2 =	vld [tilespmem:s30+$0x30]  }
0x359: {  	[tilespmem:s22+$0x1240] =	vst v3;
	v3 =	vld [tilespmem:s30+$0x40]  }
0x35a: {  	[tilespmem:s22+$0x1260] =	vst v58;
	v61 =	vld [tilespmem:s30+$0x50]  }
0x35b: {  	[tilespmem:s22+$0x1270] =	vst v59;
	v62 =	vld [tilespmem:s30+$0x60]  }
0x35c: {  	v63 =	vld [tilespmem:s30+$0x70];
	[tilespmem:s21+$0x1200] =	vst v7  }
0x35d: {  	[tilespmem:s21+$0x1210] =	vst v60  }
0x35e: {  	p1 =	slt.u32 s20, $0x14;
	[tilespmem:s21+$0x1220] =	vst v1  }
.Ltmp0:
0x35f: {  	[tilespmem:s21+$0x1230] =	vst v2;
	(pc) =	sbr.rel @p1 .LBB2_3-.Ltmp0, $4  }
0x360: {  	[tilespmem:s21+$0x1240] =	vst v3  }
0x361: {  	[tilespmem:s21+$0x1250] =	vst v61  }
0x362: {  	s31 =	sadd.s32 $0x5, s20;
	[tilespmem:s21+$0x1260] =	vst v62  }
0x363: {  	s20 =	smov.u32 s31;
	[tilespmem:s21+$0x1270] =	vst v63  }
0x364: {  	s0 =	sadd.s32 s5, s19  }
0x365: {  	s0 =	smul.u32 $0x1900, s0  }
0x366: {  	s31 =	sor.u32 $0x1, s19  }
0x367: {  	s19 =	smin.u32 s31, s6;
	s0 =	sadd.s32 s3, s0  }
0x368: {  	[hbm4b:s0+s4] =	stream.linear.scatter [tilespmem:s13], [sflag:$0x1], $0xC800, $0x38;
	[tilespmem:$0x1A700] =	vst v63  }
0x369: {  	s0 =	smul.u32 $0x640, s19;
	_ =	sdelay $0x1  }
0x36a: {  	s0 =	sshrl.u32 s0, $0x2  }
0x36b: {  	s1 =	simm.s32 @!p0 $0x2;
	s0 =	sadd.s32 $0x19A80, s0  }
0x36c: {  	_ =	swait.ge @!p0 [sflag:s1], $0xC800;
	v0 =	vmov s0  }
0x36d: {  	[sflag:s1] =	ssyncset.done @!p0 $0x0  }
0x36e: {  	s20 =	simm.s32 $0x0;
	[sflag:s1] =	ssyncadd.s32 @!p0 $0xFFFF3800  }
.LBB2_5:
0x36f: {  	s0 =	sshll.u32 s20, $0x4  }
0x370: {  	s0 =	sand.u32 $0x3FFFFFF0, s0  }
0x371: {  	v1 =	vld.idx.msk [tilespmem:v0+s0+$0x0 ss:$0x1], $0xffff;
	_ =	sdelay $0x4  }
0x372: {  	v1 =	vshll.u32 v1, $0x9  }
0x373: {  	v1 =	vshra.s32 v1, $0x2  }
0x374: {  	(v2sf) =	vpush v1, $0x0;
	_ =	sdelay $0xe  }
0x375: {  	s22 =	spop (v2sf)  }
0x376: {  	(v2sf) =	vpush v1, $0x1;
	v2 =	vld [tilespmem:s22+$0x0]  }
0x377: {  	v3 =	vld [tilespmem:s22+$0x10]  }
0x378: {  	v4 =	vld [tilespmem:s22+$0x20]  }
0x379: {  	v5 =	vld [tilespmem:s22+$0x30]  }
0x37a: {  	v6 =	vld [tilespmem:s22+$0x40]  }
0x37b: {  	v7 =	vld [tilespmem:s22+$0x50]  }
0x37c: {  	s1 =	sshll.u32 s20, $0xB;
	v8 =	vld [tilespmem:s22+$0x60]  }
0x37d: {  	v9 =	vld [tilespmem:s22+$0x70];
	s22 =	sand.u32 $0x3FFFF800, s1  }
0x37e: {  	[tilespmem:s22+$0xD280] =	vst v2  }
0x37f: {  	[tilespmem:s22+$0xD290] =	vst v3  }
0x380: {  	[tilespmem:s22+$0xD2A0] =	vst v4  }
0x381: {  	[tilespmem:s22+$0xD2B0] =	vst v5  }
0x382: {  	[tilespmem:s22+$0xD2C0] =	vst v6  }
0x383: {  	[tilespmem:s22+$0xD2D0] =	vst v7  }
0x384: {  	[tilespmem:s22+$0xD2E0] =	vst v8  }
0x385: {  	(v2sf) =	vpush v1, $0x2;
	s23 =	spop (v2sf);
	[tilespmem:s22+$0xD2F0] =	vst v9  }
0x386: {  	v2 =	vld [tilespmem:s23+$0x0]  }
0x387: {  	v3 =	vld [tilespmem:s23+$0x10]  }
0x388: {  	v4 =	vld [tilespmem:s23+$0x20]  }
0x389: {  	v5 =	vld [tilespmem:s23+$0x30]  }
0x38a: {  	v6 =	vld [tilespmem:s23+$0x40]  }
0x38b: {  	v7 =	vld [tilespmem:s23+$0x50]  }
0x38c: {  	v8 =	vld [tilespmem:s23+$0x60]  }
0x38d: {  	v9 =	vld [tilespmem:s23+$0x70];
	[tilespmem:s22+$0xD300] =	vst v2  }
0x38e: {  	[tilespmem:s22+$0xD310] =	vst v3  }
0x38f: {  	[tilespmem:s22+$0xD320] =	vst v4  }
0x390: {  	[tilespmem:s22+$0xD330] =	vst v5  }
0x391: {  	[tilespmem:s22+$0xD340] =	vst v6  }
0x392: {  	[tilespmem:s22+$0xD350] =	vst v7  }
0x393: {  	[tilespmem:s22+$0xD360] =	vst v8  }
0x394: {  	(v2sf) =	vpush v1, $0x3;
	s24 =	spop (v2sf);
	[tilespmem:s22+$0xD370] =	vst v9  }
0x395: {  	v2 =	vld [tilespmem:s24+$0x0]  }
0x396: {  	v3 =	vld [tilespmem:s24+$0x10]  }
0x397: {  	v4 =	vld [tilespmem:s24+$0x20]  }
0x398: {  	v5 =	vld [tilespmem:s24+$0x30]  }
0x399: {  	v6 =	vld [tilespmem:s24+$0x40]  }
0x39a: {  	v7 =	vld [tilespmem:s24+$0x50]  }
0x39b: {  	v8 =	vld [tilespmem:s24+$0x60]  }
0x39c: {  	v9 =	vld [tilespmem:s24+$0x70];
	[tilespmem:s22+$0xD380] =	vst v2  }
0x39d: {  	[tilespmem:s22+$0xD390] =	vst v3  }
0x39e: {  	[tilespmem:s22+$0xD3A0] =	vst v4  }
0x39f: {  	[tilespmem:s22+$0xD3B0] =	vst v5  }
0x3a0: {  	[tilespmem:s22+$0xD3C0] =	vst v6  }
0x3a1: {  	[tilespmem:s22+$0xD3D0] =	vst v7  }
0x3a2: {  	[tilespmem:s22+$0xD3E0] =	vst v8  }
0x3a3: {  	(v2sf) =	vpush v1, $0x4;
	s25 =	spop (v2sf);
	[tilespmem:s22+$0xD3F0] =	vst v9  }
0x3a4: {  	v2 =	vld [tilespmem:s25+$0x0]  }
0x3a5: {  	v3 =	vld [tilespmem:s25+$0x10]  }
0x3a6: {  	v4 =	vld [tilespmem:s25+$0x20]  }
0x3a7: {  	v5 =	vld [tilespmem:s25+$0x30]  }
0x3a8: {  	v6 =	vld [tilespmem:s25+$0x40]  }
0x3a9: {  	v7 =	vld [tilespmem:s25+$0x50]  }
0x3aa: {  	v8 =	vld [tilespmem:s25+$0x60]  }
0x3ab: {  	v9 =	vld [tilespmem:s25+$0x70];
	[tilespmem:s22+$0xD400] =	vst v2  }
0x3ac: {  	[tilespmem:s22+$0xD410] =	vst v3  }
0x3ad: {  	[tilespmem:s22+$0xD420] =	vst v4  }
0x3ae: {  	[tilespmem:s22+$0xD430] =	vst v5  }
0x3af: {  	[tilespmem:s22+$0xD440] =	vst v6  }
0x3b0: {  	[tilespmem:s22+$0xD450] =	vst v7  }
0x3b1: {  	[tilespmem:s22+$0xD460] =	vst v8  }
0x3b2: {  	(v2sf) =	vpush v1, $0x5;
	s26 =	spop (v2sf);
	[tilespmem:s22+$0xD470] =	vst v9  }
0x3b3: {  	v2 =	vld [tilespmem:s26+$0x0]  }
0x3b4: {  	v3 =	vld [tilespmem:s26+$0x10]  }
0x3b5: {  	v4 =	vld [tilespmem:s26+$0x20]  }
0x3b6: {  	v5 =	vld [tilespmem:s26+$0x30]  }
0x3b7: {  	v6 =	vld [tilespmem:s26+$0x40]  }
0x3b8: {  	v7 =	vld [tilespmem:s26+$0x50]  }
0x3b9: {  	v8 =	vld [tilespmem:s26+$0x60]  }
0x3ba: {  	v9 =	vld [tilespmem:s26+$0x70];
	[tilespmem:s22+$0xD480] =	vst v2  }
0x3bb: {  	[tilespmem:s22+$0xD490] =	vst v3  }
0x3bc: {  	[tilespmem:s22+$0xD4A0] =	vst v4  }
0x3bd: {  	[tilespmem:s22+$0xD4B0] =	vst v5  }
0x3be: {  	[tilespmem:s22+$0xD4C0] =	vst v6  }
0x3bf: {  	[tilespmem:s22+$0xD4D0] =	vst v7  }
0x3c0: {  	[tilespmem:s22+$0xD4E0] =	vst v8  }
0x3c1: {  	(v2sf) =	vpush v1, $0x6;
	s28 =	spop (v2sf);
	[tilespmem:s22+$0xD4F0] =	vst v9  }
0x3c2: {  	v2 =	vld [tilespmem:s28+$0x0]  }
0x3c3: {  	v3 =	vld [tilespmem:s28+$0x10]  }
0x3c4: {  	v4 =	vld [tilespmem:s28+$0x20]  }
0x3c5: {  	v5 =	vld [tilespmem:s28+$0x30]  }
0x3c6: {  	v6 =	vld [tilespmem:s28+$0x40]  }
0x3c7: {  	v7 =	vld [tilespmem:s28+$0x50]  }
0x3c8: {  	v8 =	vld [tilespmem:s28+$0x60]  }
0x3c9: {  	v9 =	vld [tilespmem:s28+$0x70];
	[tilespmem:s22+$0xD500] =	vst v2  }
0x3ca: {  	[tilespmem:s22+$0xD510] =	vst v3  }
0x3cb: {  	[tilespmem:s22+$0xD520] =	vst v4  }
0x3cc: {  	[tilespmem:s22+$0xD530] =	vst v5  }
0x3cd: {  	s21 =	sadd.s32 $0x1, s20;
	[tilespmem:s22+$0xD540] =	vst v6  }
0x3ce: {  	s30 =	sshll.u32 s21, $0x4;
	[tilespmem:s22+$0xD550] =	vst v7  }
0x3cf: {  	(v2sf) =	vpush v1, $0x7;
	s1 =	sand.u32 $0x3FFFFFF0, s30;
	[tilespmem:s22+$0xD560] =	vst v8  }
0x3d0: {  	(v2sf) =	vpush v1, $0x8;
	v19 =	vld.idx.msk [tilespmem:v0+s1+$0x0 ss:$0x1], $0xffff;
	s29 =	spop (v2sf);
	[tilespmem:s22+$0xD570] =	vst v9  }
0x3d1: {  	(v2sf) =	vpush v1, $0x9;
	v2 =	vld [tilespmem:s29+$0x0]  }
0x3d2: {  	(v2sf) =	vpush v1, $0xA;
	v3 =	vld [tilespmem:s29+$0x10]  }
0x3d3: {  	(v2sf) =	vpush v1, $0xB;
	v5 =	vld [tilespmem:s29+$0x20]  }
0x3d4: {  	(v2sf) =	vpush v1, $0xC;
	v6 =	vld [tilespmem:s29+$0x30]  }
0x3d5: {  	(v2sf) =	vpush v1, $0xD;
	v7 =	vld [tilespmem:s29+$0x40]  }
0x3d6: {  	(v2sf) =	vpush v1, $0xE;
	v4 =	vshll.u32 v19, $0x9;
	v8 =	vld [tilespmem:s29+$0x50]  }
0x3d7: {  	(v2sf) =	vpush v1, $0xF;
	v9 =	vld [tilespmem:s29+$0x60];
	v1 =	vshra.s32 v4, $0x2  }
0x3d8: {  	v10 =	vld [tilespmem:s29+$0x70];
	(v2sf) =	vpush v1, $0x0;
	[tilespmem:s22+$0xD580] =	vst v2  }
0x3d9: {  	[tilespmem:s22+$0xD590] =	vst v3  }
0x3da: {  	[tilespmem:s22+$0xD5A0] =	vst v5  }
0x3db: {  	[tilespmem:s22+$0xD5B0] =	vst v6  }
0x3dc: {  	[tilespmem:s22+$0xD5C0] =	vst v7  }
0x3dd: {  	[tilespmem:s22+$0xD5D0] =	vst v8  }
0x3de: {  	s12 =	spop (v2sf);
	[tilespmem:s22+$0xD5E0] =	vst v9  }
0x3df: {  	s26 =	spop (v2sf);
	[tilespmem:s22+$0xD5F0] =	vst v10  }
0x3e0: {  	s11 =	spop (v2sf);
	v2 =	vld [tilespmem:s12+$0x0]  }
0x3e1: {  	s31 =	spop (v2sf);
	v3 =	vld [tilespmem:s12+$0x10]  }
0x3e2: {  	s0 =	spop (v2sf);
	v20 =	vld [tilespmem:s12+$0x20]  }
0x3e3: {  	s2 =	spop (v2sf);
	v5 =	vld [tilespmem:s12+$0x30]  }
0x3e4: {  	s25 =	spop (v2sf);
	v6 =	vld [tilespmem:s12+$0x40]  }
0x3e5: {  	s24 =	spop (v2sf);
	v7 =	vld [tilespmem:s12+$0x50]  }
0x3e6: {  	s23 =	spop (v2sf);
	v8 =	vld [tilespmem:s12+$0x60]  }
0x3e7: {  	v9 =	vld [tilespmem:s12+$0x70];
	[tilespmem:s22+$0xD600] =	vst v2;
	s28 =	spop (v2sf)  }
0x3e8: {  	(v2sf) =	vpush v1, $0x1;
	[tilespmem:s22+$0xD610] =	vst v3;
	v2 =	vld [tilespmem:s28+$0x0]  }
0x3e9: {  	[tilespmem:s22+$0xD620] =	vst v20;
	v3 =	vld [tilespmem:s28+$0x10]  }
0x3ea: {  	[tilespmem:s22+$0xD630] =	vst v5;
	v21 =	vld [tilespmem:s28+$0x20]  }
0x3eb: {  	[tilespmem:s22+$0xD640] =	vst v6;
	v22 =	vld [tilespmem:s28+$0x30]  }
0x3ec: {  	[tilespmem:s22+$0xD650] =	vst v7;
	v23 =	vld [tilespmem:s28+$0x40]  }
0x3ed: {  	s21 =	sshll.u32 s21, $0xB;
	[tilespmem:s22+$0xD660] =	vst v8;
	v24 =	vld [tilespmem:s28+$0x50]  }
0x3ee: {  	s21 =	sand.u32 $0x3FFFF800, s21;
	[tilespmem:s22+$0xD670] =	vst v9;
	v25 =	vld [tilespmem:s28+$0x60]  }
0x3ef: {  	v26 =	vld [tilespmem:s28+$0x70];
	[tilespmem:s21+$0xD280] =	vst v2  }
0x3f0: {  	v10 =	vld [tilespmem:s26+$0x0];
	[tilespmem:s21+$0xD290] =	vst v3  }
0x3f1: {  	v27 =	vld [tilespmem:s26+$0x30];
	[tilespmem:s21+$0xD2A0] =	vst v21  }
0x3f2: {  	v28 =	vld [tilespmem:s26+$0x40];
	[tilespmem:s21+$0xD2B0] =	vst v22  }
0x3f3: {  	v29 =	vld [tilespmem:s26+$0x50];
	[tilespmem:s21+$0xD2C0] =	vst v23  }
0x3f4: {  	v30 =	vld [tilespmem:s26+$0x60];
	[tilespmem:s21+$0xD2D0] =	vst v24  }
0x3f5: {  	v31 =	vld [tilespmem:s26+$0x70];
	[tilespmem:s21+$0xD2E0] =	vst v25  }
0x3f6: {  	v2 =	vld [tilespmem:s26+$0x10];
	[tilespmem:s21+$0xD2F0] =	vst v26  }
0x3f7: {  	s29 =	spop (v2sf);
	v3 =	vld [tilespmem:s26+$0x20];
	[tilespmem:s22+$0xD680] =	vst v10  }
0x3f8: {  	(v2sf) =	vpush v1, $0x2;
	[tilespmem:s22+$0xD6B0] =	vst v27;
	v9 =	vld [tilespmem:s29+$0x0]  }
0x3f9: {  	[tilespmem:s22+$0xD6C0] =	vst v28;
	v32 =	vld [tilespmem:s29+$0x30]  }
0x3fa: {  	[tilespmem:s22+$0xD6D0] =	vst v29;
	v33 =	vld [tilespmem:s29+$0x40]  }
0x3fb: {  	[tilespmem:s22+$0xD6E0] =	vst v30;
	v34 =	vld [tilespmem:s29+$0x50]  }
0x3fc: {  	[tilespmem:s22+$0xD6F0] =	vst v31;
	v35 =	vld [tilespmem:s29+$0x60]  }
0x3fd: {  	v36 =	vld [tilespmem:s29+$0x70];
	[tilespmem:s22+$0xD690] =	vst v2  }
0x3fe: {  	v2 =	vld [tilespmem:s29+$0x10];
	[tilespmem:s22+$0xD6A0] =	vst v3  }
0x3ff: {  	v3 =	vld [tilespmem:s29+$0x20];
	[tilespmem:s21+$0xD300] =	vst v9  }
0x400: {  	v10 =	vld [tilespmem:s11+$0x0];
	[tilespmem:s21+$0xD330] =	vst v32  }
0x401: {  	v37 =	vld [tilespmem:s11+$0x10];
	[tilespmem:s21+$0xD340] =	vst v33  }
0x402: {  	v38 =	vld [tilespmem:s11+$0x40];
	[tilespmem:s21+$0xD350] =	vst v34  }
0x403: {  	v39 =	vld [tilespmem:s11+$0x50];
	[tilespmem:s21+$0xD360] =	vst v35  }
0x404: {  	v40 =	vld [tilespmem:s11+$0x60];
	[tilespmem:s21+$0xD370] =	vst v36  }
0x405: {  	v41 =	vld [tilespmem:s11+$0x70];
	[tilespmem:s21+$0xD310] =	vst v2  }
0x406: {  	v2 =	vld [tilespmem:s11+$0x20];
	[tilespmem:s21+$0xD320] =	vst v3  }
0x407: {  	s30 =	spop (v2sf);
	v3 =	vld [tilespmem:s11+$0x30];
	[tilespmem:s22+$0xD700] =	vst v10  }
0x408: {  	(v2sf) =	vpush v1, $0x3;
	v8 =	vld [tilespmem:s30+$0x0];
	[tilespmem:s22+$0xD710] =	vst v37  }
0x409: {  	v42 =	vld [tilespmem:s30+$0x10];
	[tilespmem:s22+$0xD740] =	vst v38  }
0x40a: {  	v43 =	vld [tilespmem:s30+$0x40];
	[tilespmem:s22+$0xD750] =	vst v39  }
0x40b: {  	v44 =	vld [tilespmem:s30+$0x50];
	[tilespmem:s22+$0xD760] =	vst v40  }
0x40c: {  	v45 =	vld [tilespmem:s30+$0x60];
	[tilespmem:s22+$0xD770] =	vst v41  }
0x40d: {  	v46 =	vld [tilespmem:s30+$0x70];
	[tilespmem:s22+$0xD720] =	vst v2  }
0x40e: {  	v2 =	vld [tilespmem:s30+$0x20];
	[tilespmem:s22+$0xD730] =	vst v3  }
0x40f: {  	v3 =	vld [tilespmem:s30+$0x30];
	[tilespmem:s21+$0xD380] =	vst v8  }
0x410: {  	v10 =	vld [tilespmem:s31+$0x0];
	[tilespmem:s21+$0xD390] =	vst v42  }
0x411: {  	v47 =	vld [tilespmem:s31+$0x10];
	[tilespmem:s21+$0xD3C0] =	vst v43  }
0x412: {  	v48 =	vld [tilespmem:s31+$0x20];
	[tilespmem:s21+$0xD3D0] =	vst v44  }
0x413: {  	v49 =	vld [tilespmem:s31+$0x50];
	[tilespmem:s21+$0xD3E0] =	vst v45  }
0x414: {  	v50 =	vld [tilespmem:s31+$0x60];
	[tilespmem:s21+$0xD3F0] =	vst v46  }
0x415: {  	v51 =	vld [tilespmem:s31+$0x70];
	[tilespmem:s21+$0xD3A0] =	vst v2  }
0x416: {  	v2 =	vld [tilespmem:s31+$0x30];
	[tilespmem:s21+$0xD3B0] =	vst v3  }
0x417: {  	v3 =	vld [tilespmem:s31+$0x40];
	s31 =	spop (v2sf);
	[tilespmem:s22+$0xD780] =	vst v10  }
0x418: {  	(v2sf) =	vpush v1, $0x4;
	v7 =	vld [tilespmem:s31+$0x0];
	[tilespmem:s22+$0xD790] =	vst v47  }
0x419: {  	v52 =	vld [tilespmem:s31+$0x10];
	[tilespmem:s22+$0xD7A0] =	vst v48  }
0x41a: {  	v53 =	vld [tilespmem:s31+$0x20];
	[tilespmem:s22+$0xD7D0] =	vst v49  }
0x41b: {  	v54 =	vld [tilespmem:s31+$0x50];
	[tilespmem:s22+$0xD7E0] =	vst v50  }
0x41c: {  	v55 =	vld [tilespmem:s31+$0x60];
	[tilespmem:s22+$0xD7F0] =	vst v51  }
0x41d: {  	v56 =	vld [tilespmem:s31+$0x70];
	[tilespmem:s22+$0xD7B0] =	vst v2  }
0x41e: {  	v2 =	vld [tilespmem:s31+$0x30];
	[tilespmem:s22+$0xD7C0] =	vst v3  }
0x41f: {  	v3 =	vld [tilespmem:s31+$0x40];
	[tilespmem:s21+$0xD400] =	vst v7  }
0x420: {  	v10 =	vld [tilespmem:s0+$0x0];
	[tilespmem:s21+$0xD410] =	vst v52  }
0x421: {  	v57 =	vld [tilespmem:s0+$0x10];
	[tilespmem:s21+$0xD420] =	vst v53  }
0x422: {  	v58 =	vld [tilespmem:s0+$0x20];
	[tilespmem:s21+$0xD450] =	vst v54  }
0x423: {  	v59 =	vld [tilespmem:s0+$0x30];
	[tilespmem:s21+$0xD460] =	vst v55  }
0x424: {  	v60 =	vld [tilespmem:s0+$0x60];
	[tilespmem:s21+$0xD470] =	vst v56  }
0x425: {  	v61 =	vld [tilespmem:s0+$0x70];
	[tilespmem:s21+$0xD430] =	vst v2  }
0x426: {  	v2 =	vld [tilespmem:s0+$0x40];
	[tilespmem:s21+$0xD440] =	vst v3  }
0x427: {  	s11 =	spop (v2sf);
	v3 =	vld [tilespmem:s0+$0x50];
	[tilespmem:s22+$0xD800] =	vst v10  }
0x428: {  	(v2sf) =	vpush v1, $0x5;
	v6 =	vld [tilespmem:s11+$0x0];
	[tilespmem:s22+$0xD810] =	vst v57  }
0x429: {  	v62 =	vld [tilespmem:s11+$0x10];
	[tilespmem:s22+$0xD820] =	vst v58  }
0x42a: {  	v63 =	vld [tilespmem:s11+$0x20];
	[tilespmem:s22+$0xD830] =	vst v59  }
0x42b: {  	v12 =	vld [tilespmem:s11+$0x30];
	[tilespmem:s22+$0xD860] =	vst v60  }
0x42c: {  	v13 =	vld [tilespmem:s11+$0x60];
	[tilespmem:s22+$0xD870] =	vst v61  }
0x42d: {  	v14 =	vld [tilespmem:s11+$0x70];
	[tilespmem:s22+$0xD840] =	vst v2  }
0x42e: {  	v2 =	vld [tilespmem:s11+$0x40];
	[tilespmem:s22+$0xD850] =	vst v3  }
0x42f: {  	v3 =	vld [tilespmem:s11+$0x50];
	[tilespmem:s21+$0xD480] =	vst v6  }
0x430: {  	v10 =	vld [tilespmem:s2+$0x0];
	[tilespmem:s21+$0xD490] =	vst v62  }
0x431: {  	v15 =	vld [tilespmem:s2+$0x10];
	[tilespmem:s21+$0xD4A0] =	vst v63  }
0x432: {  	v16 =	vld [tilespmem:s2+$0x20];
	[tilespmem:s21+$0xD4B0] =	vst v12  }
0x433: {  	v17 =	vld [tilespmem:s2+$0x30];
	[tilespmem:s21+$0xD4E0] =	vst v13  }
0x434: {  	v18 =	vld [tilespmem:s2+$0x40];
	[tilespmem:s21+$0xD4F0] =	vst v14  }
0x435: {  	v19 =	vld [tilespmem:s2+$0x70];
	[tilespmem:s21+$0xD4C0] =	vst v2  }
0x436: {  	v2 =	vld [tilespmem:s2+$0x50];
	[tilespmem:s21+$0xD4D0] =	vst v3  }
0x437: {  	s12 =	spop (v2sf);
	v3 =	vld [tilespmem:s2+$0x60];
	[tilespmem:s22+$0xD880] =	vst v10  }
0x438: {  	(v2sf) =	vpush v1, $0x6;
	v5 =	vld [tilespmem:s12+$0x0];
	[tilespmem:s22+$0xD890] =	vst v15  }
0x439: {  	v20 =	vld [tilespmem:s12+$0x10];
	[tilespmem:s22+$0xD8A0] =	vst v16  }
0x43a: {  	v21 =	vld [tilespmem:s12+$0x20];
	[tilespmem:s22+$0xD8B0] =	vst v17  }
0x43b: {  	v22 =	vld [tilespmem:s12+$0x30];
	[tilespmem:s22+$0xD8C0] =	vst v18  }
0x43c: {  	v23 =	vld [tilespmem:s12+$0x40];
	[tilespmem:s22+$0xD8F0] =	vst v19  }
0x43d: {  	v24 =	vld [tilespmem:s12+$0x70];
	[tilespmem:s22+$0xD8D0] =	vst v2  }
0x43e: {  	v2 =	vld [tilespmem:s12+$0x50];
	[tilespmem:s22+$0xD8E0] =	vst v3  }
0x43f: {  	v3 =	vld [tilespmem:s12+$0x60];
	[tilespmem:s21+$0xD500] =	vst v5  }
0x440: {  	v10 =	vld [tilespmem:s25+$0x0];
	[tilespmem:s21+$0xD510] =	vst v20  }
0x441: {  	v25 =	vld [tilespmem:s25+$0x10];
	[tilespmem:s21+$0xD520] =	vst v21  }
0x442: {  	v26 =	vld [tilespmem:s25+$0x20];
	[tilespmem:s21+$0xD530] =	vst v22  }
0x443: {  	v27 =	vld [tilespmem:s25+$0x30];
	[tilespmem:s21+$0xD540] =	vst v23  }
0x444: {  	v28 =	vld [tilespmem:s25+$0x40];
	[tilespmem:s21+$0xD570] =	vst v24  }
0x445: {  	v29 =	vld [tilespmem:s25+$0x50];
	[tilespmem:s21+$0xD550] =	vst v2  }
0x446: {  	v2 =	vld [tilespmem:s25+$0x60];
	[tilespmem:s21+$0xD560] =	vst v3  }
0x447: {  	v3 =	vld [tilespmem:s25+$0x70];
	s25 =	spop (v2sf);
	[tilespmem:s22+$0xD900] =	vst v10  }
0x448: {  	(v2sf) =	vpush v1, $0x7;
	v4 =	vld [tilespmem:s25+$0x0];
	[tilespmem:s22+$0xD910] =	vst v25  }
0x449: {  	v30 =	vld [tilespmem:s25+$0x10];
	[tilespmem:s22+$0xD920] =	vst v26  }
0x44a: {  	v31 =	vld [tilespmem:s25+$0x20];
	[tilespmem:s22+$0xD930] =	vst v27  }
0x44b: {  	v32 =	vld [tilespmem:s25+$0x30];
	[tilespmem:s22+$0xD940] =	vst v28  }
0x44c: {  	v33 =	vld [tilespmem:s25+$0x40];
	[tilespmem:s22+$0xD950] =	vst v29  }
0x44d: {  	v34 =	vld [tilespmem:s25+$0x50];
	[tilespmem:s22+$0xD960] =	vst v2  }
0x44e: {  	v2 =	vld [tilespmem:s25+$0x60];
	[tilespmem:s22+$0xD970] =	vst v3  }
0x44f: {  	v3 =	vld [tilespmem:s25+$0x70];
	[tilespmem:s21+$0xD580] =	vst v4  }
0x450: {  	v10 =	vld [tilespmem:s24+$0x0];
	[tilespmem:s21+$0xD590] =	vst v30  }
0x451: {  	v35 =	vld [tilespmem:s24+$0x10];
	[tilespmem:s21+$0xD5A0] =	vst v31  }
0x452: {  	v36 =	vld [tilespmem:s24+$0x20];
	[tilespmem:s21+$0xD5B0] =	vst v32  }
0x453: {  	v37 =	vld [tilespmem:s24+$0x30];
	[tilespmem:s21+$0xD5C0] =	vst v33  }
0x454: {  	v38 =	vld [tilespmem:s24+$0x40];
	[tilespmem:s21+$0xD5D0] =	vst v34  }
0x455: {  	v39 =	vld [tilespmem:s24+$0x50];
	[tilespmem:s21+$0xD5E0] =	vst v2  }
0x456: {  	v40 =	vld [tilespmem:s24+$0x60];
	[tilespmem:s21+$0xD5F0] =	vst v3  }
0x457: {  	s26 =	spop (v2sf);
	v2 =	vld [tilespmem:s24+$0x70];
	[tilespmem:s22+$0xD980] =	vst v10  }
0x458: {  	(v2sf) =	vpush v1, $0x8;
	v3 =	vld [tilespmem:s26+$0x0];
	[tilespmem:s22+$0xD990] =	vst v35  }
0x459: {  	v41 =	vld [tilespmem:s26+$0x10];
	[tilespmem:s22+$0xD9A0] =	vst v36  }
0x45a: {  	v42 =	vld [tilespmem:s26+$0x20];
	[tilespmem:s22+$0xD9B0] =	vst v37  }
0x45b: {  	v43 =	vld [tilespmem:s26+$0x30];
	[tilespmem:s22+$0xD9C0] =	vst v38  }
0x45c: {  	v44 =	vld [tilespmem:s26+$0x40];
	[tilespmem:s22+$0xD9D0] =	vst v39  }
0x45d: {  	v45 =	vld [tilespmem:s26+$0x50];
	[tilespmem:s22+$0xD9E0] =	vst v40  }
0x45e: {  	v46 =	vld [tilespmem:s26+$0x60];
	[tilespmem:s22+$0xD9F0] =	vst v2  }
0x45f: {  	v2 =	vld [tilespmem:s26+$0x70];
	[tilespmem:s21+$0xD600] =	vst v3  }
0x460: {  	v10 =	vld [tilespmem:s23+$0x0];
	[tilespmem:s21+$0xD610] =	vst v41  }
0x461: {  	v3 =	vld [tilespmem:s23+$0x10];
	[tilespmem:s21+$0xD620] =	vst v42  }
0x462: {  	v47 =	vld [tilespmem:s23+$0x20];
	[tilespmem:s21+$0xD630] =	vst v43  }
0x463: {  	v48 =	vld [tilespmem:s23+$0x30];
	[tilespmem:s21+$0xD640] =	vst v44  }
0x464: {  	v49 =	vld [tilespmem:s23+$0x40];
	[tilespmem:s21+$0xD650] =	vst v45  }
0x465: {  	v50 =	vld [tilespmem:s23+$0x50];
	[tilespmem:s21+$0xD660] =	vst v46  }
0x466: {  	v51 =	vld [tilespmem:s23+$0x60];
	[tilespmem:s21+$0xD670] =	vst v2  }
0x467: {  	s28 =	spop (v2sf);
	v52 =	vld [tilespmem:s23+$0x70];
	[tilespmem:s22+$0xDA00] =	vst v10  }
0x468: {  	v53 =	vld [tilespmem:s28+$0x0];
	[tilespmem:s22+$0xDA10] =	vst v3  }
0x469: {  	v11 =	vld [tilespmem:s28+$0x10];
	[tilespmem:s22+$0xDA20] =	vst v47  }
0x46a: {  	v2 =	vld [tilespmem:s28+$0x20];
	[tilespmem:s22+$0xDA30] =	vst v48  }
0x46b: {  	v3 =	vld [tilespmem:s28+$0x30];
	[tilespmem:s22+$0xDA40] =	vst v49  }
0x46c: {  	v54 =	vld [tilespmem:s28+$0x40];
	[tilespmem:s22+$0xDA50] =	vst v50  }
0x46d: {  	v55 =	vld [tilespmem:s28+$0x50];
	[tilespmem:s22+$0xDA60] =	vst v51  }
0x46e: {  	s29 =	sadd.s32 $0x2, s20;
	v56 =	vld [tilespmem:s28+$0x60];
	[tilespmem:s22+$0xDA70] =	vst v52  }
0x46f: {  	s30 =	sshll.u32 s29, $0x4;
	v57 =	vld [tilespmem:s28+$0x70];
	[tilespmem:s21+$0xD680] =	vst v53  }
0x470: {  	s0 =	sand.u32 $0x3FFFFFF0, s30;
	[tilespmem:s21+$0xD690] =	vst v11  }
0x471: {  	(v2sf) =	vpush v1, $0x9;
	v58 =	vld.idx.msk [tilespmem:v0+s0+$0x0 ss:$0x1], $0xffff  }
0x472: {  	(v2sf) =	vpush v1, $0xA  }
0x473: {  	(v2sf) =	vpush v1, $0xB  }
0x474: {  	(v2sf) =	vpush v1, $0xC  }
0x475: {  	(v2sf) =	vpush v1, $0xD  }
0x476: {  	(v2sf) =	vpush v1, $0xE;
	v8 =	vshll.u32 v58, $0x9  }
0x477: {  	(v2sf) =	vpush v1, $0xF;
	v1 =	vshra.s32 v8, $0x2  }
0x478: {  	(v2sf) =	vpush v1, $0x0;
	_ =	sdelay $0x7  }
0x479: {  	s0 =	spop (v2sf)  }
0x47a: {  	s2 =	spop (v2sf)  }
0x47b: {  	s28 =	spop (v2sf)  }
0x47c: {  	s26 =	spop (v2sf)  }
0x47d: {  	s25 =	spop (v2sf)  }
0x47e: {  	s24 =	spop (v2sf)  }
0x47f: {  	s22 =	spop (v2sf)  }
0x480: {  	(v2sf) =	vpush v1, $0x1;
	s31 =	spop (v2sf)  }
0x481: {  	v59 =	vld [tilespmem:s31+$0x0]  }
0x482: {  	v60 =	vld [tilespmem:s31+$0x10]  }
0x483: {  	v61 =	vld [tilespmem:s31+$0x20]  }
0x484: {  	v11 =	vld [tilespmem:s31+$0x30]  }
0x485: {  	v12 =	vld [tilespmem:s31+$0x40]  }
0x486: {  	s1 =	sshll.u32 s29, $0xB;
	v13 =	vld [tilespmem:s31+$0x50]  }
0x487: {  	s23 =	sand.u32 $0x3FFFF800, s1;
	v14 =	vld [tilespmem:s31+$0x60]  }
0x488: {  	v15 =	vld [tilespmem:s31+$0x70];
	[tilespmem:s23+$0xD280] =	vst v59  }
0x489: {  	[tilespmem:s23+$0xD290] =	vst v60  }
0x48a: {  	[tilespmem:s23+$0xD2A0] =	vst v61  }
0x48b: {  	[tilespmem:s23+$0xD2B0] =	vst v11  }
0x48c: {  	[tilespmem:s23+$0xD2C0] =	vst v12  }
0x48d: {  	[tilespmem:s23+$0xD2D0] =	vst v13  }
0x48e: {  	[tilespmem:s23+$0xD2E0] =	vst v14  }
0x48f: {  	(v2sf) =	vpush v1, $0x2;
	s11 =	spop (v2sf);
	[tilespmem:s23+$0xD2F0] =	vst v15  }
0x490: {  	v8 =	vld [tilespmem:s11+$0x0]  }
0x491: {  	v9 =	vld [tilespmem:s11+$0x10]  }
0x492: {  	v10 =	vld [tilespmem:s11+$0x20]  }
0x493: {  	v11 =	vld [tilespmem:s11+$0x30]  }
0x494: {  	v12 =	vld [tilespmem:s11+$0x40]  }
0x495: {  	v13 =	vld [tilespmem:s11+$0x50]  }
0x496: {  	v14 =	vld [tilespmem:s11+$0x60]  }
0x497: {  	v15 =	vld [tilespmem:s11+$0x70];
	[tilespmem:s23+$0xD300] =	vst v8  }
0x498: {  	[tilespmem:s23+$0xD310] =	vst v9  }
0x499: {  	[tilespmem:s23+$0xD320] =	vst v10  }
0x49a: {  	[tilespmem:s23+$0xD330] =	vst v11  }
0x49b: {  	[tilespmem:s23+$0xD340] =	vst v12  }
0x49c: {  	[tilespmem:s23+$0xD350] =	vst v13  }
0x49d: {  	[tilespmem:s23+$0xD360] =	vst v14  }
0x49e: {  	(v2sf) =	vpush v1, $0x3;
	s12 =	spop (v2sf);
	[tilespmem:s23+$0xD370] =	vst v15  }
0x49f: {  	v8 =	vld [tilespmem:s12+$0x0]  }
0x4a0: {  	v9 =	vld [tilespmem:s12+$0x10]  }
0x4a1: {  	v10 =	vld [tilespmem:s12+$0x20]  }
0x4a2: {  	v11 =	vld [tilespmem:s12+$0x30]  }
0x4a3: {  	v12 =	vld [tilespmem:s12+$0x40]  }
0x4a4: {  	v13 =	vld [tilespmem:s12+$0x50]  }
0x4a5: {  	v14 =	vld [tilespmem:s12+$0x60]  }
0x4a6: {  	v15 =	vld [tilespmem:s12+$0x70];
	[tilespmem:s23+$0xD380] =	vst v8  }
0x4a7: {  	[tilespmem:s23+$0xD390] =	vst v9  }
0x4a8: {  	[tilespmem:s23+$0xD3A0] =	vst v10  }
0x4a9: {  	[tilespmem:s23+$0xD3B0] =	vst v11  }
0x4aa: {  	[tilespmem:s23+$0xD3C0] =	vst v12  }
0x4ab: {  	[tilespmem:s23+$0xD3D0] =	vst v13  }
0x4ac: {  	[tilespmem:s23+$0xD3E0] =	vst v14  }
0x4ad: {  	(v2sf) =	vpush v1, $0x4;
	s29 =	spop (v2sf);
	[tilespmem:s23+$0xD3F0] =	vst v15  }
0x4ae: {  	v8 =	vld [tilespmem:s29+$0x0]  }
0x4af: {  	v9 =	vld [tilespmem:s29+$0x10]  }
0x4b0: {  	v10 =	vld [tilespmem:s29+$0x20]  }
0x4b1: {  	v11 =	vld [tilespmem:s29+$0x30]  }
0x4b2: {  	v12 =	vld [tilespmem:s29+$0x40]  }
0x4b3: {  	v13 =	vld [tilespmem:s29+$0x50]  }
0x4b4: {  	v14 =	vld [tilespmem:s29+$0x60]  }
0x4b5: {  	v15 =	vld [tilespmem:s29+$0x70];
	[tilespmem:s23+$0xD400] =	vst v8  }
0x4b6: {  	[tilespmem:s23+$0xD410] =	vst v9  }
0x4b7: {  	[tilespmem:s23+$0xD420] =	vst v10  }
0x4b8: {  	[tilespmem:s23+$0xD430] =	vst v11  }
0x4b9: {  	[tilespmem:s23+$0xD440] =	vst v12  }
0x4ba: {  	[tilespmem:s23+$0xD450] =	vst v13  }
0x4bb: {  	[tilespmem:s23+$0xD460] =	vst v14  }
0x4bc: {  	(v2sf) =	vpush v1, $0x5;
	s30 =	spop (v2sf);
	[tilespmem:s23+$0xD470] =	vst v15  }
0x4bd: {  	v8 =	vld [tilespmem:s30+$0x0]  }
0x4be: {  	[tilespmem:s21+$0xD6A0] =	vst v2;
	v9 =	vld [tilespmem:s30+$0x10]  }
0x4bf: {  	[tilespmem:s21+$0xD6B0] =	vst v3;
	v10 =	vld [tilespmem:s30+$0x20]  }
0x4c0: {  	[tilespmem:s21+$0xD6C0] =	vst v54;
	v11 =	vld [tilespmem:s30+$0x30]  }
0x4c1: {  	[tilespmem:s21+$0xD6D0] =	vst v55;
	v12 =	vld [tilespmem:s30+$0x40]  }
0x4c2: {  	[tilespmem:s21+$0xD6E0] =	vst v56;
	v13 =	vld [tilespmem:s30+$0x50]  }
0x4c3: {  	[tilespmem:s21+$0xD6F0] =	vst v57;
	v14 =	vld [tilespmem:s30+$0x60]  }
0x4c4: {  	v15 =	vld [tilespmem:s30+$0x70];
	[tilespmem:s23+$0xD480] =	vst v8  }
0x4c5: {  	[tilespmem:s23+$0xD490] =	vst v9  }
0x4c6: {  	[tilespmem:s23+$0xD4A0] =	vst v10  }
0x4c7: {  	[tilespmem:s23+$0xD4B0] =	vst v11  }
0x4c8: {  	[tilespmem:s23+$0xD4C0] =	vst v12  }
0x4c9: {  	[tilespmem:s23+$0xD4D0] =	vst v13  }
0x4ca: {  	[tilespmem:s23+$0xD4E0] =	vst v14  }
0x4cb: {  	v16 =	vld [tilespmem:s0+$0x20];
	(v2sf) =	vpush v1, $0x6;
	s31 =	spop (v2sf);
	[tilespmem:s23+$0xD4F0] =	vst v15  }
0x4cc: {  	v8 =	vld [tilespmem:s31+$0x0]  }
0x4cd: {  	v9 =	vld [tilespmem:s31+$0x10]  }
0x4ce: {  	v2 =	vld [tilespmem:s31+$0x20]  }
0x4cf: {  	v3 =	vld [tilespmem:s31+$0x30]  }
0x4d0: {  	v62 =	vld [tilespmem:s31+$0x40]  }
0x4d1: {  	v63 =	vld [tilespmem:s31+$0x50]  }
0x4d2: {  	v12 =	vld [tilespmem:s31+$0x60]  }
0x4d3: {  	v13 =	vld [tilespmem:s31+$0x70];
	[tilespmem:s23+$0xD500] =	vst v8  }
0x4d4: {  	v17 =	vld [tilespmem:s0+$0x50];
	[tilespmem:s23+$0xD510] =	vst v9  }
0x4d5: {  	v18 =	vld [tilespmem:s0+$0x60];
	[tilespmem:s23+$0xD520] =	vst v2  }
0x4d6: {  	v14 =	vld [tilespmem:s0+$0x0];
	[tilespmem:s23+$0xD530] =	vst v3  }
0x4d7: {  	v15 =	vld [tilespmem:s0+$0x10];
	[tilespmem:s23+$0xD540] =	vst v62  }
0x4d8: {  	v19 =	vld [tilespmem:s0+$0x70];
	[tilespmem:s23+$0xD550] =	vst v63  }
0x4d9: {  	v2 =	vld [tilespmem:s0+$0x30];
	[tilespmem:s23+$0xD560] =	vst v12  }
0x4da: {  	s1 =	spop (v2sf);
	v3 =	vld [tilespmem:s0+$0x40];
	[tilespmem:s23+$0xD570] =	vst v13  }
0x4db: {  	(v2sf) =	vpush v1, $0x7;
	[tilespmem:s21+$0xD700] =	vst v14;
	v7 =	vld [tilespmem:s1+$0x0]  }
0x4dc: {  	[tilespmem:s21+$0xD710] =	vst v15;
	v20 =	vld [tilespmem:s1+$0x10]  }
0x4dd: {  	[tilespmem:s21+$0xD720] =	vst v16;
	v21 =	vld [tilespmem:s1+$0x20]  }
0x4de: {  	[tilespmem:s21+$0xD750] =	vst v17;
	v22 =	vld [tilespmem:s1+$0x50]  }
0x4df: {  	[tilespmem:s21+$0xD760] =	vst v18;
	v23 =	vld [tilespmem:s1+$0x60]  }
0x4e0: {  	[tilespmem:s21+$0xD770] =	vst v19;
	v24 =	vld [tilespmem:s1+$0x70]  }
0x4e1: {  	[tilespmem:s21+$0xD730] =	vst v2;
	v2 =	vld [tilespmem:s1+$0x30]  }
0x4e2: {  	[tilespmem:s21+$0xD740] =	vst v3;
	v3 =	vld [tilespmem:s1+$0x40]  }
0x4e3: {  	v10 =	vld [tilespmem:s2+$0x0];
	[tilespmem:s23+$0xD580] =	vst v7  }
0x4e4: {  	v25 =	vld [tilespmem:s2+$0x10];
	[tilespmem:s23+$0xD590] =	vst v20  }
0x4e5: {  	v26 =	vld [tilespmem:s2+$0x20];
	[tilespmem:s23+$0xD5A0] =	vst v21  }
0x4e6: {  	v27 =	vld [tilespmem:s2+$0x30];
	[tilespmem:s23+$0xD5D0] =	vst v22  }
0x4e7: {  	v28 =	vld [tilespmem:s2+$0x60];
	[tilespmem:s23+$0xD5E0] =	vst v23  }
0x4e8: {  	v29 =	vld [tilespmem:s2+$0x70];
	[tilespmem:s23+$0xD5F0] =	vst v24  }
0x4e9: {  	[tilespmem:s23+$0xD5B0] =	vst v2;
	v2 =	vld [tilespmem:s2+$0x40]  }
0x4ea: {  	s11 =	spop (v2sf);
	[tilespmem:s23+$0xD5C0] =	vst v3;
	v3 =	vld [tilespmem:s2+$0x50]  }
0x4eb: {  	(v2sf) =	vpush v1, $0x8;
	[tilespmem:s21+$0xD780] =	vst v10;
	v6 =	vld [tilespmem:s11+$0x0]  }
0x4ec: {  	[tilespmem:s21+$0xD790] =	vst v25;
	v30 =	vld [tilespmem:s11+$0x10]  }
0x4ed: {  	[tilespmem:s21+$0xD7A0] =	vst v26;
	v31 =	vld [tilespmem:s11+$0x20]  }
0x4ee: {  	[tilespmem:s21+$0xD7B0] =	vst v27;
	v32 =	vld [tilespmem:s11+$0x30]  }
0x4ef: {  	[tilespmem:s21+$0xD7E0] =	vst v28;
	v33 =	vld [tilespmem:s11+$0x60]  }
0x4f0: {  	[tilespmem:s21+$0xD7F0] =	vst v29;
	v34 =	vld [tilespmem:s11+$0x70]  }
0x4f1: {  	[tilespmem:s21+$0xD7C0] =	vst v2;
	v2 =	vld [tilespmem:s11+$0x40]  }
0x4f2: {  	[tilespmem:s21+$0xD7D0] =	vst v3;
	v3 =	vld [tilespmem:s11+$0x50]  }
0x4f3: {  	v10 =	vld [tilespmem:s28+$0x0];
	[tilespmem:s23+$0xD600] =	vst v6  }
0x4f4: {  	v35 =	vld [tilespmem:s28+$0x10];
	[tilespmem:s23+$0xD610] =	vst v30  }
0x4f5: {  	v36 =	vld [tilespmem:s28+$0x20];
	[tilespmem:s23+$0xD620] =	vst v31  }
0x4f6: {  	v37 =	vld [tilespmem:s28+$0x30];
	[tilespmem:s23+$0xD630] =	vst v32  }
0x4f7: {  	v38 =	vld [tilespmem:s28+$0x40];
	[tilespmem:s23+$0xD660] =	vst v33  }
0x4f8: {  	v39 =	vld [tilespmem:s28+$0x70];
	[tilespmem:s23+$0xD670] =	vst v34  }
0x4f9: {  	[tilespmem:s23+$0xD640] =	vst v2;
	v2 =	vld [tilespmem:s28+$0x50]  }
0x4fa: {  	s12 =	spop (v2sf);
	[tilespmem:s23+$0xD650] =	vst v3;
	v3 =	vld [tilespmem:s28+$0x60]  }
0x4fb: {  	(v2sf) =	vpush v1, $0x9;
	[tilespmem:s21+$0xD800] =	vst v10;
	v5 =	vld [tilespmem:s12+$0x0]  }
0x4fc: {  	[tilespmem:s21+$0xD810] =	vst v35;
	v40 =	vld [tilespmem:s12+$0x10]  }
0x4fd: {  	[tilespmem:s21+$0xD820] =	vst v36;
	v41 =	vld [tilespmem:s12+$0x20]  }
0x4fe: {  	[tilespmem:s21+$0xD830] =	vst v37;
	v42 =	vld [tilespmem:s12+$0x30]  }
0x4ff: {  	[tilespmem:s21+$0xD840] =	vst v38;
	v43 =	vld [tilespmem:s12+$0x40]  }
0x500: {  	[tilespmem:s21+$0xD870] =	vst v39;
	v44 =	vld [tilespmem:s12+$0x70]  }
0x501: {  	[tilespmem:s21+$0xD850] =	vst v2;
	v2 =	vld [tilespmem:s12+$0x50]  }
0x502: {  	[tilespmem:s21+$0xD860] =	vst v3;
	v3 =	vld [tilespmem:s12+$0x60]  }
0x503: {  	v10 =	vld [tilespmem:s26+$0x0];
	[tilespmem:s23+$0xD680] =	vst v5  }
0x504: {  	v45 =	vld [tilespmem:s26+$0x10];
	[tilespmem:s23+$0xD690] =	vst v40  }
0x505: {  	v46 =	vld [tilespmem:s26+$0x20];
	[tilespmem:s23+$0xD6A0] =	vst v41  }
0x506: {  	v47 =	vld [tilespmem:s26+$0x30];
	[tilespmem:s23+$0xD6B0] =	vst v42  }
0x507: {  	v48 =	vld [tilespmem:s26+$0x40];
	[tilespmem:s23+$0xD6C0] =	vst v43  }
0x508: {  	v49 =	vld [tilespmem:s26+$0x50];
	[tilespmem:s23+$0xD6F0] =	vst v44  }
0x509: {  	[tilespmem:s23+$0xD6D0] =	vst v2;
	v2 =	vld [tilespmem:s26+$0x60]  }
0x50a: {  	s28 =	spop (v2sf);
	[tilespmem:s23+$0xD6E0] =	vst v3;
	v3 =	vld [tilespmem:s26+$0x70]  }
0x50b: {  	(v2sf) =	vpush v1, $0xA;
	[tilespmem:s21+$0xD880] =	vst v10;
	v4 =	vld [tilespmem:s28+$0x0]  }
0x50c: {  	[tilespmem:s21+$0xD890] =	vst v45;
	v50 =	vld [tilespmem:s28+$0x10]  }
0x50d: {  	[tilespmem:s21+$0xD8A0] =	vst v46;
	v51 =	vld [tilespmem:s28+$0x20]  }
0x50e: {  	[tilespmem:s21+$0xD8B0] =	vst v47;
	v52 =	vld [tilespmem:s28+$0x30]  }
0x50f: {  	[tilespmem:s21+$0xD8C0] =	vst v48;
	v53 =	vld [tilespmem:s28+$0x40]  }
0x510: {  	[tilespmem:s21+$0xD8D0] =	vst v49;
	v54 =	vld [tilespmem:s28+$0x50]  }
0x511: {  	[tilespmem:s21+$0xD8E0] =	vst v2;
	v2 =	vld [tilespmem:s28+$0x60]  }
0x512: {  	[tilespmem:s21+$0xD8F0] =	vst v3;
	v3 =	vld [tilespmem:s28+$0x70]  }
0x513: {  	v10 =	vld [tilespmem:s25+$0x0];
	[tilespmem:s23+$0xD700] =	vst v4  }
0x514: {  	v55 =	vld [tilespmem:s25+$0x10];
	[tilespmem:s23+$0xD710] =	vst v50  }
0x515: {  	v56 =	vld [tilespmem:s25+$0x20];
	[tilespmem:s23+$0xD720] =	vst v51  }
0x516: {  	v57 =	vld [tilespmem:s25+$0x30];
	[tilespmem:s23+$0xD730] =	vst v52  }
0x517: {  	v58 =	vld [tilespmem:s25+$0x40];
	[tilespmem:s23+$0xD740] =	vst v53  }
0x518: {  	v59 =	vld [tilespmem:s25+$0x50];
	[tilespmem:s23+$0xD750] =	vst v54  }
0x519: {  	v60 =	vld [tilespmem:s25+$0x60];
	[tilespmem:s23+$0xD760] =	vst v2  }
0x51a: {  	s29 =	spop (v2sf);
	v2 =	vld [tilespmem:s25+$0x70];
	[tilespmem:s23+$0xD770] =	vst v3  }
0x51b: {  	(v2sf) =	vpush v1, $0xB;
	[tilespmem:s21+$0xD900] =	vst v10;
	v3 =	vld [tilespmem:s29+$0x0]  }
0x51c: {  	[tilespmem:s21+$0xD910] =	vst v55;
	v61 =	vld [tilespmem:s29+$0x10]  }
0x51d: {  	[tilespmem:s21+$0xD920] =	vst v56;
	v62 =	vld [tilespmem:s29+$0x20]  }
0x51e: {  	[tilespmem:s21+$0xD930] =	vst v57;
	v63 =	vld [tilespmem:s29+$0x30]  }
0x51f: {  	[tilespmem:s21+$0xD940] =	vst v58;
	v12 =	vld [tilespmem:s29+$0x40]  }
0x520: {  	[tilespmem:s21+$0xD950] =	vst v59;
	v13 =	vld [tilespmem:s29+$0x50]  }
0x521: {  	[tilespmem:s21+$0xD960] =	vst v60;
	v14 =	vld [tilespmem:s29+$0x60]  }
0x522: {  	[tilespmem:s21+$0xD970] =	vst v2;
	v2 =	vld [tilespmem:s29+$0x70]  }
0x523: {  	v10 =	vld [tilespmem:s24+$0x0];
	[tilespmem:s23+$0xD780] =	vst v3  }
0x524: {  	v3 =	vld [tilespmem:s24+$0x10];
	[tilespmem:s23+$0xD790] =	vst v61  }
0x525: {  	v15 =	vld [tilespmem:s24+$0x20];
	[tilespmem:s23+$0xD7A0] =	vst v62  }
0x526: {  	v16 =	vld [tilespmem:s24+$0x30];
	[tilespmem:s23+$0xD7B0] =	vst v63  }
0x527: {  	v17 =	vld [tilespmem:s24+$0x40];
	[tilespmem:s23+$0xD7C0] =	vst v12  }
0x528: {  	v18 =	vld [tilespmem:s24+$0x50];
	[tilespmem:s23+$0xD7D0] =	vst v13  }
0x529: {  	v19 =	vld [tilespmem:s24+$0x60];
	[tilespmem:s23+$0xD7E0] =	vst v14  }
0x52a: {  	(v2sf) =	vpush v1, $0xC;
	s30 =	spop (v2sf);
	v20 =	vld [tilespmem:s24+$0x70];
	[tilespmem:s23+$0xD7F0] =	vst v2  }
0x52b: {  	v2 =	vld [tilespmem:s30+$0x0]  }
0x52c: {  	v21 =	vld [tilespmem:s30+$0x10]  }
0x52d: {  	v22 =	vld [tilespmem:s30+$0x20]  }
0x52e: {  	v23 =	vld [tilespmem:s30+$0x30]  }
0x52f: {  	v24 =	vld [tilespmem:s30+$0x40]  }
0x530: {  	v25 =	vld [tilespmem:s30+$0x50]  }
0x531: {  	[tilespmem:s21+$0xD980] =	vst v10;
	v26 =	vld [tilespmem:s30+$0x60]  }
0x532: {  	v27 =	vld [tilespmem:s30+$0x70];
	[tilespmem:s23+$0xD800] =	vst v2  }
0x533: {  	[tilespmem:s23+$0xD810] =	vst v21  }
0x534: {  	[tilespmem:s23+$0xD820] =	vst v22  }
0x535: {  	[tilespmem:s23+$0xD830] =	vst v23  }
0x536: {  	[tilespmem:s23+$0xD840] =	vst v24  }
0x537: {  	[tilespmem:s23+$0xD850] =	vst v25  }
0x538: {  	[tilespmem:s23+$0xD860] =	vst v26  }
0x539: {  	(v2sf) =	vpush v1, $0xD;
	s24 =	spop (v2sf);
	[tilespmem:s23+$0xD870] =	vst v27  }
0x53a: {  	[tilespmem:s21+$0xD990] =	vst v3;
	v7 =	vld [tilespmem:s24+$0x0]  }
0x53b: {  	[tilespmem:s21+$0xD9A0] =	vst v15;
	v8 =	vld [tilespmem:s24+$0x10]  }
0x53c: {  	[tilespmem:s21+$0xD9B0] =	vst v16;
	v9 =	vld [tilespmem:s24+$0x20]  }
0x53d: {  	[tilespmem:s21+$0xD9C0] =	vst v17;
	v33 =	vld [tilespmem:s24+$0x30]  }
0x53e: {  	[tilespmem:s21+$0xD9D0] =	vst v18;
	v34 =	vld [tilespmem:s24+$0x40]  }
0x53f: {  	[tilespmem:s21+$0xD9E0] =	vst v19;
	v35 =	vld [tilespmem:s24+$0x50]  }
0x540: {  	[tilespmem:s21+$0xD9F0] =	vst v20;
	v36 =	vld [tilespmem:s24+$0x60]  }
0x541: {  	v37 =	vld [tilespmem:s24+$0x70];
	[tilespmem:s23+$0xD880] =	vst v7  }
0x542: {  	[tilespmem:s23+$0xD890] =	vst v8  }
0x543: {  	[tilespmem:s23+$0xD8A0] =	vst v9  }
0x544: {  	s31 =	sadd.s32 $0x3, s20;
	[tilespmem:s23+$0xD8B0] =	vst v33  }
0x545: {  	s12 =	sshll.u32 s31, $0x4;
	[tilespmem:s23+$0xD8C0] =	vst v34  }
0x546: {  	s2 =	sand.u32 $0x3FFFFFF0, s12;
	[tilespmem:s23+$0xD8D0] =	vst v35  }
0x547: {  	v3 =	vld.idx.msk [tilespmem:v0+s2+$0x0 ss:$0x1], $0xffff;
	[tilespmem:s23+$0xD8E0] =	vst v36  }
0x548: {  	(v2sf) =	vpush v1, $0xE;
	s25 =	spop (v2sf);
	v28 =	vld [tilespmem:s22+$0x0];
	[tilespmem:s23+$0xD8F0] =	vst v37  }
0x549: {  	v13 =	vld [tilespmem:s25+$0x0]  }
0x54a: {  	v46 =	vld [tilespmem:s25+$0x10]  }
0x54b: {  	v47 =	vld [tilespmem:s25+$0x20]  }
0x54c: {  	v48 =	vld [tilespmem:s25+$0x30]  }
0x54d: {  	v49 =	vld [tilespmem:s25+$0x40]  }
0x54e: {  	v3 =	vshll.u32 v3, $0x9;
	v50 =	vld [tilespmem:s25+$0x50]  }
0x54f: {  	(v2sf) =	vpush v1, $0xF;
	v1 =	vshra.s32 v3, $0x2;
	v51 =	vld [tilespmem:s25+$0x60]  }
0x550: {  	(v2sf) =	vpush v1, $0x0;
	v52 =	vld [tilespmem:s25+$0x70];
	[tilespmem:s23+$0xD900] =	vst v13  }
0x551: {  	v29 =	vld [tilespmem:s22+$0x10];
	[tilespmem:s23+$0xD910] =	vst v46  }
0x552: {  	v30 =	vld [tilespmem:s22+$0x20];
	[tilespmem:s23+$0xD920] =	vst v47  }
0x553: {  	v31 =	vld [tilespmem:s22+$0x30];
	[tilespmem:s23+$0xD930] =	vst v48  }
0x554: {  	v32 =	vld [tilespmem:s22+$0x40];
	[tilespmem:s23+$0xD940] =	vst v49  }
0x555: {  	v6 =	vld [tilespmem:s22+$0x50];
	[tilespmem:s23+$0xD950] =	vst v50  }
0x556: {  	v2 =	vld [tilespmem:s22+$0x60];
	[tilespmem:s23+$0xD960] =	vst v51  }
0x557: {  	s26 =	spop (v2sf);
	v3 =	vld [tilespmem:s22+$0x70];
	[tilespmem:s23+$0xD970] =	vst v52  }
0x558: {  	v13 =	vld [tilespmem:s26+$0x0]  }
0x559: {  	v60 =	vld [tilespmem:s26+$0x10]  }
0x55a: {  	v61 =	vld [tilespmem:s26+$0x20]  }
0x55b: {  	v62 =	vld [tilespmem:s26+$0x30]  }
0x55c: {  	v63 =	vld [tilespmem:s26+$0x40]  }
0x55d: {  	v16 =	vld [tilespmem:s26+$0x50]  }
0x55e: {  	s28 =	spop (v2sf);
	v17 =	vld [tilespmem:s26+$0x60]  }
0x55f: {  	(v2sf) =	vpush v1, $0x1;
	v18 =	vld [tilespmem:s26+$0x70];
	s29 =	spop (v2sf)  }
0x560: {  	v38 =	vld [tilespmem:s29+$0x0]  }
0x561: {  	v39 =	vld [tilespmem:s29+$0x10]  }
0x562: {  	v40 =	vld [tilespmem:s29+$0x20]  }
0x563: {  	v41 =	vld [tilespmem:s29+$0x30]  }
0x564: {  	v42 =	vld [tilespmem:s29+$0x40]  }
0x565: {  	s1 =	sshll.u32 s31, $0xB;
	v43 =	vld [tilespmem:s29+$0x50]  }
0x566: {  	s22 =	sand.u32 $0x3FFFF800, s1;
	v44 =	vld [tilespmem:s29+$0x60];
	[tilespmem:s23+$0xD980] =	vst v13  }
0x567: {  	v45 =	vld [tilespmem:s29+$0x70];
	[tilespmem:s22+$0xD280] =	vst v38  }
0x568: {  	[tilespmem:s22+$0xD290] =	vst v39  }
0x569: {  	[tilespmem:s22+$0xD2A0] =	vst v40  }
0x56a: {  	[tilespmem:s22+$0xD2B0] =	vst v41  }
0x56b: {  	[tilespmem:s22+$0xD2C0] =	vst v42  }
0x56c: {  	[tilespmem:s22+$0xD2D0] =	vst v43  }
0x56d: {  	[tilespmem:s22+$0xD2E0] =	vst v44  }
0x56e: {  	(v2sf) =	vpush v1, $0x2;
	s30 =	spop (v2sf);
	[tilespmem:s22+$0xD2F0] =	vst v45  }
0x56f: {  	[tilespmem:s23+$0xD990] =	vst v60;
	v5 =	vld [tilespmem:s30+$0x0]  }
0x570: {  	[tilespmem:s23+$0xD9A0] =	vst v61;
	v53 =	vld [tilespmem:s30+$0x10]  }
0x571: {  	[tilespmem:s23+$0xD9B0] =	vst v62;
	v54 =	vld [tilespmem:s30+$0x20]  }
0x572: {  	[tilespmem:s23+$0xD9C0] =	vst v63;
	v55 =	vld [tilespmem:s30+$0x30]  }
0x573: {  	[tilespmem:s23+$0xD9D0] =	vst v16;
	v56 =	vld [tilespmem:s30+$0x40]  }
0x574: {  	[tilespmem:s23+$0xD9E0] =	vst v17;
	v57 =	vld [tilespmem:s30+$0x50]  }
0x575: {  	[tilespmem:s23+$0xD9F0] =	vst v18;
	v58 =	vld [tilespmem:s30+$0x60]  }
0x576: {  	v59 =	vld [tilespmem:s30+$0x70];
	[tilespmem:s22+$0xD300] =	vst v5  }
0x577: {  	[tilespmem:s22+$0xD310] =	vst v53  }
0x578: {  	[tilespmem:s22+$0xD320] =	vst v54  }
0x579: {  	[tilespmem:s22+$0xD330] =	vst v55  }
0x57a: {  	[tilespmem:s22+$0xD340] =	vst v56  }
0x57b: {  	[tilespmem:s22+$0xD350] =	vst v57  }
0x57c: {  	[tilespmem:s22+$0xD360] =	vst v58  }
0x57d: {  	(v2sf) =	vpush v1, $0x3;
	s31 =	spop (v2sf);
	v13 =	vld [tilespmem:s28+$0x0];
	[tilespmem:s22+$0xD370] =	vst v59  }
0x57e: {  	v4 =	vld [tilespmem:s31+$0x0]  }
0x57f: {  	[tilespmem:s21+$0xDA00] =	vst v28;
	v19 =	vld [tilespmem:s31+$0x10]  }
0x580: {  	[tilespmem:s21+$0xDA10] =	vst v29;
	v20 =	vld [tilespmem:s31+$0x20]  }
0x581: {  	[tilespmem:s21+$0xDA20] =	vst v30;
	v21 =	vld [tilespmem:s31+$0x30]  }
0x582: {  	[tilespmem:s21+$0xDA30] =	vst v31;
	v22 =	vld [tilespmem:s31+$0x40]  }
0x583: {  	[tilespmem:s21+$0xDA40] =	vst v32;
	v23 =	vld [tilespmem:s31+$0x50]  }
0x584: {  	[tilespmem:s21+$0xDA50] =	vst v6;
	v24 =	vld [tilespmem:s31+$0x60]  }
0x585: {  	v25 =	vld [tilespmem:s31+$0x70];
	[tilespmem:s22+$0xD380] =	vst v4  }
0x586: {  	v26 =	vld [tilespmem:s28+$0x10];
	[tilespmem:s22+$0xD390] =	vst v19  }
0x587: {  	v27 =	vld [tilespmem:s28+$0x20];
	[tilespmem:s22+$0xD3A0] =	vst v20  }
0x588: {  	v28 =	vld [tilespmem:s28+$0x30];
	[tilespmem:s22+$0xD3B0] =	vst v21  }
0x589: {  	v29 =	vld [tilespmem:s28+$0x40];
	[tilespmem:s22+$0xD3C0] =	vst v22  }
0x58a: {  	v30 =	vld [tilespmem:s28+$0x50];
	[tilespmem:s22+$0xD3D0] =	vst v23  }
0x58b: {  	v31 =	vld [tilespmem:s28+$0x60];
	[tilespmem:s22+$0xD3E0] =	vst v24  }
0x58c: {  	(v2sf) =	vpush v1, $0x4;
	v32 =	vld [tilespmem:s28+$0x70];
	s1 =	spop (v2sf);
	[tilespmem:s22+$0xD3F0] =	vst v25  }
0x58d: {  	[tilespmem:s21+$0xDA60] =	vst v2;
	v33 =	vld [tilespmem:s1+$0x0]  }
0x58e: {  	[tilespmem:s21+$0xDA70] =	vst v3;
	v2 =	vld [tilespmem:s1+$0x10]  }
0x58f: {  	[tilespmem:s23+$0xDA00] =	vst v13;
	v3 =	vld [tilespmem:s1+$0x20]  }
0x590: {  	[tilespmem:s23+$0xDA10] =	vst v26;
	v10 =	vld [tilespmem:s1+$0x30]  }
0x591: {  	[tilespmem:s23+$0xDA20] =	vst v27;
	v34 =	vld [tilespmem:s1+$0x40]  }
0x592: {  	[tilespmem:s23+$0xDA30] =	vst v28;
	v35 =	vld [tilespmem:s1+$0x50]  }
0x593: {  	[tilespmem:s23+$0xDA40] =	vst v29;
	v36 =	vld [tilespmem:s1+$0x60]  }
0x594: {  	v37 =	vld [tilespmem:s1+$0x70];
	[tilespmem:s22+$0xD400] =	vst v33  }
0x595: {  	[tilespmem:s22+$0xD410] =	vst v2  }
0x596: {  	[tilespmem:s22+$0xD420] =	vst v3  }
0x597: {  	[tilespmem:s22+$0xD430] =	vst v10  }
0x598: {  	[tilespmem:s22+$0xD440] =	vst v34  }
0x599: {  	[tilespmem:s22+$0xD450] =	vst v35  }
0x59a: {  	[tilespmem:s22+$0xD460] =	vst v36  }
0x59b: {  	s11 =	spop (v2sf);
	[tilespmem:s22+$0xD470] =	vst v37  }
0x59c: {  	[tilespmem:s23+$0xDA50] =	vst v30;
	v2 =	vld [tilespmem:s11+$0x0]  }
0x59d: {  	[tilespmem:s23+$0xDA60] =	vst v31;
	v3 =	vld [tilespmem:s11+$0x10]  }
0x59e: {  	[tilespmem:s23+$0xDA70] =	vst v32;
	v4 =	vld [tilespmem:s11+$0x20]  }
0x59f: {  	v5 =	vld [tilespmem:s11+$0x30];
	(v2sf) =	vpush v1, $0x5  }
0x5a0: {  	s12 =	sadd.s32 $0x4, s20;
	(v2sf) =	vpush v1, $0x6  }
0x5a1: {  	s2 =	sshll.u32 s12, $0x4;
	(v2sf) =	vpush v1, $0x7  }
0x5a2: {  	s0 =	sand.u32 $0x3FFFFFF0, s2;
	(v2sf) =	vpush v1, $0x8  }
0x5a3: {  	v38 =	vld.idx.msk [tilespmem:v0+s0+$0x0 ss:$0x1], $0xffff;
	(v2sf) =	vpush v1, $0x9  }
0x5a4: {  	(v2sf) =	vpush v1, $0xA  }
0x5a5: {  	(v2sf) =	vpush v1, $0xB  }
0x5a6: {  	(v2sf) =	vpush v1, $0xC  }
0x5a7: {  	(v2sf) =	vpush v1, $0xD  }
0x5a8: {  	v6 =	vshll.u32 v38, $0x9;
	(v2sf) =	vpush v1, $0xE  }
0x5a9: {  	(v2sf) =	vpush v1, $0xF;
	v1 =	vshra.s32 v6, $0x2  }
0x5aa: {  	(v2sf) =	vpush v1, $0x0;
	_ =	sdelay $0x3  }
0x5ab: {  	s1 =	spop (v2sf)  }
0x5ac: {  	s0 =	spop (v2sf)  }
0x5ad: {  	s2 =	spop (v2sf)  }
0x5ae: {  	s31 =	spop (v2sf)  }
0x5af: {  	s30 =	spop (v2sf)  }
0x5b0: {  	s29 =	spop (v2sf)  }
0x5b1: {  	s28 =	spop (v2sf)  }
0x5b2: {  	s26 =	spop (v2sf)  }
0x5b3: {  	s25 =	spop (v2sf)  }
0x5b4: {  	s24 =	spop (v2sf)  }
0x5b5: {  	s23 =	spop (v2sf)  }
0x5b6: {  	s21 =	spop (v2sf)  }
0x5b7: {  	(v2sf) =	vpush v1, $0x1;
	v39 =	vld [tilespmem:s21+$0x0]  }
0x5b8: {  	v40 =	vld [tilespmem:s21+$0x10]  }
0x5b9: {  	v41 =	vld [tilespmem:s21+$0x20]  }
0x5ba: {  	v42 =	vld [tilespmem:s21+$0x30]  }
0x5bb: {  	v43 =	vld [tilespmem:s21+$0x40]  }
0x5bc: {  	v44 =	vld [tilespmem:s21+$0x50]  }
0x5bd: {  	s12 =	sshll.u32 s12, $0xB;
	v45 =	vld [tilespmem:s21+$0x60]  }
0x5be: {  	v46 =	vld [tilespmem:s21+$0x70];
	s21 =	sand.u32 $0x3FFFF800, s12  }
0x5bf: {  	[tilespmem:s21+$0xD280] =	vst v39  }
0x5c0: {  	[tilespmem:s21+$0xD290] =	vst v40  }
0x5c1: {  	[tilespmem:s21+$0xD2A0] =	vst v41  }
0x5c2: {  	[tilespmem:s21+$0xD2B0] =	vst v42  }
0x5c3: {  	[tilespmem:s21+$0xD2C0] =	vst v43  }
0x5c4: {  	[tilespmem:s21+$0xD2D0] =	vst v44  }
0x5c5: {  	[tilespmem:s21+$0xD2E0] =	vst v45  }
0x5c6: {  	s12 =	spop (v2sf);
	(v2sf) =	vpush v1, $0x2;
	[tilespmem:s21+$0xD2F0] =	vst v46  }
0x5c7: {  	v6 =	vld [tilespmem:s12+$0x0]  }
0x5c8: {  	v7 =	vld [tilespmem:s12+$0x10]  }
0x5c9: {  	v8 =	vld [tilespmem:s12+$0x20]  }
0x5ca: {  	v9 =	vld [tilespmem:s12+$0x30]  }
0x5cb: {  	v10 =	vld [tilespmem:s12+$0x40]  }
0x5cc: {  	v11 =	vld [tilespmem:s12+$0x50]  }
0x5cd: {  	v12 =	vld [tilespmem:s12+$0x60]  }
0x5ce: {  	v13 =	vld [tilespmem:s12+$0x70];
	[tilespmem:s21+$0xD300] =	vst v6  }
0x5cf: {  	[tilespmem:s21+$0xD310] =	vst v7  }
0x5d0: {  	[tilespmem:s21+$0xD320] =	vst v8  }
0x5d1: {  	[tilespmem:s21+$0xD330] =	vst v9  }
0x5d2: {  	[tilespmem:s21+$0xD340] =	vst v10  }
0x5d3: {  	[tilespmem:s21+$0xD350] =	vst v11  }
0x5d4: {  	[tilespmem:s21+$0xD360] =	vst v12  }
0x5d5: {  	[tilespmem:s21+$0xD370] =	vst v13;
	s12 =	spop (v2sf);
	(v2sf) =	vpush v1, $0x3  }
0x5d6: {  	v6 =	vld [tilespmem:s12+$0x0]  }
0x5d7: {  	v7 =	vld [tilespmem:s12+$0x10]  }
0x5d8: {  	v8 =	vld [tilespmem:s12+$0x20]  }
0x5d9: {  	v9 =	vld [tilespmem:s12+$0x30]  }
0x5da: {  	v10 =	vld [tilespmem:s12+$0x40]  }
0x5db: {  	v11 =	vld [tilespmem:s12+$0x50]  }
0x5dc: {  	v12 =	vld [tilespmem:s12+$0x60]  }
0x5dd: {  	v13 =	vld [tilespmem:s12+$0x70];
	[tilespmem:s21+$0xD380] =	vst v6  }
0x5de: {  	[tilespmem:s21+$0xD390] =	vst v7  }
0x5df: {  	[tilespmem:s21+$0xD3A0] =	vst v8  }
0x5e0: {  	[tilespmem:s21+$0xD3B0] =	vst v9  }
0x5e1: {  	v47 =	vld [tilespmem:s11+$0x40];
	[tilespmem:s21+$0xD3C0] =	vst v10  }
0x5e2: {  	v48 =	vld [tilespmem:s11+$0x50];
	[tilespmem:s21+$0xD3D0] =	vst v11  }
0x5e3: {  	v49 =	vld [tilespmem:s11+$0x60];
	[tilespmem:s21+$0xD3E0] =	vst v12  }
0x5e4: {  	v50 =	vld [tilespmem:s11+$0x70];
	[tilespmem:s21+$0xD3F0] =	vst v13;
	s12 =	spop (v2sf);
	(v2sf) =	vpush v1, $0x4  }
0x5e5: {  	v6 =	vld [tilespmem:s12+$0x0]  }
0x5e6: {  	v7 =	vld [tilespmem:s12+$0x10]  }
0x5e7: {  	v8 =	vld [tilespmem:s12+$0x20]  }
0x5e8: {  	v9 =	vld [tilespmem:s12+$0x30]  }
0x5e9: {  	v10 =	vld [tilespmem:s12+$0x40]  }
0x5ea: {  	v11 =	vld [tilespmem:s12+$0x50]  }
0x5eb: {  	[tilespmem:s22+$0xD480] =	vst v2;
	v12 =	vld [tilespmem:s12+$0x60]  }
0x5ec: {  	v13 =	vld [tilespmem:s12+$0x70];
	[tilespmem:s21+$0xD400] =	vst v6  }
0x5ed: {  	[tilespmem:s21+$0xD410] =	vst v7  }
0x5ee: {  	[tilespmem:s21+$0xD420] =	vst v8  }
0x5ef: {  	[tilespmem:s21+$0xD430] =	vst v9  }
0x5f0: {  	[tilespmem:s21+$0xD440] =	vst v10  }
0x5f1: {  	[tilespmem:s21+$0xD450] =	vst v11  }
0x5f2: {  	[tilespmem:s21+$0xD460] =	vst v12  }
0x5f3: {  	[tilespmem:s21+$0xD470] =	vst v13;
	s12 =	spop (v2sf)  }
0x5f4: {  	[tilespmem:s22+$0xD490] =	vst v3;
	(v2sf) =	vpush v1, $0x5;
	v2 =	vld [tilespmem:s12+$0x0]  }
0x5f5: {  	[tilespmem:s22+$0xD4A0] =	vst v4;
	v3 =	vld [tilespmem:s12+$0x10]  }
0x5f6: {  	[tilespmem:s22+$0xD4B0] =	vst v5;
	v51 =	vld [tilespmem:s12+$0x20]  }
0x5f7: {  	[tilespmem:s22+$0xD4C0] =	vst v47;
	v52 =	vld [tilespmem:s12+$0x30]  }
0x5f8: {  	[tilespmem:s22+$0xD4D0] =	vst v48;
	v53 =	vld [tilespmem:s12+$0x40]  }
0x5f9: {  	[tilespmem:s22+$0xD4E0] =	vst v49;
	v54 =	vld [tilespmem:s12+$0x50]  }
0x5fa: {  	[tilespmem:s22+$0xD4F0] =	vst v50;
	v55 =	vld [tilespmem:s12+$0x60]  }
0x5fb: {  	v10 =	vld [tilespmem:s12+$0x70];
	[tilespmem:s21+$0xD480] =	vst v2  }
0x5fc: {  	v56 =	vld [tilespmem:s1+$0x30];
	[tilespmem:s21+$0xD490] =	vst v3  }
0x5fd: {  	v57 =	vld [tilespmem:s1+$0x40];
	[tilespmem:s21+$0xD4A0] =	vst v51  }
0x5fe: {  	v9 =	vld [tilespmem:s1+$0x0];
	[tilespmem:s21+$0xD4B0] =	vst v52  }
0x5ff: {  	v58 =	vld [tilespmem:s1+$0x50];
	[tilespmem:s21+$0xD4C0] =	vst v53  }
0x600: {  	v2 =	vld [tilespmem:s1+$0x10];
	[tilespmem:s21+$0xD4D0] =	vst v54  }
0x601: {  	v3 =	vld [tilespmem:s1+$0x20];
	[tilespmem:s21+$0xD4E0] =	vst v55  }
0x602: {  	v59 =	vld [tilespmem:s1+$0x60];
	[tilespmem:s21+$0xD4F0] =	vst v10  }
0x603: {  	v60 =	vld [tilespmem:s1+$0x70];
	[tilespmem:s22+$0xD500] =	vst v9;
	s12 =	spop (v2sf)  }
0x604: {  	[tilespmem:s22+$0xD530] =	vst v56;
	(v2sf) =	vpush v1, $0x6;
	v61 =	vld [tilespmem:s12+$0x0]  }
0x605: {  	[tilespmem:s22+$0xD510] =	vst v2;
	v2 =	vld [tilespmem:s12+$0x10]  }
0x606: {  	[tilespmem:s22+$0xD520] =	vst v3;
	v3 =	vld [tilespmem:s12+$0x20]  }
0x607: {  	[tilespmem:s22+$0xD540] =	vst v57;
	v62 =	vld [tilespmem:s12+$0x30]  }
0x608: {  	[tilespmem:s22+$0xD550] =	vst v58;
	v63 =	vld [tilespmem:s12+$0x40]  }
0x609: {  	[tilespmem:s22+$0xD560] =	vst v59;
	v12 =	vld [tilespmem:s12+$0x50]  }
0x60a: {  	[tilespmem:s22+$0xD570] =	vst v60;
	v13 =	vld [tilespmem:s12+$0x60]  }
0x60b: {  	v10 =	vld [tilespmem:s12+$0x70];
	[tilespmem:s21+$0xD500] =	vst v61  }
0x60c: {  	v8 =	vld [tilespmem:s0+$0x0];
	[tilespmem:s21+$0xD510] =	vst v2  }
0x60d: {  	v14 =	vld [tilespmem:s0+$0x10];
	[tilespmem:s21+$0xD520] =	vst v3  }
0x60e: {  	v15 =	vld [tilespmem:s0+$0x40];
	[tilespmem:s21+$0xD530] =	vst v62  }
0x60f: {  	v16 =	vld [tilespmem:s0+$0x50];
	[tilespmem:s21+$0xD540] =	vst v63  }
0x610: {  	v17 =	vld [tilespmem:s0+$0x60];
	[tilespmem:s21+$0xD550] =	vst v12  }
0x611: {  	v2 =	vld [tilespmem:s0+$0x20];
	[tilespmem:s21+$0xD560] =	vst v13  }
0x612: {  	v3 =	vld [tilespmem:s0+$0x30];
	[tilespmem:s21+$0xD570] =	vst v10  }
0x613: {  	v18 =	vld [tilespmem:s0+$0x70];
	[tilespmem:s22+$0xD580] =	vst v8;
	s11 =	spop (v2sf)  }
0x614: {  	[tilespmem:s22+$0xD590] =	vst v14;
	(v2sf) =	vpush v1, $0x7;
	v19 =	vld [tilespmem:s11+$0x0]  }
0x615: {  	[tilespmem:s22+$0xD5C0] =	vst v15;
	v20 =	vld [tilespmem:s11+$0x10]  }
0x616: {  	[tilespmem:s22+$0xD5A0] =	vst v2;
	v2 =	vld [tilespmem:s11+$0x20]  }
0x617: {  	[tilespmem:s22+$0xD5B0] =	vst v3;
	v3 =	vld [tilespmem:s11+$0x30]  }
0x618: {  	[tilespmem:s22+$0xD5D0] =	vst v16;
	v21 =	vld [tilespmem:s11+$0x40]  }
0x619: {  	[tilespmem:s22+$0xD5E0] =	vst v17;
	v22 =	vld [tilespmem:s11+$0x50]  }
0x61a: {  	[tilespmem:s22+$0xD5F0] =	vst v18;
	v23 =	vld [tilespmem:s11+$0x60]  }
0x61b: {  	v10 =	vld [tilespmem:s11+$0x70];
	[tilespmem:s21+$0xD580] =	vst v19  }
0x61c: {  	v7 =	vld [tilespmem:s2+$0x0];
	[tilespmem:s21+$0xD590] =	vst v20  }
0x61d: {  	v24 =	vld [tilespmem:s2+$0x10];
	[tilespmem:s21+$0xD5A0] =	vst v2  }
0x61e: {  	v25 =	vld [tilespmem:s2+$0x20];
	[tilespmem:s21+$0xD5B0] =	vst v3  }
0x61f: {  	v26 =	vld [tilespmem:s2+$0x50];
	[tilespmem:s21+$0xD5C0] =	vst v21  }
0x620: {  	v27 =	vld [tilespmem:s2+$0x60];
	[tilespmem:s21+$0xD5D0] =	vst v22  }
0x621: {  	v28 =	vld [tilespmem:s2+$0x70];
	[tilespmem:s21+$0xD5E0] =	vst v23  }
0x622: {  	v2 =	vld [tilespmem:s2+$0x30];
	[tilespmem:s21+$0xD5F0] =	vst v10  }
0x623: {  	v3 =	vld [tilespmem:s2+$0x40];
	[tilespmem:s22+$0xD600] =	vst v7;
	s12 =	spop (v2sf)  }
0x624: {  	[tilespmem:s22+$0xD610] =	vst v24;
	(v2sf) =	vpush v1, $0x8;
	v29 =	vld [tilespmem:s12+$0x0]  }
0x625: {  	[tilespmem:s22+$0xD620] =	vst v25;
	v30 =	vld [tilespmem:s12+$0x10]  }
0x626: {  	[tilespmem:s22+$0xD650] =	vst v26;
	v31 =	vld [tilespmem:s12+$0x20]  }
0x627: {  	[tilespmem:s22+$0xD630] =	vst v2;
	v2 =	vld [tilespmem:s12+$0x30]  }
0x628: {  	[tilespmem:s22+$0xD640] =	vst v3;
	v3 =	vld [tilespmem:s12+$0x40]  }
0x629: {  	[tilespmem:s22+$0xD660] =	vst v27;
	v32 =	vld [tilespmem:s12+$0x50]  }
0x62a: {  	[tilespmem:s22+$0xD670] =	vst v28;
	v33 =	vld [tilespmem:s12+$0x60]  }
0x62b: {  	v10 =	vld [tilespmem:s12+$0x70];
	[tilespmem:s21+$0xD600] =	vst v29  }
0x62c: {  	v6 =	vld [tilespmem:s31+$0x0];
	[tilespmem:s21+$0xD610] =	vst v30  }
0x62d: {  	v34 =	vld [tilespmem:s31+$0x10];
	[tilespmem:s21+$0xD620] =	vst v31  }
0x62e: {  	v35 =	vld [tilespmem:s31+$0x20];
	[tilespmem:s21+$0xD630] =	vst v2  }
0x62f: {  	v36 =	vld [tilespmem:s31+$0x30];
	[tilespmem:s21+$0xD640] =	vst v3  }
0x630: {  	v37 =	vld [tilespmem:s31+$0x60];
	[tilespmem:s21+$0xD650] =	vst v32  }
0x631: {  	v38 =	vld [tilespmem:s31+$0x70];
	[tilespmem:s21+$0xD660] =	vst v33  }
0x632: {  	v2 =	vld [tilespmem:s31+$0x40];
	[tilespmem:s21+$0xD670] =	vst v10  }
0x633: {  	v3 =	vld [tilespmem:s31+$0x50];
	[tilespmem:s22+$0xD680] =	vst v6;
	s1 =	spop (v2sf)  }
0x634: {  	[tilespmem:s22+$0xD690] =	vst v34;
	(v2sf) =	vpush v1, $0x9;
	v39 =	vld [tilespmem:s1+$0x0]  }
0x635: {  	[tilespmem:s22+$0xD6A0] =	vst v35;
	v40 =	vld [tilespmem:s1+$0x10]  }
0x636: {  	[tilespmem:s22+$0xD6B0] =	vst v36;
	v41 =	vld [tilespmem:s1+$0x20]  }
0x637: {  	[tilespmem:s22+$0xD6E0] =	vst v37;
	v42 =	vld [tilespmem:s1+$0x30]  }
0x638: {  	[tilespmem:s22+$0xD6C0] =	vst v2;
	v2 =	vld [tilespmem:s1+$0x40]  }
0x639: {  	[tilespmem:s22+$0xD6D0] =	vst v3;
	v3 =	vld [tilespmem:s1+$0x50]  }
0x63a: {  	[tilespmem:s22+$0xD6F0] =	vst v38;
	v43 =	vld [tilespmem:s1+$0x60]  }
0x63b: {  	v10 =	vld [tilespmem:s1+$0x70];
	[tilespmem:s21+$0xD680] =	vst v39  }
0x63c: {  	v5 =	vld [tilespmem:s30+$0x0];
	[tilespmem:s21+$0xD690] =	vst v40  }
0x63d: {  	v44 =	vld [tilespmem:s30+$0x10];
	[tilespmem:s21+$0xD6A0] =	vst v41  }
0x63e: {  	v45 =	vld [tilespmem:s30+$0x20];
	[tilespmem:s21+$0xD6B0] =	vst v42  }
0x63f: {  	v46 =	vld [tilespmem:s30+$0x30];
	[tilespmem:s21+$0xD6C0] =	vst v2  }
0x640: {  	v47 =	vld [tilespmem:s30+$0x40];
	[tilespmem:s21+$0xD6D0] =	vst v3  }
0x641: {  	v48 =	vld [tilespmem:s30+$0x70];
	[tilespmem:s21+$0xD6E0] =	vst v43  }
0x642: {  	v2 =	vld [tilespmem:s30+$0x50];
	[tilespmem:s21+$0xD6F0] =	vst v10  }
0x643: {  	v3 =	vld [tilespmem:s30+$0x60];
	[tilespmem:s22+$0xD700] =	vst v5;
	s2 =	spop (v2sf)  }
0x644: {  	[tilespmem:s22+$0xD710] =	vst v44;
	(v2sf) =	vpush v1, $0xA;
	v49 =	vld [tilespmem:s2+$0x0]  }
0x645: {  	[tilespmem:s22+$0xD720] =	vst v45;
	v50 =	vld [tilespmem:s2+$0x10]  }
0x646: {  	[tilespmem:s22+$0xD730] =	vst v46;
	v51 =	vld [tilespmem:s2+$0x20]  }
0x647: {  	[tilespmem:s22+$0xD740] =	vst v47;
	v52 =	vld [tilespmem:s2+$0x30]  }
0x648: {  	[tilespmem:s22+$0xD770] =	vst v48;
	v53 =	vld [tilespmem:s2+$0x40]  }
0x649: {  	[tilespmem:s22+$0xD750] =	vst v2;
	v2 =	vld [tilespmem:s2+$0x50]  }
0x64a: {  	[tilespmem:s22+$0xD760] =	vst v3;
	v3 =	vld [tilespmem:s2+$0x60]  }
0x64b: {  	v10 =	vld [tilespmem:s2+$0x70];
	[tilespmem:s21+$0xD700] =	vst v49  }
0x64c: {  	v4 =	vld [tilespmem:s29+$0x0];
	[tilespmem:s21+$0xD710] =	vst v50  }
0x64d: {  	v54 =	vld [tilespmem:s29+$0x10];
	[tilespmem:s21+$0xD720] =	vst v51  }
0x64e: {  	v55 =	vld [tilespmem:s29+$0x20];
	[tilespmem:s21+$0xD730] =	vst v52  }
0x64f: {  	v56 =	vld [tilespmem:s29+$0x30];
	[tilespmem:s21+$0xD740] =	vst v53  }
0x650: {  	v57 =	vld [tilespmem:s29+$0x40];
	[tilespmem:s21+$0xD750] =	vst v2  }
0x651: {  	v58 =	vld [tilespmem:s29+$0x50];
	[tilespmem:s21+$0xD760] =	vst v3  }
0x652: {  	v2 =	vld [tilespmem:s29+$0x60];
	[tilespmem:s21+$0xD770] =	vst v10  }
0x653: {  	v3 =	vld [tilespmem:s29+$0x70];
	[tilespmem:s22+$0xD780] =	vst v4;
	s11 =	spop (v2sf)  }
0x654: {  	[tilespmem:s22+$0xD790] =	vst v54;
	(v2sf) =	vpush v1, $0xB;
	v59 =	vld [tilespmem:s11+$0x0]  }
0x655: {  	[tilespmem:s22+$0xD7A0] =	vst v55;
	v60 =	vld [tilespmem:s11+$0x10]  }
0x656: {  	[tilespmem:s22+$0xD7B0] =	vst v56;
	v61 =	vld [tilespmem:s11+$0x20]  }
0x657: {  	[tilespmem:s22+$0xD7C0] =	vst v57;
	v62 =	vld [tilespmem:s11+$0x30]  }
0x658: {  	[tilespmem:s22+$0xD7D0] =	vst v58;
	v63 =	vld [tilespmem:s11+$0x40]  }
0x659: {  	[tilespmem:s22+$0xD7E0] =	vst v2;
	v12 =	vld [tilespmem:s11+$0x50]  }
0x65a: {  	[tilespmem:s22+$0xD7F0] =	vst v3;
	v2 =	vld [tilespmem:s11+$0x60]  }
0x65b: {  	v10 =	vld [tilespmem:s11+$0x70];
	[tilespmem:s21+$0xD780] =	vst v59  }
0x65c: {  	v3 =	vld [tilespmem:s28+$0x0];
	[tilespmem:s21+$0xD790] =	vst v60  }
0x65d: {  	v13 =	vld [tilespmem:s28+$0x10];
	[tilespmem:s21+$0xD7A0] =	vst v61  }
0x65e: {  	v14 =	vld [tilespmem:s28+$0x20];
	[tilespmem:s21+$0xD7B0] =	vst v62  }
0x65f: {  	v15 =	vld [tilespmem:s28+$0x30];
	[tilespmem:s21+$0xD7C0] =	vst v63  }
0x660: {  	v16 =	vld [tilespmem:s28+$0x40];
	[tilespmem:s21+$0xD7D0] =	vst v12  }
0x661: {  	v17 =	vld [tilespmem:s28+$0x50];
	[tilespmem:s21+$0xD7E0] =	vst v2  }
0x662: {  	v18 =	vld [tilespmem:s28+$0x60];
	[tilespmem:s21+$0xD7F0] =	vst v10  }
0x663: {  	v2 =	vld [tilespmem:s28+$0x70];
	[tilespmem:s22+$0xD800] =	vst v3;
	s12 =	spop (v2sf)  }
0x664: {  	[tilespmem:s22+$0xD810] =	vst v13;
	(v2sf) =	vpush v1, $0xC;
	v3 =	vld [tilespmem:s12+$0x0]  }
0x665: {  	[tilespmem:s22+$0xD820] =	vst v14;
	v19 =	vld [tilespmem:s12+$0x10]  }
0x666: {  	[tilespmem:s22+$0xD830] =	vst v15;
	v20 =	vld [tilespmem:s12+$0x20]  }
0x667: {  	[tilespmem:s22+$0xD840] =	vst v16;
	v21 =	vld [tilespmem:s12+$0x30]  }
0x668: {  	[tilespmem:s22+$0xD850] =	vst v17;
	v22 =	vld [tilespmem:s12+$0x40]  }
0x669: {  	[tilespmem:s22+$0xD860] =	vst v18;
	v23 =	vld [tilespmem:s12+$0x50]  }
0x66a: {  	[tilespmem:s22+$0xD870] =	vst v2;
	v24 =	vld [tilespmem:s12+$0x60]  }
0x66b: {  	v10 =	vld [tilespmem:s12+$0x70];
	[tilespmem:s21+$0xD800] =	vst v3  }
0x66c: {  	v2 =	vld [tilespmem:s26+$0x0];
	[tilespmem:s21+$0xD810] =	vst v19  }
0x66d: {  	v25 =	vld [tilespmem:s26+$0x20];
	[tilespmem:s21+$0xD820] =	vst v20  }
0x66e: {  	v26 =	vld [tilespmem:s26+$0x30];
	[tilespmem:s21+$0xD830] =	vst v21  }
0x66f: {  	v27 =	vld [tilespmem:s26+$0x40];
	[tilespmem:s21+$0xD840] =	vst v22  }
0x670: {  	v3 =	vld [tilespmem:s26+$0x10];
	[tilespmem:s21+$0xD850] =	vst v23  }
0x671: {  	v28 =	vld [tilespmem:s26+$0x50];
	[tilespmem:s21+$0xD860] =	vst v24  }
0x672: {  	v29 =	vld [tilespmem:s26+$0x60];
	[tilespmem:s21+$0xD870] =	vst v10  }
0x673: {  	v30 =	vld [tilespmem:s26+$0x70];
	[tilespmem:s22+$0xD880] =	vst v2;
	s26 =	spop (v2sf)  }
0x674: {  	[tilespmem:s22+$0xD8A0] =	vst v25;
	(v2sf) =	vpush v1, $0xD;
	v2 =	vld [tilespmem:s26+$0x0]  }
0x675: {  	[tilespmem:s22+$0xD890] =	vst v3;
	v3 =	vld [tilespmem:s26+$0x10]  }
0x676: {  	[tilespmem:s22+$0xD8B0] =	vst v26;
	v31 =	vld [tilespmem:s26+$0x20]  }
0x677: {  	[tilespmem:s22+$0xD8C0] =	vst v27;
	v32 =	vld [tilespmem:s26+$0x30]  }
0x678: {  	[tilespmem:s22+$0xD8D0] =	vst v28;
	v33 =	vld [tilespmem:s26+$0x40]  }
0x679: {  	[tilespmem:s22+$0xD8E0] =	vst v29;
	v34 =	vld [tilespmem:s26+$0x50]  }
0x67a: {  	[tilespmem:s22+$0xD8F0] =	vst v30;
	v35 =	vld [tilespmem:s26+$0x60]  }
0x67b: {  	v10 =	vld [tilespmem:s26+$0x70];
	[tilespmem:s21+$0xD880] =	vst v2  }
0x67c: {  	v9 =	vld [tilespmem:s25+$0x0];
	[tilespmem:s21+$0xD890] =	vst v3  }
0x67d: {  	v36 =	vld [tilespmem:s25+$0x30];
	[tilespmem:s21+$0xD8A0] =	vst v31  }
0x67e: {  	v37 =	vld [tilespmem:s25+$0x40];
	[tilespmem:s21+$0xD8B0] =	vst v32  }
0x67f: {  	v38 =	vld [tilespmem:s25+$0x50];
	[tilespmem:s21+$0xD8C0] =	vst v33  }
0x680: {  	v2 =	vld [tilespmem:s25+$0x10];
	[tilespmem:s21+$0xD8D0] =	vst v34  }
0x681: {  	v3 =	vld [tilespmem:s25+$0x20];
	[tilespmem:s21+$0xD8E0] =	vst v35  }
0x682: {  	v39 =	vld [tilespmem:s25+$0x60];
	[tilespmem:s21+$0xD8F0] =	vst v10  }
0x683: {  	v40 =	vld [tilespmem:s25+$0x70];
	[tilespmem:s22+$0xD900] =	vst v9;
	s28 =	spop (v2sf)  }
0x684: {  	[tilespmem:s22+$0xD930] =	vst v36;
	(v2sf) =	vpush v1, $0xE;
	v41 =	vld [tilespmem:s28+$0x0]  }
0x685: {  	[tilespmem:s22+$0xD910] =	vst v2;
	v2 =	vld [tilespmem:s28+$0x10]  }
0x686: {  	[tilespmem:s22+$0xD920] =	vst v3;
	v3 =	vld [tilespmem:s28+$0x20]  }
0x687: {  	[tilespmem:s22+$0xD940] =	vst v37;
	v42 =	vld [tilespmem:s28+$0x30]  }
0x688: {  	[tilespmem:s22+$0xD950] =	vst v38;
	v43 =	vld [tilespmem:s28+$0x40]  }
0x689: {  	[tilespmem:s22+$0xD960] =	vst v39;
	v44 =	vld [tilespmem:s28+$0x50]  }
0x68a: {  	[tilespmem:s22+$0xD970] =	vst v40;
	v45 =	vld [tilespmem:s28+$0x60]  }
0x68b: {  	v10 =	vld [tilespmem:s28+$0x70];
	[tilespmem:s21+$0xD900] =	vst v41  }
0x68c: {  	v8 =	vld [tilespmem:s24+$0x0];
	[tilespmem:s21+$0xD910] =	vst v2  }
0x68d: {  	v46 =	vld [tilespmem:s24+$0x30];
	[tilespmem:s21+$0xD920] =	vst v3  }
0x68e: {  	v47 =	vld [tilespmem:s24+$0x40];
	[tilespmem:s21+$0xD930] =	vst v42  }
0x68f: {  	v48 =	vld [tilespmem:s24+$0x50];
	[tilespmem:s21+$0xD940] =	vst v43  }
0x690: {  	v49 =	vld [tilespmem:s24+$0x60];
	[tilespmem:s21+$0xD950] =	vst v44  }
0x691: {  	v2 =	vld [tilespmem:s24+$0x10];
	[tilespmem:s21+$0xD960] =	vst v45  }
0x692: {  	v3 =	vld [tilespmem:s24+$0x20];
	[tilespmem:s21+$0xD970] =	vst v10  }
0x693: {  	v50 =	vld [tilespmem:s24+$0x70];
	[tilespmem:s22+$0xD980] =	vst v8;
	s29 =	spop (v2sf)  }
0x694: {  	[tilespmem:s22+$0xD9B0] =	vst v46;
	(v2sf) =	vpush v1, $0xF;
	v51 =	vld [tilespmem:s29+$0x0]  }
0x695: {  	[tilespmem:s22+$0xD9C0] =	vst v47;
	v1 =	vld [tilespmem:s29+$0x10]  }
0x696: {  	[tilespmem:s22+$0xD990] =	vst v2;
	v2 =	vld [tilespmem:s29+$0x20]  }
0x697: {  	[tilespmem:s22+$0xD9A0] =	vst v3;
	v3 =	vld [tilespmem:s29+$0x30]  }
0x698: {  	[tilespmem:s22+$0xD9D0] =	vst v48;
	v52 =	vld [tilespmem:s29+$0x40]  }
0x699: {  	[tilespmem:s22+$0xD9E0] =	vst v49;
	v53 =	vld [tilespmem:s29+$0x50]  }
0x69a: {  	[tilespmem:s22+$0xD9F0] =	vst v50;
	v54 =	vld [tilespmem:s29+$0x60]  }
0x69b: {  	v55 =	vld [tilespmem:s29+$0x70];
	[tilespmem:s21+$0xD980] =	vst v51  }
0x69c: {  	v9 =	vld [tilespmem:s23+$0x0];
	[tilespmem:s21+$0xD990] =	vst v1  }
0x69d: {  	v56 =	vld [tilespmem:s23+$0x10];
	[tilespmem:s21+$0xD9A0] =	vst v2  }
0x69e: {  	v57 =	vld [tilespmem:s23+$0x50];
	[tilespmem:s21+$0xD9B0] =	vst v3  }
0x69f: {  	v58 =	vld [tilespmem:s23+$0x60];
	[tilespmem:s21+$0xD9C0] =	vst v52  }
0x6a0: {  	v59 =	vld [tilespmem:s23+$0x70];
	[tilespmem:s21+$0xD9D0] =	vst v53  }
0x6a1: {  	v1 =	vld [tilespmem:s23+$0x20];
	[tilespmem:s21+$0xD9E0] =	vst v54  }
0x6a2: {  	v2 =	vld [tilespmem:s23+$0x30];
	[tilespmem:s21+$0xD9F0] =	vst v55  }
0x6a3: {  	v3 =	vld [tilespmem:s23+$0x40];
	[tilespmem:s22+$0xDA00] =	vst v9;
	s30 =	spop (v2sf)  }
0x6a4: {  	[tilespmem:s22+$0xDA10] =	vst v56;
	v7 =	vld [tilespmem:s30+$0x0]  }
0x6a5: {  	[tilespmem:s22+$0xDA50] =	vst v57;
	v60 =	vld [tilespmem:s30+$0x10]  }
0x6a6: {  	[tilespmem:s22+$0xDA20] =	vst v1;
	v1 =	vld [tilespmem:s30+$0x20]  }
0x6a7: {  	[tilespmem:s22+$0xDA30] =	vst v2;
	v2 =	vld [tilespmem:s30+$0x30]  }
0x6a8: {  	[tilespmem:s22+$0xDA40] =	vst v3;
	v3 =	vld [tilespmem:s30+$0x40]  }
0x6a9: {  	[tilespmem:s22+$0xDA60] =	vst v58;
	v61 =	vld [tilespmem:s30+$0x50]  }
0x6aa: {  	[tilespmem:s22+$0xDA70] =	vst v59;
	v62 =	vld [tilespmem:s30+$0x60]  }
0x6ab: {  	v63 =	vld [tilespmem:s30+$0x70];
	[tilespmem:s21+$0xDA00] =	vst v7  }
0x6ac: {  	[tilespmem:s21+$0xDA10] =	vst v60  }
0x6ad: {  	p0 =	slt.u32 s20, $0x14;
	[tilespmem:s21+$0xDA20] =	vst v1  }
.Ltmp1:
0x6ae: {  	[tilespmem:s21+$0xDA30] =	vst v2;
	(pc) =	sbr.rel @p0 .LBB2_5-.Ltmp1, $4  }
0x6af: {  	[tilespmem:s21+$0xDA40] =	vst v3  }
0x6b0: {  	[tilespmem:s21+$0xDA50] =	vst v61  }
0x6b1: {  	s31 =	sadd.s32 $0x5, s20;
	[tilespmem:s21+$0xDA60] =	vst v62  }
0x6b2: {  	s20 =	smov.u32 s31;
	[tilespmem:s21+$0xDA70] =	vst v63  }
0x6b3: {  	s0 =	sadd.s32 s5, s19;
	s18 =	sadd.s32 $0x1, s18  }
0x6b4: {  	s0 =	smul.u32 $0xC800, s0;
	p0 =	sne.s32 s18, $0x4  }
.Ltmp2:
0x6b5: {  	_ = 	snop;
	(pc) =	sbr.rel @p0 .LBB2_2-.Ltmp2, $4  }
0x6b6: {  	_ = 	snop  }
0x6b7: {  	s0 =	sshrl.u32 s0, $0x3  }
0x6b8: {  	s0 =	sadd.s32 s3, s0  }
0x6b9: {  	[hbm4b:s0+s4] =	stream.linear.scatter [tilespmem:s14], [sflag:$0x2], $0xC800, $0x38;
	[tilespmem:$0x1A700] =	vst v63  }
0x6ba: {  	s17 =	sadd.s32 $0x1, s17  }
0x6bb: {  	_ =	swait.ge [sflag:s15], $0xC800;
	p0 =	sne.s32 s17, s9  }
.Ltmp3:
0x6bc: {  	[sflag:s15] =	ssyncset.done $0x0;
	(pc) =	sbr.rel @p0 .LBB2_1-.Ltmp3, $4  }
0x6bd: {  	[sflag:s15] =	ssyncadd.s32 $0xFFFF3800  }
0x6be: {  	_ =	swait.ge [sflag:s16], $0xC800  }
0x6bf: {  	[sflag:s16] =	ssyncset.done $0x0  }
0x6c0: {  	[sflag:s16] =	ssyncadd.s32 $0xFFFF3800  }
0x6c1: {  	_ =	sfence.sel $0x180000  }
0x6c2: {  	[bflag:$0x0] =	sbarrier.arrive $0xFFFF  }
0x6c3: {  	_ =	strace $0x90000047  }
0x6c4: {  	s0 =	stileid.u32;
	[bflag:$0x2] =	sbarrier.arrive $0xFFFF  }
0x6c5: {  	p0 =	sne.s32 s0, $0x0;
	s0 =	rddreg [dreg:$0x3]  }
0x6c6: {  	s0 =	sadd.s32 @!p0 $0x100000, s0  }
0x6c7: {  	[sflag:s0] =	ssyncadd.tile.s32 @!p0 $0x1;
	_ =	shalt  }
.Lfunc_end2:
_tile_overlayer_lowered:
.L_overlay_start_2:
0x6c8: {  	(tag) =	ssettag $0x2  }
0x6c9: {  	s0 =	rddreg [dreg:$0x0];
	s2 =	stileid.u32  }
0x6ca: {  	s1 =	rddreg [dreg:$0x1];
	p0 =	sne.s32 s2, $0x0  }
0x6cb: {  	s3 =	rddreg [dreg:$0x2];
	[bflag:$0x3] =	sbarrier.arrive $0xFFFF;
	s2 =	simm.s32 @!p0 $0x1C03  }
0x6cc: {  	[timem:s3], [sflag:s2] =	dma.local @!p0 [hbm:s0], s1  }
0x6cd: {  	s0 =	simm.s32 @!p0 $0x3  }
0x6ce: {  	_ =	swait.ge @!p0 [sflag:s0], s1  }
0x6cf: {  	s1 =	ssub.s32 @!p0 $0x0, s1;
	[sflag:s0] =	ssyncset.done @!p0 $0x0  }
0x6d0: {  	[sflag:s0] =	ssyncadd.s32 @!p0 s1  }
0x6d1: {  	[bflag:$0x3] =	sbarrier.arrive $0xFFFF  }
0x6d2: {  	_ =	shalt  }

</sc_bundles>
